<compile_context>
chip_gen: v7x
topology: tpu7x:2x2x1
jax: 0.10.2.dev20260603
libtpu: 0.0.44.dev20260713+nightly
codegen_flags: <defaults>
</compile_context>

<pallas_src>
import functools

import jax
import jax.numpy as jnp
from jax import lax
from jax.experimental import pallas as pl
from jax.experimental.pallas import tpu as pltpu
from jax.experimental.pallas import tpu_sc as plsc

D = 64
SCALE = 8.0
NC = 2
NS = 16
NW = NC * NS
ROWL = 200
SPLIT = 96
LENS = (SPLIT, ROWL - SPLIT)
OFFS = (0, SPLIT)

_GDN = lax.GatherDimensionNumbers(
    offset_dims=(), collapsed_slice_dims=(0,), start_index_map=(0,)
)


def _splat_lane(vec16, lane):
    idx = jnp.full((16, 1), lane, jnp.int32)
    return lax.gather(
        vec16, idx, _GDN, (1,), mode=lax.GatherScatterMode.PROMISE_IN_BOUNDS
    )


def _make_emb(NR: int):
    rows_per_tile = NR // NW
    nslots = 2 * rows_per_tile
    mesh = plsc.VectorSubcoreMesh(core_axis_name="c", subcore_axis_name="s")

    @functools.partial(
        pl.kernel,
        mesh=mesh,
        out_type=jax.ShapeDtypeStruct((NR, ROWL, D), jnp.float32),
        scratch_types=[
            pltpu.VMEM((rows_per_tile, ROWL), jnp.int32),
            pltpu.VMEM((2, 128), jnp.int32),
            pltpu.VMEM((2, LENS[1], 2 * D), jnp.float32),
            pltpu.VMEM((2, LENS[1], D), jnp.float32),
            pltpu.SemaphoreType.DMA((2,)),
            pltpu.SemaphoreType.DMA((2,)),
        ],
        compiler_params=pltpu.CompilerParams(
            use_tc_tiling_on_sc=True,
            needs_layout_passes=False,
            skip_device_barrier=True,
            disable_bounds_checks=True,
            disable_semaphore_checks=True,
        ),
    )
    def emb(x_hbm, tab_hbm, out_hbm, idx_v, list_v, raw_v, cmp_v, gsem, ssem):
        wid = lax.axis_index("s") * NC + lax.axis_index("c")
        row0 = wid * rows_per_tile
        pltpu.sync_copy(x_hbm.at[pl.ds(row0, rows_per_tile)], idx_v)

        def start_gather(g, b):
            xr = lax.div(g, 2)
            off, ln = OFFS[b], LENS[b]
            ngrp = (ln + 15) // 16
            for m in range(ngrp):
                c0 = min(m * 16, ln - 16)
                list_v[b, pl.ds(c0, 16)] = lax.shift_right_logical(
                    idx_v[xr, pl.ds(off + c0, 16)], 1
                )
            pltpu.async_copy(
                tab_hbm.at[list_v.at[b].at[pl.ds(0, ln)]],
                raw_v.at[b].at[pl.ds(0, ln)],
                gsem.at[b],
            )

        def wait_gather(b):
            pltpu.make_async_copy(
                tab_hbm.at[pl.ds(0, LENS[b])],
                raw_v.at[b].at[pl.ds(0, LENS[b])],
                gsem.at[b],
            ).wait()

        def select_scale(g, b):
            xr = lax.div(g, 2)
            off, ln = OFFS[b], LENS[b]
            ngrp = (ln + 15) // 16

            def grp(m, c):
                r0 = jnp.minimum(m * 16, ln - 16)
                par16 = idx_v[xr, pl.ds(off + r0, 16)] & jnp.int32(1)
                for lane in range(16):
                    r = r0 + lane
                    sel = _splat_lane(par16, lane) == jnp.int32(1)
                    for k in range(D // 16):
                        lo = raw_v[b, r, pl.ds(k * 16, 16)]
                        hi = raw_v[b, r, pl.ds(D + k * 16, 16)]
                        cmp_v[b, r, pl.ds(k * 16, 16)] = (
                            jnp.where(sel, hi, lo) * SCALE
                        )
                return c

            lax.fori_loop(0, ngrp, grp, 0)

        def start_scatter(g, b):
            xr = lax.div(g, 2)
            pltpu.async_copy(
                cmp_v.at[b].at[pl.ds(0, LENS[b])],
                out_hbm.at[row0 + xr].at[pl.ds(OFFS[b], LENS[b])],
                ssem.at[b],
            )

        def wait_scatter(b):
            pltpu.make_async_copy(
                out_hbm.at[0].at[pl.ds(0, LENS[b])],
                cmp_v.at[b].at[pl.ds(0, LENS[b])],
                ssem.at[b],
            ).wait()

        start_gather(0, 0)

        def slot(g, carry):
            def per_type(b):
                @pl.when(lax.rem(g, 2) == b)
                def _():
                    @pl.when(g + 1 < nslots)
                    def _():
                        start_gather(g + 1, 1 - b)

                    wait_gather(b)

                    @pl.when(g >= 2)
                    def _():
                        wait_scatter(b)

                    select_scale(g, b)
                    start_scatter(g, b)

            per_type(0)
            per_type(1)
            return carry

        lax.fori_loop(0, nslots, slot, 0)

        wait_scatter(0)
        wait_scatter(1)

    return emb


def kernel(x, table):
    tab2 = table.reshape(table.shape[0] // 2, 2 * D)
    return _make_emb(x.shape[0])(x.astype(jnp.int32), tab2)

# --- scband reference (transcript-rebuilt; emitter-appended) ---
"""Pipeline reference for scband-embeddings-56229711839973 (READ-ONLY COPY).

The authoritative reference and input builder live on the scoring server;
editing this copy changes nothing except your own understanding.
"""

import jax, jax.numpy as jnp
import numpy as np

VOCAB = 1000000
D_MODEL = 64

def setup_inputs(seed: int = 0) -> dict:
    key = jax.random.key(seed)
    k1, k2 = jax.random.split(key)
    x = jax.random.randint(k1, (4096, 200), 0, VOCAB, dtype=jnp.int64) if jax.config.jax_enable_x64 else jax.random.randint(k1, (4096, 200), 0, VOCAB, dtype=jnp.int32)
    table = jax.random.normal(k2, (VOCAB, D_MODEL), dtype=jnp.float32) * 0.02
    return {"x": x, "table": table}

def reference(x, table) -> jnp.ndarray:
    # Embeddings.call: lut(x) * sqrt(d_model)
    emb = jnp.take(table, x, axis=0)
    return emb * jnp.sqrt(jnp.float32(D_MODEL))

if __name__ == "__main__":
    import jax
    _d = setup_inputs()
    print(jax.jit(kernel)(*tuple(_d.values())))

</pallas_src>

<mosaic_0001>
#map = affine_map<(d0, d1) -> (0, 0)>
#map1 = affine_map<(d0, d1) -> (0, 0, 0)>
module attributes {stable_mosaic.version = 14 : i64} {
  func.func @emb(%arg0: i32, %arg1: i32, %arg2: memref<4096x200xi32, #tpu.memory_space<hbm>>, %arg3: memref<500000x128xf32, #tpu.memory_space<hbm>>, %arg4: memref<4096x200x64xf32, #tpu.memory_space<hbm>>, %arg5: memref<128x200xi32, #tpu.memory_space<vmem>>, %arg6: memref<2x128xi32, #tpu.memory_space<vmem>>, %arg7: memref<2x104x128xf32, #tpu.memory_space<vmem>>, %arg8: memref<2x104x64xf32, #tpu.memory_space<vmem>>, %arg9: memref<2x!tpu.dma_semaphore, #tpu.memory_space<semaphore_mem>>, %arg10: memref<2x!tpu.dma_semaphore, #tpu.memory_space<semaphore_mem>>) attributes {dimension_semantics = [#tpu.dimension_semantics<core_parallel>, #tpu.dimension_semantics<subcore_parallel>], iteration_bounds = array<i64: 2, 16>, scalar_prefetch = 0 : i64, scratch_operands = 6 : i64, tpu.core_type = #tpu.core_type<sc_vector_subcore>, window_params = [{transform_indices = #map}, {transform_indices = #map}, {transform_indices = #map1}]} {
    %mul3A = arith.constant 2 : i32
    %mul3A_0 = arith.muli %arg1, %mul3A : i32
    %add3A = arith.addi %mul3A_0, %arg0 : i32
    %mul3A_1 = arith.constant 128 : i32
    %mul3A_2 = arith.muli %add3A, %mul3A_1 : i32
    "tpu.region"() ({
      %run_scoped3A = tpu.sem_alloc : memref<!tpu.dma_semaphore, #tpu.memory_space<semaphore_mem>>
      %dma_start3A_151 = arith.constant 0 : i32
      %dma_start3A_152 = tpu.memref_slice %arg2[%mul3A_2, %dma_start3A_151] : memref<4096x200xi32, #tpu.memory_space<hbm>> -> memref<128x200xi32, #tpu.memory_space<hbm>>
      %dma_start3A_153 = arith.constant 0 : i32
      %dma_start3A_154 = tpu.memref_slice %arg2[%mul3A_2, %dma_start3A_153] : memref<4096x200xi32, #tpu.memory_space<hbm>> -> memref<128x200xi32, #tpu.memory_space<hbm>>
      tpu.enqueue_dma source(%dma_start3A_154 : memref<128x200xi32, #tpu.memory_space<hbm>>) target(%arg5 : memref<128x200xi32, #tpu.memory_space<vmem>>) target_semaphore(%run_scoped3A : memref<!tpu.dma_semaphore, #tpu.memory_space<semaphore_mem>>)
      %dma_wait3A_155 = arith.constant 0 : i32
      %dma_wait3A_156 = tpu.memref_slice %arg2[%mul3A_2, %dma_wait3A_155] : memref<4096x200xi32, #tpu.memory_space<hbm>> -> memref<128x200xi32, #tpu.memory_space<hbm>>
      %dma_wait3A_157 = arith.constant 0 : i32
      %dma_wait3A_158 = tpu.memref_slice %arg2[%mul3A_2, %dma_wait3A_157] : memref<4096x200xi32, #tpu.memory_space<hbm>> -> memref<128x200xi32, #tpu.memory_space<hbm>>
      tpu.wait_dma2 semaphore(%run_scoped3A : memref<!tpu.dma_semaphore, #tpu.memory_space<semaphore_mem>>) src(%dma_wait3A_158 : memref<128x200xi32, #tpu.memory_space<hbm>>) dst(%arg5 : memref<128x200xi32, #tpu.memory_space<vmem>>)
      tpu.yield
    }) : () -> ()
    %div3A = arith.constant 0 : i32
    %div3A_3 = arith.constant 2 : i32
    %div3A_4 = arith.divsi %div3A, %div3A_3 : i32
    %get3A = arith.index_cast %div3A_4 : i32 to index
    %get3A_5 = arith.constant 0 : index
    %get3A_6 = tpu.vector_load %arg5[%get3A, %get3A_5] {strides = array<i32>} : memref<128x200xi32, #tpu.memory_space<vmem>>, vector<16xi32>,
    %shift_right_logical3A = arith.constant 1 : i32
    %shift_right_logical3A_7 = vector.broadcast %shift_right_logical3A : i32 to vector<16xi32>
    %shift_right_logical3A_8 = arith.shrui %get3A_6, %shift_right_logical3A_7 : vector<16xi32>
    %swap3A = arith.constant 0 : i32
    %swap3A_9 = arith.index_cast %swap3A : i32 to index
    %swap3A_10 = arith.constant 0 : index
    %swap3A_11 = tpu.vector_load %arg6[%swap3A_9, %swap3A_10] {strides = array<i32>} : memref<2x128xi32, #tpu.memory_space<vmem>>, vector<16xi32>,
    tpu.vector_store %arg6[%swap3A_9, %swap3A_10], %shift_right_logical3A_8 {strides = array<i32>} : memref<2x128xi32, #tpu.memory_space<vmem>>, vector<16xi32>,
    %get3A_12 = arith.index_cast %div3A_4 : i32 to index
    %get3A_13 = arith.constant 16 : index
    %get3A_14 = tpu.vector_load %arg5[%get3A_12, %get3A_13] {strides = array<i32>} : memref<128x200xi32, #tpu.memory_space<vmem>>, vector<16xi32>,
    %shift_right_logical3A_15 = arith.constant 1 : i32
    %shift_right_logical3A_16 = vector.broadcast %shift_right_logical3A_15 : i32 to vector<16xi32>
    %shift_right_logical3A_17 = arith.shrui %get3A_14, %shift_right_logical3A_16 : vector<16xi32>
    %swap3A_18 = arith.constant 0 : i32
    %swap3A_19 = arith.index_cast %swap3A_18 : i32 to index
    %swap3A_20 = arith.constant 16 : index
    %swap3A_21 = tpu.vector_load %arg6[%swap3A_19, %swap3A_20] {strides = array<i32>} : memref<2x128xi32, #tpu.memory_space<vmem>>, vector<16xi32>,
    tpu.vector_store %arg6[%swap3A_19, %swap3A_20], %shift_right_logical3A_17 {strides = array<i32>} : memref<2x128xi32, #tpu.memory_space<vmem>>, vector<16xi32>,
    %get3A_22 = arith.index_cast %div3A_4 : i32 to index
    %get3A_23 = arith.constant 32 : index
    %get3A_24 = tpu.vector_load %arg5[%get3A_22, %get3A_23] {strides = array<i32>} : memref<128x200xi32, #tpu.memory_space<vmem>>, vector<16xi32>,
    %shift_right_logical3A_25 = arith.constant 1 : i32
    %shift_right_logical3A_26 = vector.broadcast %shift_right_logical3A_25 : i32 to vector<16xi32>
    %shift_right_logical3A_27 = arith.shrui %get3A_24, %shift_right_logical3A_26 : vector<16xi32>
    %swap3A_28 = arith.constant 0 : i32
    %swap3A_29 = arith.index_cast %swap3A_28 : i32 to index
    %swap3A_30 = arith.constant 32 : index
    %swap3A_31 = tpu.vector_load %arg6[%swap3A_29, %swap3A_30] {strides = array<i32>} : memref<2x128xi32, #tpu.memory_space<vmem>>, vector<16xi32>,
    tpu.vector_store %arg6[%swap3A_29, %swap3A_30], %shift_right_logical3A_27 {strides = array<i32>} : memref<2x128xi32, #tpu.memory_space<vmem>>, vector<16xi32>,
    %get3A_32 = arith.index_cast %div3A_4 : i32 to index
    %get3A_33 = arith.constant 48 : index
    %get3A_34 = tpu.vector_load %arg5[%get3A_32, %get3A_33] {strides = array<i32>} : memref<128x200xi32, #tpu.memory_space<vmem>>, vector<16xi32>,
    %shift_right_logical3A_35 = arith.constant 1 : i32
    %shift_right_logical3A_36 = vector.broadcast %shift_right_logical3A_35 : i32 to vector<16xi32>
    %shift_right_logical3A_37 = arith.shrui %get3A_34, %shift_right_logical3A_36 : vector<16xi32>
    %swap3A_38 = arith.constant 0 : i32
    %swap3A_39 = arith.index_cast %swap3A_38 : i32 to index
    %swap3A_40 = arith.constant 48 : index
    %swap3A_41 = tpu.vector_load %arg6[%swap3A_39, %swap3A_40] {strides = array<i32>} : memref<2x128xi32, #tpu.memory_space<vmem>>, vector<16xi32>,
    tpu.vector_store %arg6[%swap3A_39, %swap3A_40], %shift_right_logical3A_37 {strides = array<i32>} : memref<2x128xi32, #tpu.memory_space<vmem>>, vector<16xi32>,
    %get3A_42 = arith.index_cast %div3A_4 : i32 to index
    %get3A_43 = arith.constant 64 : index
    %get3A_44 = tpu.vector_load %arg5[%get3A_42, %get3A_43] {strides = array<i32>} : memref<128x200xi32, #tpu.memory_space<vmem>>, vector<16xi32>,
    %shift_right_logical3A_45 = arith.constant 1 : i32
    %shift_right_logical3A_46 = vector.broadcast %shift_right_logical3A_45 : i32 to vector<16xi32>
    %shift_right_logical3A_47 = arith.shrui %get3A_44, %shift_right_logical3A_46 : vector<16xi32>
    %swap3A_48 = arith.constant 0 : i32
    %swap3A_49 = arith.index_cast %swap3A_48 : i32 to index
    %swap3A_50 = arith.constant 64 : index
    %swap3A_51 = tpu.vector_load %arg6[%swap3A_49, %swap3A_50] {strides = array<i32>} : memref<2x128xi32, #tpu.memory_space<vmem>>, vector<16xi32>,
    tpu.vector_store %arg6[%swap3A_49, %swap3A_50], %shift_right_logical3A_47 {strides = array<i32>} : memref<2x128xi32, #tpu.memory_space<vmem>>, vector<16xi32>,
    %get3A_52 = arith.index_cast %div3A_4 : i32 to index
    %get3A_53 = arith.constant 80 : index
    %get3A_54 = tpu.vector_load %arg5[%get3A_52, %get3A_53] {strides = array<i32>} : memref<128x200xi32, #tpu.memory_space<vmem>>, vector<16xi32>,
    %shift_right_logical3A_55 = arith.constant 1 : i32
    %shift_right_logical3A_56 = vector.broadcast %shift_right_logical3A_55 : i32 to vector<16xi32>
    %shift_right_logical3A_57 = arith.shrui %get3A_54, %shift_right_logical3A_56 : vector<16xi32>
    %swap3A_58 = arith.constant 0 : i32
    %swap3A_59 = arith.index_cast %swap3A_58 : i32 to index
    %swap3A_60 = arith.constant 80 : index
    %swap3A_61 = tpu.vector_load %arg6[%swap3A_59, %swap3A_60] {strides = array<i32>} : memref<2x128xi32, #tpu.memory_space<vmem>>, vector<16xi32>,
    tpu.vector_store %arg6[%swap3A_59, %swap3A_60], %shift_right_logical3A_57 {strides = array<i32>} : memref<2x128xi32, #tpu.memory_space<vmem>>, vector<16xi32>,
    %dma_start3A = arith.constant 0 : i32
    %dma_start3A_62 = arith.constant 0 : i32
    %dma_start3A_63 = arith.constant 0 : i32
    %dma_start3A_64 = arith.constant 0 : i32
    %dma_start3A_65 = arith.constant 0 : i32
    %dma_start3A_66 = tpu.memref_slice %arg7[%dma_start3A_62, %dma_start3A_64, %dma_start3A_65] : memref<2x104x128xf32, #tpu.memory_space<vmem>> -> memref<1x104x128xf32, #tpu.memory_space<vmem>>
    %dma_start3A_67 = tpu.memref_squeeze %dma_start3A_66 : memref<1x104x128xf32, #tpu.memory_space<vmem>> -> memref<104x128xf32, #tpu.memory_space<vmem>>
    %dma_start3A_68 = arith.constant 0 : i32
    %dma_start3A_69 = arith.constant 0 : i32
    %dma_start3A_70 = tpu.memref_slice %dma_start3A_67[%dma_start3A_68, %dma_start3A_69] : memref<104x128xf32, #tpu.memory_space<vmem>> -> memref<96x128xf32, #tpu.memory_space<vmem>>
    %dma_start3A_71 = arith.constant 0 : i32
    %dma_start3A_72 = tpu.memref_slice %arg6[%dma_start3A, %dma_start3A_71] : memref<2x128xi32, #tpu.memory_space<vmem>> -> memref<1x128xi32, #tpu.memory_space<vmem>>
    %dma_start3A_73 = tpu.memref_squeeze %dma_start3A_72 : memref<1x128xi32, #tpu.memory_space<vmem>> -> memref<128xi32, #tpu.memory_space<vmem>>
    %dma_start3A_74 = arith.constant 0 : i32
    %dma_start3A_75 = tpu.memref_slice %dma_start3A_73[%dma_start3A_74] : memref<128xi32, #tpu.memory_space<vmem>> -> memref<96xi32, #tpu.memory_space<vmem>>
    %dma_start3A_76 = arith.constant 0 : i32
    %dma_start3A_77 = arith.constant 0 : i32
    %dma_start3A_78 = tpu.memref_slice %arg3[%dma_start3A_76, %dma_start3A_77] : memref<500000x128xf32, #tpu.memory_space<hbm>> -> memref<500000x128xf32, #tpu.memory_space<hbm>>
    %dma_start3A_79 = tpu.memref_slice %arg9[%dma_start3A_63] : memref<2x!tpu.dma_semaphore, #tpu.memory_space<semaphore_mem>> -> memref<1x!tpu.dma_semaphore, #tpu.memory_space<semaphore_mem>>
    %dma_start3A_80 = tpu.memref_squeeze %dma_start3A_79 : memref<1x!tpu.dma_semaphore, #tpu.memory_space<semaphore_mem>> -> memref<!tpu.dma_semaphore, #tpu.memory_space<semaphore_mem>>
    tpu.enqueue_indirect_dma source(%dma_start3A_78 : memref<500000x128xf32, #tpu.memory_space<hbm>>) target(%dma_start3A_70 : memref<96x128xf32, #tpu.memory_space<vmem>>) offsets(%dma_start3A_75 : memref<96xi32, #tpu.memory_space<vmem>>) semaphore(%dma_start3A_80 : memref<!tpu.dma_semaphore, #tpu.memory_space<semaphore_mem>>)
    %scan3A = arith.constant 0 : i32
    %scan3A_81 = arith.constant 0 : i32
    %scan3A_82 = arith.constant 256 : i32
    %scan3A_83 = arith.addi %scan3A_81, %scan3A_82 : i32
    %scan3A_84 = arith.constant 1 : i32
    scf.for %scan3A_151 = %scan3A_81 to %scan3A_83 step %scan3A_84  : i32 {
      %rem3A = arith.constant 2 : i32
      %rem3A_152 = arith.remsi %scan3A_151, %rem3A : i32
      %eq3A = arith.constant 0 : i32
      %eq3A_153 = arith.cmpi eq, %rem3A_152, %eq3A : i32
      %convert_element_type3A = arith.extui %eq3A_153 : i1 to i32
      %cond3A = arith.constant 0 : i32
      %cond3A_154 = arith.cmpi ne, %convert_element_type3A, %cond3A : i32
      scf.if %cond3A_154 {
        %add3A_162 = arith.constant 1 : i32
        %add3A_163 = arith.addi %scan3A_151, %add3A_162 : i32
        %lt3A = arith.constant 256 : i32
        %lt3A_164 = arith.cmpi slt, %add3A_163, %lt3A : i32
        %convert_element_type3A_165 = arith.extui %lt3A_164 : i1 to i32
        %cond3A_166 = arith.constant 0 : i32
        %cond3A_167 = arith.cmpi ne, %convert_element_type3A_165, %cond3A_166 : i32
        scf.if %cond3A_167 {
          %add3A_239 = arith.constant 1 : i32
          %add3A_240 = arith.addi %scan3A_151, %add3A_239 : i32
          %div3A_241 = arith.constant 2 : i32
          %div3A_242 = arith.divsi %add3A_240, %div3A_241 : i32
          %get3A_243 = arith.index_cast %div3A_242 : i32 to index
          %get3A_244 = arith.constant 96 : index
          %get3A_245 = tpu.vector_load %arg5[%get3A_243, %get3A_244] {strides = array<i32>} : memref<128x200xi32, #tpu.memory_space<vmem>>, vector<16xi32>,
          %shift_right_logical3A_246 = arith.constant 1 : i32
          %shift_right_logical3A_247 = vector.broadcast %shift_right_logical3A_246 : i32 to vector<16xi32>
          %shift_right_logical3A_248 = arith.shrui %get3A_245, %shift_right_logical3A_247 : vector<16xi32>
          %swap3A_249 = arith.constant 1 : i32
          %swap3A_250 = arith.index_cast %swap3A_249 : i32 to index
          %swap3A_251 = arith.constant 0 : index
          %swap3A_252 = tpu.vector_load %arg6[%swap3A_250, %swap3A_251] {strides = array<i32>} : memref<2x128xi32, #tpu.memory_space<vmem>>, vector<16xi32>,
          tpu.vector_store %arg6[%swap3A_250, %swap3A_251], %shift_right_logical3A_248 {strides = array<i32>} : memref<2x128xi32, #tpu.memory_space<vmem>>, vector<16xi32>,
          %get3A_253 = arith.index_cast %div3A_242 : i32 to index
          %get3A_254 = arith.constant 112 : index
          %get3A_255 = tpu.vector_load %arg5[%get3A_253, %get3A_254] {strides = array<i32>} : memref<128x200xi32, #tpu.memory_space<vmem>>, vector<16xi32>,
          %shift_right_logical3A_256 = arith.constant 1 : i32
          %shift_right_logical3A_257 = vector.broadcast %shift_right_logical3A_256 : i32 to vector<16xi32>
          %shift_right_logical3A_258 = arith.shrui %get3A_255, %shift_right_logical3A_257 : vector<16xi32>
          %swap3A_259 = arith.constant 1 : i32
          %swap3A_260 = arith.index_cast %swap3A_259 : i32 to index
          %swap3A_261 = arith.constant 16 : index
          %swap3A_262 = tpu.vector_load %arg6[%swap3A_260, %swap3A_261] {strides = array<i32>} : memref<2x128xi32, #tpu.memory_space<vmem>>, vector<16xi32>,
          tpu.vector_store %arg6[%swap3A_260, %swap3A_261], %shift_right_logical3A_258 {strides = array<i32>} : memref<2x128xi32, #tpu.memory_space<vmem>>, vector<16xi32>,
          %get3A_263 = arith.index_cast %div3A_242 : i32 to index
          %get3A_264 = arith.constant 128 : index
          %get3A_265 = tpu.vector_load %arg5[%get3A_263, %get3A_264] {strides = array<i32>} : memref<128x200xi32, #tpu.memory_space<vmem>>, vector<16xi32>,
          %shift_right_logical3A_266 = arith.constant 1 : i32
          %shift_right_logical3A_267 = vector.broadcast %shift_right_logical3A_266 : i32 to vector<16xi32>
          %shift_right_logical3A_268 = arith.shrui %get3A_265, %shift_right_logical3A_267 : vector<16xi32>
          %swap3A_269 = arith.constant 1 : i32
          %swap3A_270 = arith.index_cast %swap3A_269 : i32 to index
          %swap3A_271 = arith.constant 32 : index
          %swap3A_272 = tpu.vector_load %arg6[%swap3A_270, %swap3A_271] {strides = array<i32>} : memref<2x128xi32, #tpu.memory_space<vmem>>, vector<16xi32>,
          tpu.vector_store %arg6[%swap3A_270, %swap3A_271], %shift_right_logical3A_268 {strides = array<i32>} : memref<2x128xi32, #tpu.memory_space<vmem>>, vector<16xi32>,
          %get3A_273 = arith.index_cast %div3A_242 : i32 to index
          %get3A_274 = arith.constant 144 : index
          %get3A_275 = tpu.vector_load %arg5[%get3A_273, %get3A_274] {strides = array<i32>} : memref<128x200xi32, #tpu.memory_space<vmem>>, vector<16xi32>,
          %shift_right_logical3A_276 = arith.constant 1 : i32
          %shift_right_logical3A_277 = vector.broadcast %shift_right_logical3A_276 : i32 to vector<16xi32>
          %shift_right_logical3A_278 = arith.shrui %get3A_275, %shift_right_logical3A_277 : vector<16xi32>
          %swap3A_279 = arith.constant 1 : i32
          %swap3A_280 = arith.index_cast %swap3A_279 : i32 to index
          %swap3A_281 = arith.constant 48 : index
          %swap3A_282 = tpu.vector_load %arg6[%swap3A_280, %swap3A_281] {strides = array<i32>} : memref<2x128xi32, #tpu.memory_space<vmem>>, vector<16xi32>,
          tpu.vector_store %arg6[%swap3A_280, %swap3A_281], %shift_right_logical3A_278 {strides = array<i32>} : memref<2x128xi32, #tpu.memory_space<vmem>>, vector<16xi32>,
          %get3A_283 = arith.index_cast %div3A_242 : i32 to index
          %get3A_284 = arith.constant 160 : index
          %get3A_285 = tpu.vector_load %arg5[%get3A_283, %get3A_284] {strides = array<i32>} : memref<128x200xi32, #tpu.memory_space<vmem>>, vector<16xi32>,
          %shift_right_logical3A_286 = arith.constant 1 : i32
          %shift_right_logical3A_287 = vector.broadcast %shift_right_logical3A_286 : i32 to vector<16xi32>
          %shift_right_logical3A_288 = arith.shrui %get3A_285, %shift_right_logical3A_287 : vector<16xi32>
          %swap3A_289 = arith.constant 1 : i32
          %swap3A_290 = arith.index_cast %swap3A_289 : i32 to index
          %swap3A_291 = arith.constant 64 : index
          %swap3A_292 = tpu.vector_load %arg6[%swap3A_290, %swap3A_291] {strides = array<i32>} : memref<2x128xi32, #tpu.memory_space<vmem>>, vector<16xi32>,
          tpu.vector_store %arg6[%swap3A_290, %swap3A_291], %shift_right_logical3A_288 {strides = array<i32>} : memref<2x128xi32, #tpu.memory_space<vmem>>, vector<16xi32>,
          %get3A_293 = arith.index_cast %div3A_242 : i32 to index
          %get3A_294 = arith.constant 176 : index
          %get3A_295 = tpu.vector_load %arg5[%get3A_293, %get3A_294] {strides = array<i32>} : memref<128x200xi32, #tpu.memory_space<vmem>>, vector<16xi32>,
          %shift_right_logical3A_296 = arith.constant 1 : i32
          %shift_right_logical3A_297 = vector.broadcast %shift_right_logical3A_296 : i32 to vector<16xi32>
          %shift_right_logical3A_298 = arith.shrui %get3A_295, %shift_right_logical3A_297 : vector<16xi32>
          %swap3A_299 = arith.constant 1 : i32
          %swap3A_300 = arith.index_cast %swap3A_299 : i32 to index
          %swap3A_301 = arith.constant 80 : index
          %swap3A_302 = tpu.vector_load %arg6[%swap3A_300, %swap3A_301] {strides = array<i32>} : memref<2x128xi32, #tpu.memory_space<vmem>>, vector<16xi32>,
          tpu.vector_store %arg6[%swap3A_300, %swap3A_301], %shift_right_logical3A_298 {strides = array<i32>} : memref<2x128xi32, #tpu.memory_space<vmem>>, vector<16xi32>,
          %get3A_303 = arith.index_cast %div3A_242 : i32 to index
          %get3A_304 = arith.constant 184 : index
          %get3A_305 = tpu.vector_load %arg5[%get3A_303, %get3A_304] {strides = array<i32>} : memref<128x200xi32, #tpu.memory_space<vmem>>, vector<16xi32>,
          %shift_right_logical3A_306 = arith.constant 1 : i32
          %shift_right_logical3A_307 = vector.broadcast %shift_right_logical3A_306 : i32 to vector<16xi32>
          %shift_right_logical3A_308 = arith.shrui %get3A_305, %shift_right_logical3A_307 : vector<16xi32>
          %swap3A_309 = arith.constant 1 : i32
          %swap3A_310 = arith.index_cast %swap3A_309 : i32 to index
          %swap3A_311 = arith.constant 88 : index
          %swap3A_312 = tpu.vector_load %arg6[%swap3A_310, %swap3A_311] {strides = array<i32>} : memref<2x128xi32, #tpu.memory_space<vmem>>, vector<16xi32>,
          tpu.vector_store %arg6[%swap3A_310, %swap3A_311], %shift_right_logical3A_308 {strides = array<i32>} : memref<2x128xi32, #tpu.memory_space<vmem>>, vector<16xi32>,
          %dma_start3A_313 = arith.constant 1 : i32
          %dma_start3A_314 = arith.constant 1 : i32
          %dma_start3A_315 = arith.constant 1 : i32
          %dma_start3A_316 = arith.constant 0 : i32
          %dma_start3A_317 = arith.constant 0 : i32
          %dma_start3A_318 = tpu.memref_slice %arg7[%dma_start3A_314, %dma_start3A_316, %dma_start3A_317] : memref<2x104x128xf32, #tpu.memory_space<vmem>> -> memref<1x104x128xf32, #tpu.memory_space<vmem>>
          %dma_start3A_319 = tpu.memref_squeeze %dma_start3A_318 : memref<1x104x128xf32, #tpu.memory_space<vmem>> -> memref<104x128xf32, #tpu.memory_space<vmem>>
          %dma_start3A_320 = arith.constant 0 : i32
          %dma_start3A_321 = arith.constant 0 : i32
          %dma_start3A_322 = tpu.memref_slice %dma_start3A_319[%dma_start3A_320, %dma_start3A_321] : memref<104x128xf32, #tpu.memory_space<vmem>> -> memref<104x128xf32, #tpu.memory_space<vmem>>
          %dma_start3A_323 = arith.constant 0 : i32
          %dma_start3A_324 = tpu.memref_slice %arg6[%dma_start3A_313, %dma_start3A_323] : memref<2x128xi32, #tpu.memory_space<vmem>> -> memref<1x128xi32, #tpu.memory_space<vmem>>
          %dma_start3A_325 = tpu.memref_squeeze %dma_start3A_324 : memref<1x128xi32, #tpu.memory_space<vmem>> -> memref<128xi32, #tpu.memory_space<vmem>>
          %dma_start3A_326 = arith.constant 0 : i32
          %dma_start3A_327 = tpu.memref_slice %dma_start3A_325[%dma_start3A_326] : memref<128xi32, #tpu.memory_space<vmem>> -> memref<104xi32, #tpu.memory_space<vmem>>
          %dma_start3A_328 = arith.constant 0 : i32
          %dma_start3A_329 = arith.constant 0 : i32
          %dma_start3A_330 = tpu.memref_slice %arg3[%dma_start3A_328, %dma_start3A_329] : memref<500000x128xf32, #tpu.memory_space<hbm>> -> memref<500000x128xf32, #tpu.memory_space<hbm>>
          %dma_start3A_331 = tpu.memref_slice %arg9[%dma_start3A_315] : memref<2x!tpu.dma_semaphore, #tpu.memory_space<semaphore_mem>> -> memref<1x!tpu.dma_semaphore, #tpu.memory_space<semaphore_mem>>
          %dma_start3A_332 = tpu.memref_squeeze %dma_start3A_331 : memref<1x!tpu.dma_semaphore, #tpu.memory_space<semaphore_mem>> -> memref<!tpu.dma_semaphore, #tpu.memory_space<semaphore_mem>>
          tpu.enqueue_indirect_dma source(%dma_start3A_330 : memref<500000x128xf32, #tpu.memory_space<hbm>>) target(%dma_start3A_322 : memref<104x128xf32, #tpu.memory_space<vmem>>) offsets(%dma_start3A_327 : memref<104xi32, #tpu.memory_space<vmem>>) semaphore(%dma_start3A_332 : memref<!tpu.dma_semaphore, #tpu.memory_space<semaphore_mem>>)
        } else {
        }
        %dma_wait3A_168 = arith.constant 0 : i32
        %dma_wait3A_169 = arith.constant 0 : i32
        %dma_wait3A_170 = arith.constant 0 : i32
        %dma_wait3A_171 = arith.constant 0 : i32
        %dma_wait3A_172 = tpu.memref_slice %arg7[%dma_wait3A_168, %dma_wait3A_170, %dma_wait3A_171] : memref<2x104x128xf32, #tpu.memory_space<vmem>> -> memref<1x104x128xf32, #tpu.memory_space<vmem>>
        %dma_wait3A_173 = tpu.memref_squeeze %dma_wait3A_172 : memref<1x104x128xf32, #tpu.memory_space<vmem>> -> memref<104x128xf32, #tpu.memory_space<vmem>>
        %dma_wait3A_174 = arith.constant 0 : i32
        %dma_wait3A_175 = arith.constant 0 : i32
        %dma_wait3A_176 = tpu.memref_slice %dma_wait3A_173[%dma_wait3A_174, %dma_wait3A_175] : memref<104x128xf32, #tpu.memory_space<vmem>> -> memref<96x128xf32, #tpu.memory_space<vmem>>
        %dma_wait3A_177 = arith.constant 0 : i32
        %dma_wait3A_178 = arith.constant 0 : i32
        %dma_wait3A_179 = tpu.memref_slice %arg3[%dma_wait3A_177, %dma_wait3A_178] : memref<500000x128xf32, #tpu.memory_space<hbm>> -> memref<96x128xf32, #tpu.memory_space<hbm>>
        %dma_wait3A_180 = tpu.memref_slice %arg9[%dma_wait3A_169] : memref<2x!tpu.dma_semaphore, #tpu.memory_space<semaphore_mem>> -> memref<1x!tpu.dma_semaphore, #tpu.memory_space<semaphore_mem>>
        %dma_wait3A_181 = tpu.memref_squeeze %dma_wait3A_180 : memref<1x!tpu.dma_semaphore, #tpu.memory_space<semaphore_mem>> -> memref<!tpu.dma_semaphore, #tpu.memory_space<semaphore_mem>>
        %dma_wait3A_182 = arith.constant 0 : i32
        %dma_wait3A_183 = arith.constant 0 : i32
        %dma_wait3A_184 = tpu.memref_slice %arg7[%dma_wait3A_168, %dma_wait3A_182, %dma_wait3A_183] : memref<2x104x128xf32, #tpu.memory_space<vmem>> -> memref<1x104x128xf32, #tpu.memory_space<vmem>>
        %dma_wait3A_185 = tpu.memref_squeeze %dma_wait3A_184 : memref<1x104x128xf32, #tpu.memory_space<vmem>> -> memref<104x128xf32, #tpu.memory_space<vmem>>
        %dma_wait3A_186 = arith.constant 0 : i32
        %dma_wait3A_187 = arith.constant 0 : i32
        %dma_wait3A_188 = tpu.memref_slice %dma_wait3A_185[%dma_wait3A_186, %dma_wait3A_187] : memref<104x128xf32, #tpu.memory_space<vmem>> -> memref<96x128xf32, #tpu.memory_space<vmem>>
        %dma_wait3A_189 = arith.constant 0 : i32
        %dma_wait3A_190 = arith.constant 0 : i32
        %dma_wait3A_191 = tpu.memref_slice %arg3[%dma_wait3A_189, %dma_wait3A_190] : memref<500000x128xf32, #tpu.memory_space<hbm>> -> memref<96x128xf32, #tpu.memory_space<hbm>>
        tpu.wait_dma2 semaphore(%dma_wait3A_181 : memref<!tpu.dma_semaphore, #tpu.memory_space<semaphore_mem>>) src(%dma_wait3A_191 : memref<96x128xf32, #tpu.memory_space<hbm>>) dst(%dma_wait3A_188 : memref<96x128xf32, #tpu.memory_space<vmem>>)
        %ge3A = arith.constant 2 : i32
        %ge3A_192 = arith.cmpi sge, %scan3A_151, %ge3A : i32
        %convert_element_type3A_193 = arith.extui %ge3A_192 : i1 to i32
        %cond3A_194 = arith.constant 0 : i32
        %cond3A_195 = arith.cmpi ne, %convert_element_type3A_193, %cond3A_194 : i32
        scf.if %cond3A_195 {
          %dma_wait3A_239 = arith.constant 0 : i32
          %dma_wait3A_240 = arith.constant 0 : i32
          %dma_wait3A_241 = arith.constant 0 : i32
          %dma_wait3A_242 = arith.constant 0 : i32
          %dma_wait3A_243 = arith.constant 0 : i32
          %dma_wait3A_244 = tpu.memref_slice %arg8[%dma_wait3A_240, %dma_wait3A_242, %dma_wait3A_243] : memref<2x104x64xf32, #tpu.memory_space<vmem>> -> memref<1x104x64xf32, #tpu.memory_space<vmem>>
          %dma_wait3A_245 = tpu.memref_squeeze %dma_wait3A_244 : memref<1x104x64xf32, #tpu.memory_space<vmem>> -> memref<104x64xf32, #tpu.memory_space<vmem>>
          %dma_wait3A_246 = arith.constant 0 : i32
          %dma_wait3A_247 = arith.constant 0 : i32
          %dma_wait3A_248 = tpu.memref_slice %dma_wait3A_245[%dma_wait3A_246, %dma_wait3A_247] : memref<104x64xf32, #tpu.memory_space<vmem>> -> memref<96x64xf32, #tpu.memory_space<vmem>>
          %dma_wait3A_249 = arith.constant 0 : i32
          %dma_wait3A_250 = arith.constant 0 : i32
          %dma_wait3A_251 = tpu.memref_slice %arg4[%dma_wait3A_239, %dma_wait3A_249, %dma_wait3A_250] : memref<4096x200x64xf32, #tpu.memory_space<hbm>> -> memref<1x200x64xf32, #tpu.memory_space<hbm>>
          %dma_wait3A_252 = tpu.memref_squeeze %dma_wait3A_251 : memref<1x200x64xf32, #tpu.memory_space<hbm>> -> memref<200x64xf32, #tpu.memory_space<hbm>>
          %dma_wait3A_253 = arith.constant 0 : i32
          %dma_wait3A_254 = arith.constant 0 : i32
          %dma_wait3A_255 = tpu.memref_slice %dma_wait3A_252[%dma_wait3A_253, %dma_wait3A_254] : memref<200x64xf32, #tpu.memory_space<hbm>> -> memref<96x64xf32, #tpu.memory_space<hbm>>
          %dma_wait3A_256 = tpu.memref_slice %arg10[%dma_wait3A_241] : memref<2x!tpu.dma_semaphore, #tpu.memory_space<semaphore_mem>> -> memref<1x!tpu.dma_semaphore, #tpu.memory_space<semaphore_mem>>
          %dma_wait3A_257 = tpu.memref_squeeze %dma_wait3A_256 : memref<1x!tpu.dma_semaphore, #tpu.memory_space<semaphore_mem>> -> memref<!tpu.dma_semaphore, #tpu.memory_space<semaphore_mem>>
          %dma_wait3A_258 = arith.constant 0 : i32
          %dma_wait3A_259 = arith.constant 0 : i32
          %dma_wait3A_260 = tpu.memref_slice %arg8[%dma_wait3A_240, %dma_wait3A_258, %dma_wait3A_259] : memref<2x104x64xf32, #tpu.memory_space<vmem>> -> memref<1x104x64xf32, #tpu.memory_space<vmem>>
          %dma_wait3A_261 = tpu.memref_squeeze %dma_wait3A_260 : memref<1x104x64xf32, #tpu.memory_space<vmem>> -> memref<104x64xf32, #tpu.memory_space<vmem>>
          %dma_wait3A_262 = arith.constant 0 : i32
          %dma_wait3A_263 = arith.constant 0 : i32
          %dma_wait3A_264 = tpu.memref_slice %dma_wait3A_261[%dma_wait3A_262, %dma_wait3A_263] : memref<104x64xf32, #tpu.memory_space<vmem>> -> memref<96x64xf32, #tpu.memory_space<vmem>>
          %dma_wait3A_265 = arith.constant 0 : i32
          %dma_wait3A_266 = arith.constant 0 : i32
          %dma_wait3A_267 = tpu.memref_slice %arg4[%dma_wait3A_239, %dma_wait3A_265, %dma_wait3A_266] : memref<4096x200x64xf32, #tpu.memory_space<hbm>> -> memref<1x200x64xf32, #tpu.memory_space<hbm>>
          %dma_wait3A_268 = tpu.memref_squeeze %dma_wait3A_267 : memref<1x200x64xf32, #tpu.memory_space<hbm>> -> memref<200x64xf32, #tpu.memory_space<hbm>>
          %dma_wait3A_269 = arith.constant 0 : i32
          %dma_wait3A_270 = arith.constant 0 : i32
          %dma_wait3A_271 = tpu.memref_slice %dma_wait3A_268[%dma_wait3A_269, %dma_wait3A_270] : memref<200x64xf32, #tpu.memory_space<hbm>> -> memref<96x64xf32, #tpu.memory_space<hbm>>
          tpu.wait_dma2 semaphore(%dma_wait3A_257 : memref<!tpu.dma_semaphore, #tpu.memory_space<semaphore_mem>>) src(%dma_wait3A_271 : memref<96x64xf32, #tpu.memory_space<hbm>>) dst(%dma_wait3A_264 : memref<96x64xf32, #tpu.memory_space<vmem>>)
        } else {
        }
        %div3A_196 = arith.constant 2 : i32
        %div3A_197 = arith.divsi %scan3A_151, %div3A_196 : i32
        %scan3A_198 = arith.constant 0 : i32
        %scan3A_199 = arith.constant 0 : i32
        %scan3A_200 = arith.constant 6 : i32
        %scan3A_201 = arith.addi %scan3A_199, %scan3A_200 : i32
        %scan3A_202 = arith.constant 1 : i32
        scf.for %scan3A_239 = %scan3A_199 to %scan3A_201 step %scan3A_202  : i32 {
          %mul3A_240 = arith.constant 16 : i32
          %mul3A_241 = arith.muli %scan3A_239, %mul3A_240 : i32
          %min3A = arith.constant 80 : i32
          %min3A_242 = arith.minsi %mul3A_241, %min3A : i32
          %add3A_243 = arith.constant 0 : i32
          %add3A_244 = arith.addi %add3A_243, %min3A_242 : i32
          %get3A_245 = arith.index_cast %div3A_197 : i32 to index
          %get3A_246 = arith.index_cast %add3A_244 : i32 to index
          %get3A_247 = tpu.vector_load %arg5[%get3A_245, %get3A_246] {strides = array<i32>} : memref<128x200xi32, #tpu.memory_space<vmem>>, vector<16xi32>,
          %and3A = arith.constant 1 : i32
          %and3A_248 = vector.broadcast %and3A : i32 to vector<16xi32>
          %and3A_249 = arith.andi %get3A_247, %and3A_248 : vector<16xi32>
          %add3A_250 = arith.constant 0 : i32
          %add3A_251 = arith.addi %min3A_242, %add3A_250 : i32
          %broadcast_in_dim3A = arith.constant 0 : i32
          %broadcast_in_dim3A_252 = vector.broadcast %broadcast_in_dim3A : i32 to vector<16x1xi32>
          %gather3A = vector.shape_cast %broadcast_in_dim3A_252 : vector<16x1xi32> to vector<16xi32>
          %gather3A_253 = tpu.dynamic_gather %and3A_249[%gather3A] in [0] : vector<16xi32>, vector<16xi32> -> vector<16xi32>
          %eq3A_254 = arith.constant 1 : i32
          %eq3A_255 = vector.broadcast %eq3A_254 : i32 to vector<16xi32>
          %eq3A_256 = arith.cmpi eq, %gather3A_253, %eq3A_255 : vector<16xi32>
          %get3A_257 = arith.constant 0 : i32
          %get3A_258 = arith.index_cast %get3A_257 : i32 to index
          %get3A_259 = arith.index_cast %add3A_251 : i32 to index
          %get3A_260 = arith.constant 0 : index
          %get3A_261 = tpu.vector_load %arg7[%get3A_258, %get3A_259, %get3A_260] {strides = array<i32>} : memref<2x104x128xf32, #tpu.memory_space<vmem>>, vector<16xf32>,
          %get3A_262 = arith.constant 0 : i32
          %get3A_263 = arith.index_cast %get3A_262 : i32 to index
          %get3A_264 = arith.index_cast %add3A_251 : i32 to index
          %get3A_265 = arith.constant 64 : index
          %get3A_266 = tpu.vector_load %arg7[%get3A_263, %get3A_264, %get3A_265] {strides = array<i32>} : memref<2x104x128xf32, #tpu.memory_space<vmem>>, vector<16xf32>,
          %select_n3A = arith.select %eq3A_256, %get3A_266, %get3A_261 : vector<16xi1>, vector<16xf32>
          %mul3A_267 = arith.constant 8.000000e+00 : f32
          %mul3A_268 = vector.broadcast %mul3A_267 : f32 to vector<16xf32>
          %mul3A_269 = arith.mulf %select_n3A, %mul3A_268 : vector<16xf32>
          %swap3A_270 = arith.constant 0 : i32
          %swap3A_271 = arith.index_cast %swap3A_270 : i32 to index
          %swap3A_272 = arith.index_cast %add3A_251 : i32 to index
          %swap3A_273 = arith.constant 0 : index
          %swap3A_274 = tpu.vector_load %arg8[%swap3A_271, %swap3A_272, %swap3A_273] {strides = array<i32>} : memref<2x104x64xf32, #tpu.memory_space<vmem>>, vector<16xf32>,
          tpu.vector_store %arg8[%swap3A_271, %swap3A_272, %swap3A_273], %mul3A_269 {strides = array<i32>} : memref<2x104x64xf32, #tpu.memory_space<vmem>>, vector<16xf32>,
          %get3A_275 = arith.constant 0 : i32
          %get3A_276 = arith.index_cast %get3A_275 : i32 to index
          %get3A_277 = arith.index_cast %add3A_251 : i32 to index
          %get3A_278 = arith.constant 16 : index
          %get3A_279 = tpu.vector_load %arg7[%get3A_276, %get3A_277, %get3A_278] {strides = array<i32>} : memref<2x104x128xf32, #tpu.memory_space<vmem>>, vector<16xf32>,
          %get3A_280 = arith.constant 0 : i32
          %get3A_281 = arith.index_cast %get3A_280 : i32 to index
          %get3A_282 = arith.index_cast %add3A_251 : i32 to index
          %get3A_283 = arith.constant 80 : index
          %get3A_284 = tpu.vector_load %arg7[%get3A_281, %get3A_282, %get3A_283] {strides = array<i32>} : memref<2x104x128xf32, #tpu.memory_space<vmem>>, vector<16xf32>,
          %select_n3A_285 = arith.select %eq3A_256, %get3A_284, %get3A_279 : vector<16xi1>, vector<16xf32>
          %mul3A_286 = arith.constant 8.000000e+00 : f32
          %mul3A_287 = vector.broadcast %mul3A_286 : f32 to vector<16xf32>
          %mul3A_288 = arith.mulf %select_n3A_285, %mul3A_287 : vector<16xf32>
          %swap3A_289 = arith.constant 0 : i32
          %swap3A_290 = arith.index_cast %swap3A_289 : i32 to index
          %swap3A_291 = arith.index_cast %add3A_251 : i32 to index
          %swap3A_292 = arith.constant 16 : index
          %swap3A_293 = tpu.vector_load %arg8[%swap3A_290, %swap3A_291, %swap3A_292] {strides = array<i32>} : memref<2x104x64xf32, #tpu.memory_space<vmem>>, vector<16xf32>,
          tpu.vector_store %arg8[%swap3A_290, %swap3A_291, %swap3A_292], %mul3A_288 {strides = array<i32>} : memref<2x104x64xf32, #tpu.memory_space<vmem>>, vector<16xf32>,
          %get3A_294 = arith.constant 0 : i32
          %get3A_295 = arith.index_cast %get3A_294 : i32 to index
          %get3A_296 = arith.index_cast %add3A_251 : i32 to index
          %get3A_297 = arith.constant 32 : index
          %get3A_298 = tpu.vector_load %arg7[%get3A_295, %get3A_296, %get3A_297] {strides = array<i32>} : memref<2x104x128xf32, #tpu.memory_space<vmem>>, vector<16xf32>,
          %get3A_299 = arith.constant 0 : i32
          %get3A_300 = arith.index_cast %get3A_299 : i32 to index
          %get3A_301 = arith.index_cast %add3A_251 : i32 to index
          %get3A_302 = arith.constant 96 : index
          %get3A_303 = tpu.vector_load %arg7[%get3A_300, %get3A_301, %get3A_302] {strides = array<i32>} : memref<2x104x128xf32, #tpu.memory_space<vmem>>, vector<16xf32>,
          %select_n3A_304 = arith.select %eq3A_256, %get3A_303, %get3A_298 : vector<16xi1>, vector<16xf32>
          %mul3A_305 = arith.constant 8.000000e+00 : f32
          %mul3A_306 = vector.broadcast %mul3A_305 : f32 to vector<16xf32>
          %mul3A_307 = arith.mulf %select_n3A_304, %mul3A_306 : vector<16xf32>
          %swap3A_308 = arith.constant 0 : i32
          %swap3A_309 = arith.index_cast %swap3A_308 : i32 to index
          %swap3A_310 = arith.index_cast %add3A_251 : i32 to index
          %swap3A_311 = arith.constant 32 : index
          %swap3A_312 = tpu.vector_load %arg8[%swap3A_309, %swap3A_310, %swap3A_311] {strides = array<i32>} : memref<2x104x64xf32, #tpu.memory_space<vmem>>, vector<16xf32>,
          tpu.vector_store %arg8[%swap3A_309, %swap3A_310, %swap3A_311], %mul3A_307 {strides = array<i32>} : memref<2x104x64xf32, #tpu.memory_space<vmem>>, vector<16xf32>,
          %get3A_313 = arith.constant 0 : i32
          %get3A_314 = arith.index_cast %get3A_313 : i32 to index
          %get3A_315 = arith.index_cast %add3A_251 : i32 to index
          %get3A_316 = arith.constant 48 : index
          %get3A_317 = tpu.vector_load %arg7[%get3A_314, %get3A_315, %get3A_316] {strides = array<i32>} : memref<2x104x128xf32, #tpu.memory_space<vmem>>, vector<16xf32>,
          %get3A_318 = arith.constant 0 : i32
          %get3A_319 = arith.index_cast %get3A_318 : i32 to index
          %get3A_320 = arith.index_cast %add3A_251 : i32 to index
          %get3A_321 = arith.constant 112 : index
          %get3A_322 = tpu.vector_load %arg7[%get3A_319, %get3A_320, %get3A_321] {strides = array<i32>} : memref<2x104x128xf32, #tpu.memory_space<vmem>>, vector<16xf32>,
          %select_n3A_323 = arith.select %eq3A_256, %get3A_322, %get3A_317 : vector<16xi1>, vector<16xf32>
          %mul3A_324 = arith.constant 8.000000e+00 : f32
          %mul3A_325 = vector.broadcast %mul3A_324 : f32 to vector<16xf32>
          %mul3A_326 = arith.mulf %select_n3A_323, %mul3A_325 : vector<16xf32>
          %swap3A_327 = arith.constant 0 : i32
          %swap3A_328 = arith.index_cast %swap3A_327 : i32 to index
          %swap3A_329 = arith.index_cast %add3A_251 : i32 to index
          %swap3A_330 = arith.constant 48 : index
          %swap3A_331 = tpu.vector_load %arg8[%swap3A_328, %swap3A_329, %swap3A_330] {strides = array<i32>} : memref<2x104x64xf32, #tpu.memory_space<vmem>>, vector<16xf32>,
          tpu.vector_store %arg8[%swap3A_328, %swap3A_329, %swap3A_330], %mul3A_326 {strides = array<i32>} : memref<2x104x64xf32, #tpu.memory_space<vmem>>, vector<16xf32>,
          %add3A_332 = arith.constant 1 : i32
          %add3A_333 = arith.addi %min3A_242, %add3A_332 : i32
          %broadcast_in_dim3A_334 = arith.constant 1 : i32
          %broadcast_in_dim3A_335 = vector.broadcast %broadcast_in_dim3A_334 : i32 to vector<16x1xi32>
          %gather3A_336 = vector.shape_cast %broadcast_in_dim3A_335 : vector<16x1xi32> to vector<16xi32>
          %gather3A_337 = tpu.dynamic_gather %and3A_249[%gather3A_336] in [0] : vector<16xi32>, vector<16xi32> -> vector<16xi32>
          %eq3A_338 = arith.constant 1 : i32
          %eq3A_339 = vector.broadcast %eq3A_338 : i32 to vector<16xi32>
          %eq3A_340 = arith.cmpi eq, %gather3A_337, %eq3A_339 : vector<16xi32>
          %get3A_341 = arith.constant 0 : i32
          %get3A_342 = arith.index_cast %get3A_341 : i32 to index
          %get3A_343 = arith.index_cast %add3A_333 : i32 to index
          %get3A_344 = arith.constant 0 : index
          %get3A_345 = tpu.vector_load %arg7[%get3A_342, %get3A_343, %get3A_344] {strides = array<i32>} : memref<2x104x128xf32, #tpu.memory_space<vmem>>, vector<16xf32>,
          %get3A_346 = arith.constant 0 : i32
          %get3A_347 = arith.index_cast %get3A_346 : i32 to index
          %get3A_348 = arith.index_cast %add3A_333 : i32 to index
          %get3A_349 = arith.constant 64 : index
          %get3A_350 = tpu.vector_load %arg7[%get3A_347, %get3A_348, %get3A_349] {strides = array<i32>} : memref<2x104x128xf32, #tpu.memory_space<vmem>>, vector<16xf32>,
          %select_n3A_351 = arith.select %eq3A_340, %get3A_350, %get3A_345 : vector<16xi1>, vector<16xf32>
          %mul3A_352 = arith.constant 8.000000e+00 : f32
          %mul3A_353 = vector.broadcast %mul3A_352 : f32 to vector<16xf32>
          %mul3A_354 = arith.mulf %select_n3A_351, %mul3A_353 : vector<16xf32>
          %swap3A_355 = arith.constant 0 : i32
          %swap3A_356 = arith.index_cast %swap3A_355 : i32 to index
          %swap3A_357 = arith.index_cast %add3A_333 : i32 to index
          %swap3A_358 = arith.constant 0 : index
          %swap3A_359 = tpu.vector_load %arg8[%swap3A_356, %swap3A_357, %swap3A_358] {strides = array<i32>} : memref<2x104x64xf32, #tpu.memory_space<vmem>>, vector<16xf32>,
          tpu.vector_store %arg8[%swap3A_356, %swap3A_357, %swap3A_358], %mul3A_354 {strides = array<i32>} : memref<2x104x64xf32, #tpu.memory_space<vmem>>, vector<16xf32>,
          %get3A_360 = arith.constant 0 : i32
          %get3A_361 = arith.index_cast %get3A_360 : i32 to index
          %get3A_362 = arith.index_cast %add3A_333 : i32 to index
          %get3A_363 = arith.constant 16 : index
          %get3A_364 = tpu.vector_load %arg7[%get3A_361, %get3A_362, %get3A_363] {strides = array<i32>} : memref<2x104x128xf32, #tpu.memory_space<vmem>>, vector<16xf32>,
          %get3A_365 = arith.constant 0 : i32
          %get3A_366 = arith.index_cast %get3A_365 : i32 to index
          %get3A_367 = arith.index_cast %add3A_333 : i32 to index
          %get3A_368 = arith.constant 80 : index
          %get3A_369 = tpu.vector_load %arg7[%get3A_366, %get3A_367, %get3A_368] {strides = array<i32>} : memref<2x104x128xf32, #tpu.memory_space<vmem>>, vector<16xf32>,
          %select_n3A_370 = arith.select %eq3A_340, %get3A_369, %get3A_364 : vector<16xi1>, vector<16xf32>
          %mul3A_371 = arith.constant 8.000000e+00 : f32
          %mul3A_372 = vector.broadcast %mul3A_371 : f32 to vector<16xf32>
          %mul3A_373 = arith.mulf %select_n3A_370, %mul3A_372 : vector<16xf32>
          %swap3A_374 = arith.constant 0 : i32
          %swap3A_375 = arith.index_cast %swap3A_374 : i32 to index
          %swap3A_376 = arith.index_cast %add3A_333 : i32 to index
          %swap3A_377 = arith.constant 16 : index
          %swap3A_378 = tpu.vector_load %arg8[%swap3A_375, %swap3A_376, %swap3A_377] {strides = array<i32>} : memref<2x104x64xf32, #tpu.memory_space<vmem>>, vector<16xf32>,
          tpu.vector_store %arg8[%swap3A_375, %swap3A_376, %swap3A_377], %mul3A_373 {strides = array<i32>} : memref<2x104x64xf32, #tpu.memory_space<vmem>>, vector<16xf32>,
          %get3A_379 = arith.constant 0 : i32
          %get3A_380 = arith.index_cast %get3A_379 : i32 to index
          %get3A_381 = arith.index_cast %add3A_333 : i32 to index
          %get3A_382 = arith.constant 32 : index
          %get3A_383 = tpu.vector_load %arg7[%get3A_380, %get3A_381, %get3A_382] {strides = array<i32>} : memref<2x104x128xf32, #tpu.memory_space<vmem>>, vector<16xf32>,
          %get3A_384 = arith.constant 0 : i32
          %get3A_385 = arith.index_cast %get3A_384 : i32 to index
          %get3A_386 = arith.index_cast %add3A_333 : i32 to index
          %get3A_387 = arith.constant 96 : index
          %get3A_388 = tpu.vector_load %arg7[%get3A_385, %get3A_386, %get3A_387] {strides = array<i32>} : memref<2x104x128xf32, #tpu.memory_space<vmem>>, vector<16xf32>,
          %select_n3A_389 = arith.select %eq3A_340, %get3A_388, %get3A_383 : vector<16xi1>, vector<16xf32>
          %mul3A_390 = arith.constant 8.000000e+00 : f32
          %mul3A_391 = vector.broadcast %mul3A_390 : f32 to vector<16xf32>
          %mul3A_392 = arith.mulf %select_n3A_389, %mul3A_391 : vector<16xf32>
          %swap3A_393 = arith.constant 0 : i32
          %swap3A_394 = arith.index_cast %swap3A_393 : i32 to index
          %swap3A_395 = arith.index_cast %add3A_333 : i32 to index
          %swap3A_396 = arith.constant 32 : index
          %swap3A_397 = tpu.vector_load %arg8[%swap3A_394, %swap3A_395, %swap3A_396] {strides = array<i32>} : memref<2x104x64xf32, #tpu.memory_space<vmem>>, vector<16xf32>,
          tpu.vector_store %arg8[%swap3A_394, %swap3A_395, %swap3A_396], %mul3A_392 {strides = array<i32>} : memref<2x104x64xf32, #tpu.memory_space<vmem>>, vector<16xf32>,
          %get3A_398 = arith.constant 0 : i32
          %get3A_399 = arith.index_cast %get3A_398 : i32 to index
          %get3A_400 = arith.index_cast %add3A_333 : i32 to index
          %get3A_401 = arith.constant 48 : index
          %get3A_402 = tpu.vector_load %arg7[%get3A_399, %get3A_400, %get3A_401] {strides = array<i32>} : memref<2x104x128xf32, #tpu.memory_space<vmem>>, vector<16xf32>,
          %get3A_403 = arith.constant 0 : i32
          %get3A_404 = arith.index_cast %get3A_403 : i32 to index
          %get3A_405 = arith.index_cast %add3A_333 : i32 to index
          %get3A_406 = arith.constant 112 : index
          %get3A_407 = tpu.vector_load %arg7[%get3A_404, %get3A_405, %get3A_406] {strides = array<i32>} : memref<2x104x128xf32, #tpu.memory_space<vmem>>, vector<16xf32>,
          %select_n3A_408 = arith.select %eq3A_340, %get3A_407, %get3A_402 : vector<16xi1>, vector<16xf32>
          %mul3A_409 = arith.constant 8.000000e+00 : f32
          %mul3A_410 = vector.broadcast %mul3A_409 : f32 to vector<16xf32>
          %mul3A_411 = arith.mulf %select_n3A_408, %mul3A_410 : vector<16xf32>
          %swap3A_412 = arith.constant 0 : i32
          %swap3A_413 = arith.index_cast %swap3A_412 : i32 to index
          %swap3A_414 = arith.index_cast %add3A_333 : i32 to index
          %swap3A_415 = arith.constant 48 : index
          %swap3A_416 = tpu.vector_load %arg8[%swap3A_413, %swap3A_414, %swap3A_415] {strides = array<i32>} : memref<2x104x64xf32, #tpu.memory_space<vmem>>, vector<16xf32>,
          tpu.vector_store %arg8[%swap3A_413, %swap3A_414, %swap3A_415], %mul3A_411 {strides = array<i32>} : memref<2x104x64xf32, #tpu.memory_space<vmem>>, vector<16xf32>,
          %add3A_417 = arith.constant 2 : i32
          %add3A_418 = arith.addi %min3A_242, %add3A_417 : i32
          %broadcast_in_dim3A_419 = arith.constant 2 : i32
          %broadcast_in_dim3A_420 = vector.broadcast %broadcast_in_dim3A_419 : i32 to vector<16x1xi32>
          %gather3A_421 = vector.shape_cast %broadcast_in_dim3A_420 : vector<16x1xi32> to vector<16xi32>
          %gather3A_422 = tpu.dynamic_gather %and3A_249[%gather3A_421] in [0] : vector<16xi32>, vector<16xi32> -> vector<16xi32>
          %eq3A_423 = arith.constant 1 : i32
          %eq3A_424 = vector.broadcast %eq3A_423 : i32 to vector<16xi32>
          %eq3A_425 = arith.cmpi eq, %gather3A_422, %eq3A_424 : vector<16xi32>
          %get3A_426 = arith.constant 0 : i32
          %get3A_427 = arith.index_cast %get3A_426 : i32 to index
          %get3A_428 = arith.index_cast %add3A_418 : i32 to index
          %get3A_429 = arith.constant 0 : index
          %get3A_430 = tpu.vector_load %arg7[%get3A_427, %get3A_428, %get3A_429] {strides = array<i32>} : memref<2x104x128xf32, #tpu.memory_space<vmem>>, vector<16xf32>,
          %get3A_431 = arith.constant 0 : i32
          %get3A_432 = arith.index_cast %get3A_431 : i32 to index
          %get3A_433 = arith.index_cast %add3A_418 : i32 to index
          %get3A_434 = arith.constant 64 : index
          %get3A_435 = tpu.vector_load %arg7[%get3A_432, %get3A_433, %get3A_434] {strides = array<i32>} : memref<2x104x128xf32, #tpu.memory_space<vmem>>, vector<16xf32>,
          %select_n3A_436 = arith.select %eq3A_425, %get3A_435, %get3A_430 : vector<16xi1>, vector<16xf32>
          %mul3A_437 = arith.constant 8.000000e+00 : f32
          %mul3A_438 = vector.broadcast %mul3A_437 : f32 to vector<16xf32>
          %mul3A_439 = arith.mulf %select_n3A_436, %mul3A_438 : vector<16xf32>
          %swap3A_440 = arith.constant 0 : i32
          %swap3A_441 = arith.index_cast %swap3A_440 : i32 to index
          %swap3A_442 = arith.index_cast %add3A_418 : i32 to index
          %swap3A_443 = arith.constant 0 : index
          %swap3A_444 = tpu.vector_load %arg8[%swap3A_441, %swap3A_442, %swap3A_443] {strides = array<i32>} : memref<2x104x64xf32, #tpu.memory_space<vmem>>, vector<16xf32>,
          tpu.vector_store %arg8[%swap3A_441, %swap3A_442, %swap3A_443], %mul3A_439 {strides = array<i32>} : memref<2x104x64xf32, #tpu.memory_space<vmem>>, vector<16xf32>,
          %get3A_445 = arith.constant 0 : i32
          %get3A_446 = arith.index_cast %get3A_445 : i32 to index
          %get3A_447 = arith.index_cast %add3A_418 : i32 to index
          %get3A_448 = arith.constant 16 : index
          %get3A_449 = tpu.vector_load %arg7[%get3A_446, %get3A_447, %get3A_448] {strides = array<i32>} : memref<2x104x128xf32, #tpu.memory_space<vmem>>, vector<16xf32>,
          %get3A_450 = arith.constant 0 : i32
          %get3A_451 = arith.index_cast %get3A_450 : i32 to index
          %get3A_452 = arith.index_cast %add3A_418 : i32 to index
          %get3A_453 = arith.constant 80 : index
          %get3A_454 = tpu.vector_load %arg7[%get3A_451, %get3A_452, %get3A_453] {strides = array<i32>} : memref<2x104x128xf32, #tpu.memory_space<vmem>>, vector<16xf32>,
          %select_n3A_455 = arith.select %eq3A_425, %get3A_454, %get3A_449 : vector<16xi1>, vector<16xf32>
          %mul3A_456 = arith.constant 8.000000e+00 : f32
          %mul3A_457 = vector.broadcast %mul3A_456 : f32 to vector<16xf32>
          %mul3A_458 = arith.mulf %select_n3A_455, %mul3A_457 : vector<16xf32>
          %swap3A_459 = arith.constant 0 : i32
          %swap3A_460 = arith.index_cast %swap3A_459 : i32 to index
          %swap3A_461 = arith.index_cast %add3A_418 : i32 to index
          %swap3A_462 = arith.constant 16 : index
          %swap3A_463 = tpu.vector_load %arg8[%swap3A_460, %swap3A_461, %swap3A_462] {strides = array<i32>} : memref<2x104x64xf32, #tpu.memory_space<vmem>>, vector<16xf32>,
          tpu.vector_store %arg8[%swap3A_460, %swap3A_461, %swap3A_462], %mul3A_458 {strides = array<i32>} : memref<2x104x64xf32, #tpu.memory_space<vmem>>, vector<16xf32>,
          %get3A_464 = arith.constant 0 : i32
          %get3A_465 = arith.index_cast %get3A_464 : i32 to index
          %get3A_466 = arith.index_cast %add3A_418 : i32 to index
          %get3A_467 = arith.constant 32 : index
          %get3A_468 = tpu.vector_load %arg7[%get3A_465, %get3A_466, %get3A_467] {strides = array<i32>} : memref<2x104x128xf32, #tpu.memory_space<vmem>>, vector<16xf32>,
          %get3A_469 = arith.constant 0 : i32
          %get3A_470 = arith.index_cast %get3A_469 : i32 to index
          %get3A_471 = arith.index_cast %add3A_418 : i32 to index
          %get3A_472 = arith.constant 96 : index
          %get3A_473 = tpu.vector_load %arg7[%get3A_470, %get3A_471, %get3A_472] {strides = array<i32>} : memref<2x104x128xf32, #tpu.memory_space<vmem>>, vector<16xf32>,
          %select_n3A_474 = arith.select %eq3A_425, %get3A_473, %get3A_468 : vector<16xi1>, vector<16xf32>
          %mul3A_475 = arith.constant 8.000000e+00 : f32
          %mul3A_476 = vector.broadcast %mul3A_475 : f32 to vector<16xf32>
          %mul3A_477 = arith.mulf %select_n3A_474, %mul3A_476 : vector<16xf32>
          %swap3A_478 = arith.constant 0 : i32
          %swap3A_479 = arith.index_cast %swap3A_478 : i32 to index
          %swap3A_480 = arith.index_cast %add3A_418 : i32 to index
          %swap3A_481 = arith.constant 32 : index
          %swap3A_482 = tpu.vector_load %arg8[%swap3A_479, %swap3A_480, %swap3A_481] {strides = array<i32>} : memref<2x104x64xf32, #tpu.memory_space<vmem>>, vector<16xf32>,
          tpu.vector_store %arg8[%swap3A_479, %swap3A_480, %swap3A_481], %mul3A_477 {strides = array<i32>} : memref<2x104x64xf32, #tpu.memory_space<vmem>>, vector<16xf32>,
          %get3A_483 = arith.constant 0 : i32
          %get3A_484 = arith.index_cast %get3A_483 : i32 to index
          %get3A_485 = arith.index_cast %add3A_418 : i32 to index
          %get3A_486 = arith.constant 48 : index
          %get3A_487 = tpu.vector_load %arg7[%get3A_484, %get3A_485, %get3A_486] {strides = array<i32>} : memref<2x104x128xf32, #tpu.memory_space<vmem>>, vector<16xf32>,
          %get3A_488 = arith.constant 0 : i32
          %get3A_489 = arith.index_cast %get3A_488 : i32 to index
          %get3A_490 = arith.index_cast %add3A_418 : i32 to index
          %get3A_491 = arith.constant 112 : index
          %get3A_492 = tpu.vector_load %arg7[%get3A_489, %get3A_490, %get3A_491] {strides = array<i32>} : memref<2x104x128xf32, #tpu.memory_space<vmem>>, vector<16xf32>,
          %select_n3A_493 = arith.select %eq3A_425, %get3A_492, %get3A_487 : vector<16xi1>, vector<16xf32>
          %mul3A_494 = arith.constant 8.000000e+00 : f32
          %mul3A_495 = vector.broadcast %mul3A_494 : f32 to vector<16xf32>
          %mul3A_496 = arith.mulf %select_n3A_493, %mul3A_495 : vector<16xf32>
          %swap3A_497 = arith.constant 0 : i32
          %swap3A_498 = arith.index_cast %swap3A_497 : i32 to index
          %swap3A_499 = arith.index_cast %add3A_418 : i32 to index
          %swap3A_500 = arith.constant 48 : index
          %swap3A_501 = tpu.vector_load %arg8[%swap3A_498, %swap3A_499, %swap3A_500] {strides = array<i32>} : memref<2x104x64xf32, #tpu.memory_space<vmem>>, vector<16xf32>,
          tpu.vector_store %arg8[%swap3A_498, %swap3A_499, %swap3A_500], %mul3A_496 {strides = array<i32>} : memref<2x104x64xf32, #tpu.memory_space<vmem>>, vector<16xf32>,
          %add3A_502 = arith.constant 3 : i32
          %add3A_503 = arith.addi %min3A_242, %add3A_502 : i32
          %broadcast_in_dim3A_504 = arith.constant 3 : i32
          %broadcast_in_dim3A_505 = vector.broadcast %broadcast_in_dim3A_504 : i32 to vector<16x1xi32>
          %gather3A_506 = vector.shape_cast %broadcast_in_dim3A_505 : vector<16x1xi32> to vector<16xi32>
          %gather3A_507 = tpu.dynamic_gather %and3A_249[%gather3A_506] in [0] : vector<16xi32>, vector<16xi32> -> vector<16xi32>
          %eq3A_508 = arith.constant 1 : i32
          %eq3A_509 = vector.broadcast %eq3A_508 : i32 to vector<16xi32>
          %eq3A_510 = arith.cmpi eq, %gather3A_507, %eq3A_509 : vector<16xi32>
          %get3A_511 = arith.constant 0 : i32
          %get3A_512 = arith.index_cast %get3A_511 : i32 to index
          %get3A_513 = arith.index_cast %add3A_503 : i32 to index
          %get3A_514 = arith.constant 0 : index
          %get3A_515 = tpu.vector_load %arg7[%get3A_512, %get3A_513, %get3A_514] {strides = array<i32>} : memref<2x104x128xf32, #tpu.memory_space<vmem>>, vector<16xf32>,
          %get3A_516 = arith.constant 0 : i32
          %get3A_517 = arith.index_cast %get3A_516 : i32 to index
          %get3A_518 = arith.index_cast %add3A_503 : i32 to index
          %get3A_519 = arith.constant 64 : index
          %get3A_520 = tpu.vector_load %arg7[%get3A_517, %get3A_518, %get3A_519] {strides = array<i32>} : memref<2x104x128xf32, #tpu.memory_space<vmem>>, vector<16xf32>,
          %select_n3A_521 = arith.select %eq3A_510, %get3A_520, %get3A_515 : vector<16xi1>, vector<16xf32>
          %mul3A_522 = arith.constant 8.000000e+00 : f32
          %mul3A_523 = vector.broadcast %mul3A_522 : f32 to vector<16xf32>
          %mul3A_524 = arith.mulf %select_n3A_521, %mul3A_523 : vector<16xf32>
          %swap3A_525 = arith.constant 0 : i32
          %swap3A_526 = arith.index_cast %swap3A_525 : i32 to index
          %swap3A_527 = arith.index_cast %add3A_503 : i32 to index
          %swap3A_528 = arith.constant 0 : index
          %swap3A_529 = tpu.vector_load %arg8[%swap3A_526, %swap3A_527, %swap3A_528] {strides = array<i32>} : memref<2x104x64xf32, #tpu.memory_space<vmem>>, vector<16xf32>,
          tpu.vector_store %arg8[%swap3A_526, %swap3A_527, %swap3A_528], %mul3A_524 {strides = array<i32>} : memref<2x104x64xf32, #tpu.memory_space<vmem>>, vector<16xf32>,
          %get3A_530 = arith.constant 0 : i32
          %get3A_531 = arith.index_cast %get3A_530 : i32 to index
          %get3A_532 = arith.index_cast %add3A_503 : i32 to index
          %get3A_533 = arith.constant 16 : index
          %get3A_534 = tpu.vector_load %arg7[%get3A_531, %get3A_532, %get3A_533] {strides = array<i32>} : memref<2x104x128xf32, #tpu.memory_space<vmem>>, vector<16xf32>,
          %get3A_535 = arith.constant 0 : i32
          %get3A_536 = arith.index_cast %get3A_535 : i32 to index
          %get3A_537 = arith.index_cast %add3A_503 : i32 to index
          %get3A_538 = arith.constant 80 : index
          %get3A_539 = tpu.vector_load %arg7[%get3A_536, %get3A_537, %get3A_538] {strides = array<i32>} : memref<2x104x128xf32, #tpu.memory_space<vmem>>, vector<16xf32>,
          %select_n3A_540 = arith.select %eq3A_510, %get3A_539, %get3A_534 : vector<16xi1>, vector<16xf32>
          %mul3A_541 = arith.constant 8.000000e+00 : f32
          %mul3A_542 = vector.broadcast %mul3A_541 : f32 to vector<16xf32>
          %mul3A_543 = arith.mulf %select_n3A_540, %mul3A_542 : vector<16xf32>
          %swap3A_544 = arith.constant 0 : i32
          %swap3A_545 = arith.index_cast %swap3A_544 : i32 to index
          %swap3A_546 = arith.index_cast %add3A_503 : i32 to index
          %swap3A_547 = arith.constant 16 : index
          %swap3A_548 = tpu.vector_load %arg8[%swap3A_545, %swap3A_546, %swap3A_547] {strides = array<i32>} : memref<2x104x64xf32, #tpu.memory_space<vmem>>, vector<16xf32>,
          tpu.vector_store %arg8[%swap3A_545, %swap3A_546, %swap3A_547], %mul3A_543 {strides = array<i32>} : memref<2x104x64xf32, #tpu.memory_space<vmem>>, vector<16xf32>,
          %get3A_549 = arith.constant 0 : i32
          %get3A_550 = arith.index_cast %get3A_549 : i32 to index
          %get3A_551 = arith.index_cast %add3A_503 : i32 to index
          %get3A_552 = arith.constant 32 : index
          %get3A_553 = tpu.vector_load %arg7[%get3A_550, %get3A_551, %get3A_552] {strides = array<i32>} : memref<2x104x128xf32, #tpu.memory_space<vmem>>, vector<16xf32>,
          %get3A_554 = arith.constant 0 : i32
          %get3A_555 = arith.index_cast %get3A_554 : i32 to index
          %get3A_556 = arith.index_cast %add3A_503 : i32 to index
          %get3A_557 = arith.constant 96 : index
          %get3A_558 = tpu.vector_load %arg7[%get3A_555, %get3A_556, %get3A_557] {strides = array<i32>} : memref<2x104x128xf32, #tpu.memory_space<vmem>>, vector<16xf32>,
          %select_n3A_559 = arith.select %eq3A_510, %get3A_558, %get3A_553 : vector<16xi1>, vector<16xf32>
          %mul3A_560 = arith.constant 8.000000e+00 : f32
          %mul3A_561 = vector.broadcast %mul3A_560 : f32 to vector<16xf32>
          %mul3A_562 = arith.mulf %select_n3A_559, %mul3A_561 : vector<16xf32>
          %swap3A_563 = arith.constant 0 : i32
          %swap3A_564 = arith.index_cast %swap3A_563 : i32 to index
          %swap3A_565 = arith.index_cast %add3A_503 : i32 to index
          %swap3A_566 = arith.constant 32 : index
          %swap3A_567 = tpu.vector_load %arg8[%swap3A_564, %swap3A_565, %swap3A_566] {strides = array<i32>} : memref<2x104x64xf32, #tpu.memory_space<vmem>>, vector<16xf32>,
          tpu.vector_store %arg8[%swap3A_564, %swap3A_565, %swap3A_566], %mul3A_562 {strides = array<i32>} : memref<2x104x64xf32, #tpu.memory_space<vmem>>, vector<16xf32>,
          %get3A_568 = arith.constant 0 : i32
          %get3A_569 = arith.index_cast %get3A_568 : i32 to index
          %get3A_570 = arith.index_cast %add3A_503 : i32 to index
          %get3A_571 = arith.constant 48 : index
          %get3A_572 = tpu.vector_load %arg7[%get3A_569, %get3A_570, %get3A_571] {strides = array<i32>} : memref<2x104x128xf32, #tpu.memory_space<vmem>>, vector<16xf32>,
          %get3A_573 = arith.constant 0 : i32
          %get3A_574 = arith.index_cast %get3A_573 : i32 to index
          %get3A_575 = arith.index_cast %add3A_503 : i32 to index
          %get3A_576 = arith.constant 112 : index
          %get3A_577 = tpu.vector_load %arg7[%get3A_574, %get3A_575, %get3A_576] {strides = array<i32>} : memref<2x104x128xf32, #tpu.memory_space<vmem>>, vector<16xf32>,
          %select_n3A_578 = arith.select %eq3A_510, %get3A_577, %get3A_572 : vector<16xi1>, vector<16xf32>
          %mul3A_579 = arith.constant 8.000000e+00 : f32
          %mul3A_580 = vector.broadcast %mul3A_579 : f32 to vector<16xf32>
          %mul3A_581 = arith.mulf %select_n3A_578, %mul3A_580 : vector<16xf32>
          %swap3A_582 = arith.constant 0 : i32
          %swap3A_583 = arith.index_cast %swap3A_582 : i32 to index
          %swap3A_584 = arith.index_cast %add3A_503 : i32 to index
          %swap3A_585 = arith.constant 48 : index
          %swap3A_586 = tpu.vector_load %arg8[%swap3A_583, %swap3A_584, %swap3A_585] {strides = array<i32>} : memref<2x104x64xf32, #tpu.memory_space<vmem>>, vector<16xf32>,
          tpu.vector_store %arg8[%swap3A_583, %swap3A_584, %swap3A_585], %mul3A_581 {strides = array<i32>} : memref<2x104x64xf32, #tpu.memory_space<vmem>>, vector<16xf32>,
          %add3A_587 = arith.constant 4 : i32
          %add3A_588 = arith.addi %min3A_242, %add3A_587 : i32
          %broadcast_in_dim3A_589 = arith.constant 4 : i32
          %broadcast_in_dim3A_590 = vector.broadcast %broadcast_in_dim3A_589 : i32 to vector<16x1xi32>
          %gather3A_591 = vector.shape_cast %broadcast_in_dim3A_590 : vector<16x1xi32> to vector<16xi32>
          %gather3A_592 = tpu.dynamic_gather %and3A_249[%gather3A_591] in [0] : vector<16xi32>, vector<16xi32> -> vector<16xi32>
          %eq3A_593 = arith.constant 1 : i32
          %eq3A_594 = vector.broadcast %eq3A_593 : i32 to vector<16xi32>
          %eq3A_595 = arith.cmpi eq, %gather3A_592, %eq3A_594 : vector<16xi32>
          %get3A_596 = arith.constant 0 : i32
          %get3A_597 = arith.index_cast %get3A_596 : i32 to index
          %get3A_598 = arith.index_cast %add3A_588 : i32 to index
          %get3A_599 = arith.constant 0 : index
          %get3A_600 = tpu.vector_load %arg7[%get3A_597, %get3A_598, %get3A_599] {strides = array<i32>} : memref<2x104x128xf32, #tpu.memory_space<vmem>>, vector<16xf32>,
          %get3A_601 = arith.constant 0 : i32
          %get3A_602 = arith.index_cast %get3A_601 : i32 to index
          %get3A_603 = arith.index_cast %add3A_588 : i32 to index
          %get3A_604 = arith.constant 64 : index
          %get3A_605 = tpu.vector_load %arg7[%get3A_602, %get3A_603, %get3A_604] {strides = array<i32>} : memref<2x104x128xf32, #tpu.memory_space<vmem>>, vector<16xf32>,
          %select_n3A_606 = arith.select %eq3A_595, %get3A_605, %get3A_600 : vector<16xi1>, vector<16xf32>
          %mul3A_607 = arith.constant 8.000000e+00 : f32
          %mul3A_608 = vector.broadcast %mul3A_607 : f32 to vector<16xf32>
          %mul3A_609 = arith.mulf %select_n3A_606, %mul3A_608 : vector<16xf32>
          %swap3A_610 = arith.constant 0 : i32
          %swap3A_611 = arith.index_cast %swap3A_610 : i32 to index
          %swap3A_612 = arith.index_cast %add3A_588 : i32 to index
          %swap3A_613 = arith.constant 0 : index
          %swap3A_614 = tpu.vector_load %arg8[%swap3A_611, %swap3A_612, %swap3A_613] {strides = array<i32>} : memref<2x104x64xf32, #tpu.memory_space<vmem>>, vector<16xf32>,
          tpu.vector_store %arg8[%swap3A_611, %swap3A_612, %swap3A_613], %mul3A_609 {strides = array<i32>} : memref<2x104x64xf32, #tpu.memory_space<vmem>>, vector<16xf32>,
          %get3A_615 = arith.constant 0 : i32
          %get3A_616 = arith.index_cast %get3A_615 : i32 to index
          %get3A_617 = arith.index_cast %add3A_588 : i32 to index
          %get3A_618 = arith.constant 16 : index
          %get3A_619 = tpu.vector_load %arg7[%get3A_616, %get3A_617, %get3A_618] {strides = array<i32>} : memref<2x104x128xf32, #tpu.memory_space<vmem>>, vector<16xf32>,
          %get3A_620 = arith.constant 0 : i32
          %get3A_621 = arith.index_cast %get3A_620 : i32 to index
          %get3A_622 = arith.index_cast %add3A_588 : i32 to index
          %get3A_623 = arith.constant 80 : index
          %get3A_624 = tpu.vector_load %arg7[%get3A_621, %get3A_622, %get3A_623] {strides = array<i32>} : memref<2x104x128xf32, #tpu.memory_space<vmem>>, vector<16xf32>,
          %select_n3A_625 = arith.select %eq3A_595, %get3A_624, %get3A_619 : vector<16xi1>, vector<16xf32>
          %mul3A_626 = arith.constant 8.000000e+00 : f32
          %mul3A_627 = vector.broadcast %mul3A_626 : f32 to vector<16xf32>
          %mul3A_628 = arith.mulf %select_n3A_625, %mul3A_627 : vector<16xf32>
          %swap3A_629 = arith.constant 0 : i32
          %swap3A_630 = arith.index_cast %swap3A_629 : i32 to index
          %swap3A_631 = arith.index_cast %add3A_588 : i32 to index
          %swap3A_632 = arith.constant 16 : index
          %swap3A_633 = tpu.vector_load %arg8[%swap3A_630, %swap3A_631, %swap3A_632] {strides = array<i32>} : memref<2x104x64xf32, #tpu.memory_space<vmem>>, vector<16xf32>,
          tpu.vector_store %arg8[%swap3A_630, %swap3A_631, %swap3A_632], %mul3A_628 {strides = array<i32>} : memref<2x104x64xf32, #tpu.memory_space<vmem>>, vector<16xf32>,
          %get3A_634 = arith.constant 0 : i32
          %get3A_635 = arith.index_cast %get3A_634 : i32 to index
          %get3A_636 = arith.index_cast %add3A_588 : i32 to index
          %get3A_637 = arith.constant 32 : index
          %get3A_638 = tpu.vector_load %arg7[%get3A_635, %get3A_636, %get3A_637] {strides = array<i32>} : memref<2x104x128xf32, #tpu.memory_space<vmem>>, vector<16xf32>,
          %get3A_639 = arith.constant 0 : i32
          %get3A_640 = arith.index_cast %get3A_639 : i32 to index
          %get3A_641 = arith.index_cast %add3A_588 : i32 to index
          %get3A_642 = arith.constant 96 : index
          %get3A_643 = tpu.vector_load %arg7[%get3A_640, %get3A_641, %get3A_642] {strides = array<i32>} : memref<2x104x128xf32, #tpu.memory_space<vmem>>, vector<16xf32>,
          %select_n3A_644 = arith.select %eq3A_595, %get3A_643, %get3A_638 : vector<16xi1>, vector<16xf32>
          %mul3A_645 = arith.constant 8.000000e+00 : f32
          %mul3A_646 = vector.broadcast %mul3A_645 : f32 to vector<16xf32>
          %mul3A_647 = arith.mulf %select_n3A_644, %mul3A_646 : vector<16xf32>
          %swap3A_648 = arith.constant 0 : i32
          %swap3A_649 = arith.index_cast %swap3A_648 : i32 to index
          %swap3A_650 = arith.index_cast %add3A_588 : i32 to index
          %swap3A_651 = arith.constant 32 : index
          %swap3A_652 = tpu.vector_load %arg8[%swap3A_649, %swap3A_650, %swap3A_651] {strides = array<i32>} : memref<2x104x64xf32, #tpu.memory_space<vmem>>, vector<16xf32>,
          tpu.vector_store %arg8[%swap3A_649, %swap3A_650, %swap3A_651], %mul3A_647 {strides = array<i32>} : memref<2x104x64xf32, #tpu.memory_space<vmem>>, vector<16xf32>,
          %get3A_653 = arith.constant 0 : i32
          %get3A_654 = arith.index_cast %get3A_653 : i32 to index
          %get3A_655 = arith.index_cast %add3A_588 : i32 to index
          %get3A_656 = arith.constant 48 : index
          %get3A_657 = tpu.vector_load %arg7[%get3A_654, %get3A_655, %get3A_656] {strides = array<i32>} : memref<2x104x128xf32, #tpu.memory_space<vmem>>, vector<16xf32>,
          %get3A_658 = arith.constant 0 : i32
          %get3A_659 = arith.index_cast %get3A_658 : i32 to index
          %get3A_660 = arith.index_cast %add3A_588 : i32 to index
          %get3A_661 = arith.constant 112 : index
          %get3A_662 = tpu.vector_load %arg7[%get3A_659, %get3A_660, %get3A_661] {strides = array<i32>} : memref<2x104x128xf32, #tpu.memory_space<vmem>>, vector<16xf32>,
          %select_n3A_663 = arith.select %eq3A_595, %get3A_662, %get3A_657 : vector<16xi1>, vector<16xf32>
          %mul3A_664 = arith.constant 8.000000e+00 : f32
          %mul3A_665 = vector.broadcast %mul3A_664 : f32 to vector<16xf32>
          %mul3A_666 = arith.mulf %select_n3A_663, %mul3A_665 : vector<16xf32>
          %swap3A_667 = arith.constant 0 : i32
          %swap3A_668 = arith.index_cast %swap3A_667 : i32 to index
          %swap3A_669 = arith.index_cast %add3A_588 : i32 to index
          %swap3A_670 = arith.constant 48 : index
          %swap3A_671 = tpu.vector_load %arg8[%swap3A_668, %swap3A_669, %swap3A_670] {strides = array<i32>} : memref<2x104x64xf32, #tpu.memory_space<vmem>>, vector<16xf32>,
          tpu.vector_store %arg8[%swap3A_668, %swap3A_669, %swap3A_670], %mul3A_666 {strides = array<i32>} : memref<2x104x64xf32, #tpu.memory_space<vmem>>, vector<16xf32>,
          %add3A_672 = arith.constant 5 : i32
          %add3A_673 = arith.addi %min3A_242, %add3A_672 : i32
          %broadcast_in_dim3A_674 = arith.constant 5 : i32
          %broadcast_in_dim3A_675 = vector.broadcast %broadcast_in_dim3A_674 : i32 to vector<16x1xi32>
          %gather3A_676 = vector.shape_cast %broadcast_in_dim3A_675 : vector<16x1xi32> to vector<16xi32>
          %gather3A_677 = tpu.dynamic_gather %and3A_249[%gather3A_676] in [0] : vector<16xi32>, vector<16xi32> -> vector<16xi32>
          %eq3A_678 = arith.constant 1 : i32
          %eq3A_679 = vector.broadcast %eq3A_678 : i32 to vector<16xi32>
          %eq3A_680 = arith.cmpi eq, %gather3A_677, %eq3A_679 : vector<16xi32>
          %get3A_681 = arith.constant 0 : i32
          %get3A_682 = arith.index_cast %get3A_681 : i32 to index
          %get3A_683 = arith.index_cast %add3A_673 : i32 to index
          %get3A_684 = arith.constant 0 : index
          %get3A_685 = tpu.vector_load %arg7[%get3A_682, %get3A_683, %get3A_684] {strides = array<i32>} : memref<2x104x128xf32, #tpu.memory_space<vmem>>, vector<16xf32>,
          %get3A_686 = arith.constant 0 : i32
          %get3A_687 = arith.index_cast %get3A_686 : i32 to index
          %get3A_688 = arith.index_cast %add3A_673 : i32 to index
          %get3A_689 = arith.constant 64 : index
          %get3A_690 = tpu.vector_load %arg7[%get3A_687, %get3A_688, %get3A_689] {strides = array<i32>} : memref<2x104x128xf32, #tpu.memory_space<vmem>>, vector<16xf32>,
          %select_n3A_691 = arith.select %eq3A_680, %get3A_690, %get3A_685 : vector<16xi1>, vector<16xf32>
          %mul3A_692 = arith.constant 8.000000e+00 : f32
          %mul3A_693 = vector.broadcast %mul3A_692 : f32 to vector<16xf32>
          %mul3A_694 = arith.mulf %select_n3A_691, %mul3A_693 : vector<16xf32>
          %swap3A_695 = arith.constant 0 : i32
          %swap3A_696 = arith.index_cast %swap3A_695 : i32 to index
          %swap3A_697 = arith.index_cast %add3A_673 : i32 to index
          %swap3A_698 = arith.constant 0 : index
          %swap3A_699 = tpu.vector_load %arg8[%swap3A_696, %swap3A_697, %swap3A_698] {strides = array<i32>} : memref<2x104x64xf32, #tpu.memory_space<vmem>>, vector<16xf32>,
          tpu.vector_store %arg8[%swap3A_696, %swap3A_697, %swap3A_698], %mul3A_694 {strides = array<i32>} : memref<2x104x64xf32, #tpu.memory_space<vmem>>, vector<16xf32>,
          %get3A_700 = arith.constant 0 : i32
          %get3A_701 = arith.index_cast %get3A_700 : i32 to index
          %get3A_702 = arith.index_cast %add3A_673 : i32 to index
          %get3A_703 = arith.constant 16 : index
          %get3A_704 = tpu.vector_load %arg7[%get3A_701, %get3A_702, %get3A_703] {strides = array<i32>} : memref<2x104x128xf32, #tpu.memory_space<vmem>>, vector<16xf32>,
          %get3A_705 = arith.constant 0 : i32
          %get3A_706 = arith.index_cast %get3A_705 : i32 to index
          %get3A_707 = arith.index_cast %add3A_673 : i32 to index
          %get3A_708 = arith.constant 80 : index
          %get3A_709 = tpu.vector_load %arg7[%get3A_706, %get3A_707, %get3A_708] {strides = array<i32>} : memref<2x104x128xf32, #tpu.memory_space<vmem>>, vector<16xf32>,
          %select_n3A_710 = arith.select %eq3A_680, %get3A_709, %get3A_704 : vector<16xi1>, vector<16xf32>
          %mul3A_711 = arith.constant 8.000000e+00 : f32
          %mul3A_712 = vector.broadcast %mul3A_711 : f32 to vector<16xf32>
          %mul3A_713 = arith.mulf %select_n3A_710, %mul3A_712 : vector<16xf32>
          %swap3A_714 = arith.constant 0 : i32
          %swap3A_715 = arith.index_cast %swap3A_714 : i32 to index
          %swap3A_716 = arith.index_cast %add3A_673 : i32 to index
          %swap3A_717 = arith.constant 16 : index
          %swap3A_718 = tpu.vector_load %arg8[%swap3A_715, %swap3A_716, %swap3A_717] {strides = array<i32>} : memref<2x104x64xf32, #tpu.memory_space<vmem>>, vector<16xf32>,
          tpu.vector_store %arg8[%swap3A_715, %swap3A_716, %swap3A_717], %mul3A_713 {strides = array<i32>} : memref<2x104x64xf32, #tpu.memory_space<vmem>>, vector<16xf32>,
          %get3A_719 = arith.constant 0 : i32
          %get3A_720 = arith.index_cast %get3A_719 : i32 to index
          %get3A_721 = arith.index_cast %add3A_673 : i32 to index
          %get3A_722 = arith.constant 32 : index
          %get3A_723 = tpu.vector_load %arg7[%get3A_720, %get3A_721, %get3A_722] {strides = array<i32>} : memref<2x104x128xf32, #tpu.memory_space<vmem>>, vector<16xf32>,
          %get3A_724 = arith.constant 0 : i32
          %get3A_725 = arith.index_cast %get3A_724 : i32 to index
          %get3A_726 = arith.index_cast %add3A_673 : i32 to index
          %get3A_727 = arith.constant 96 : index
          %get3A_728 = tpu.vector_load %arg7[%get3A_725, %get3A_726, %get3A_727] {strides = array<i32>} : memref<2x104x128xf32, #tpu.memory_space<vmem>>, vector<16xf32>,
          %select_n3A_729 = arith.select %eq3A_680, %get3A_728, %get3A_723 : vector<16xi1>, vector<16xf32>
          %mul3A_730 = arith.constant 8.000000e+00 : f32
          %mul3A_731 = vector.broadcast %mul3A_730 : f32 to vector<16xf32>
          %mul3A_732 = arith.mulf %select_n3A_729, %mul3A_731 : vector<16xf32>
          %swap3A_733 = arith.constant 0 : i32
          %swap3A_734 = arith.index_cast %swap3A_733 : i32 to index
          %swap3A_735 = arith.index_cast %add3A_673 : i32 to index
          %swap3A_736 = arith.constant 32 : index
          %swap3A_737 = tpu.vector_load %arg8[%swap3A_734, %swap3A_735, %swap3A_736] {strides = array<i32>} : memref<2x104x64xf32, #tpu.memory_space<vmem>>, vector<16xf32>,
          tpu.vector_store %arg8[%swap3A_734, %swap3A_735, %swap3A_736], %mul3A_732 {strides = array<i32>} : memref<2x104x64xf32, #tpu.memory_space<vmem>>, vector<16xf32>,
          %get3A_738 = arith.constant 0 : i32
          %get3A_739 = arith.index_cast %get3A_738 : i32 to index
          %get3A_740 = arith.index_cast %add3A_673 : i32 to index
          %get3A_741 = arith.constant 48 : index
          %get3A_742 = tpu.vector_load %arg7[%get3A_739, %get3A_740, %get3A_741] {strides = array<i32>} : memref<2x104x128xf32, #tpu.memory_space<vmem>>, vector<16xf32>,
          %get3A_743 = arith.constant 0 : i32
          %get3A_744 = arith.index_cast %get3A_743 : i32 to index
          %get3A_745 = arith.index_cast %add3A_673 : i32 to index
          %get3A_746 = arith.constant 112 : index
          %get3A_747 = tpu.vector_load %arg7[%get3A_744, %get3A_745, %get3A_746] {strides = array<i32>} : memref<2x104x128xf32, #tpu.memory_space<vmem>>, vector<16xf32>,
          %select_n3A_748 = arith.select %eq3A_680, %get3A_747, %get3A_742 : vector<16xi1>, vector<16xf32>
          %mul3A_749 = arith.constant 8.000000e+00 : f32
          %mul3A_750 = vector.broadcast %mul3A_749 : f32 to vector<16xf32>
          %mul3A_751 = arith.mulf %select_n3A_748, %mul3A_750 : vector<16xf32>
          %swap3A_752 = arith.constant 0 : i32
          %swap3A_753 = arith.index_cast %swap3A_752 : i32 to index
          %swap3A_754 = arith.index_cast %add3A_673 : i32 to index
          %swap3A_755 = arith.constant 48 : index
          %swap3A_756 = tpu.vector_load %arg8[%swap3A_753, %swap3A_754, %swap3A_755] {strides = array<i32>} : memref<2x104x64xf32, #tpu.memory_space<vmem>>, vector<16xf32>,
          tpu.vector_store %arg8[%swap3A_753, %swap3A_754, %swap3A_755], %mul3A_751 {strides = array<i32>} : memref<2x104x64xf32, #tpu.memory_space<vmem>>, vector<16xf32>,
          %add3A_757 = arith.constant 6 : i32
          %add3A_758 = arith.addi %min3A_242, %add3A_757 : i32
          %broadcast_in_dim3A_759 = arith.constant 6 : i32
          %broadcast_in_dim3A_760 = vector.broadcast %broadcast_in_dim3A_759 : i32 to vector<16x1xi32>
          %gather3A_761 = vector.shape_cast %broadcast_in_dim3A_760 : vector<16x1xi32> to vector<16xi32>
          %gather3A_762 = tpu.dynamic_gather %and3A_249[%gather3A_761] in [0] : vector<16xi32>, vector<16xi32> -> vector<16xi32>
          %eq3A_763 = arith.constant 1 : i32
          %eq3A_764 = vector.broadcast %eq3A_763 : i32 to vector<16xi32>
          %eq3A_765 = arith.cmpi eq, %gather3A_762, %eq3A_764 : vector<16xi32>
          %get3A_766 = arith.constant 0 : i32
          %get3A_767 = arith.index_cast %get3A_766 : i32 to index
          %get3A_768 = arith.index_cast %add3A_758 : i32 to index
          %get3A_769 = arith.constant 0 : index
          %get3A_770 = tpu.vector_load %arg7[%get3A_767, %get3A_768, %get3A_769] {strides = array<i32>} : memref<2x104x128xf32, #tpu.memory_space<vmem>>, vector<16xf32>,
          %get3A_771 = arith.constant 0 : i32
          %get3A_772 = arith.index_cast %get3A_771 : i32 to index
          %get3A_773 = arith.index_cast %add3A_758 : i32 to index
          %get3A_774 = arith.constant 64 : index
          %get3A_775 = tpu.vector_load %arg7[%get3A_772, %get3A_773, %get3A_774] {strides = array<i32>} : memref<2x104x128xf32, #tpu.memory_space<vmem>>, vector<16xf32>,
          %select_n3A_776 = arith.select %eq3A_765, %get3A_775, %get3A_770 : vector<16xi1>, vector<16xf32>
          %mul3A_777 = arith.constant 8.000000e+00 : f32
          %mul3A_778 = vector.broadcast %mul3A_777 : f32 to vector<16xf32>
          %mul3A_779 = arith.mulf %select_n3A_776, %mul3A_778 : vector<16xf32>
          %swap3A_780 = arith.constant 0 : i32
          %swap3A_781 = arith.index_cast %swap3A_780 : i32 to index
          %swap3A_782 = arith.index_cast %add3A_758 : i32 to index
          %swap3A_783 = arith.constant 0 : index
          %swap3A_784 = tpu.vector_load %arg8[%swap3A_781, %swap3A_782, %swap3A_783] {strides = array<i32>} : memref<2x104x64xf32, #tpu.memory_space<vmem>>, vector<16xf32>,
          tpu.vector_store %arg8[%swap3A_781, %swap3A_782, %swap3A_783], %mul3A_779 {strides = array<i32>} : memref<2x104x64xf32, #tpu.memory_space<vmem>>, vector<16xf32>,
          %get3A_785 = arith.constant 0 : i32
          %get3A_786 = arith.index_cast %get3A_785 : i32 to index
          %get3A_787 = arith.index_cast %add3A_758 : i32 to index
          %get3A_788 = arith.constant 16 : index
          %get3A_789 = tpu.vector_load %arg7[%get3A_786, %get3A_787, %get3A_788] {strides = array<i32>} : memref<2x104x128xf32, #tpu.memory_space<vmem>>, vector<16xf32>,
          %get3A_790 = arith.constant 0 : i32
          %get3A_791 = arith.index_cast %get3A_790 : i32 to index
          %get3A_792 = arith.index_cast %add3A_758 : i32 to index
          %get3A_793 = arith.constant 80 : index
          %get3A_794 = tpu.vector_load %arg7[%get3A_791, %get3A_792, %get3A_793] {strides = array<i32>} : memref<2x104x128xf32, #tpu.memory_space<vmem>>, vector<16xf32>,
          %select_n3A_795 = arith.select %eq3A_765, %get3A_794, %get3A_789 : vector<16xi1>, vector<16xf32>
          %mul3A_796 = arith.constant 8.000000e+00 : f32
          %mul3A_797 = vector.broadcast %mul3A_796 : f32 to vector<16xf32>
          %mul3A_798 = arith.mulf %select_n3A_795, %mul3A_797 : vector<16xf32>
          %swap3A_799 = arith.constant 0 : i32
          %swap3A_800 = arith.index_cast %swap3A_799 : i32 to index
          %swap3A_801 = arith.index_cast %add3A_758 : i32 to index
          %swap3A_802 = arith.constant 16 : index
          %swap3A_803 = tpu.vector_load %arg8[%swap3A_800, %swap3A_801, %swap3A_802] {strides = array<i32>} : memref<2x104x64xf32, #tpu.memory_space<vmem>>, vector<16xf32>,
          tpu.vector_store %arg8[%swap3A_800, %swap3A_801, %swap3A_802], %mul3A_798 {strides = array<i32>} : memref<2x104x64xf32, #tpu.memory_space<vmem>>, vector<16xf32>,
          %get3A_804 = arith.constant 0 : i32
          %get3A_805 = arith.index_cast %get3A_804 : i32 to index
          %get3A_806 = arith.index_cast %add3A_758 : i32 to index
          %get3A_807 = arith.constant 32 : index
          %get3A_808 = tpu.vector_load %arg7[%get3A_805, %get3A_806, %get3A_807] {strides = array<i32>} : memref<2x104x128xf32, #tpu.memory_space<vmem>>, vector<16xf32>,
          %get3A_809 = arith.constant 0 : i32
          %get3A_810 = arith.index_cast %get3A_809 : i32 to index
          %get3A_811 = arith.index_cast %add3A_758 : i32 to index
          %get3A_812 = arith.constant 96 : index
          %get3A_813 = tpu.vector_load %arg7[%get3A_810, %get3A_811, %get3A_812] {strides = array<i32>} : memref<2x104x128xf32, #tpu.memory_space<vmem>>, vector<16xf32>,
          %select_n3A_814 = arith.select %eq3A_765, %get3A_813, %get3A_808 : vector<16xi1>, vector<16xf32>
          %mul3A_815 = arith.constant 8.000000e+00 : f32
          %mul3A_816 = vector.broadcast %mul3A_815 : f32 to vector<16xf32>
          %mul3A_817 = arith.mulf %select_n3A_814, %mul3A_816 : vector<16xf32>
          %swap3A_818 = arith.constant 0 : i32
          %swap3A_819 = arith.index_cast %swap3A_818 : i32 to index
          %swap3A_820 = arith.index_cast %add3A_758 : i32 to index
          %swap3A_821 = arith.constant 32 : index
          %swap3A_822 = tpu.vector_load %arg8[%swap3A_819, %swap3A_820, %swap3A_821] {strides = array<i32>} : memref<2x104x64xf32, #tpu.memory_space<vmem>>, vector<16xf32>,
          tpu.vector_store %arg8[%swap3A_819, %swap3A_820, %swap3A_821], %mul3A_817 {strides = array<i32>} : memref<2x104x64xf32, #tpu.memory_space<vmem>>, vector<16xf32>,
          %get3A_823 = arith.constant 0 : i32
          %get3A_824 = arith.index_cast %get3A_823 : i32 to index
          %get3A_825 = arith.index_cast %add3A_758 : i32 to index
          %get3A_826 = arith.constant 48 : index
          %get3A_827 = tpu.vector_load %arg7[%get3A_824, %get3A_825, %get3A_826] {strides = array<i32>} : memref<2x104x128xf32, #tpu.memory_space<vmem>>, vector<16xf32>,
          %get3A_828 = arith.constant 0 : i32
          %get3A_829 = arith.index_cast %get3A_828 : i32 to index
          %get3A_830 = arith.index_cast %add3A_758 : i32 to index
          %get3A_831 = arith.constant 112 : index
          %get3A_832 = tpu.vector_load %arg7[%get3A_829, %get3A_830, %get3A_831] {strides = array<i32>} : memref<2x104x128xf32, #tpu.memory_space<vmem>>, vector<16xf32>,
          %select_n3A_833 = arith.select %eq3A_765, %get3A_832, %get3A_827 : vector<16xi1>, vector<16xf32>
          %mul3A_834 = arith.constant 8.000000e+00 : f32
          %mul3A_835 = vector.broadcast %mul3A_834 : f32 to vector<16xf32>
          %mul3A_836 = arith.mulf %select_n3A_833, %mul3A_835 : vector<16xf32>
          %swap3A_837 = arith.constant 0 : i32
          %swap3A_838 = arith.index_cast %swap3A_837 : i32 to index
          %swap3A_839 = arith.index_cast %add3A_758 : i32 to index
          %swap3A_840 = arith.constant 48 : index
          %swap3A_841 = tpu.vector_load %arg8[%swap3A_838, %swap3A_839, %swap3A_840] {strides = array<i32>} : memref<2x104x64xf32, #tpu.memory_space<vmem>>, vector<16xf32>,
          tpu.vector_store %arg8[%swap3A_838, %swap3A_839, %swap3A_840], %mul3A_836 {strides = array<i32>} : memref<2x104x64xf32, #tpu.memory_space<vmem>>, vector<16xf32>,
          %add3A_842 = arith.constant 7 : i32
          %add3A_843 = arith.addi %min3A_242, %add3A_842 : i32
          %broadcast_in_dim3A_844 = arith.constant 7 : i32
          %broadcast_in_dim3A_845 = vector.broadcast %broadcast_in_dim3A_844 : i32 to vector<16x1xi32>
          %gather3A_846 = vector.shape_cast %broadcast_in_dim3A_845 : vector<16x1xi32> to vector<16xi32>
          %gather3A_847 = tpu.dynamic_gather %and3A_249[%gather3A_846] in [0] : vector<16xi32>, vector<16xi32> -> vector<16xi32>
          %eq3A_848 = arith.constant 1 : i32
          %eq3A_849 = vector.broadcast %eq3A_848 : i32 to vector<16xi32>
          %eq3A_850 = arith.cmpi eq, %gather3A_847, %eq3A_849 : vector<16xi32>
          %get3A_851 = arith.constant 0 : i32
          %get3A_852 = arith.index_cast %get3A_851 : i32 to index
          %get3A_853 = arith.index_cast %add3A_843 : i32 to index
          %get3A_854 = arith.constant 0 : index
          %get3A_855 = tpu.vector_load %arg7[%get3A_852, %get3A_853, %get3A_854] {strides = array<i32>} : memref<2x104x128xf32, #tpu.memory_space<vmem>>, vector<16xf32>,
          %get3A_856 = arith.constant 0 : i32
          %get3A_857 = arith.index_cast %get3A_856 : i32 to index
          %get3A_858 = arith.index_cast %add3A_843 : i32 to index
          %get3A_859 = arith.constant 64 : index
          %get3A_860 = tpu.vector_load %arg7[%get3A_857, %get3A_858, %get3A_859] {strides = array<i32>} : memref<2x104x128xf32, #tpu.memory_space<vmem>>, vector<16xf32>,
          %select_n3A_861 = arith.select %eq3A_850, %get3A_860, %get3A_855 : vector<16xi1>, vector<16xf32>
          %mul3A_862 = arith.constant 8.000000e+00 : f32
          %mul3A_863 = vector.broadcast %mul3A_862 : f32 to vector<16xf32>
          %mul3A_864 = arith.mulf %select_n3A_861, %mul3A_863 : vector<16xf32>
          %swap3A_865 = arith.constant 0 : i32
          %swap3A_866 = arith.index_cast %swap3A_865 : i32 to index
          %swap3A_867 = arith.index_cast %add3A_843 : i32 to index
          %swap3A_868 = arith.constant 0 : index
          %swap3A_869 = tpu.vector_load %arg8[%swap3A_866, %swap3A_867, %swap3A_868] {strides = array<i32>} : memref<2x104x64xf32, #tpu.memory_space<vmem>>, vector<16xf32>,
          tpu.vector_store %arg8[%swap3A_866, %swap3A_867, %swap3A_868], %mul3A_864 {strides = array<i32>} : memref<2x104x64xf32, #tpu.memory_space<vmem>>, vector<16xf32>,
          %get3A_870 = arith.constant 0 : i32
          %get3A_871 = arith.index_cast %get3A_870 : i32 to index
          %get3A_872 = arith.index_cast %add3A_843 : i32 to index
          %get3A_873 = arith.constant 16 : index
          %get3A_874 = tpu.vector_load %arg7[%get3A_871, %get3A_872, %get3A_873] {strides = array<i32>} : memref<2x104x128xf32, #tpu.memory_space<vmem>>, vector<16xf32>,
          %get3A_875 = arith.constant 0 : i32
          %get3A_876 = arith.index_cast %get3A_875 : i32 to index
          %get3A_877 = arith.index_cast %add3A_843 : i32 to index
          %get3A_878 = arith.constant 80 : index
          %get3A_879 = tpu.vector_load %arg7[%get3A_876, %get3A_877, %get3A_878] {strides = array<i32>} : memref<2x104x128xf32, #tpu.memory_space<vmem>>, vector<16xf32>,
          %select_n3A_880 = arith.select %eq3A_850, %get3A_879, %get3A_874 : vector<16xi1>, vector<16xf32>
          %mul3A_881 = arith.constant 8.000000e+00 : f32
          %mul3A_882 = vector.broadcast %mul3A_881 : f32 to vector<16xf32>
          %mul3A_883 = arith.mulf %select_n3A_880, %mul3A_882 : vector<16xf32>
          %swap3A_884 = arith.constant 0 : i32
          %swap3A_885 = arith.index_cast %swap3A_884 : i32 to index
          %swap3A_886 = arith.index_cast %add3A_843 : i32 to index
          %swap3A_887 = arith.constant 16 : index
          %swap3A_888 = tpu.vector_load %arg8[%swap3A_885, %swap3A_886, %swap3A_887] {strides = array<i32>} : memref<2x104x64xf32, #tpu.memory_space<vmem>>, vector<16xf32>,
          tpu.vector_store %arg8[%swap3A_885, %swap3A_886, %swap3A_887], %mul3A_883 {strides = array<i32>} : memref<2x104x64xf32, #tpu.memory_space<vmem>>, vector<16xf32>,
          %get3A_889 = arith.constant 0 : i32
          %get3A_890 = arith.index_cast %get3A_889 : i32 to index
          %get3A_891 = arith.index_cast %add3A_843 : i32 to index
          %get3A_892 = arith.constant 32 : index
          %get3A_893 = tpu.vector_load %arg7[%get3A_890, %get3A_891, %get3A_892] {strides = array<i32>} : memref<2x104x128xf32, #tpu.memory_space<vmem>>, vector<16xf32>,
          %get3A_894 = arith.constant 0 : i32
          %get3A_895 = arith.index_cast %get3A_894 : i32 to index
          %get3A_896 = arith.index_cast %add3A_843 : i32 to index
          %get3A_897 = arith.constant 96 : index
          %get3A_898 = tpu.vector_load %arg7[%get3A_895, %get3A_896, %get3A_897] {strides = array<i32>} : memref<2x104x128xf32, #tpu.memory_space<vmem>>, vector<16xf32>,
          %select_n3A_899 = arith.select %eq3A_850, %get3A_898, %get3A_893 : vector<16xi1>, vector<16xf32>
          %mul3A_900 = arith.constant 8.000000e+00 : f32
          %mul3A_901 = vector.broadcast %mul3A_900 : f32 to vector<16xf32>
          %mul3A_902 = arith.mulf %select_n3A_899, %mul3A_901 : vector<16xf32>
          %swap3A_903 = arith.constant 0 : i32
          %swap3A_904 = arith.index_cast %swap3A_903 : i32 to index
          %swap3A_905 = arith.index_cast %add3A_843 : i32 to index
          %swap3A_906 = arith.constant 32 : index
          %swap3A_907 = tpu.vector_load %arg8[%swap3A_904, %swap3A_905, %swap3A_906] {strides = array<i32>} : memref<2x104x64xf32, #tpu.memory_space<vmem>>, vector<16xf32>,
          tpu.vector_store %arg8[%swap3A_904, %swap3A_905, %swap3A_906], %mul3A_902 {strides = array<i32>} : memref<2x104x64xf32, #tpu.memory_space<vmem>>, vector<16xf32>,
          %get3A_908 = arith.constant 0 : i32
          %get3A_909 = arith.index_cast %get3A_908 : i32 to index
          %get3A_910 = arith.index_cast %add3A_843 : i32 to index
          %get3A_911 = arith.constant 48 : index
          %get3A_912 = tpu.vector_load %arg7[%get3A_909, %get3A_910, %get3A_911] {strides = array<i32>} : memref<2x104x128xf32, #tpu.memory_space<vmem>>, vector<16xf32>,
          %get3A_913 = arith.constant 0 : i32
          %get3A_914 = arith.index_cast %get3A_913 : i32 to index
          %get3A_915 = arith.index_cast %add3A_843 : i32 to index
          %get3A_916 = arith.constant 112 : index
          %get3A_917 = tpu.vector_load %arg7[%get3A_914, %get3A_915, %get3A_916] {strides = array<i32>} : memref<2x104x128xf32, #tpu.memory_space<vmem>>, vector<16xf32>,
          %select_n3A_918 = arith.select %eq3A_850, %get3A_917, %get3A_912 : vector<16xi1>, vector<16xf32>
          %mul3A_919 = arith.constant 8.000000e+00 : f32
          %mul3A_920 = vector.broadcast %mul3A_919 : f32 to vector<16xf32>
          %mul3A_921 = arith.mulf %select_n3A_918, %mul3A_920 : vector<16xf32>
          %swap3A_922 = arith.constant 0 : i32
          %swap3A_923 = arith.index_cast %swap3A_922 : i32 to index
          %swap3A_924 = arith.index_cast %add3A_843 : i32 to index
          %swap3A_925 = arith.constant 48 : index
          %swap3A_926 = tpu.vector_load %arg8[%swap3A_923, %swap3A_924, %swap3A_925] {strides = array<i32>} : memref<2x104x64xf32, #tpu.memory_space<vmem>>, vector<16xf32>,
          tpu.vector_store %arg8[%swap3A_923, %swap3A_924, %swap3A_925], %mul3A_921 {strides = array<i32>} : memref<2x104x64xf32, #tpu.memory_space<vmem>>, vector<16xf32>,
          %add3A_927 = arith.constant 8 : i32
          %add3A_928 = arith.addi %min3A_242, %add3A_927 : i32
          %broadcast_in_dim3A_929 = arith.constant 8 : i32
          %broadcast_in_dim3A_930 = vector.broadcast %broadcast_in_dim3A_929 : i32 to vector<16x1xi32>
          %gather3A_931 = vector.shape_cast %broadcast_in_dim3A_930 : vector<16x1xi32> to vector<16xi32>
          %gather3A_932 = tpu.dynamic_gather %and3A_249[%gather3A_931] in [0] : vector<16xi32>, vector<16xi32> -> vector<16xi32>
          %eq3A_933 = arith.constant 1 : i32
          %eq3A_934 = vector.broadcast %eq3A_933 : i32 to vector<16xi32>
          %eq3A_935 = arith.cmpi eq, %gather3A_932, %eq3A_934 : vector<16xi32>
          %get3A_936 = arith.constant 0 : i32
          %get3A_937 = arith.index_cast %get3A_936 : i32 to index
          %get3A_938 = arith.index_cast %add3A_928 : i32 to index
          %get3A_939 = arith.constant 0 : index
          %get3A_940 = tpu.vector_load %arg7[%get3A_937, %get3A_938, %get3A_939] {strides = array<i32>} : memref<2x104x128xf32, #tpu.memory_space<vmem>>, vector<16xf32>,
          %get3A_941 = arith.constant 0 : i32
          %get3A_942 = arith.index_cast %get3A_941 : i32 to index
          %get3A_943 = arith.index_cast %add3A_928 : i32 to index
          %get3A_944 = arith.constant 64 : index
          %get3A_945 = tpu.vector_load %arg7[%get3A_942, %get3A_943, %get3A_944] {strides = array<i32>} : memref<2x104x128xf32, #tpu.memory_space<vmem>>, vector<16xf32>,
          %select_n3A_946 = arith.select %eq3A_935, %get3A_945, %get3A_940 : vector<16xi1>, vector<16xf32>
          %mul3A_947 = arith.constant 8.000000e+00 : f32
          %mul3A_948 = vector.broadcast %mul3A_947 : f32 to vector<16xf32>
          %mul3A_949 = arith.mulf %select_n3A_946, %mul3A_948 : vector<16xf32>
          %swap3A_950 = arith.constant 0 : i32
          %swap3A_951 = arith.index_cast %swap3A_950 : i32 to index
          %swap3A_952 = arith.index_cast %add3A_928 : i32 to index
          %swap3A_953 = arith.constant 0 : index
          %swap3A_954 = tpu.vector_load %arg8[%swap3A_951, %swap3A_952, %swap3A_953] {strides = array<i32>} : memref<2x104x64xf32, #tpu.memory_space<vmem>>, vector<16xf32>,
          tpu.vector_store %arg8[%swap3A_951, %swap3A_952, %swap3A_953], %mul3A_949 {strides = array<i32>} : memref<2x104x64xf32, #tpu.memory_space<vmem>>, vector<16xf32>,
          %get3A_955 = arith.constant 0 : i32
          %get3A_956 = arith.index_cast %get3A_955 : i32 to index
          %get3A_957 = arith.index_cast %add3A_928 : i32 to index
          %get3A_958 = arith.constant 16 : index
          %get3A_959 = tpu.vector_load %arg7[%get3A_956, %get3A_957, %get3A_958] {strides = array<i32>} : memref<2x104x128xf32, #tpu.memory_space<vmem>>, vector<16xf32>,
          %get3A_960 = arith.constant 0 : i32
          %get3A_961 = arith.index_cast %get3A_960 : i32 to index
          %get3A_962 = arith.index_cast %add3A_928 : i32 to index
          %get3A_963 = arith.constant 80 : index
          %get3A_964 = tpu.vector_load %arg7[%get3A_961, %get3A_962, %get3A_963] {strides = array<i32>} : memref<2x104x128xf32, #tpu.memory_space<vmem>>, vector<16xf32>,
          %select_n3A_965 = arith.select %eq3A_935, %get3A_964, %get3A_959 : vector<16xi1>, vector<16xf32>
          %mul3A_966 = arith.constant 8.000000e+00 : f32
          %mul3A_967 = vector.broadcast %mul3A_966 : f32 to vector<16xf32>
          %mul3A_968 = arith.mulf %select_n3A_965, %mul3A_967 : vector<16xf32>
          %swap3A_969 = arith.constant 0 : i32
          %swap3A_970 = arith.index_cast %swap3A_969 : i32 to index
          %swap3A_971 = arith.index_cast %add3A_928 : i32 to index
          %swap3A_972 = arith.constant 16 : index
          %swap3A_973 = tpu.vector_load %arg8[%swap3A_970, %swap3A_971, %swap3A_972] {strides = array<i32>} : memref<2x104x64xf32, #tpu.memory_space<vmem>>, vector<16xf32>,
          tpu.vector_store %arg8[%swap3A_970, %swap3A_971, %swap3A_972], %mul3A_968 {strides = array<i32>} : memref<2x104x64xf32, #tpu.memory_space<vmem>>, vector<16xf32>,
          %get3A_974 = arith.constant 0 : i32
          %get3A_975 = arith.index_cast %get3A_974 : i32 to index
          %get3A_976 = arith.index_cast %add3A_928 : i32 to index
          %get3A_977 = arith.constant 32 : index
          %get3A_978 = tpu.vector_load %arg7[%get3A_975, %get3A_976, %get3A_977] {strides = array<i32>} : memref<2x104x128xf32, #tpu.memory_space<vmem>>, vector<16xf32>,
          %get3A_979 = arith.constant 0 : i32
          %get3A_980 = arith.index_cast %get3A_979 : i32 to index
          %get3A_981 = arith.index_cast %add3A_928 : i32 to index
          %get3A_982 = arith.constant 96 : index
          %get3A_983 = tpu.vector_load %arg7[%get3A_980, %get3A_981, %get3A_982] {strides = array<i32>} : memref<2x104x128xf32, #tpu.memory_space<vmem>>, vector<16xf32>,
          %select_n3A_984 = arith.select %eq3A_935, %get3A_983, %get3A_978 : vector<16xi1>, vector<16xf32>
          %mul3A_985 = arith.constant 8.000000e+00 : f32
          %mul3A_986 = vector.broadcast %mul3A_985 : f32 to vector<16xf32>
          %mul3A_987 = arith.mulf %select_n3A_984, %mul3A_986 : vector<16xf32>
          %swap3A_988 = arith.constant 0 : i32
          %swap3A_989 = arith.index_cast %swap3A_988 : i32 to index
          %swap3A_990 = arith.index_cast %add3A_928 : i32 to index
          %swap3A_991 = arith.constant 32 : index
          %swap3A_992 = tpu.vector_load %arg8[%swap3A_989, %swap3A_990, %swap3A_991] {strides = array<i32>} : memref<2x104x64xf32, #tpu.memory_space<vmem>>, vector<16xf32>,
          tpu.vector_store %arg8[%swap3A_989, %swap3A_990, %swap3A_991], %mul3A_987 {strides = array<i32>} : memref<2x104x64xf32, #tpu.memory_space<vmem>>, vector<16xf32>,
          %get3A_993 = arith.constant 0 : i32
          %get3A_994 = arith.index_cast %get3A_993 : i32 to index
          %get3A_995 = arith.index_cast %add3A_928 : i32 to index
          %get3A_996 = arith.constant 48 : index
          %get3A_997 = tpu.vector_load %arg7[%get3A_994, %get3A_995, %get3A_996] {strides = array<i32>} : memref<2x104x128xf32, #tpu.memory_space<vmem>>, vector<16xf32>,
          %get3A_998 = arith.constant 0 : i32
          %get3A_999 = arith.index_cast %get3A_998 : i32 to index
          %get3A_1000 = arith.index_cast %add3A_928 : i32 to index
          %get3A_1001 = arith.constant 112 : index
          %get3A_1002 = tpu.vector_load %arg7[%get3A_999, %get3A_1000, %get3A_1001] {strides = array<i32>} : memref<2x104x128xf32, #tpu.memory_space<vmem>>, vector<16xf32>,
          %select_n3A_1003 = arith.select %eq3A_935, %get3A_1002, %get3A_997 : vector<16xi1>, vector<16xf32>
          %mul3A_1004 = arith.constant 8.000000e+00 : f32
          %mul3A_1005 = vector.broadcast %mul3A_1004 : f32 to vector<16xf32>
          %mul3A_1006 = arith.mulf %select_n3A_1003, %mul3A_1005 : vector<16xf32>
          %swap3A_1007 = arith.constant 0 : i32
          %swap3A_1008 = arith.index_cast %swap3A_1007 : i32 to index
          %swap3A_1009 = arith.index_cast %add3A_928 : i32 to index
          %swap3A_1010 = arith.constant 48 : index
          %swap3A_1011 = tpu.vector_load %arg8[%swap3A_1008, %swap3A_1009, %swap3A_1010] {strides = array<i32>} : memref<2x104x64xf32, #tpu.memory_space<vmem>>, vector<16xf32>,
          tpu.vector_store %arg8[%swap3A_1008, %swap3A_1009, %swap3A_1010], %mul3A_1006 {strides = array<i32>} : memref<2x104x64xf32, #tpu.memory_space<vmem>>, vector<16xf32>,
          %add3A_1012 = arith.constant 9 : i32
          %add3A_1013 = arith.addi %min3A_242, %add3A_1012 : i32
          %broadcast_in_dim3A_1014 = arith.constant 9 : i32
          %broadcast_in_dim3A_1015 = vector.broadcast %broadcast_in_dim3A_1014 : i32 to vector<16x1xi32>
          %gather3A_1016 = vector.shape_cast %broadcast_in_dim3A_1015 : vector<16x1xi32> to vector<16xi32>
          %gather3A_1017 = tpu.dynamic_gather %and3A_249[%gather3A_1016] in [0] : vector<16xi32>, vector<16xi32> -> vector<16xi32>
          %eq3A_1018 = arith.constant 1 : i32
          %eq3A_1019 = vector.broadcast %eq3A_1018 : i32 to vector<16xi32>
          %eq3A_1020 = arith.cmpi eq, %gather3A_1017, %eq3A_1019 : vector<16xi32>
          %get3A_1021 = arith.constant 0 : i32
          %get3A_1022 = arith.index_cast %get3A_1021 : i32 to index
          %get3A_1023 = arith.index_cast %add3A_1013 : i32 to index
          %get3A_1024 = arith.constant 0 : index
          %get3A_1025 = tpu.vector_load %arg7[%get3A_1022, %get3A_1023, %get3A_1024] {strides = array<i32>} : memref<2x104x128xf32, #tpu.memory_space<vmem>>, vector<16xf32>,
          %get3A_1026 = arith.constant 0 : i32
          %get3A_1027 = arith.index_cast %get3A_1026 : i32 to index
          %get3A_1028 = arith.index_cast %add3A_1013 : i32 to index
          %get3A_1029 = arith.constant 64 : index
          %get3A_1030 = tpu.vector_load %arg7[%get3A_1027, %get3A_1028, %get3A_1029] {strides = array<i32>} : memref<2x104x128xf32, #tpu.memory_space<vmem>>, vector<16xf32>,
          %select_n3A_1031 = arith.select %eq3A_1020, %get3A_1030, %get3A_1025 : vector<16xi1>, vector<16xf32>
          %mul3A_1032 = arith.constant 8.000000e+00 : f32
          %mul3A_1033 = vector.broadcast %mul3A_1032 : f32 to vector<16xf32>
          %mul3A_1034 = arith.mulf %select_n3A_1031, %mul3A_1033 : vector<16xf32>
          %swap3A_1035 = arith.constant 0 : i32
          %swap3A_1036 = arith.index_cast %swap3A_1035 : i32 to index
          %swap3A_1037 = arith.index_cast %add3A_1013 : i32 to index
          %swap3A_1038 = arith.constant 0 : index
          %swap3A_1039 = tpu.vector_load %arg8[%swap3A_1036, %swap3A_1037, %swap3A_1038] {strides = array<i32>} : memref<2x104x64xf32, #tpu.memory_space<vmem>>, vector<16xf32>,
          tpu.vector_store %arg8[%swap3A_1036, %swap3A_1037, %swap3A_1038], %mul3A_1034 {strides = array<i32>} : memref<2x104x64xf32, #tpu.memory_space<vmem>>, vector<16xf32>,
          %get3A_1040 = arith.constant 0 : i32
          %get3A_1041 = arith.index_cast %get3A_1040 : i32 to index
          %get3A_1042 = arith.index_cast %add3A_1013 : i32 to index
          %get3A_1043 = arith.constant 16 : index
          %get3A_1044 = tpu.vector_load %arg7[%get3A_1041, %get3A_1042, %get3A_1043] {strides = array<i32>} : memref<2x104x128xf32, #tpu.memory_space<vmem>>, vector<16xf32>,
          %get3A_1045 = arith.constant 0 : i32
          %get3A_1046 = arith.index_cast %get3A_1045 : i32 to index
          %get3A_1047 = arith.index_cast %add3A_1013 : i32 to index
          %get3A_1048 = arith.constant 80 : index
          %get3A_1049 = tpu.vector_load %arg7[%get3A_1046, %get3A_1047, %get3A_1048] {strides = array<i32>} : memref<2x104x128xf32, #tpu.memory_space<vmem>>, vector<16xf32>,
          %select_n3A_1050 = arith.select %eq3A_1020, %get3A_1049, %get3A_1044 : vector<16xi1>, vector<16xf32>
          %mul3A_1051 = arith.constant 8.000000e+00 : f32
          %mul3A_1052 = vector.broadcast %mul3A_1051 : f32 to vector<16xf32>
          %mul3A_1053 = arith.mulf %select_n3A_1050, %mul3A_1052 : vector<16xf32>
          %swap3A_1054 = arith.constant 0 : i32
          %swap3A_1055 = arith.index_cast %swap3A_1054 : i32 to index
          %swap3A_1056 = arith.index_cast %add3A_1013 : i32 to index
          %swap3A_1057 = arith.constant 16 : index
          %swap3A_1058 = tpu.vector_load %arg8[%swap3A_1055, %swap3A_1056, %swap3A_1057] {strides = array<i32>} : memref<2x104x64xf32, #tpu.memory_space<vmem>>, vector<16xf32>,
          tpu.vector_store %arg8[%swap3A_1055, %swap3A_1056, %swap3A_1057], %mul3A_1053 {strides = array<i32>} : memref<2x104x64xf32, #tpu.memory_space<vmem>>, vector<16xf32>,
          %get3A_1059 = arith.constant 0 : i32
          %get3A_1060 = arith.index_cast %get3A_1059 : i32 to index
          %get3A_1061 = arith.index_cast %add3A_1013 : i32 to index
          %get3A_1062 = arith.constant 32 : index
          %get3A_1063 = tpu.vector_load %arg7[%get3A_1060, %get3A_1061, %get3A_1062] {strides = array<i32>} : memref<2x104x128xf32, #tpu.memory_space<vmem>>, vector<16xf32>,
          %get3A_1064 = arith.constant 0 : i32
          %get3A_1065 = arith.index_cast %get3A_1064 : i32 to index
          %get3A_1066 = arith.index_cast %add3A_1013 : i32 to index
          %get3A_1067 = arith.constant 96 : index
          %get3A_1068 = tpu.vector_load %arg7[%get3A_1065, %get3A_1066, %get3A_1067] {strides = array<i32>} : memref<2x104x128xf32, #tpu.memory_space<vmem>>, vector<16xf32>,
          %select_n3A_1069 = arith.select %eq3A_1020, %get3A_1068, %get3A_1063 : vector<16xi1>, vector<16xf32>
          %mul3A_1070 = arith.constant 8.000000e+00 : f32
          %mul3A_1071 = vector.broadcast %mul3A_1070 : f32 to vector<16xf32>
          %mul3A_1072 = arith.mulf %select_n3A_1069, %mul3A_1071 : vector<16xf32>
          %swap3A_1073 = arith.constant 0 : i32
          %swap3A_1074 = arith.index_cast %swap3A_1073 : i32 to index
          %swap3A_1075 = arith.index_cast %add3A_1013 : i32 to index
          %swap3A_1076 = arith.constant 32 : index
          %swap3A_1077 = tpu.vector_load %arg8[%swap3A_1074, %swap3A_1075, %swap3A_1076] {strides = array<i32>} : memref<2x104x64xf32, #tpu.memory_space<vmem>>, vector<16xf32>,
          tpu.vector_store %arg8[%swap3A_1074, %swap3A_1075, %swap3A_1076], %mul3A_1072 {strides = array<i32>} : memref<2x104x64xf32, #tpu.memory_space<vmem>>, vector<16xf32>,
          %get3A_1078 = arith.constant 0 : i32
          %get3A_1079 = arith.index_cast %get3A_1078 : i32 to index
          %get3A_1080 = arith.index_cast %add3A_1013 : i32 to index
          %get3A_1081 = arith.constant 48 : index
          %get3A_1082 = tpu.vector_load %arg7[%get3A_1079, %get3A_1080, %get3A_1081] {strides = array<i32>} : memref<2x104x128xf32, #tpu.memory_space<vmem>>, vector<16xf32>,
          %get3A_1083 = arith.constant 0 : i32
          %get3A_1084 = arith.index_cast %get3A_1083 : i32 to index
          %get3A_1085 = arith.index_cast %add3A_1013 : i32 to index
          %get3A_1086 = arith.constant 112 : index
          %get3A_1087 = tpu.vector_load %arg7[%get3A_1084, %get3A_1085, %get3A_1086] {strides = array<i32>} : memref<2x104x128xf32, #tpu.memory_space<vmem>>, vector<16xf32>,
          %select_n3A_1088 = arith.select %eq3A_1020, %get3A_1087, %get3A_1082 : vector<16xi1>, vector<16xf32>
          %mul3A_1089 = arith.constant 8.000000e+00 : f32
          %mul3A_1090 = vector.broadcast %mul3A_1089 : f32 to vector<16xf32>
          %mul3A_1091 = arith.mulf %select_n3A_1088, %mul3A_1090 : vector<16xf32>
          %swap3A_1092 = arith.constant 0 : i32
          %swap3A_1093 = arith.index_cast %swap3A_1092 : i32 to index
          %swap3A_1094 = arith.index_cast %add3A_1013 : i32 to index
          %swap3A_1095 = arith.constant 48 : index
          %swap3A_1096 = tpu.vector_load %arg8[%swap3A_1093, %swap3A_1094, %swap3A_1095] {strides = array<i32>} : memref<2x104x64xf32, #tpu.memory_space<vmem>>, vector<16xf32>,
          tpu.vector_store %arg8[%swap3A_1093, %swap3A_1094, %swap3A_1095], %mul3A_1091 {strides = array<i32>} : memref<2x104x64xf32, #tpu.memory_space<vmem>>, vector<16xf32>,
          %add3A_1097 = arith.constant 10 : i32
          %add3A_1098 = arith.addi %min3A_242, %add3A_1097 : i32
          %broadcast_in_dim3A_1099 = arith.constant 10 : i32
          %broadcast_in_dim3A_1100 = vector.broadcast %broadcast_in_dim3A_1099 : i32 to vector<16x1xi32>
          %gather3A_1101 = vector.shape_cast %broadcast_in_dim3A_1100 : vector<16x1xi32> to vector<16xi32>
          %gather3A_1102 = tpu.dynamic_gather %and3A_249[%gather3A_1101] in [0] : vector<16xi32>, vector<16xi32> -> vector<16xi32>
          %eq3A_1103 = arith.constant 1 : i32
          %eq3A_1104 = vector.broadcast %eq3A_1103 : i32 to vector<16xi32>
          %eq3A_1105 = arith.cmpi eq, %gather3A_1102, %eq3A_1104 : vector<16xi32>
          %get3A_1106 = arith.constant 0 : i32
          %get3A_1107 = arith.index_cast %get3A_1106 : i32 to index
          %get3A_1108 = arith.index_cast %add3A_1098 : i32 to index
          %get3A_1109 = arith.constant 0 : index
          %get3A_1110 = tpu.vector_load %arg7[%get3A_1107, %get3A_1108, %get3A_1109] {strides = array<i32>} : memref<2x104x128xf32, #tpu.memory_space<vmem>>, vector<16xf32>,
          %get3A_1111 = arith.constant 0 : i32
          %get3A_1112 = arith.index_cast %get3A_1111 : i32 to index
          %get3A_1113 = arith.index_cast %add3A_1098 : i32 to index
          %get3A_1114 = arith.constant 64 : index
          %get3A_1115 = tpu.vector_load %arg7[%get3A_1112, %get3A_1113, %get3A_1114] {strides = array<i32>} : memref<2x104x128xf32, #tpu.memory_space<vmem>>, vector<16xf32>,
          %select_n3A_1116 = arith.select %eq3A_1105, %get3A_1115, %get3A_1110 : vector<16xi1>, vector<16xf32>
          %mul3A_1117 = arith.constant 8.000000e+00 : f32
          %mul3A_1118 = vector.broadcast %mul3A_1117 : f32 to vector<16xf32>
          %mul3A_1119 = arith.mulf %select_n3A_1116, %mul3A_1118 : vector<16xf32>
          %swap3A_1120 = arith.constant 0 : i32
          %swap3A_1121 = arith.index_cast %swap3A_1120 : i32 to index
          %swap3A_1122 = arith.index_cast %add3A_1098 : i32 to index
          %swap3A_1123 = arith.constant 0 : index
          %swap3A_1124 = tpu.vector_load %arg8[%swap3A_1121, %swap3A_1122, %swap3A_1123] {strides = array<i32>} : memref<2x104x64xf32, #tpu.memory_space<vmem>>, vector<16xf32>,
          tpu.vector_store %arg8[%swap3A_1121, %swap3A_1122, %swap3A_1123], %mul3A_1119 {strides = array<i32>} : memref<2x104x64xf32, #tpu.memory_space<vmem>>, vector<16xf32>,
          %get3A_1125 = arith.constant 0 : i32
          %get3A_1126 = arith.index_cast %get3A_1125 : i32 to index
          %get3A_1127 = arith.index_cast %add3A_1098 : i32 to index
          %get3A_1128 = arith.constant 16 : index
          %get3A_1129 = tpu.vector_load %arg7[%get3A_1126, %get3A_1127, %get3A_1128] {strides = array<i32>} : memref<2x104x128xf32, #tpu.memory_space<vmem>>, vector<16xf32>,
          %get3A_1130 = arith.constant 0 : i32
          %get3A_1131 = arith.index_cast %get3A_1130 : i32 to index
          %get3A_1132 = arith.index_cast %add3A_1098 : i32 to index
          %get3A_1133 = arith.constant 80 : index
          %get3A_1134 = tpu.vector_load %arg7[%get3A_1131, %get3A_1132, %get3A_1133] {strides = array<i32>} : memref<2x104x128xf32, #tpu.memory_space<vmem>>, vector<16xf32>,
          %select_n3A_1135 = arith.select %eq3A_1105, %get3A_1134, %get3A_1129 : vector<16xi1>, vector<16xf32>
          %mul3A_1136 = arith.constant 8.000000e+00 : f32
          %mul3A_1137 = vector.broadcast %mul3A_1136 : f32 to vector<16xf32>
          %mul3A_1138 = arith.mulf %select_n3A_1135, %mul3A_1137 : vector<16xf32>
          %swap3A_1139 = arith.constant 0 : i32
          %swap3A_1140 = arith.index_cast %swap3A_1139 : i32 to index
          %swap3A_1141 = arith.index_cast %add3A_1098 : i32 to index
          %swap3A_1142 = arith.constant 16 : index
          %swap3A_1143 = tpu.vector_load %arg8[%swap3A_1140, %swap3A_1141, %swap3A_1142] {strides = array<i32>} : memref<2x104x64xf32, #tpu.memory_space<vmem>>, vector<16xf32>,
          tpu.vector_store %arg8[%swap3A_1140, %swap3A_1141, %swap3A_1142], %mul3A_1138 {strides = array<i32>} : memref<2x104x64xf32, #tpu.memory_space<vmem>>, vector<16xf32>,
          %get3A_1144 = arith.constant 0 : i32
          %get3A_1145 = arith.index_cast %get3A_1144 : i32 to index
          %get3A_1146 = arith.index_cast %add3A_1098 : i32 to index
          %get3A_1147 = arith.constant 32 : index
          %get3A_1148 = tpu.vector_load %arg7[%get3A_1145, %get3A_1146, %get3A_1147] {strides = array<i32>} : memref<2x104x128xf32, #tpu.memory_space<vmem>>, vector<16xf32>,
          %get3A_1149 = arith.constant 0 : i32
          %get3A_1150 = arith.index_cast %get3A_1149 : i32 to index
          %get3A_1151 = arith.index_cast %add3A_1098 : i32 to index
          %get3A_1152 = arith.constant 96 : index
          %get3A_1153 = tpu.vector_load %arg7[%get3A_1150, %get3A_1151, %get3A_1152] {strides = array<i32>} : memref<2x104x128xf32, #tpu.memory_space<vmem>>, vector<16xf32>,
          %select_n3A_1154 = arith.select %eq3A_1105, %get3A_1153, %get3A_1148 : vector<16xi1>, vector<16xf32>
          %mul3A_1155 = arith.constant 8.000000e+00 : f32
          %mul3A_1156 = vector.broadcast %mul3A_1155 : f32 to vector<16xf32>
          %mul3A_1157 = arith.mulf %select_n3A_1154, %mul3A_1156 : vector<16xf32>
          %swap3A_1158 = arith.constant 0 : i32
          %swap3A_1159 = arith.index_cast %swap3A_1158 : i32 to index
          %swap3A_1160 = arith.index_cast %add3A_1098 : i32 to index
          %swap3A_1161 = arith.constant 32 : index
          %swap3A_1162 = tpu.vector_load %arg8[%swap3A_1159, %swap3A_1160, %swap3A_1161] {strides = array<i32>} : memref<2x104x64xf32, #tpu.memory_space<vmem>>, vector<16xf32>,
          tpu.vector_store %arg8[%swap3A_1159, %swap3A_1160, %swap3A_1161], %mul3A_1157 {strides = array<i32>} : memref<2x104x64xf32, #tpu.memory_space<vmem>>, vector<16xf32>,
          %get3A_1163 = arith.constant 0 : i32
          %get3A_1164 = arith.index_cast %get3A_1163 : i32 to index
          %get3A_1165 = arith.index_cast %add3A_1098 : i32 to index
          %get3A_1166 = arith.constant 48 : index
          %get3A_1167 = tpu.vector_load %arg7[%get3A_1164, %get3A_1165, %get3A_1166] {strides = array<i32>} : memref<2x104x128xf32, #tpu.memory_space<vmem>>, vector<16xf32>,
          %get3A_1168 = arith.constant 0 : i32
          %get3A_1169 = arith.index_cast %get3A_1168 : i32 to index
          %get3A_1170 = arith.index_cast %add3A_1098 : i32 to index
          %get3A_1171 = arith.constant 112 : index
          %get3A_1172 = tpu.vector_load %arg7[%get3A_1169, %get3A_1170, %get3A_1171] {strides = array<i32>} : memref<2x104x128xf32, #tpu.memory_space<vmem>>, vector<16xf32>,
          %select_n3A_1173 = arith.select %eq3A_1105, %get3A_1172, %get3A_1167 : vector<16xi1>, vector<16xf32>
          %mul3A_1174 = arith.constant 8.000000e+00 : f32
          %mul3A_1175 = vector.broadcast %mul3A_1174 : f32 to vector<16xf32>
          %mul3A_1176 = arith.mulf %select_n3A_1173, %mul3A_1175 : vector<16xf32>
          %swap3A_1177 = arith.constant 0 : i32
          %swap3A_1178 = arith.index_cast %swap3A_1177 : i32 to index
          %swap3A_1179 = arith.index_cast %add3A_1098 : i32 to index
          %swap3A_1180 = arith.constant 48 : index
          %swap3A_1181 = tpu.vector_load %arg8[%swap3A_1178, %swap3A_1179, %swap3A_1180] {strides = array<i32>} : memref<2x104x64xf32, #tpu.memory_space<vmem>>, vector<16xf32>,
          tpu.vector_store %arg8[%swap3A_1178, %swap3A_1179, %swap3A_1180], %mul3A_1176 {strides = array<i32>} : memref<2x104x64xf32, #tpu.memory_space<vmem>>, vector<16xf32>,
          %add3A_1182 = arith.constant 11 : i32
          %add3A_1183 = arith.addi %min3A_242, %add3A_1182 : i32
          %broadcast_in_dim3A_1184 = arith.constant 11 : i32
          %broadcast_in_dim3A_1185 = vector.broadcast %broadcast_in_dim3A_1184 : i32 to vector<16x1xi32>
          %gather3A_1186 = vector.shape_cast %broadcast_in_dim3A_1185 : vector<16x1xi32> to vector<16xi32>
          %gather3A_1187 = tpu.dynamic_gather %and3A_249[%gather3A_1186] in [0] : vector<16xi32>, vector<16xi32> -> vector<16xi32>
          %eq3A_1188 = arith.constant 1 : i32
          %eq3A_1189 = vector.broadcast %eq3A_1188 : i32 to vector<16xi32>
          %eq3A_1190 = arith.cmpi eq, %gather3A_1187, %eq3A_1189 : vector<16xi32>
          %get3A_1191 = arith.constant 0 : i32
          %get3A_1192 = arith.index_cast %get3A_1191 : i32 to index
          %get3A_1193 = arith.index_cast %add3A_1183 : i32 to index
          %get3A_1194 = arith.constant 0 : index
          %get3A_1195 = tpu.vector_load %arg7[%get3A_1192, %get3A_1193, %get3A_1194] {strides = array<i32>} : memref<2x104x128xf32, #tpu.memory_space<vmem>>, vector<16xf32>,
          %get3A_1196 = arith.constant 0 : i32
          %get3A_1197 = arith.index_cast %get3A_1196 : i32 to index
          %get3A_1198 = arith.index_cast %add3A_1183 : i32 to index
          %get3A_1199 = arith.constant 64 : index
          %get3A_1200 = tpu.vector_load %arg7[%get3A_1197, %get3A_1198, %get3A_1199] {strides = array<i32>} : memref<2x104x128xf32, #tpu.memory_space<vmem>>, vector<16xf32>,
          %select_n3A_1201 = arith.select %eq3A_1190, %get3A_1200, %get3A_1195 : vector<16xi1>, vector<16xf32>
          %mul3A_1202 = arith.constant 8.000000e+00 : f32
          %mul3A_1203 = vector.broadcast %mul3A_1202 : f32 to vector<16xf32>
          %mul3A_1204 = arith.mulf %select_n3A_1201, %mul3A_1203 : vector<16xf32>
          %swap3A_1205 = arith.constant 0 : i32
          %swap3A_1206 = arith.index_cast %swap3A_1205 : i32 to index
          %swap3A_1207 = arith.index_cast %add3A_1183 : i32 to index
          %swap3A_1208 = arith.constant 0 : index
          %swap3A_1209 = tpu.vector_load %arg8[%swap3A_1206, %swap3A_1207, %swap3A_1208] {strides = array<i32>} : memref<2x104x64xf32, #tpu.memory_space<vmem>>, vector<16xf32>,
          tpu.vector_store %arg8[%swap3A_1206, %swap3A_1207, %swap3A_1208], %mul3A_1204 {strides = array<i32>} : memref<2x104x64xf32, #tpu.memory_space<vmem>>, vector<16xf32>,
          %get3A_1210 = arith.constant 0 : i32
          %get3A_1211 = arith.index_cast %get3A_1210 : i32 to index
          %get3A_1212 = arith.index_cast %add3A_1183 : i32 to index
          %get3A_1213 = arith.constant 16 : index
          %get3A_1214 = tpu.vector_load %arg7[%get3A_1211, %get3A_1212, %get3A_1213] {strides = array<i32>} : memref<2x104x128xf32, #tpu.memory_space<vmem>>, vector<16xf32>,
          %get3A_1215 = arith.constant 0 : i32
          %get3A_1216 = arith.index_cast %get3A_1215 : i32 to index
          %get3A_1217 = arith.index_cast %add3A_1183 : i32 to index
          %get3A_1218 = arith.constant 80 : index
          %get3A_1219 = tpu.vector_load %arg7[%get3A_1216, %get3A_1217, %get3A_1218] {strides = array<i32>} : memref<2x104x128xf32, #tpu.memory_space<vmem>>, vector<16xf32>,
          %select_n3A_1220 = arith.select %eq3A_1190, %get3A_1219, %get3A_1214 : vector<16xi1>, vector<16xf32>
          %mul3A_1221 = arith.constant 8.000000e+00 : f32
          %mul3A_1222 = vector.broadcast %mul3A_1221 : f32 to vector<16xf32>
          %mul3A_1223 = arith.mulf %select_n3A_1220, %mul3A_1222 : vector<16xf32>
          %swap3A_1224 = arith.constant 0 : i32
          %swap3A_1225 = arith.index_cast %swap3A_1224 : i32 to index
          %swap3A_1226 = arith.index_cast %add3A_1183 : i32 to index
          %swap3A_1227 = arith.constant 16 : index
          %swap3A_1228 = tpu.vector_load %arg8[%swap3A_1225, %swap3A_1226, %swap3A_1227] {strides = array<i32>} : memref<2x104x64xf32, #tpu.memory_space<vmem>>, vector<16xf32>,
          tpu.vector_store %arg8[%swap3A_1225, %swap3A_1226, %swap3A_1227], %mul3A_1223 {strides = array<i32>} : memref<2x104x64xf32, #tpu.memory_space<vmem>>, vector<16xf32>,
          %get3A_1229 = arith.constant 0 : i32
          %get3A_1230 = arith.index_cast %get3A_1229 : i32 to index
          %get3A_1231 = arith.index_cast %add3A_1183 : i32 to index
          %get3A_1232 = arith.constant 32 : index
          %get3A_1233 = tpu.vector_load %arg7[%get3A_1230, %get3A_1231, %get3A_1232] {strides = array<i32>} : memref<2x104x128xf32, #tpu.memory_space<vmem>>, vector<16xf32>,
          %get3A_1234 = arith.constant 0 : i32
          %get3A_1235 = arith.index_cast %get3A_1234 : i32 to index
          %get3A_1236 = arith.index_cast %add3A_1183 : i32 to index
          %get3A_1237 = arith.constant 96 : index
          %get3A_1238 = tpu.vector_load %arg7[%get3A_1235, %get3A_1236, %get3A_1237] {strides = array<i32>} : memref<2x104x128xf32, #tpu.memory_space<vmem>>, vector<16xf32>,
          %select_n3A_1239 = arith.select %eq3A_1190, %get3A_1238, %get3A_1233 : vector<16xi1>, vector<16xf32>
          %mul3A_1240 = arith.constant 8.000000e+00 : f32
          %mul3A_1241 = vector.broadcast %mul3A_1240 : f32 to vector<16xf32>
          %mul3A_1242 = arith.mulf %select_n3A_1239, %mul3A_1241 : vector<16xf32>
          %swap3A_1243 = arith.constant 0 : i32
          %swap3A_1244 = arith.index_cast %swap3A_1243 : i32 to index
          %swap3A_1245 = arith.index_cast %add3A_1183 : i32 to index
          %swap3A_1246 = arith.constant 32 : index
          %swap3A_1247 = tpu.vector_load %arg8[%swap3A_1244, %swap3A_1245, %swap3A_1246] {strides = array<i32>} : memref<2x104x64xf32, #tpu.memory_space<vmem>>, vector<16xf32>,
          tpu.vector_store %arg8[%swap3A_1244, %swap3A_1245, %swap3A_1246], %mul3A_1242 {strides = array<i32>} : memref<2x104x64xf32, #tpu.memory_space<vmem>>, vector<16xf32>,
          %get3A_1248 = arith.constant 0 : i32
          %get3A_1249 = arith.index_cast %get3A_1248 : i32 to index
          %get3A_1250 = arith.index_cast %add3A_1183 : i32 to index
          %get3A_1251 = arith.constant 48 : index
          %get3A_1252 = tpu.vector_load %arg7[%get3A_1249, %get3A_1250, %get3A_1251] {strides = array<i32>} : memref<2x104x128xf32, #tpu.memory_space<vmem>>, vector<16xf32>,
          %get3A_1253 = arith.constant 0 : i32
          %get3A_1254 = arith.index_cast %get3A_1253 : i32 to index
          %get3A_1255 = arith.index_cast %add3A_1183 : i32 to index
          %get3A_1256 = arith.constant 112 : index
          %get3A_1257 = tpu.vector_load %arg7[%get3A_1254, %get3A_1255, %get3A_1256] {strides = array<i32>} : memref<2x104x128xf32, #tpu.memory_space<vmem>>, vector<16xf32>,
          %select_n3A_1258 = arith.select %eq3A_1190, %get3A_1257, %get3A_1252 : vector<16xi1>, vector<16xf32>
          %mul3A_1259 = arith.constant 8.000000e+00 : f32
          %mul3A_1260 = vector.broadcast %mul3A_1259 : f32 to vector<16xf32>
          %mul3A_1261 = arith.mulf %select_n3A_1258, %mul3A_1260 : vector<16xf32>
          %swap3A_1262 = arith.constant 0 : i32
          %swap3A_1263 = arith.index_cast %swap3A_1262 : i32 to index
          %swap3A_1264 = arith.index_cast %add3A_1183 : i32 to index
          %swap3A_1265 = arith.constant 48 : index
          %swap3A_1266 = tpu.vector_load %arg8[%swap3A_1263, %swap3A_1264, %swap3A_1265] {strides = array<i32>} : memref<2x104x64xf32, #tpu.memory_space<vmem>>, vector<16xf32>,
          tpu.vector_store %arg8[%swap3A_1263, %swap3A_1264, %swap3A_1265], %mul3A_1261 {strides = array<i32>} : memref<2x104x64xf32, #tpu.memory_space<vmem>>, vector<16xf32>,
          %add3A_1267 = arith.constant 12 : i32
          %add3A_1268 = arith.addi %min3A_242, %add3A_1267 : i32
          %broadcast_in_dim3A_1269 = arith.constant 12 : i32
          %broadcast_in_dim3A_1270 = vector.broadcast %broadcast_in_dim3A_1269 : i32 to vector<16x1xi32>
          %gather3A_1271 = vector.shape_cast %broadcast_in_dim3A_1270 : vector<16x1xi32> to vector<16xi32>
          %gather3A_1272 = tpu.dynamic_gather %and3A_249[%gather3A_1271] in [0] : vector<16xi32>, vector<16xi32> -> vector<16xi32>
          %eq3A_1273 = arith.constant 1 : i32
          %eq3A_1274 = vector.broadcast %eq3A_1273 : i32 to vector<16xi32>
          %eq3A_1275 = arith.cmpi eq, %gather3A_1272, %eq3A_1274 : vector<16xi32>
          %get3A_1276 = arith.constant 0 : i32
          %get3A_1277 = arith.index_cast %get3A_1276 : i32 to index
          %get3A_1278 = arith.index_cast %add3A_1268 : i32 to index
          %get3A_1279 = arith.constant 0 : index
          %get3A_1280 = tpu.vector_load %arg7[%get3A_1277, %get3A_1278, %get3A_1279] {strides = array<i32>} : memref<2x104x128xf32, #tpu.memory_space<vmem>>, vector<16xf32>,
          %get3A_1281 = arith.constant 0 : i32
          %get3A_1282 = arith.index_cast %get3A_1281 : i32 to index
          %get3A_1283 = arith.index_cast %add3A_1268 : i32 to index
          %get3A_1284 = arith.constant 64 : index
          %get3A_1285 = tpu.vector_load %arg7[%get3A_1282, %get3A_1283, %get3A_1284] {strides = array<i32>} : memref<2x104x128xf32, #tpu.memory_space<vmem>>, vector<16xf32>,
          %select_n3A_1286 = arith.select %eq3A_1275, %get3A_1285, %get3A_1280 : vector<16xi1>, vector<16xf32>
          %mul3A_1287 = arith.constant 8.000000e+00 : f32
          %mul3A_1288 = vector.broadcast %mul3A_1287 : f32 to vector<16xf32>
          %mul3A_1289 = arith.mulf %select_n3A_1286, %mul3A_1288 : vector<16xf32>
          %swap3A_1290 = arith.constant 0 : i32
          %swap3A_1291 = arith.index_cast %swap3A_1290 : i32 to index
          %swap3A_1292 = arith.index_cast %add3A_1268 : i32 to index
          %swap3A_1293 = arith.constant 0 : index
          %swap3A_1294 = tpu.vector_load %arg8[%swap3A_1291, %swap3A_1292, %swap3A_1293] {strides = array<i32>} : memref<2x104x64xf32, #tpu.memory_space<vmem>>, vector<16xf32>,
          tpu.vector_store %arg8[%swap3A_1291, %swap3A_1292, %swap3A_1293], %mul3A_1289 {strides = array<i32>} : memref<2x104x64xf32, #tpu.memory_space<vmem>>, vector<16xf32>,
          %get3A_1295 = arith.constant 0 : i32
          %get3A_1296 = arith.index_cast %get3A_1295 : i32 to index
          %get3A_1297 = arith.index_cast %add3A_1268 : i32 to index
          %get3A_1298 = arith.constant 16 : index
          %get3A_1299 = tpu.vector_load %arg7[%get3A_1296, %get3A_1297, %get3A_1298] {strides = array<i32>} : memref<2x104x128xf32, #tpu.memory_space<vmem>>, vector<16xf32>,
          %get3A_1300 = arith.constant 0 : i32
          %get3A_1301 = arith.index_cast %get3A_1300 : i32 to index
          %get3A_1302 = arith.index_cast %add3A_1268 : i32 to index
          %get3A_1303 = arith.constant 80 : index
          %get3A_1304 = tpu.vector_load %arg7[%get3A_1301, %get3A_1302, %get3A_1303] {strides = array<i32>} : memref<2x104x128xf32, #tpu.memory_space<vmem>>, vector<16xf32>,
          %select_n3A_1305 = arith.select %eq3A_1275, %get3A_1304, %get3A_1299 : vector<16xi1>, vector<16xf32>
          %mul3A_1306 = arith.constant 8.000000e+00 : f32
          %mul3A_1307 = vector.broadcast %mul3A_1306 : f32 to vector<16xf32>
          %mul3A_1308 = arith.mulf %select_n3A_1305, %mul3A_1307 : vector<16xf32>
          %swap3A_1309 = arith.constant 0 : i32
          %swap3A_1310 = arith.index_cast %swap3A_1309 : i32 to index
          %swap3A_1311 = arith.index_cast %add3A_1268 : i32 to index
          %swap3A_1312 = arith.constant 16 : index
          %swap3A_1313 = tpu.vector_load %arg8[%swap3A_1310, %swap3A_1311, %swap3A_1312] {strides = array<i32>} : memref<2x104x64xf32, #tpu.memory_space<vmem>>, vector<16xf32>,
          tpu.vector_store %arg8[%swap3A_1310, %swap3A_1311, %swap3A_1312], %mul3A_1308 {strides = array<i32>} : memref<2x104x64xf32, #tpu.memory_space<vmem>>, vector<16xf32>,
          %get3A_1314 = arith.constant 0 : i32
          %get3A_1315 = arith.index_cast %get3A_1314 : i32 to index
          %get3A_1316 = arith.index_cast %add3A_1268 : i32 to index
          %get3A_1317 = arith.constant 32 : index
          %get3A_1318 = tpu.vector_load %arg7[%get3A_1315, %get3A_1316, %get3A_1317] {strides = array<i32>} : memref<2x104x128xf32, #tpu.memory_space<vmem>>, vector<16xf32>,
          %get3A_1319 = arith.constant 0 : i32
          %get3A_1320 = arith.index_cast %get3A_1319 : i32 to index
          %get3A_1321 = arith.index_cast %add3A_1268 : i32 to index
          %get3A_1322 = arith.constant 96 : index
          %get3A_1323 = tpu.vector_load %arg7[%get3A_1320, %get3A_1321, %get3A_1322] {strides = array<i32>} : memref<2x104x128xf32, #tpu.memory_space<vmem>>, vector<16xf32>,
          %select_n3A_1324 = arith.select %eq3A_1275, %get3A_1323, %get3A_1318 : vector<16xi1>, vector<16xf32>
          %mul3A_1325 = arith.constant 8.000000e+00 : f32
          %mul3A_1326 = vector.broadcast %mul3A_1325 : f32 to vector<16xf32>
          %mul3A_1327 = arith.mulf %select_n3A_1324, %mul3A_1326 : vector<16xf32>
          %swap3A_1328 = arith.constant 0 : i32
          %swap3A_1329 = arith.index_cast %swap3A_1328 : i32 to index
          %swap3A_1330 = arith.index_cast %add3A_1268 : i32 to index
          %swap3A_1331 = arith.constant 32 : index
          %swap3A_1332 = tpu.vector_load %arg8[%swap3A_1329, %swap3A_1330, %swap3A_1331] {strides = array<i32>} : memref<2x104x64xf32, #tpu.memory_space<vmem>>, vector<16xf32>,
          tpu.vector_store %arg8[%swap3A_1329, %swap3A_1330, %swap3A_1331], %mul3A_1327 {strides = array<i32>} : memref<2x104x64xf32, #tpu.memory_space<vmem>>, vector<16xf32>,
          %get3A_1333 = arith.constant 0 : i32
          %get3A_1334 = arith.index_cast %get3A_1333 : i32 to index
          %get3A_1335 = arith.index_cast %add3A_1268 : i32 to index
          %get3A_1336 = arith.constant 48 : index
          %get3A_1337 = tpu.vector_load %arg7[%get3A_1334, %get3A_1335, %get3A_1336] {strides = array<i32>} : memref<2x104x128xf32, #tpu.memory_space<vmem>>, vector<16xf32>,
          %get3A_1338 = arith.constant 0 : i32
          %get3A_1339 = arith.index_cast %get3A_1338 : i32 to index
          %get3A_1340 = arith.index_cast %add3A_1268 : i32 to index
          %get3A_1341 = arith.constant 112 : index
          %get3A_1342 = tpu.vector_load %arg7[%get3A_1339, %get3A_1340, %get3A_1341] {strides = array<i32>} : memref<2x104x128xf32, #tpu.memory_space<vmem>>, vector<16xf32>,
          %select_n3A_1343 = arith.select %eq3A_1275, %get3A_1342, %get3A_1337 : vector<16xi1>, vector<16xf32>
          %mul3A_1344 = arith.constant 8.000000e+00 : f32
          %mul3A_1345 = vector.broadcast %mul3A_1344 : f32 to vector<16xf32>
          %mul3A_1346 = arith.mulf %select_n3A_1343, %mul3A_1345 : vector<16xf32>
          %swap3A_1347 = arith.constant 0 : i32
          %swap3A_1348 = arith.index_cast %swap3A_1347 : i32 to index
          %swap3A_1349 = arith.index_cast %add3A_1268 : i32 to index
          %swap3A_1350 = arith.constant 48 : index
          %swap3A_1351 = tpu.vector_load %arg8[%swap3A_1348, %swap3A_1349, %swap3A_1350] {strides = array<i32>} : memref<2x104x64xf32, #tpu.memory_space<vmem>>, vector<16xf32>,
          tpu.vector_store %arg8[%swap3A_1348, %swap3A_1349, %swap3A_1350], %mul3A_1346 {strides = array<i32>} : memref<2x104x64xf32, #tpu.memory_space<vmem>>, vector<16xf32>,
          %add3A_1352 = arith.constant 13 : i32
          %add3A_1353 = arith.addi %min3A_242, %add3A_1352 : i32
          %broadcast_in_dim3A_1354 = arith.constant 13 : i32
          %broadcast_in_dim3A_1355 = vector.broadcast %broadcast_in_dim3A_1354 : i32 to vector<16x1xi32>
          %gather3A_1356 = vector.shape_cast %broadcast_in_dim3A_1355 : vector<16x1xi32> to vector<16xi32>
          %gather3A_1357 = tpu.dynamic_gather %and3A_249[%gather3A_1356] in [0] : vector<16xi32>, vector<16xi32> -> vector<16xi32>
          %eq3A_1358 = arith.constant 1 : i32
          %eq3A_1359 = vector.broadcast %eq3A_1358 : i32 to vector<16xi32>
          %eq3A_1360 = arith.cmpi eq, %gather3A_1357, %eq3A_1359 : vector<16xi32>
          %get3A_1361 = arith.constant 0 : i32
          %get3A_1362 = arith.index_cast %get3A_1361 : i32 to index
          %get3A_1363 = arith.index_cast %add3A_1353 : i32 to index
          %get3A_1364 = arith.constant 0 : index
          %get3A_1365 = tpu.vector_load %arg7[%get3A_1362, %get3A_1363, %get3A_1364] {strides = array<i32>} : memref<2x104x128xf32, #tpu.memory_space<vmem>>, vector<16xf32>,
          %get3A_1366 = arith.constant 0 : i32
          %get3A_1367 = arith.index_cast %get3A_1366 : i32 to index
          %get3A_1368 = arith.index_cast %add3A_1353 : i32 to index
          %get3A_1369 = arith.constant 64 : index
          %get3A_1370 = tpu.vector_load %arg7[%get3A_1367, %get3A_1368, %get3A_1369] {strides = array<i32>} : memref<2x104x128xf32, #tpu.memory_space<vmem>>, vector<16xf32>,
          %select_n3A_1371 = arith.select %eq3A_1360, %get3A_1370, %get3A_1365 : vector<16xi1>, vector<16xf32>
          %mul3A_1372 = arith.constant 8.000000e+00 : f32
          %mul3A_1373 = vector.broadcast %mul3A_1372 : f32 to vector<16xf32>
          %mul3A_1374 = arith.mulf %select_n3A_1371, %mul3A_1373 : vector<16xf32>
          %swap3A_1375 = arith.constant 0 : i32
          %swap3A_1376 = arith.index_cast %swap3A_1375 : i32 to index
          %swap3A_1377 = arith.index_cast %add3A_1353 : i32 to index
          %swap3A_1378 = arith.constant 0 : index
          %swap3A_1379 = tpu.vector_load %arg8[%swap3A_1376, %swap3A_1377, %swap3A_1378] {strides = array<i32>} : memref<2x104x64xf32, #tpu.memory_space<vmem>>, vector<16xf32>,
          tpu.vector_store %arg8[%swap3A_1376, %swap3A_1377, %swap3A_1378], %mul3A_1374 {strides = array<i32>} : memref<2x104x64xf32, #tpu.memory_space<vmem>>, vector<16xf32>,
          %get3A_1380 = arith.constant 0 : i32
          %get3A_1381 = arith.index_cast %get3A_1380 : i32 to index
          %get3A_1382 = arith.index_cast %add3A_1353 : i32 to index
          %get3A_1383 = arith.constant 16 : index
          %get3A_1384 = tpu.vector_load %arg7[%get3A_1381, %get3A_1382, %get3A_1383] {strides = array<i32>} : memref<2x104x128xf32, #tpu.memory_space<vmem>>, vector<16xf32>,
          %get3A_1385 = arith.constant 0 : i32
          %get3A_1386 = arith.index_cast %get3A_1385 : i32 to index
          %get3A_1387 = arith.index_cast %add3A_1353 : i32 to index
          %get3A_1388 = arith.constant 80 : index
          %get3A_1389 = tpu.vector_load %arg7[%get3A_1386, %get3A_1387, %get3A_1388] {strides = array<i32>} : memref<2x104x128xf32, #tpu.memory_space<vmem>>, vector<16xf32>,
          %select_n3A_1390 = arith.select %eq3A_1360, %get3A_1389, %get3A_1384 : vector<16xi1>, vector<16xf32>
          %mul3A_1391 = arith.constant 8.000000e+00 : f32
          %mul3A_1392 = vector.broadcast %mul3A_1391 : f32 to vector<16xf32>
          %mul3A_1393 = arith.mulf %select_n3A_1390, %mul3A_1392 : vector<16xf32>
          %swap3A_1394 = arith.constant 0 : i32
          %swap3A_1395 = arith.index_cast %swap3A_1394 : i32 to index
          %swap3A_1396 = arith.index_cast %add3A_1353 : i32 to index
          %swap3A_1397 = arith.constant 16 : index
          %swap3A_1398 = tpu.vector_load %arg8[%swap3A_1395, %swap3A_1396, %swap3A_1397] {strides = array<i32>} : memref<2x104x64xf32, #tpu.memory_space<vmem>>, vector<16xf32>,
          tpu.vector_store %arg8[%swap3A_1395, %swap3A_1396, %swap3A_1397], %mul3A_1393 {strides = array<i32>} : memref<2x104x64xf32, #tpu.memory_space<vmem>>, vector<16xf32>,
          %get3A_1399 = arith.constant 0 : i32
          %get3A_1400 = arith.index_cast %get3A_1399 : i32 to index
          %get3A_1401 = arith.index_cast %add3A_1353 : i32 to index
          %get3A_1402 = arith.constant 32 : index
          %get3A_1403 = tpu.vector_load %arg7[%get3A_1400, %get3A_1401, %get3A_1402] {strides = array<i32>} : memref<2x104x128xf32, #tpu.memory_space<vmem>>, vector<16xf32>,
          %get3A_1404 = arith.constant 0 : i32
          %get3A_1405 = arith.index_cast %get3A_1404 : i32 to index
          %get3A_1406 = arith.index_cast %add3A_1353 : i32 to index
          %get3A_1407 = arith.constant 96 : index
          %get3A_1408 = tpu.vector_load %arg7[%get3A_1405, %get3A_1406, %get3A_1407] {strides = array<i32>} : memref<2x104x128xf32, #tpu.memory_space<vmem>>, vector<16xf32>,
          %select_n3A_1409 = arith.select %eq3A_1360, %get3A_1408, %get3A_1403 : vector<16xi1>, vector<16xf32>
          %mul3A_1410 = arith.constant 8.000000e+00 : f32
          %mul3A_1411 = vector.broadcast %mul3A_1410 : f32 to vector<16xf32>
          %mul3A_1412 = arith.mulf %select_n3A_1409, %mul3A_1411 : vector<16xf32>
          %swap3A_1413 = arith.constant 0 : i32
          %swap3A_1414 = arith.index_cast %swap3A_1413 : i32 to index
          %swap3A_1415 = arith.index_cast %add3A_1353 : i32 to index
          %swap3A_1416 = arith.constant 32 : index
          %swap3A_1417 = tpu.vector_load %arg8[%swap3A_1414, %swap3A_1415, %swap3A_1416] {strides = array<i32>} : memref<2x104x64xf32, #tpu.memory_space<vmem>>, vector<16xf32>,
          tpu.vector_store %arg8[%swap3A_1414, %swap3A_1415, %swap3A_1416], %mul3A_1412 {strides = array<i32>} : memref<2x104x64xf32, #tpu.memory_space<vmem>>, vector<16xf32>,
          %get3A_1418 = arith.constant 0 : i32
          %get3A_1419 = arith.index_cast %get3A_1418 : i32 to index
          %get3A_1420 = arith.index_cast %add3A_1353 : i32 to index
          %get3A_1421 = arith.constant 48 : index
          %get3A_1422 = tpu.vector_load %arg7[%get3A_1419, %get3A_1420, %get3A_1421] {strides = array<i32>} : memref<2x104x128xf32, #tpu.memory_space<vmem>>, vector<16xf32>,
          %get3A_1423 = arith.constant 0 : i32
          %get3A_1424 = arith.index_cast %get3A_1423 : i32 to index
          %get3A_1425 = arith.index_cast %add3A_1353 : i32 to index
          %get3A_1426 = arith.constant 112 : index
          %get3A_1427 = tpu.vector_load %arg7[%get3A_1424, %get3A_1425, %get3A_1426] {strides = array<i32>} : memref<2x104x128xf32, #tpu.memory_space<vmem>>, vector<16xf32>,
          %select_n3A_1428 = arith.select %eq3A_1360, %get3A_1427, %get3A_1422 : vector<16xi1>, vector<16xf32>
          %mul3A_1429 = arith.constant 8.000000e+00 : f32
          %mul3A_1430 = vector.broadcast %mul3A_1429 : f32 to vector<16xf32>
          %mul3A_1431 = arith.mulf %select_n3A_1428, %mul3A_1430 : vector<16xf32>
          %swap3A_1432 = arith.constant 0 : i32
          %swap3A_1433 = arith.index_cast %swap3A_1432 : i32 to index
          %swap3A_1434 = arith.index_cast %add3A_1353 : i32 to index
          %swap3A_1435 = arith.constant 48 : index
          %swap3A_1436 = tpu.vector_load %arg8[%swap3A_1433, %swap3A_1434, %swap3A_1435] {strides = array<i32>} : memref<2x104x64xf32, #tpu.memory_space<vmem>>, vector<16xf32>,
          tpu.vector_store %arg8[%swap3A_1433, %swap3A_1434, %swap3A_1435], %mul3A_1431 {strides = array<i32>} : memref<2x104x64xf32, #tpu.memory_space<vmem>>, vector<16xf32>,
          %add3A_1437 = arith.constant 14 : i32
          %add3A_1438 = arith.addi %min3A_242, %add3A_1437 : i32
          %broadcast_in_dim3A_1439 = arith.constant 14 : i32
          %broadcast_in_dim3A_1440 = vector.broadcast %broadcast_in_dim3A_1439 : i32 to vector<16x1xi32>
          %gather3A_1441 = vector.shape_cast %broadcast_in_dim3A_1440 : vector<16x1xi32> to vector<16xi32>
          %gather3A_1442 = tpu.dynamic_gather %and3A_249[%gather3A_1441] in [0] : vector<16xi32>, vector<16xi32> -> vector<16xi32>
          %eq3A_1443 = arith.constant 1 : i32
          %eq3A_1444 = vector.broadcast %eq3A_1443 : i32 to vector<16xi32>
          %eq3A_1445 = arith.cmpi eq, %gather3A_1442, %eq3A_1444 : vector<16xi32>
          %get3A_1446 = arith.constant 0 : i32
          %get3A_1447 = arith.index_cast %get3A_1446 : i32 to index
          %get3A_1448 = arith.index_cast %add3A_1438 : i32 to index
          %get3A_1449 = arith.constant 0 : index
          %get3A_1450 = tpu.vector_load %arg7[%get3A_1447, %get3A_1448, %get3A_1449] {strides = array<i32>} : memref<2x104x128xf32, #tpu.memory_space<vmem>>, vector<16xf32>,
          %get3A_1451 = arith.constant 0 : i32
          %get3A_1452 = arith.index_cast %get3A_1451 : i32 to index
          %get3A_1453 = arith.index_cast %add3A_1438 : i32 to index
          %get3A_1454 = arith.constant 64 : index
          %get3A_1455 = tpu.vector_load %arg7[%get3A_1452, %get3A_1453, %get3A_1454] {strides = array<i32>} : memref<2x104x128xf32, #tpu.memory_space<vmem>>, vector<16xf32>,
          %select_n3A_1456 = arith.select %eq3A_1445, %get3A_1455, %get3A_1450 : vector<16xi1>, vector<16xf32>
          %mul3A_1457 = arith.constant 8.000000e+00 : f32
          %mul3A_1458 = vector.broadcast %mul3A_1457 : f32 to vector<16xf32>
          %mul3A_1459 = arith.mulf %select_n3A_1456, %mul3A_1458 : vector<16xf32>
          %swap3A_1460 = arith.constant 0 : i32
          %swap3A_1461 = arith.index_cast %swap3A_1460 : i32 to index
          %swap3A_1462 = arith.index_cast %add3A_1438 : i32 to index
          %swap3A_1463 = arith.constant 0 : index
          %swap3A_1464 = tpu.vector_load %arg8[%swap3A_1461, %swap3A_1462, %swap3A_1463] {strides = array<i32>} : memref<2x104x64xf32, #tpu.memory_space<vmem>>, vector<16xf32>,
          tpu.vector_store %arg8[%swap3A_1461, %swap3A_1462, %swap3A_1463], %mul3A_1459 {strides = array<i32>} : memref<2x104x64xf32, #tpu.memory_space<vmem>>, vector<16xf32>,
          %get3A_1465 = arith.constant 0 : i32
          %get3A_1466 = arith.index_cast %get3A_1465 : i32 to index
          %get3A_1467 = arith.index_cast %add3A_1438 : i32 to index
          %get3A_1468 = arith.constant 16 : index
          %get3A_1469 = tpu.vector_load %arg7[%get3A_1466, %get3A_1467, %get3A_1468] {strides = array<i32>} : memref<2x104x128xf32, #tpu.memory_space<vmem>>, vector<16xf32>,
          %get3A_1470 = arith.constant 0 : i32
          %get3A_1471 = arith.index_cast %get3A_1470 : i32 to index
          %get3A_1472 = arith.index_cast %add3A_1438 : i32 to index
          %get3A_1473 = arith.constant 80 : index
          %get3A_1474 = tpu.vector_load %arg7[%get3A_1471, %get3A_1472, %get3A_1473] {strides = array<i32>} : memref<2x104x128xf32, #tpu.memory_space<vmem>>, vector<16xf32>,
          %select_n3A_1475 = arith.select %eq3A_1445, %get3A_1474, %get3A_1469 : vector<16xi1>, vector<16xf32>
          %mul3A_1476 = arith.constant 8.000000e+00 : f32
          %mul3A_1477 = vector.broadcast %mul3A_1476 : f32 to vector<16xf32>
          %mul3A_1478 = arith.mulf %select_n3A_1475, %mul3A_1477 : vector<16xf32>
          %swap3A_1479 = arith.constant 0 : i32
          %swap3A_1480 = arith.index_cast %swap3A_1479 : i32 to index
          %swap3A_1481 = arith.index_cast %add3A_1438 : i32 to index
          %swap3A_1482 = arith.constant 16 : index
          %swap3A_1483 = tpu.vector_load %arg8[%swap3A_1480, %swap3A_1481, %swap3A_1482] {strides = array<i32>} : memref<2x104x64xf32, #tpu.memory_space<vmem>>, vector<16xf32>,
          tpu.vector_store %arg8[%swap3A_1480, %swap3A_1481, %swap3A_1482], %mul3A_1478 {strides = array<i32>} : memref<2x104x64xf32, #tpu.memory_space<vmem>>, vector<16xf32>,
          %get3A_1484 = arith.constant 0 : i32
          %get3A_1485 = arith.index_cast %get3A_1484 : i32 to index
          %get3A_1486 = arith.index_cast %add3A_1438 : i32 to index
          %get3A_1487 = arith.constant 32 : index
          %get3A_1488 = tpu.vector_load %arg7[%get3A_1485, %get3A_1486, %get3A_1487] {strides = array<i32>} : memref<2x104x128xf32, #tpu.memory_space<vmem>>, vector<16xf32>,
          %get3A_1489 = arith.constant 0 : i32
          %get3A_1490 = arith.index_cast %get3A_1489 : i32 to index
          %get3A_1491 = arith.index_cast %add3A_1438 : i32 to index
          %get3A_1492 = arith.constant 96 : index
          %get3A_1493 = tpu.vector_load %arg7[%get3A_1490, %get3A_1491, %get3A_1492] {strides = array<i32>} : memref<2x104x128xf32, #tpu.memory_space<vmem>>, vector<16xf32>,
          %select_n3A_1494 = arith.select %eq3A_1445, %get3A_1493, %get3A_1488 : vector<16xi1>, vector<16xf32>
          %mul3A_1495 = arith.constant 8.000000e+00 : f32
          %mul3A_1496 = vector.broadcast %mul3A_1495 : f32 to vector<16xf32>
          %mul3A_1497 = arith.mulf %select_n3A_1494, %mul3A_1496 : vector<16xf32>
          %swap3A_1498 = arith.constant 0 : i32
          %swap3A_1499 = arith.index_cast %swap3A_1498 : i32 to index
          %swap3A_1500 = arith.index_cast %add3A_1438 : i32 to index
          %swap3A_1501 = arith.constant 32 : index
          %swap3A_1502 = tpu.vector_load %arg8[%swap3A_1499, %swap3A_1500, %swap3A_1501] {strides = array<i32>} : memref<2x104x64xf32, #tpu.memory_space<vmem>>, vector<16xf32>,
          tpu.vector_store %arg8[%swap3A_1499, %swap3A_1500, %swap3A_1501], %mul3A_1497 {strides = array<i32>} : memref<2x104x64xf32, #tpu.memory_space<vmem>>, vector<16xf32>,
          %get3A_1503 = arith.constant 0 : i32
          %get3A_1504 = arith.index_cast %get3A_1503 : i32 to index
          %get3A_1505 = arith.index_cast %add3A_1438 : i32 to index
          %get3A_1506 = arith.constant 48 : index
          %get3A_1507 = tpu.vector_load %arg7[%get3A_1504, %get3A_1505, %get3A_1506] {strides = array<i32>} : memref<2x104x128xf32, #tpu.memory_space<vmem>>, vector<16xf32>,
          %get3A_1508 = arith.constant 0 : i32
          %get3A_1509 = arith.index_cast %get3A_1508 : i32 to index
          %get3A_1510 = arith.index_cast %add3A_1438 : i32 to index
          %get3A_1511 = arith.constant 112 : index
          %get3A_1512 = tpu.vector_load %arg7[%get3A_1509, %get3A_1510, %get3A_1511] {strides = array<i32>} : memref<2x104x128xf32, #tpu.memory_space<vmem>>, vector<16xf32>,
          %select_n3A_1513 = arith.select %eq3A_1445, %get3A_1512, %get3A_1507 : vector<16xi1>, vector<16xf32>
          %mul3A_1514 = arith.constant 8.000000e+00 : f32
          %mul3A_1515 = vector.broadcast %mul3A_1514 : f32 to vector<16xf32>
          %mul3A_1516 = arith.mulf %select_n3A_1513, %mul3A_1515 : vector<16xf32>
          %swap3A_1517 = arith.constant 0 : i32
          %swap3A_1518 = arith.index_cast %swap3A_1517 : i32 to index
          %swap3A_1519 = arith.index_cast %add3A_1438 : i32 to index
          %swap3A_1520 = arith.constant 48 : index
          %swap3A_1521 = tpu.vector_load %arg8[%swap3A_1518, %swap3A_1519, %swap3A_1520] {strides = array<i32>} : memref<2x104x64xf32, #tpu.memory_space<vmem>>, vector<16xf32>,
          tpu.vector_store %arg8[%swap3A_1518, %swap3A_1519, %swap3A_1520], %mul3A_1516 {strides = array<i32>} : memref<2x104x64xf32, #tpu.memory_space<vmem>>, vector<16xf32>,
          %add3A_1522 = arith.constant 15 : i32
          %add3A_1523 = arith.addi %min3A_242, %add3A_1522 : i32
          %broadcast_in_dim3A_1524 = arith.constant 15 : i32
          %broadcast_in_dim3A_1525 = vector.broadcast %broadcast_in_dim3A_1524 : i32 to vector<16x1xi32>
          %gather3A_1526 = vector.shape_cast %broadcast_in_dim3A_1525 : vector<16x1xi32> to vector<16xi32>
          %gather3A_1527 = tpu.dynamic_gather %and3A_249[%gather3A_1526] in [0] : vector<16xi32>, vector<16xi32> -> vector<16xi32>
          %eq3A_1528 = arith.constant 1 : i32
          %eq3A_1529 = vector.broadcast %eq3A_1528 : i32 to vector<16xi32>
          %eq3A_1530 = arith.cmpi eq, %gather3A_1527, %eq3A_1529 : vector<16xi32>
          %get3A_1531 = arith.constant 0 : i32
          %get3A_1532 = arith.index_cast %get3A_1531 : i32 to index
          %get3A_1533 = arith.index_cast %add3A_1523 : i32 to index
          %get3A_1534 = arith.constant 0 : index
          %get3A_1535 = tpu.vector_load %arg7[%get3A_1532, %get3A_1533, %get3A_1534] {strides = array<i32>} : memref<2x104x128xf32, #tpu.memory_space<vmem>>, vector<16xf32>,
          %get3A_1536 = arith.constant 0 : i32
          %get3A_1537 = arith.index_cast %get3A_1536 : i32 to index
          %get3A_1538 = arith.index_cast %add3A_1523 : i32 to index
          %get3A_1539 = arith.constant 64 : index
          %get3A_1540 = tpu.vector_load %arg7[%get3A_1537, %get3A_1538, %get3A_1539] {strides = array<i32>} : memref<2x104x128xf32, #tpu.memory_space<vmem>>, vector<16xf32>,
          %select_n3A_1541 = arith.select %eq3A_1530, %get3A_1540, %get3A_1535 : vector<16xi1>, vector<16xf32>
          %mul3A_1542 = arith.constant 8.000000e+00 : f32
          %mul3A_1543 = vector.broadcast %mul3A_1542 : f32 to vector<16xf32>
          %mul3A_1544 = arith.mulf %select_n3A_1541, %mul3A_1543 : vector<16xf32>
          %swap3A_1545 = arith.constant 0 : i32
          %swap3A_1546 = arith.index_cast %swap3A_1545 : i32 to index
          %swap3A_1547 = arith.index_cast %add3A_1523 : i32 to index
          %swap3A_1548 = arith.constant 0 : index
          %swap3A_1549 = tpu.vector_load %arg8[%swap3A_1546, %swap3A_1547, %swap3A_1548] {strides = array<i32>} : memref<2x104x64xf32, #tpu.memory_space<vmem>>, vector<16xf32>,
          tpu.vector_store %arg8[%swap3A_1546, %swap3A_1547, %swap3A_1548], %mul3A_1544 {strides = array<i32>} : memref<2x104x64xf32, #tpu.memory_space<vmem>>, vector<16xf32>,
          %get3A_1550 = arith.constant 0 : i32
          %get3A_1551 = arith.index_cast %get3A_1550 : i32 to index
          %get3A_1552 = arith.index_cast %add3A_1523 : i32 to index
          %get3A_1553 = arith.constant 16 : index
          %get3A_1554 = tpu.vector_load %arg7[%get3A_1551, %get3A_1552, %get3A_1553] {strides = array<i32>} : memref<2x104x128xf32, #tpu.memory_space<vmem>>, vector<16xf32>,
          %get3A_1555 = arith.constant 0 : i32
          %get3A_1556 = arith.index_cast %get3A_1555 : i32 to index
          %get3A_1557 = arith.index_cast %add3A_1523 : i32 to index
          %get3A_1558 = arith.constant 80 : index
          %get3A_1559 = tpu.vector_load %arg7[%get3A_1556, %get3A_1557, %get3A_1558] {strides = array<i32>} : memref<2x104x128xf32, #tpu.memory_space<vmem>>, vector<16xf32>,
          %select_n3A_1560 = arith.select %eq3A_1530, %get3A_1559, %get3A_1554 : vector<16xi1>, vector<16xf32>
          %mul3A_1561 = arith.constant 8.000000e+00 : f32
          %mul3A_1562 = vector.broadcast %mul3A_1561 : f32 to vector<16xf32>
          %mul3A_1563 = arith.mulf %select_n3A_1560, %mul3A_1562 : vector<16xf32>
          %swap3A_1564 = arith.constant 0 : i32
          %swap3A_1565 = arith.index_cast %swap3A_1564 : i32 to index
          %swap3A_1566 = arith.index_cast %add3A_1523 : i32 to index
          %swap3A_1567 = arith.constant 16 : index
          %swap3A_1568 = tpu.vector_load %arg8[%swap3A_1565, %swap3A_1566, %swap3A_1567] {strides = array<i32>} : memref<2x104x64xf32, #tpu.memory_space<vmem>>, vector<16xf32>,
          tpu.vector_store %arg8[%swap3A_1565, %swap3A_1566, %swap3A_1567], %mul3A_1563 {strides = array<i32>} : memref<2x104x64xf32, #tpu.memory_space<vmem>>, vector<16xf32>,
          %get3A_1569 = arith.constant 0 : i32
          %get3A_1570 = arith.index_cast %get3A_1569 : i32 to index
          %get3A_1571 = arith.index_cast %add3A_1523 : i32 to index
          %get3A_1572 = arith.constant 32 : index
          %get3A_1573 = tpu.vector_load %arg7[%get3A_1570, %get3A_1571, %get3A_1572] {strides = array<i32>} : memref<2x104x128xf32, #tpu.memory_space<vmem>>, vector<16xf32>,
          %get3A_1574 = arith.constant 0 : i32
          %get3A_1575 = arith.index_cast %get3A_1574 : i32 to index
          %get3A_1576 = arith.index_cast %add3A_1523 : i32 to index
          %get3A_1577 = arith.constant 96 : index
          %get3A_1578 = tpu.vector_load %arg7[%get3A_1575, %get3A_1576, %get3A_1577] {strides = array<i32>} : memref<2x104x128xf32, #tpu.memory_space<vmem>>, vector<16xf32>,
          %select_n3A_1579 = arith.select %eq3A_1530, %get3A_1578, %get3A_1573 : vector<16xi1>, vector<16xf32>
          %mul3A_1580 = arith.constant 8.000000e+00 : f32
          %mul3A_1581 = vector.broadcast %mul3A_1580 : f32 to vector<16xf32>
          %mul3A_1582 = arith.mulf %select_n3A_1579, %mul3A_1581 : vector<16xf32>
          %swap3A_1583 = arith.constant 0 : i32
          %swap3A_1584 = arith.index_cast %swap3A_1583 : i32 to index
          %swap3A_1585 = arith.index_cast %add3A_1523 : i32 to index
          %swap3A_1586 = arith.constant 32 : index
          %swap3A_1587 = tpu.vector_load %arg8[%swap3A_1584, %swap3A_1585, %swap3A_1586] {strides = array<i32>} : memref<2x104x64xf32, #tpu.memory_space<vmem>>, vector<16xf32>,
          tpu.vector_store %arg8[%swap3A_1584, %swap3A_1585, %swap3A_1586], %mul3A_1582 {strides = array<i32>} : memref<2x104x64xf32, #tpu.memory_space<vmem>>, vector<16xf32>,
          %get3A_1588 = arith.constant 0 : i32
          %get3A_1589 = arith.index_cast %get3A_1588 : i32 to index
          %get3A_1590 = arith.index_cast %add3A_1523 : i32 to index
          %get3A_1591 = arith.constant 48 : index
          %get3A_1592 = tpu.vector_load %arg7[%get3A_1589, %get3A_1590, %get3A_1591] {strides = array<i32>} : memref<2x104x128xf32, #tpu.memory_space<vmem>>, vector<16xf32>,
          %get3A_1593 = arith.constant 0 : i32
          %get3A_1594 = arith.index_cast %get3A_1593 : i32 to index
          %get3A_1595 = arith.index_cast %add3A_1523 : i32 to index
          %get3A_1596 = arith.constant 112 : index
          %get3A_1597 = tpu.vector_load %arg7[%get3A_1594, %get3A_1595, %get3A_1596] {strides = array<i32>} : memref<2x104x128xf32, #tpu.memory_space<vmem>>, vector<16xf32>,
          %select_n3A_1598 = arith.select %eq3A_1530, %get3A_1597, %get3A_1592 : vector<16xi1>, vector<16xf32>
          %mul3A_1599 = arith.constant 8.000000e+00 : f32
          %mul3A_1600 = vector.broadcast %mul3A_1599 : f32 to vector<16xf32>
          %mul3A_1601 = arith.mulf %select_n3A_1598, %mul3A_1600 : vector<16xf32>
          %swap3A_1602 = arith.constant 0 : i32
          %swap3A_1603 = arith.index_cast %swap3A_1602 : i32 to index
          %swap3A_1604 = arith.index_cast %add3A_1523 : i32 to index
          %swap3A_1605 = arith.constant 48 : index
          %swap3A_1606 = tpu.vector_load %arg8[%swap3A_1603, %swap3A_1604, %swap3A_1605] {strides = array<i32>} : memref<2x104x64xf32, #tpu.memory_space<vmem>>, vector<16xf32>,
          tpu.vector_store %arg8[%swap3A_1603, %swap3A_1604, %swap3A_1605], %mul3A_1601 {strides = array<i32>} : memref<2x104x64xf32, #tpu.memory_space<vmem>>, vector<16xf32>,
        }
        %scan3A_203 = arith.constant 6 : i32
        %div3A_204 = arith.constant 2 : i32
        %div3A_205 = arith.divsi %scan3A_151, %div3A_204 : i32
        %add3A_206 = arith.addi %mul3A_2, %div3A_205 : i32
        %dma_start3A_207 = arith.constant 0 : i32
        %dma_start3A_208 = arith.constant 0 : i32
        %dma_start3A_209 = arith.constant 0 : i32
        %dma_start3A_210 = arith.constant 0 : i32
        %dma_start3A_211 = tpu.memref_slice %arg8[%dma_start3A_207, %dma_start3A_209, %dma_start3A_210] : memref<2x104x64xf32, #tpu.memory_space<vmem>> -> memref<1x104x64xf32, #tpu.memory_space<vmem>>
        %dma_start3A_212 = tpu.memref_squeeze %dma_start3A_211 : memref<1x104x64xf32, #tpu.memory_space<vmem>> -> memref<104x64xf32, #tpu.memory_space<vmem>>
        %dma_start3A_213 = arith.constant 0 : i32
        %dma_start3A_214 = arith.constant 0 : i32
        %dma_start3A_215 = tpu.memref_slice %dma_start3A_212[%dma_start3A_213, %dma_start3A_214] : memref<104x64xf32, #tpu.memory_space<vmem>> -> memref<96x64xf32, #tpu.memory_space<vmem>>
        %dma_start3A_216 = arith.constant 0 : i32
        %dma_start3A_217 = arith.constant 0 : i32
        %dma_start3A_218 = tpu.memref_slice %arg4[%add3A_206, %dma_start3A_216, %dma_start3A_217] : memref<4096x200x64xf32, #tpu.memory_space<hbm>> -> memref<1x200x64xf32, #tpu.memory_space<hbm>>
        %dma_start3A_219 = tpu.memref_squeeze %dma_start3A_218 : memref<1x200x64xf32, #tpu.memory_space<hbm>> -> memref<200x64xf32, #tpu.memory_space<hbm>>
        %dma_start3A_220 = arith.constant 0 : i32
        %dma_start3A_221 = arith.constant 0 : i32
        %dma_start3A_222 = tpu.memref_slice %dma_start3A_219[%dma_start3A_220, %dma_start3A_221] : memref<200x64xf32, #tpu.memory_space<hbm>> -> memref<96x64xf32, #tpu.memory_space<hbm>>
        %dma_start3A_223 = tpu.memref_slice %arg10[%dma_start3A_208] : memref<2x!tpu.dma_semaphore, #tpu.memory_space<semaphore_mem>> -> memref<1x!tpu.dma_semaphore, #tpu.memory_space<semaphore_mem>>
        %dma_start3A_224 = tpu.memref_squeeze %dma_start3A_223 : memref<1x!tpu.dma_semaphore, #tpu.memory_space<semaphore_mem>> -> memref<!tpu.dma_semaphore, #tpu.memory_space<semaphore_mem>>
        %dma_start3A_225 = arith.constant 0 : i32
        %dma_start3A_226 = arith.constant 0 : i32
        %dma_start3A_227 = tpu.memref_slice %arg4[%add3A_206, %dma_start3A_225, %dma_start3A_226] : memref<4096x200x64xf32, #tpu.memory_space<hbm>> -> memref<1x200x64xf32, #tpu.memory_space<hbm>>
        %dma_start3A_228 = tpu.memref_squeeze %dma_start3A_227 : memref<1x200x64xf32, #tpu.memory_space<hbm>> -> memref<200x64xf32, #tpu.memory_space<hbm>>
        %dma_start3A_229 = arith.constant 0 : i32
        %dma_start3A_230 = arith.constant 0 : i32
        %dma_start3A_231 = tpu.memref_slice %dma_start3A_228[%dma_start3A_229, %dma_start3A_230] : memref<200x64xf32, #tpu.memory_space<hbm>> -> memref<96x64xf32, #tpu.memory_space<hbm>>
        %dma_start3A_232 = arith.constant 0 : i32
        %dma_start3A_233 = arith.constant 0 : i32
        %dma_start3A_234 = tpu.memref_slice %arg8[%dma_start3A_207, %dma_start3A_232, %dma_start3A_233] : memref<2x104x64xf32, #tpu.memory_space<vmem>> -> memref<1x104x64xf32, #tpu.memory_space<vmem>>
        %dma_start3A_235 = tpu.memref_squeeze %dma_start3A_234 : memref<1x104x64xf32, #tpu.memory_space<vmem>> -> memref<104x64xf32, #tpu.memory_space<vmem>>
        %dma_start3A_236 = arith.constant 0 : i32
        %dma_start3A_237 = arith.constant 0 : i32
        %dma_start3A_238 = tpu.memref_slice %dma_start3A_235[%dma_start3A_236, %dma_start3A_237] : memref<104x64xf32, #tpu.memory_space<vmem>> -> memref<96x64xf32, #tpu.memory_space<vmem>>
        tpu.enqueue_dma source(%dma_start3A_238 : memref<96x64xf32, #tpu.memory_space<vmem>>) target(%dma_start3A_231 : memref<96x64xf32, #tpu.memory_space<hbm>>) target_semaphore(%dma_start3A_224 : memref<!tpu.dma_semaphore, #tpu.memory_space<semaphore_mem>>)
      } else {
      }
      %rem3A_155 = arith.constant 2 : i32
      %rem3A_156 = arith.remsi %scan3A_151, %rem3A_155 : i32
      %eq3A_157 = arith.constant 1 : i32
      %eq3A_158 = arith.cmpi eq, %rem3A_156, %eq3A_157 : i32
      %convert_element_type3A_159 = arith.extui %eq3A_158 : i1 to i32
      %cond3A_160 = arith.constant 0 : i32
      %cond3A_161 = arith.cmpi ne, %convert_element_type3A_159, %cond3A_160 : i32
      scf.if %cond3A_161 {
        %add3A_162 = arith.constant 1 : i32
        %add3A_163 = arith.addi %scan3A_151, %add3A_162 : i32
        %lt3A = arith.constant 256 : i32
        %lt3A_164 = arith.cmpi slt, %add3A_163, %lt3A : i32
        %convert_element_type3A_165 = arith.extui %lt3A_164 : i1 to i32
        %cond3A_166 = arith.constant 0 : i32
        %cond3A_167 = arith.cmpi ne, %convert_element_type3A_165, %cond3A_166 : i32
        scf.if %cond3A_167 {
          %add3A_239 = arith.constant 1 : i32
          %add3A_240 = arith.addi %scan3A_151, %add3A_239 : i32
          %div3A_241 = arith.constant 2 : i32
          %div3A_242 = arith.divsi %add3A_240, %div3A_241 : i32
          %get3A_243 = arith.index_cast %div3A_242 : i32 to index
          %get3A_244 = arith.constant 0 : index
          %get3A_245 = tpu.vector_load %arg5[%get3A_243, %get3A_244] {strides = array<i32>} : memref<128x200xi32, #tpu.memory_space<vmem>>, vector<16xi32>,
          %shift_right_logical3A_246 = arith.constant 1 : i32
          %shift_right_logical3A_247 = vector.broadcast %shift_right_logical3A_246 : i32 to vector<16xi32>
          %shift_right_logical3A_248 = arith.shrui %get3A_245, %shift_right_logical3A_247 : vector<16xi32>
          %swap3A_249 = arith.constant 0 : i32
          %swap3A_250 = arith.index_cast %swap3A_249 : i32 to index
          %swap3A_251 = arith.constant 0 : index
          %swap3A_252 = tpu.vector_load %arg6[%swap3A_250, %swap3A_251] {strides = array<i32>} : memref<2x128xi32, #tpu.memory_space<vmem>>, vector<16xi32>,
          tpu.vector_store %arg6[%swap3A_250, %swap3A_251], %shift_right_logical3A_248 {strides = array<i32>} : memref<2x128xi32, #tpu.memory_space<vmem>>, vector<16xi32>,
          %get3A_253 = arith.index_cast %div3A_242 : i32 to index
          %get3A_254 = arith.constant 16 : index
          %get3A_255 = tpu.vector_load %arg5[%get3A_253, %get3A_254] {strides = array<i32>} : memref<128x200xi32, #tpu.memory_space<vmem>>, vector<16xi32>,
          %shift_right_logical3A_256 = arith.constant 1 : i32
          %shift_right_logical3A_257 = vector.broadcast %shift_right_logical3A_256 : i32 to vector<16xi32>
          %shift_right_logical3A_258 = arith.shrui %get3A_255, %shift_right_logical3A_257 : vector<16xi32>
          %swap3A_259 = arith.constant 0 : i32
          %swap3A_260 = arith.index_cast %swap3A_259 : i32 to index
          %swap3A_261 = arith.constant 16 : index
          %swap3A_262 = tpu.vector_load %arg6[%swap3A_260, %swap3A_261] {strides = array<i32>} : memref<2x128xi32, #tpu.memory_space<vmem>>, vector<16xi32>,
          tpu.vector_store %arg6[%swap3A_260, %swap3A_261], %shift_right_logical3A_258 {strides = array<i32>} : memref<2x128xi32, #tpu.memory_space<vmem>>, vector<16xi32>,
          %get3A_263 = arith.index_cast %div3A_242 : i32 to index
          %get3A_264 = arith.constant 32 : index
          %get3A_265 = tpu.vector_load %arg5[%get3A_263, %get3A_264] {strides = array<i32>} : memref<128x200xi32, #tpu.memory_space<vmem>>, vector<16xi32>,
          %shift_right_logical3A_266 = arith.constant 1 : i32
          %shift_right_logical3A_267 = vector.broadcast %shift_right_logical3A_266 : i32 to vector<16xi32>
          %shift_right_logical3A_268 = arith.shrui %get3A_265, %shift_right_logical3A_267 : vector<16xi32>
          %swap3A_269 = arith.constant 0 : i32
          %swap3A_270 = arith.index_cast %swap3A_269 : i32 to index
          %swap3A_271 = arith.constant 32 : index
          %swap3A_272 = tpu.vector_load %arg6[%swap3A_270, %swap3A_271] {strides = array<i32>} : memref<2x128xi32, #tpu.memory_space<vmem>>, vector<16xi32>,
          tpu.vector_store %arg6[%swap3A_270, %swap3A_271], %shift_right_logical3A_268 {strides = array<i32>} : memref<2x128xi32, #tpu.memory_space<vmem>>, vector<16xi32>,
          %get3A_273 = arith.index_cast %div3A_242 : i32 to index
          %get3A_274 = arith.constant 48 : index
          %get3A_275 = tpu.vector_load %arg5[%get3A_273, %get3A_274] {strides = array<i32>} : memref<128x200xi32, #tpu.memory_space<vmem>>, vector<16xi32>,
          %shift_right_logical3A_276 = arith.constant 1 : i32
          %shift_right_logical3A_277 = vector.broadcast %shift_right_logical3A_276 : i32 to vector<16xi32>
          %shift_right_logical3A_278 = arith.shrui %get3A_275, %shift_right_logical3A_277 : vector<16xi32>
          %swap3A_279 = arith.constant 0 : i32
          %swap3A_280 = arith.index_cast %swap3A_279 : i32 to index
          %swap3A_281 = arith.constant 48 : index
          %swap3A_282 = tpu.vector_load %arg6[%swap3A_280, %swap3A_281] {strides = array<i32>} : memref<2x128xi32, #tpu.memory_space<vmem>>, vector<16xi32>,
          tpu.vector_store %arg6[%swap3A_280, %swap3A_281], %shift_right_logical3A_278 {strides = array<i32>} : memref<2x128xi32, #tpu.memory_space<vmem>>, vector<16xi32>,
          %get3A_283 = arith.index_cast %div3A_242 : i32 to index
          %get3A_284 = arith.constant 64 : index
          %get3A_285 = tpu.vector_load %arg5[%get3A_283, %get3A_284] {strides = array<i32>} : memref<128x200xi32, #tpu.memory_space<vmem>>, vector<16xi32>,
          %shift_right_logical3A_286 = arith.constant 1 : i32
          %shift_right_logical3A_287 = vector.broadcast %shift_right_logical3A_286 : i32 to vector<16xi32>
          %shift_right_logical3A_288 = arith.shrui %get3A_285, %shift_right_logical3A_287 : vector<16xi32>
          %swap3A_289 = arith.constant 0 : i32
          %swap3A_290 = arith.index_cast %swap3A_289 : i32 to index
          %swap3A_291 = arith.constant 64 : index
          %swap3A_292 = tpu.vector_load %arg6[%swap3A_290, %swap3A_291] {strides = array<i32>} : memref<2x128xi32, #tpu.memory_space<vmem>>, vector<16xi32>,
          tpu.vector_store %arg6[%swap3A_290, %swap3A_291], %shift_right_logical3A_288 {strides = array<i32>} : memref<2x128xi32, #tpu.memory_space<vmem>>, vector<16xi32>,
          %get3A_293 = arith.index_cast %div3A_242 : i32 to index
          %get3A_294 = arith.constant 80 : index
          %get3A_295 = tpu.vector_load %arg5[%get3A_293, %get3A_294] {strides = array<i32>} : memref<128x200xi32, #tpu.memory_space<vmem>>, vector<16xi32>,
          %shift_right_logical3A_296 = arith.constant 1 : i32
          %shift_right_logical3A_297 = vector.broadcast %shift_right_logical3A_296 : i32 to vector<16xi32>
          %shift_right_logical3A_298 = arith.shrui %get3A_295, %shift_right_logical3A_297 : vector<16xi32>
          %swap3A_299 = arith.constant 0 : i32
          %swap3A_300 = arith.index_cast %swap3A_299 : i32 to index
          %swap3A_301 = arith.constant 80 : index
          %swap3A_302 = tpu.vector_load %arg6[%swap3A_300, %swap3A_301] {strides = array<i32>} : memref<2x128xi32, #tpu.memory_space<vmem>>, vector<16xi32>,
          tpu.vector_store %arg6[%swap3A_300, %swap3A_301], %shift_right_logical3A_298 {strides = array<i32>} : memref<2x128xi32, #tpu.memory_space<vmem>>, vector<16xi32>,
          %dma_start3A_303 = arith.constant 0 : i32
          %dma_start3A_304 = arith.constant 0 : i32
          %dma_start3A_305 = arith.constant 0 : i32
          %dma_start3A_306 = arith.constant 0 : i32
          %dma_start3A_307 = arith.constant 0 : i32
          %dma_start3A_308 = tpu.memref_slice %arg7[%dma_start3A_304, %dma_start3A_306, %dma_start3A_307] : memref<2x104x128xf32, #tpu.memory_space<vmem>> -> memref<1x104x128xf32, #tpu.memory_space<vmem>>
          %dma_start3A_309 = tpu.memref_squeeze %dma_start3A_308 : memref<1x104x128xf32, #tpu.memory_space<vmem>> -> memref<104x128xf32, #tpu.memory_space<vmem>>
          %dma_start3A_310 = arith.constant 0 : i32
          %dma_start3A_311 = arith.constant 0 : i32
          %dma_start3A_312 = tpu.memref_slice %dma_start3A_309[%dma_start3A_310, %dma_start3A_311] : memref<104x128xf32, #tpu.memory_space<vmem>> -> memref<96x128xf32, #tpu.memory_space<vmem>>
          %dma_start3A_313 = arith.constant 0 : i32
          %dma_start3A_314 = tpu.memref_slice %arg6[%dma_start3A_303, %dma_start3A_313] : memref<2x128xi32, #tpu.memory_space<vmem>> -> memref<1x128xi32, #tpu.memory_space<vmem>>
          %dma_start3A_315 = tpu.memref_squeeze %dma_start3A_314 : memref<1x128xi32, #tpu.memory_space<vmem>> -> memref<128xi32, #tpu.memory_space<vmem>>
          %dma_start3A_316 = arith.constant 0 : i32
          %dma_start3A_317 = tpu.memref_slice %dma_start3A_315[%dma_start3A_316] : memref<128xi32, #tpu.memory_space<vmem>> -> memref<96xi32, #tpu.memory_space<vmem>>
          %dma_start3A_318 = arith.constant 0 : i32
          %dma_start3A_319 = arith.constant 0 : i32
          %dma_start3A_320 = tpu.memref_slice %arg3[%dma_start3A_318, %dma_start3A_319] : memref<500000x128xf32, #tpu.memory_space<hbm>> -> memref<500000x128xf32, #tpu.memory_space<hbm>>
          %dma_start3A_321 = tpu.memref_slice %arg9[%dma_start3A_305] : memref<2x!tpu.dma_semaphore, #tpu.memory_space<semaphore_mem>> -> memref<1x!tpu.dma_semaphore, #tpu.memory_space<semaphore_mem>>
          %dma_start3A_322 = tpu.memref_squeeze %dma_start3A_321 : memref<1x!tpu.dma_semaphore, #tpu.memory_space<semaphore_mem>> -> memref<!tpu.dma_semaphore, #tpu.memory_space<semaphore_mem>>
          tpu.enqueue_indirect_dma source(%dma_start3A_320 : memref<500000x128xf32, #tpu.memory_space<hbm>>) target(%dma_start3A_312 : memref<96x128xf32, #tpu.memory_space<vmem>>) offsets(%dma_start3A_317 : memref<96xi32, #tpu.memory_space<vmem>>) semaphore(%dma_start3A_322 : memref<!tpu.dma_semaphore, #tpu.memory_space<semaphore_mem>>)
        } else {
        }
        %dma_wait3A_168 = arith.constant 1 : i32
        %dma_wait3A_169 = arith.constant 1 : i32
        %dma_wait3A_170 = arith.constant 0 : i32
        %dma_wait3A_171 = arith.constant 0 : i32
        %dma_wait3A_172 = tpu.memref_slice %arg7[%dma_wait3A_168, %dma_wait3A_170, %dma_wait3A_171] : memref<2x104x128xf32, #tpu.memory_space<vmem>> -> memref<1x104x128xf32, #tpu.memory_space<vmem>>
        %dma_wait3A_173 = tpu.memref_squeeze %dma_wait3A_172 : memref<1x104x128xf32, #tpu.memory_space<vmem>> -> memref<104x128xf32, #tpu.memory_space<vmem>>
        %dma_wait3A_174 = arith.constant 0 : i32
        %dma_wait3A_175 = arith.constant 0 : i32
        %dma_wait3A_176 = tpu.memref_slice %dma_wait3A_173[%dma_wait3A_174, %dma_wait3A_175] : memref<104x128xf32, #tpu.memory_space<vmem>> -> memref<104x128xf32, #tpu.memory_space<vmem>>
        %dma_wait3A_177 = arith.constant 0 : i32
        %dma_wait3A_178 = arith.constant 0 : i32
        %dma_wait3A_179 = tpu.memref_slice %arg3[%dma_wait3A_177, %dma_wait3A_178] : memref<500000x128xf32, #tpu.memory_space<hbm>> -> memref<104x128xf32, #tpu.memory_space<hbm>>
        %dma_wait3A_180 = tpu.memref_slice %arg9[%dma_wait3A_169] : memref<2x!tpu.dma_semaphore, #tpu.memory_space<semaphore_mem>> -> memref<1x!tpu.dma_semaphore, #tpu.memory_space<semaphore_mem>>
        %dma_wait3A_181 = tpu.memref_squeeze %dma_wait3A_180 : memref<1x!tpu.dma_semaphore, #tpu.memory_space<semaphore_mem>> -> memref<!tpu.dma_semaphore, #tpu.memory_space<semaphore_mem>>
        %dma_wait3A_182 = arith.constant 0 : i32
        %dma_wait3A_183 = arith.constant 0 : i32
        %dma_wait3A_184 = tpu.memref_slice %arg7[%dma_wait3A_168, %dma_wait3A_182, %dma_wait3A_183] : memref<2x104x128xf32, #tpu.memory_space<vmem>> -> memref<1x104x128xf32, #tpu.memory_space<vmem>>
        %dma_wait3A_185 = tpu.memref_squeeze %dma_wait3A_184 : memref<1x104x128xf32, #tpu.memory_space<vmem>> -> memref<104x128xf32, #tpu.memory_space<vmem>>
        %dma_wait3A_186 = arith.constant 0 : i32
        %dma_wait3A_187 = arith.constant 0 : i32
        %dma_wait3A_188 = tpu.memref_slice %dma_wait3A_185[%dma_wait3A_186, %dma_wait3A_187] : memref<104x128xf32, #tpu.memory_space<vmem>> -> memref<104x128xf32, #tpu.memory_space<vmem>>
        %dma_wait3A_189 = arith.constant 0 : i32
        %dma_wait3A_190 = arith.constant 0 : i32
        %dma_wait3A_191 = tpu.memref_slice %arg3[%dma_wait3A_189, %dma_wait3A_190] : memref<500000x128xf32, #tpu.memory_space<hbm>> -> memref<104x128xf32, #tpu.memory_space<hbm>>
        tpu.wait_dma2 semaphore(%dma_wait3A_181 : memref<!tpu.dma_semaphore, #tpu.memory_space<semaphore_mem>>) src(%dma_wait3A_191 : memref<104x128xf32, #tpu.memory_space<hbm>>) dst(%dma_wait3A_188 : memref<104x128xf32, #tpu.memory_space<vmem>>)
        %ge3A = arith.constant 2 : i32
        %ge3A_192 = arith.cmpi sge, %scan3A_151, %ge3A : i32
        %convert_element_type3A_193 = arith.extui %ge3A_192 : i1 to i32
        %cond3A_194 = arith.constant 0 : i32
        %cond3A_195 = arith.cmpi ne, %convert_element_type3A_193, %cond3A_194 : i32
        scf.if %cond3A_195 {
          %dma_wait3A_239 = arith.constant 0 : i32
          %dma_wait3A_240 = arith.constant 1 : i32
          %dma_wait3A_241 = arith.constant 1 : i32
          %dma_wait3A_242 = arith.constant 0 : i32
          %dma_wait3A_243 = arith.constant 0 : i32
          %dma_wait3A_244 = tpu.memref_slice %arg8[%dma_wait3A_240, %dma_wait3A_242, %dma_wait3A_243] : memref<2x104x64xf32, #tpu.memory_space<vmem>> -> memref<1x104x64xf32, #tpu.memory_space<vmem>>
          %dma_wait3A_245 = tpu.memref_squeeze %dma_wait3A_244 : memref<1x104x64xf32, #tpu.memory_space<vmem>> -> memref<104x64xf32, #tpu.memory_space<vmem>>
          %dma_wait3A_246 = arith.constant 0 : i32
          %dma_wait3A_247 = arith.constant 0 : i32
          %dma_wait3A_248 = tpu.memref_slice %dma_wait3A_245[%dma_wait3A_246, %dma_wait3A_247] : memref<104x64xf32, #tpu.memory_space<vmem>> -> memref<104x64xf32, #tpu.memory_space<vmem>>
          %dma_wait3A_249 = arith.constant 0 : i32
          %dma_wait3A_250 = arith.constant 0 : i32
          %dma_wait3A_251 = tpu.memref_slice %arg4[%dma_wait3A_239, %dma_wait3A_249, %dma_wait3A_250] : memref<4096x200x64xf32, #tpu.memory_space<hbm>> -> memref<1x200x64xf32, #tpu.memory_space<hbm>>
          %dma_wait3A_252 = tpu.memref_squeeze %dma_wait3A_251 : memref<1x200x64xf32, #tpu.memory_space<hbm>> -> memref<200x64xf32, #tpu.memory_space<hbm>>
          %dma_wait3A_253 = arith.constant 0 : i32
          %dma_wait3A_254 = arith.constant 0 : i32
          %dma_wait3A_255 = tpu.memref_slice %dma_wait3A_252[%dma_wait3A_253, %dma_wait3A_254] : memref<200x64xf32, #tpu.memory_space<hbm>> -> memref<104x64xf32, #tpu.memory_space<hbm>>
          %dma_wait3A_256 = tpu.memref_slice %arg10[%dma_wait3A_241] : memref<2x!tpu.dma_semaphore, #tpu.memory_space<semaphore_mem>> -> memref<1x!tpu.dma_semaphore, #tpu.memory_space<semaphore_mem>>
          %dma_wait3A_257 = tpu.memref_squeeze %dma_wait3A_256 : memref<1x!tpu.dma_semaphore, #tpu.memory_space<semaphore_mem>> -> memref<!tpu.dma_semaphore, #tpu.memory_space<semaphore_mem>>
          %dma_wait3A_258 = arith.constant 0 : i32
          %dma_wait3A_259 = arith.constant 0 : i32
          %dma_wait3A_260 = tpu.memref_slice %arg8[%dma_wait3A_240, %dma_wait3A_258, %dma_wait3A_259] : memref<2x104x64xf32, #tpu.memory_space<vmem>> -> memref<1x104x64xf32, #tpu.memory_space<vmem>>
          %dma_wait3A_261 = tpu.memref_squeeze %dma_wait3A_260 : memref<1x104x64xf32, #tpu.memory_space<vmem>> -> memref<104x64xf32, #tpu.memory_space<vmem>>
          %dma_wait3A_262 = arith.constant 0 : i32
          %dma_wait3A_263 = arith.constant 0 : i32
          %dma_wait3A_264 = tpu.memref_slice %dma_wait3A_261[%dma_wait3A_262, %dma_wait3A_263] : memref<104x64xf32, #tpu.memory_space<vmem>> -> memref<104x64xf32, #tpu.memory_space<vmem>>
          %dma_wait3A_265 = arith.constant 0 : i32
          %dma_wait3A_266 = arith.constant 0 : i32
          %dma_wait3A_267 = tpu.memref_slice %arg4[%dma_wait3A_239, %dma_wait3A_265, %dma_wait3A_266] : memref<4096x200x64xf32, #tpu.memory_space<hbm>> -> memref<1x200x64xf32, #tpu.memory_space<hbm>>
          %dma_wait3A_268 = tpu.memref_squeeze %dma_wait3A_267 : memref<1x200x64xf32, #tpu.memory_space<hbm>> -> memref<200x64xf32, #tpu.memory_space<hbm>>
          %dma_wait3A_269 = arith.constant 0 : i32
          %dma_wait3A_270 = arith.constant 0 : i32
          %dma_wait3A_271 = tpu.memref_slice %dma_wait3A_268[%dma_wait3A_269, %dma_wait3A_270] : memref<200x64xf32, #tpu.memory_space<hbm>> -> memref<104x64xf32, #tpu.memory_space<hbm>>
          tpu.wait_dma2 semaphore(%dma_wait3A_257 : memref<!tpu.dma_semaphore, #tpu.memory_space<semaphore_mem>>) src(%dma_wait3A_271 : memref<104x64xf32, #tpu.memory_space<hbm>>) dst(%dma_wait3A_264 : memref<104x64xf32, #tpu.memory_space<vmem>>)
        } else {
        }
        %div3A_196 = arith.constant 2 : i32
        %div3A_197 = arith.divsi %scan3A_151, %div3A_196 : i32
        %scan3A_198 = arith.constant 0 : i32
        %scan3A_199 = arith.constant 0 : i32
        %scan3A_200 = arith.constant 7 : i32
        %scan3A_201 = arith.addi %scan3A_199, %scan3A_200 : i32
        %scan3A_202 = arith.constant 1 : i32
        scf.for %scan3A_239 = %scan3A_199 to %scan3A_201 step %scan3A_202  : i32 {
          %mul3A_240 = arith.constant 16 : i32
          %mul3A_241 = arith.muli %scan3A_239, %mul3A_240 : i32
          %min3A = arith.constant 88 : i32
          %min3A_242 = arith.minsi %mul3A_241, %min3A : i32
          %add3A_243 = arith.constant 96 : i32
          %add3A_244 = arith.addi %add3A_243, %min3A_242 : i32
          %get3A_245 = arith.index_cast %div3A_197 : i32 to index
          %get3A_246 = arith.index_cast %add3A_244 : i32 to index
          %get3A_247 = tpu.vector_load %arg5[%get3A_245, %get3A_246] {strides = array<i32>} : memref<128x200xi32, #tpu.memory_space<vmem>>, vector<16xi32>,
          %and3A = arith.constant 1 : i32
          %and3A_248 = vector.broadcast %and3A : i32 to vector<16xi32>
          %and3A_249 = arith.andi %get3A_247, %and3A_248 : vector<16xi32>
          %add3A_250 = arith.constant 0 : i32
          %add3A_251 = arith.addi %min3A_242, %add3A_250 : i32
          %broadcast_in_dim3A = arith.constant 0 : i32
          %broadcast_in_dim3A_252 = vector.broadcast %broadcast_in_dim3A : i32 to vector<16x1xi32>
          %gather3A = vector.shape_cast %broadcast_in_dim3A_252 : vector<16x1xi32> to vector<16xi32>
          %gather3A_253 = tpu.dynamic_gather %and3A_249[%gather3A] in [0] : vector<16xi32>, vector<16xi32> -> vector<16xi32>
          %eq3A_254 = arith.constant 1 : i32
          %eq3A_255 = vector.broadcast %eq3A_254 : i32 to vector<16xi32>
          %eq3A_256 = arith.cmpi eq, %gather3A_253, %eq3A_255 : vector<16xi32>
          %get3A_257 = arith.constant 1 : i32
          %get3A_258 = arith.index_cast %get3A_257 : i32 to index
          %get3A_259 = arith.index_cast %add3A_251 : i32 to index
          %get3A_260 = arith.constant 0 : index
          %get3A_261 = tpu.vector_load %arg7[%get3A_258, %get3A_259, %get3A_260] {strides = array<i32>} : memref<2x104x128xf32, #tpu.memory_space<vmem>>, vector<16xf32>,
          %get3A_262 = arith.constant 1 : i32
          %get3A_263 = arith.index_cast %get3A_262 : i32 to index
          %get3A_264 = arith.index_cast %add3A_251 : i32 to index
          %get3A_265 = arith.constant 64 : index
          %get3A_266 = tpu.vector_load %arg7[%get3A_263, %get3A_264, %get3A_265] {strides = array<i32>} : memref<2x104x128xf32, #tpu.memory_space<vmem>>, vector<16xf32>,
          %select_n3A = arith.select %eq3A_256, %get3A_266, %get3A_261 : vector<16xi1>, vector<16xf32>
          %mul3A_267 = arith.constant 8.000000e+00 : f32
          %mul3A_268 = vector.broadcast %mul3A_267 : f32 to vector<16xf32>
          %mul3A_269 = arith.mulf %select_n3A, %mul3A_268 : vector<16xf32>
          %swap3A_270 = arith.constant 1 : i32
          %swap3A_271 = arith.index_cast %swap3A_270 : i32 to index
          %swap3A_272 = arith.index_cast %add3A_251 : i32 to index
          %swap3A_273 = arith.constant 0 : index
          %swap3A_274 = tpu.vector_load %arg8[%swap3A_271, %swap3A_272, %swap3A_273] {strides = array<i32>} : memref<2x104x64xf32, #tpu.memory_space<vmem>>, vector<16xf32>,
          tpu.vector_store %arg8[%swap3A_271, %swap3A_272, %swap3A_273], %mul3A_269 {strides = array<i32>} : memref<2x104x64xf32, #tpu.memory_space<vmem>>, vector<16xf32>,
          %get3A_275 = arith.constant 1 : i32
          %get3A_276 = arith.index_cast %get3A_275 : i32 to index
          %get3A_277 = arith.index_cast %add3A_251 : i32 to index
          %get3A_278 = arith.constant 16 : index
          %get3A_279 = tpu.vector_load %arg7[%get3A_276, %get3A_277, %get3A_278] {strides = array<i32>} : memref<2x104x128xf32, #tpu.memory_space<vmem>>, vector<16xf32>,
          %get3A_280 = arith.constant 1 : i32
          %get3A_281 = arith.index_cast %get3A_280 : i32 to index
          %get3A_282 = arith.index_cast %add3A_251 : i32 to index
          %get3A_283 = arith.constant 80 : index
          %get3A_284 = tpu.vector_load %arg7[%get3A_281, %get3A_282, %get3A_283] {strides = array<i32>} : memref<2x104x128xf32, #tpu.memory_space<vmem>>, vector<16xf32>,
          %select_n3A_285 = arith.select %eq3A_256, %get3A_284, %get3A_279 : vector<16xi1>, vector<16xf32>
          %mul3A_286 = arith.constant 8.000000e+00 : f32
          %mul3A_287 = vector.broadcast %mul3A_286 : f32 to vector<16xf32>
          %mul3A_288 = arith.mulf %select_n3A_285, %mul3A_287 : vector<16xf32>
          %swap3A_289 = arith.constant 1 : i32
          %swap3A_290 = arith.index_cast %swap3A_289 : i32 to index
          %swap3A_291 = arith.index_cast %add3A_251 : i32 to index
          %swap3A_292 = arith.constant 16 : index
          %swap3A_293 = tpu.vector_load %arg8[%swap3A_290, %swap3A_291, %swap3A_292] {strides = array<i32>} : memref<2x104x64xf32, #tpu.memory_space<vmem>>, vector<16xf32>,
          tpu.vector_store %arg8[%swap3A_290, %swap3A_291, %swap3A_292], %mul3A_288 {strides = array<i32>} : memref<2x104x64xf32, #tpu.memory_space<vmem>>, vector<16xf32>,
          %get3A_294 = arith.constant 1 : i32
          %get3A_295 = arith.index_cast %get3A_294 : i32 to index
          %get3A_296 = arith.index_cast %add3A_251 : i32 to index
          %get3A_297 = arith.constant 32 : index
          %get3A_298 = tpu.vector_load %arg7[%get3A_295, %get3A_296, %get3A_297] {strides = array<i32>} : memref<2x104x128xf32, #tpu.memory_space<vmem>>, vector<16xf32>,
          %get3A_299 = arith.constant 1 : i32
          %get3A_300 = arith.index_cast %get3A_299 : i32 to index
          %get3A_301 = arith.index_cast %add3A_251 : i32 to index
          %get3A_302 = arith.constant 96 : index
          %get3A_303 = tpu.vector_load %arg7[%get3A_300, %get3A_301, %get3A_302] {strides = array<i32>} : memref<2x104x128xf32, #tpu.memory_space<vmem>>, vector<16xf32>,
          %select_n3A_304 = arith.select %eq3A_256, %get3A_303, %get3A_298 : vector<16xi1>, vector<16xf32>
          %mul3A_305 = arith.constant 8.000000e+00 : f32
          %mul3A_306 = vector.broadcast %mul3A_305 : f32 to vector<16xf32>
          %mul3A_307 = arith.mulf %select_n3A_304, %mul3A_306 : vector<16xf32>
          %swap3A_308 = arith.constant 1 : i32
          %swap3A_309 = arith.index_cast %swap3A_308 : i32 to index
          %swap3A_310 = arith.index_cast %add3A_251 : i32 to index
          %swap3A_311 = arith.constant 32 : index
          %swap3A_312 = tpu.vector_load %arg8[%swap3A_309, %swap3A_310, %swap3A_311] {strides = array<i32>} : memref<2x104x64xf32, #tpu.memory_space<vmem>>, vector<16xf32>,
          tpu.vector_store %arg8[%swap3A_309, %swap3A_310, %swap3A_311], %mul3A_307 {strides = array<i32>} : memref<2x104x64xf32, #tpu.memory_space<vmem>>, vector<16xf32>,
          %get3A_313 = arith.constant 1 : i32
          %get3A_314 = arith.index_cast %get3A_313 : i32 to index
          %get3A_315 = arith.index_cast %add3A_251 : i32 to index
          %get3A_316 = arith.constant 48 : index
          %get3A_317 = tpu.vector_load %arg7[%get3A_314, %get3A_315, %get3A_316] {strides = array<i32>} : memref<2x104x128xf32, #tpu.memory_space<vmem>>, vector<16xf32>,
          %get3A_318 = arith.constant 1 : i32
          %get3A_319 = arith.index_cast %get3A_318 : i32 to index
          %get3A_320 = arith.index_cast %add3A_251 : i32 to index
          %get3A_321 = arith.constant 112 : index
          %get3A_322 = tpu.vector_load %arg7[%get3A_319, %get3A_320, %get3A_321] {strides = array<i32>} : memref<2x104x128xf32, #tpu.memory_space<vmem>>, vector<16xf32>,
          %select_n3A_323 = arith.select %eq3A_256, %get3A_322, %get3A_317 : vector<16xi1>, vector<16xf32>
          %mul3A_324 = arith.constant 8.000000e+00 : f32
          %mul3A_325 = vector.broadcast %mul3A_324 : f32 to vector<16xf32>
          %mul3A_326 = arith.mulf %select_n3A_323, %mul3A_325 : vector<16xf32>
          %swap3A_327 = arith.constant 1 : i32
          %swap3A_328 = arith.index_cast %swap3A_327 : i32 to index
          %swap3A_329 = arith.index_cast %add3A_251 : i32 to index
          %swap3A_330 = arith.constant 48 : index
          %swap3A_331 = tpu.vector_load %arg8[%swap3A_328, %swap3A_329, %swap3A_330] {strides = array<i32>} : memref<2x104x64xf32, #tpu.memory_space<vmem>>, vector<16xf32>,
          tpu.vector_store %arg8[%swap3A_328, %swap3A_329, %swap3A_330], %mul3A_326 {strides = array<i32>} : memref<2x104x64xf32, #tpu.memory_space<vmem>>, vector<16xf32>,
          %add3A_332 = arith.constant 1 : i32
          %add3A_333 = arith.addi %min3A_242, %add3A_332 : i32
          %broadcast_in_dim3A_334 = arith.constant 1 : i32
          %broadcast_in_dim3A_335 = vector.broadcast %broadcast_in_dim3A_334 : i32 to vector<16x1xi32>
          %gather3A_336 = vector.shape_cast %broadcast_in_dim3A_335 : vector<16x1xi32> to vector<16xi32>
          %gather3A_337 = tpu.dynamic_gather %and3A_249[%gather3A_336] in [0] : vector<16xi32>, vector<16xi32> -> vector<16xi32>
          %eq3A_338 = arith.constant 1 : i32
          %eq3A_339 = vector.broadcast %eq3A_338 : i32 to vector<16xi32>
          %eq3A_340 = arith.cmpi eq, %gather3A_337, %eq3A_339 : vector<16xi32>
          %get3A_341 = arith.constant 1 : i32
          %get3A_342 = arith.index_cast %get3A_341 : i32 to index
          %get3A_343 = arith.index_cast %add3A_333 : i32 to index
          %get3A_344 = arith.constant 0 : index
          %get3A_345 = tpu.vector_load %arg7[%get3A_342, %get3A_343, %get3A_344] {strides = array<i32>} : memref<2x104x128xf32, #tpu.memory_space<vmem>>, vector<16xf32>,
          %get3A_346 = arith.constant 1 : i32
          %get3A_347 = arith.index_cast %get3A_346 : i32 to index
          %get3A_348 = arith.index_cast %add3A_333 : i32 to index
          %get3A_349 = arith.constant 64 : index
          %get3A_350 = tpu.vector_load %arg7[%get3A_347, %get3A_348, %get3A_349] {strides = array<i32>} : memref<2x104x128xf32, #tpu.memory_space<vmem>>, vector<16xf32>,
          %select_n3A_351 = arith.select %eq3A_340, %get3A_350, %get3A_345 : vector<16xi1>, vector<16xf32>
          %mul3A_352 = arith.constant 8.000000e+00 : f32
          %mul3A_353 = vector.broadcast %mul3A_352 : f32 to vector<16xf32>
          %mul3A_354 = arith.mulf %select_n3A_351, %mul3A_353 : vector<16xf32>
          %swap3A_355 = arith.constant 1 : i32
          %swap3A_356 = arith.index_cast %swap3A_355 : i32 to index
          %swap3A_357 = arith.index_cast %add3A_333 : i32 to index
          %swap3A_358 = arith.constant 0 : index
          %swap3A_359 = tpu.vector_load %arg8[%swap3A_356, %swap3A_357, %swap3A_358] {strides = array<i32>} : memref<2x104x64xf32, #tpu.memory_space<vmem>>, vector<16xf32>,
          tpu.vector_store %arg8[%swap3A_356, %swap3A_357, %swap3A_358], %mul3A_354 {strides = array<i32>} : memref<2x104x64xf32, #tpu.memory_space<vmem>>, vector<16xf32>,
          %get3A_360 = arith.constant 1 : i32
          %get3A_361 = arith.index_cast %get3A_360 : i32 to index
          %get3A_362 = arith.index_cast %add3A_333 : i32 to index
          %get3A_363 = arith.constant 16 : index
          %get3A_364 = tpu.vector_load %arg7[%get3A_361, %get3A_362, %get3A_363] {strides = array<i32>} : memref<2x104x128xf32, #tpu.memory_space<vmem>>, vector<16xf32>,
          %get3A_365 = arith.constant 1 : i32
          %get3A_366 = arith.index_cast %get3A_365 : i32 to index
          %get3A_367 = arith.index_cast %add3A_333 : i32 to index
          %get3A_368 = arith.constant 80 : index
          %get3A_369 = tpu.vector_load %arg7[%get3A_366, %get3A_367, %get3A_368] {strides = array<i32>} : memref<2x104x128xf32, #tpu.memory_space<vmem>>, vector<16xf32>,
          %select_n3A_370 = arith.select %eq3A_340, %get3A_369, %get3A_364 : vector<16xi1>, vector<16xf32>
          %mul3A_371 = arith.constant 8.000000e+00 : f32
          %mul3A_372 = vector.broadcast %mul3A_371 : f32 to vector<16xf32>
          %mul3A_373 = arith.mulf %select_n3A_370, %mul3A_372 : vector<16xf32>
          %swap3A_374 = arith.constant 1 : i32
          %swap3A_375 = arith.index_cast %swap3A_374 : i32 to index
          %swap3A_376 = arith.index_cast %add3A_333 : i32 to index
          %swap3A_377 = arith.constant 16 : index
          %swap3A_378 = tpu.vector_load %arg8[%swap3A_375, %swap3A_376, %swap3A_377] {strides = array<i32>} : memref<2x104x64xf32, #tpu.memory_space<vmem>>, vector<16xf32>,
          tpu.vector_store %arg8[%swap3A_375, %swap3A_376, %swap3A_377], %mul3A_373 {strides = array<i32>} : memref<2x104x64xf32, #tpu.memory_space<vmem>>, vector<16xf32>,
          %get3A_379 = arith.constant 1 : i32
          %get3A_380 = arith.index_cast %get3A_379 : i32 to index
          %get3A_381 = arith.index_cast %add3A_333 : i32 to index
          %get3A_382 = arith.constant 32 : index
          %get3A_383 = tpu.vector_load %arg7[%get3A_380, %get3A_381, %get3A_382] {strides = array<i32>} : memref<2x104x128xf32, #tpu.memory_space<vmem>>, vector<16xf32>,
          %get3A_384 = arith.constant 1 : i32
          %get3A_385 = arith.index_cast %get3A_384 : i32 to index
          %get3A_386 = arith.index_cast %add3A_333 : i32 to index
          %get3A_387 = arith.constant 96 : index
          %get3A_388 = tpu.vector_load %arg7[%get3A_385, %get3A_386, %get3A_387] {strides = array<i32>} : memref<2x104x128xf32, #tpu.memory_space<vmem>>, vector<16xf32>,
          %select_n3A_389 = arith.select %eq3A_340, %get3A_388, %get3A_383 : vector<16xi1>, vector<16xf32>
          %mul3A_390 = arith.constant 8.000000e+00 : f32
          %mul3A_391 = vector.broadcast %mul3A_390 : f32 to vector<16xf32>
          %mul3A_392 = arith.mulf %select_n3A_389, %mul3A_391 : vector<16xf32>
          %swap3A_393 = arith.constant 1 : i32
          %swap3A_394 = arith.index_cast %swap3A_393 : i32 to index
          %swap3A_395 = arith.index_cast %add3A_333 : i32 to index
          %swap3A_396 = arith.constant 32 : index
          %swap3A_397 = tpu.vector_load %arg8[%swap3A_394, %swap3A_395, %swap3A_396] {strides = array<i32>} : memref<2x104x64xf32, #tpu.memory_space<vmem>>, vector<16xf32>,
          tpu.vector_store %arg8[%swap3A_394, %swap3A_395, %swap3A_396], %mul3A_392 {strides = array<i32>} : memref<2x104x64xf32, #tpu.memory_space<vmem>>, vector<16xf32>,
          %get3A_398 = arith.constant 1 : i32
          %get3A_399 = arith.index_cast %get3A_398 : i32 to index
          %get3A_400 = arith.index_cast %add3A_333 : i32 to index
          %get3A_401 = arith.constant 48 : index
          %get3A_402 = tpu.vector_load %arg7[%get3A_399, %get3A_400, %get3A_401] {strides = array<i32>} : memref<2x104x128xf32, #tpu.memory_space<vmem>>, vector<16xf32>,
          %get3A_403 = arith.constant 1 : i32
          %get3A_404 = arith.index_cast %get3A_403 : i32 to index
          %get3A_405 = arith.index_cast %add3A_333 : i32 to index
          %get3A_406 = arith.constant 112 : index
          %get3A_407 = tpu.vector_load %arg7[%get3A_404, %get3A_405, %get3A_406] {strides = array<i32>} : memref<2x104x128xf32, #tpu.memory_space<vmem>>, vector<16xf32>,
          %select_n3A_408 = arith.select %eq3A_340, %get3A_407, %get3A_402 : vector<16xi1>, vector<16xf32>
          %mul3A_409 = arith.constant 8.000000e+00 : f32
          %mul3A_410 = vector.broadcast %mul3A_409 : f32 to vector<16xf32>
          %mul3A_411 = arith.mulf %select_n3A_408, %mul3A_410 : vector<16xf32>
          %swap3A_412 = arith.constant 1 : i32
          %swap3A_413 = arith.index_cast %swap3A_412 : i32 to index
          %swap3A_414 = arith.index_cast %add3A_333 : i32 to index
          %swap3A_415 = arith.constant 48 : index
          %swap3A_416 = tpu.vector_load %arg8[%swap3A_413, %swap3A_414, %swap3A_415] {strides = array<i32>} : memref<2x104x64xf32, #tpu.memory_space<vmem>>, vector<16xf32>,
          tpu.vector_store %arg8[%swap3A_413, %swap3A_414, %swap3A_415], %mul3A_411 {strides = array<i32>} : memref<2x104x64xf32, #tpu.memory_space<vmem>>, vector<16xf32>,
          %add3A_417 = arith.constant 2 : i32
          %add3A_418 = arith.addi %min3A_242, %add3A_417 : i32
          %broadcast_in_dim3A_419 = arith.constant 2 : i32
          %broadcast_in_dim3A_420 = vector.broadcast %broadcast_in_dim3A_419 : i32 to vector<16x1xi32>
          %gather3A_421 = vector.shape_cast %broadcast_in_dim3A_420 : vector<16x1xi32> to vector<16xi32>
          %gather3A_422 = tpu.dynamic_gather %and3A_249[%gather3A_421] in [0] : vector<16xi32>, vector<16xi32> -> vector<16xi32>
          %eq3A_423 = arith.constant 1 : i32
          %eq3A_424 = vector.broadcast %eq3A_423 : i32 to vector<16xi32>
          %eq3A_425 = arith.cmpi eq, %gather3A_422, %eq3A_424 : vector<16xi32>
          %get3A_426 = arith.constant 1 : i32
          %get3A_427 = arith.index_cast %get3A_426 : i32 to index
          %get3A_428 = arith.index_cast %add3A_418 : i32 to index
          %get3A_429 = arith.constant 0 : index
          %get3A_430 = tpu.vector_load %arg7[%get3A_427, %get3A_428, %get3A_429] {strides = array<i32>} : memref<2x104x128xf32, #tpu.memory_space<vmem>>, vector<16xf32>,
          %get3A_431 = arith.constant 1 : i32
          %get3A_432 = arith.index_cast %get3A_431 : i32 to index
          %get3A_433 = arith.index_cast %add3A_418 : i32 to index
          %get3A_434 = arith.constant 64 : index
          %get3A_435 = tpu.vector_load %arg7[%get3A_432, %get3A_433, %get3A_434] {strides = array<i32>} : memref<2x104x128xf32, #tpu.memory_space<vmem>>, vector<16xf32>,
          %select_n3A_436 = arith.select %eq3A_425, %get3A_435, %get3A_430 : vector<16xi1>, vector<16xf32>
          %mul3A_437 = arith.constant 8.000000e+00 : f32
          %mul3A_438 = vector.broadcast %mul3A_437 : f32 to vector<16xf32>
          %mul3A_439 = arith.mulf %select_n3A_436, %mul3A_438 : vector<16xf32>
          %swap3A_440 = arith.constant 1 : i32
          %swap3A_441 = arith.index_cast %swap3A_440 : i32 to index
          %swap3A_442 = arith.index_cast %add3A_418 : i32 to index
          %swap3A_443 = arith.constant 0 : index
          %swap3A_444 = tpu.vector_load %arg8[%swap3A_441, %swap3A_442, %swap3A_443] {strides = array<i32>} : memref<2x104x64xf32, #tpu.memory_space<vmem>>, vector<16xf32>,
          tpu.vector_store %arg8[%swap3A_441, %swap3A_442, %swap3A_443], %mul3A_439 {strides = array<i32>} : memref<2x104x64xf32, #tpu.memory_space<vmem>>, vector<16xf32>,
          %get3A_445 = arith.constant 1 : i32
          %get3A_446 = arith.index_cast %get3A_445 : i32 to index
          %get3A_447 = arith.index_cast %add3A_418 : i32 to index
          %get3A_448 = arith.constant 16 : index
          %get3A_449 = tpu.vector_load %arg7[%get3A_446, %get3A_447, %get3A_448] {strides = array<i32>} : memref<2x104x128xf32, #tpu.memory_space<vmem>>, vector<16xf32>,
          %get3A_450 = arith.constant 1 : i32
          %get3A_451 = arith.index_cast %get3A_450 : i32 to index
          %get3A_452 = arith.index_cast %add3A_418 : i32 to index
          %get3A_453 = arith.constant 80 : index
          %get3A_454 = tpu.vector_load %arg7[%get3A_451, %get3A_452, %get3A_453] {strides = array<i32>} : memref<2x104x128xf32, #tpu.memory_space<vmem>>, vector<16xf32>,
          %select_n3A_455 = arith.select %eq3A_425, %get3A_454, %get3A_449 : vector<16xi1>, vector<16xf32>
          %mul3A_456 = arith.constant 8.000000e+00 : f32
          %mul3A_457 = vector.broadcast %mul3A_456 : f32 to vector<16xf32>
          %mul3A_458 = arith.mulf %select_n3A_455, %mul3A_457 : vector<16xf32>
          %swap3A_459 = arith.constant 1 : i32
          %swap3A_460 = arith.index_cast %swap3A_459 : i32 to index
          %swap3A_461 = arith.index_cast %add3A_418 : i32 to index
          %swap3A_462 = arith.constant 16 : index
          %swap3A_463 = tpu.vector_load %arg8[%swap3A_460, %swap3A_461, %swap3A_462] {strides = array<i32>} : memref<2x104x64xf32, #tpu.memory_space<vmem>>, vector<16xf32>,
          tpu.vector_store %arg8[%swap3A_460, %swap3A_461, %swap3A_462], %mul3A_458 {strides = array<i32>} : memref<2x104x64xf32, #tpu.memory_space<vmem>>, vector<16xf32>,
          %get3A_464 = arith.constant 1 : i32
          %get3A_465 = arith.index_cast %get3A_464 : i32 to index
          %get3A_466 = arith.index_cast %add3A_418 : i32 to index
          %get3A_467 = arith.constant 32 : index
          %get3A_468 = tpu.vector_load %arg7[%get3A_465, %get3A_466, %get3A_467] {strides = array<i32>} : memref<2x104x128xf32, #tpu.memory_space<vmem>>, vector<16xf32>,
          %get3A_469 = arith.constant 1 : i32
          %get3A_470 = arith.index_cast %get3A_469 : i32 to index
          %get3A_471 = arith.index_cast %add3A_418 : i32 to index
          %get3A_472 = arith.constant 96 : index
          %get3A_473 = tpu.vector_load %arg7[%get3A_470, %get3A_471, %get3A_472] {strides = array<i32>} : memref<2x104x128xf32, #tpu.memory_space<vmem>>, vector<16xf32>,
          %select_n3A_474 = arith.select %eq3A_425, %get3A_473, %get3A_468 : vector<16xi1>, vector<16xf32>
          %mul3A_475 = arith.constant 8.000000e+00 : f32
          %mul3A_476 = vector.broadcast %mul3A_475 : f32 to vector<16xf32>
          %mul3A_477 = arith.mulf %select_n3A_474, %mul3A_476 : vector<16xf32>
          %swap3A_478 = arith.constant 1 : i32
          %swap3A_479 = arith.index_cast %swap3A_478 : i32 to index
          %swap3A_480 = arith.index_cast %add3A_418 : i32 to index
          %swap3A_481 = arith.constant 32 : index
          %swap3A_482 = tpu.vector_load %arg8[%swap3A_479, %swap3A_480, %swap3A_481] {strides = array<i32>} : memref<2x104x64xf32, #tpu.memory_space<vmem>>, vector<16xf32>,
          tpu.vector_store %arg8[%swap3A_479, %swap3A_480, %swap3A_481], %mul3A_477 {strides = array<i32>} : memref<2x104x64xf32, #tpu.memory_space<vmem>>, vector<16xf32>,
          %get3A_483 = arith.constant 1 : i32
          %get3A_484 = arith.index_cast %get3A_483 : i32 to index
          %get3A_485 = arith.index_cast %add3A_418 : i32 to index
          %get3A_486 = arith.constant 48 : index
          %get3A_487 = tpu.vector_load %arg7[%get3A_484, %get3A_485, %get3A_486] {strides = array<i32>} : memref<2x104x128xf32, #tpu.memory_space<vmem>>, vector<16xf32>,
          %get3A_488 = arith.constant 1 : i32
          %get3A_489 = arith.index_cast %get3A_488 : i32 to index
          %get3A_490 = arith.index_cast %add3A_418 : i32 to index
          %get3A_491 = arith.constant 112 : index
          %get3A_492 = tpu.vector_load %arg7[%get3A_489, %get3A_490, %get3A_491] {strides = array<i32>} : memref<2x104x128xf32, #tpu.memory_space<vmem>>, vector<16xf32>,
          %select_n3A_493 = arith.select %eq3A_425, %get3A_492, %get3A_487 : vector<16xi1>, vector<16xf32>
          %mul3A_494 = arith.constant 8.000000e+00 : f32
          %mul3A_495 = vector.broadcast %mul3A_494 : f32 to vector<16xf32>
          %mul3A_496 = arith.mulf %select_n3A_493, %mul3A_495 : vector<16xf32>
          %swap3A_497 = arith.constant 1 : i32
          %swap3A_498 = arith.index_cast %swap3A_497 : i32 to index
          %swap3A_499 = arith.index_cast %add3A_418 : i32 to index
          %swap3A_500 = arith.constant 48 : index
          %swap3A_501 = tpu.vector_load %arg8[%swap3A_498, %swap3A_499, %swap3A_500] {strides = array<i32>} : memref<2x104x64xf32, #tpu.memory_space<vmem>>, vector<16xf32>,
          tpu.vector_store %arg8[%swap3A_498, %swap3A_499, %swap3A_500], %mul3A_496 {strides = array<i32>} : memref<2x104x64xf32, #tpu.memory_space<vmem>>, vector<16xf32>,
          %add3A_502 = arith.constant 3 : i32
          %add3A_503 = arith.addi %min3A_242, %add3A_502 : i32
          %broadcast_in_dim3A_504 = arith.constant 3 : i32
          %broadcast_in_dim3A_505 = vector.broadcast %broadcast_in_dim3A_504 : i32 to vector<16x1xi32>
          %gather3A_506 = vector.shape_cast %broadcast_in_dim3A_505 : vector<16x1xi32> to vector<16xi32>
          %gather3A_507 = tpu.dynamic_gather %and3A_249[%gather3A_506] in [0] : vector<16xi32>, vector<16xi32> -> vector<16xi32>
          %eq3A_508 = arith.constant 1 : i32
          %eq3A_509 = vector.broadcast %eq3A_508 : i32 to vector<16xi32>
          %eq3A_510 = arith.cmpi eq, %gather3A_507, %eq3A_509 : vector<16xi32>
          %get3A_511 = arith.constant 1 : i32
          %get3A_512 = arith.index_cast %get3A_511 : i32 to index
          %get3A_513 = arith.index_cast %add3A_503 : i32 to index
          %get3A_514 = arith.constant 0 : index
          %get3A_515 = tpu.vector_load %arg7[%get3A_512, %get3A_513, %get3A_514] {strides = array<i32>} : memref<2x104x128xf32, #tpu.memory_space<vmem>>, vector<16xf32>,
          %get3A_516 = arith.constant 1 : i32
          %get3A_517 = arith.index_cast %get3A_516 : i32 to index
          %get3A_518 = arith.index_cast %add3A_503 : i32 to index
          %get3A_519 = arith.constant 64 : index
          %get3A_520 = tpu.vector_load %arg7[%get3A_517, %get3A_518, %get3A_519] {strides = array<i32>} : memref<2x104x128xf32, #tpu.memory_space<vmem>>, vector<16xf32>,
          %select_n3A_521 = arith.select %eq3A_510, %get3A_520, %get3A_515 : vector<16xi1>, vector<16xf32>
          %mul3A_522 = arith.constant 8.000000e+00 : f32
          %mul3A_523 = vector.broadcast %mul3A_522 : f32 to vector<16xf32>
          %mul3A_524 = arith.mulf %select_n3A_521, %mul3A_523 : vector<16xf32>
          %swap3A_525 = arith.constant 1 : i32
          %swap3A_526 = arith.index_cast %swap3A_525 : i32 to index
          %swap3A_527 = arith.index_cast %add3A_503 : i32 to index
          %swap3A_528 = arith.constant 0 : index
          %swap3A_529 = tpu.vector_load %arg8[%swap3A_526, %swap3A_527, %swap3A_528] {strides = array<i32>} : memref<2x104x64xf32, #tpu.memory_space<vmem>>, vector<16xf32>,
          tpu.vector_store %arg8[%swap3A_526, %swap3A_527, %swap3A_528], %mul3A_524 {strides = array<i32>} : memref<2x104x64xf32, #tpu.memory_space<vmem>>, vector<16xf32>,
          %get3A_530 = arith.constant 1 : i32
          %get3A_531 = arith.index_cast %get3A_530 : i32 to index
          %get3A_532 = arith.index_cast %add3A_503 : i32 to index
          %get3A_533 = arith.constant 16 : index
          %get3A_534 = tpu.vector_load %arg7[%get3A_531, %get3A_532, %get3A_533] {strides = array<i32>} : memref<2x104x128xf32, #tpu.memory_space<vmem>>, vector<16xf32>,
          %get3A_535 = arith.constant 1 : i32
          %get3A_536 = arith.index_cast %get3A_535 : i32 to index
          %get3A_537 = arith.index_cast %add3A_503 : i32 to index
          %get3A_538 = arith.constant 80 : index
          %get3A_539 = tpu.vector_load %arg7[%get3A_536, %get3A_537, %get3A_538] {strides = array<i32>} : memref<2x104x128xf32, #tpu.memory_space<vmem>>, vector<16xf32>,
          %select_n3A_540 = arith.select %eq3A_510, %get3A_539, %get3A_534 : vector<16xi1>, vector<16xf32>
          %mul3A_541 = arith.constant 8.000000e+00 : f32
          %mul3A_542 = vector.broadcast %mul3A_541 : f32 to vector<16xf32>
          %mul3A_543 = arith.mulf %select_n3A_540, %mul3A_542 : vector<16xf32>
          %swap3A_544 = arith.constant 1 : i32
          %swap3A_545 = arith.index_cast %swap3A_544 : i32 to index
          %swap3A_546 = arith.index_cast %add3A_503 : i32 to index
          %swap3A_547 = arith.constant 16 : index
          %swap3A_548 = tpu.vector_load %arg8[%swap3A_545, %swap3A_546, %swap3A_547] {strides = array<i32>} : memref<2x104x64xf32, #tpu.memory_space<vmem>>, vector<16xf32>,
          tpu.vector_store %arg8[%swap3A_545, %swap3A_546, %swap3A_547], %mul3A_543 {strides = array<i32>} : memref<2x104x64xf32, #tpu.memory_space<vmem>>, vector<16xf32>,
          %get3A_549 = arith.constant 1 : i32
          %get3A_550 = arith.index_cast %get3A_549 : i32 to index
          %get3A_551 = arith.index_cast %add3A_503 : i32 to index
          %get3A_552 = arith.constant 32 : index
          %get3A_553 = tpu.vector_load %arg7[%get3A_550, %get3A_551, %get3A_552] {strides = array<i32>} : memref<2x104x128xf32, #tpu.memory_space<vmem>>, vector<16xf32>,
          %get3A_554 = arith.constant 1 : i32
          %get3A_555 = arith.index_cast %get3A_554 : i32 to index
          %get3A_556 = arith.index_cast %add3A_503 : i32 to index
          %get3A_557 = arith.constant 96 : index
          %get3A_558 = tpu.vector_load %arg7[%get3A_555, %get3A_556, %get3A_557] {strides = array<i32>} : memref<2x104x128xf32, #tpu.memory_space<vmem>>, vector<16xf32>,
          %select_n3A_559 = arith.select %eq3A_510, %get3A_558, %get3A_553 : vector<16xi1>, vector<16xf32>
          %mul3A_560 = arith.constant 8.000000e+00 : f32
          %mul3A_561 = vector.broadcast %mul3A_560 : f32 to vector<16xf32>
          %mul3A_562 = arith.mulf %select_n3A_559, %mul3A_561 : vector<16xf32>
          %swap3A_563 = arith.constant 1 : i32
          %swap3A_564 = arith.index_cast %swap3A_563 : i32 to index
          %swap3A_565 = arith.index_cast %add3A_503 : i32 to index
          %swap3A_566 = arith.constant 32 : index
          %swap3A_567 = tpu.vector_load %arg8[%swap3A_564, %swap3A_565, %swap3A_566] {strides = array<i32>} : memref<2x104x64xf32, #tpu.memory_space<vmem>>, vector<16xf32>,
          tpu.vector_store %arg8[%swap3A_564, %swap3A_565, %swap3A_566], %mul3A_562 {strides = array<i32>} : memref<2x104x64xf32, #tpu.memory_space<vmem>>, vector<16xf32>,
          %get3A_568 = arith.constant 1 : i32
          %get3A_569 = arith.index_cast %get3A_568 : i32 to index
          %get3A_570 = arith.index_cast %add3A_503 : i32 to index
          %get3A_571 = arith.constant 48 : index
          %get3A_572 = tpu.vector_load %arg7[%get3A_569, %get3A_570, %get3A_571] {strides = array<i32>} : memref<2x104x128xf32, #tpu.memory_space<vmem>>, vector<16xf32>,
          %get3A_573 = arith.constant 1 : i32
          %get3A_574 = arith.index_cast %get3A_573 : i32 to index
          %get3A_575 = arith.index_cast %add3A_503 : i32 to index
          %get3A_576 = arith.constant 112 : index
          %get3A_577 = tpu.vector_load %arg7[%get3A_574, %get3A_575, %get3A_576] {strides = array<i32>} : memref<2x104x128xf32, #tpu.memory_space<vmem>>, vector<16xf32>,
          %select_n3A_578 = arith.select %eq3A_510, %get3A_577, %get3A_572 : vector<16xi1>, vector<16xf32>
          %mul3A_579 = arith.constant 8.000000e+00 : f32
          %mul3A_580 = vector.broadcast %mul3A_579 : f32 to vector<16xf32>
          %mul3A_581 = arith.mulf %select_n3A_578, %mul3A_580 : vector<16xf32>
          %swap3A_582 = arith.constant 1 : i32
          %swap3A_583 = arith.index_cast %swap3A_582 : i32 to index
          %swap3A_584 = arith.index_cast %add3A_503 : i32 to index
          %swap3A_585 = arith.constant 48 : index
          %swap3A_586 = tpu.vector_load %arg8[%swap3A_583, %swap3A_584, %swap3A_585] {strides = array<i32>} : memref<2x104x64xf32, #tpu.memory_space<vmem>>, vector<16xf32>,
          tpu.vector_store %arg8[%swap3A_583, %swap3A_584, %swap3A_585], %mul3A_581 {strides = array<i32>} : memref<2x104x64xf32, #tpu.memory_space<vmem>>, vector<16xf32>,
          %add3A_587 = arith.constant 4 : i32
          %add3A_588 = arith.addi %min3A_242, %add3A_587 : i32
          %broadcast_in_dim3A_589 = arith.constant 4 : i32
          %broadcast_in_dim3A_590 = vector.broadcast %broadcast_in_dim3A_589 : i32 to vector<16x1xi32>
          %gather3A_591 = vector.shape_cast %broadcast_in_dim3A_590 : vector<16x1xi32> to vector<16xi32>
          %gather3A_592 = tpu.dynamic_gather %and3A_249[%gather3A_591] in [0] : vector<16xi32>, vector<16xi32> -> vector<16xi32>
          %eq3A_593 = arith.constant 1 : i32
          %eq3A_594 = vector.broadcast %eq3A_593 : i32 to vector<16xi32>
          %eq3A_595 = arith.cmpi eq, %gather3A_592, %eq3A_594 : vector<16xi32>
          %get3A_596 = arith.constant 1 : i32
          %get3A_597 = arith.index_cast %get3A_596 : i32 to index
          %get3A_598 = arith.index_cast %add3A_588 : i32 to index
          %get3A_599 = arith.constant 0 : index
          %get3A_600 = tpu.vector_load %arg7[%get3A_597, %get3A_598, %get3A_599] {strides = array<i32>} : memref<2x104x128xf32, #tpu.memory_space<vmem>>, vector<16xf32>,
          %get3A_601 = arith.constant 1 : i32
          %get3A_602 = arith.index_cast %get3A_601 : i32 to index
          %get3A_603 = arith.index_cast %add3A_588 : i32 to index
          %get3A_604 = arith.constant 64 : index
          %get3A_605 = tpu.vector_load %arg7[%get3A_602, %get3A_603, %get3A_604] {strides = array<i32>} : memref<2x104x128xf32, #tpu.memory_space<vmem>>, vector<16xf32>,
          %select_n3A_606 = arith.select %eq3A_595, %get3A_605, %get3A_600 : vector<16xi1>, vector<16xf32>
          %mul3A_607 = arith.constant 8.000000e+00 : f32
          %mul3A_608 = vector.broadcast %mul3A_607 : f32 to vector<16xf32>
          %mul3A_609 = arith.mulf %select_n3A_606, %mul3A_608 : vector<16xf32>
          %swap3A_610 = arith.constant 1 : i32
          %swap3A_611 = arith.index_cast %swap3A_610 : i32 to index
          %swap3A_612 = arith.index_cast %add3A_588 : i32 to index
          %swap3A_613 = arith.constant 0 : index
          %swap3A_614 = tpu.vector_load %arg8[%swap3A_611, %swap3A_612, %swap3A_613] {strides = array<i32>} : memref<2x104x64xf32, #tpu.memory_space<vmem>>, vector<16xf32>,
          tpu.vector_store %arg8[%swap3A_611, %swap3A_612, %swap3A_613], %mul3A_609 {strides = array<i32>} : memref<2x104x64xf32, #tpu.memory_space<vmem>>, vector<16xf32>,
          %get3A_615 = arith.constant 1 : i32
          %get3A_616 = arith.index_cast %get3A_615 : i32 to index
          %get3A_617 = arith.index_cast %add3A_588 : i32 to index
          %get3A_618 = arith.constant 16 : index
          %get3A_619 = tpu.vector_load %arg7[%get3A_616, %get3A_617, %get3A_618] {strides = array<i32>} : memref<2x104x128xf32, #tpu.memory_space<vmem>>, vector<16xf32>,
          %get3A_620 = arith.constant 1 : i32
          %get3A_621 = arith.index_cast %get3A_620 : i32 to index
          %get3A_622 = arith.index_cast %add3A_588 : i32 to index
          %get3A_623 = arith.constant 80 : index
          %get3A_624 = tpu.vector_load %arg7[%get3A_621, %get3A_622, %get3A_623] {strides = array<i32>} : memref<2x104x128xf32, #tpu.memory_space<vmem>>, vector<16xf32>,
          %select_n3A_625 = arith.select %eq3A_595, %get3A_624, %get3A_619 : vector<16xi1>, vector<16xf32>
          %mul3A_626 = arith.constant 8.000000e+00 : f32
          %mul3A_627 = vector.broadcast %mul3A_626 : f32 to vector<16xf32>
          %mul3A_628 = arith.mulf %select_n3A_625, %mul3A_627 : vector<16xf32>
          %swap3A_629 = arith.constant 1 : i32
          %swap3A_630 = arith.index_cast %swap3A_629 : i32 to index
          %swap3A_631 = arith.index_cast %add3A_588 : i32 to index
          %swap3A_632 = arith.constant 16 : index
          %swap3A_633 = tpu.vector_load %arg8[%swap3A_630, %swap3A_631, %swap3A_632] {strides = array<i32>} : memref<2x104x64xf32, #tpu.memory_space<vmem>>, vector<16xf32>,
          tpu.vector_store %arg8[%swap3A_630, %swap3A_631, %swap3A_632], %mul3A_628 {strides = array<i32>} : memref<2x104x64xf32, #tpu.memory_space<vmem>>, vector<16xf32>,
          %get3A_634 = arith.constant 1 : i32
          %get3A_635 = arith.index_cast %get3A_634 : i32 to index
          %get3A_636 = arith.index_cast %add3A_588 : i32 to index
          %get3A_637 = arith.constant 32 : index
          %get3A_638 = tpu.vector_load %arg7[%get3A_635, %get3A_636, %get3A_637] {strides = array<i32>} : memref<2x104x128xf32, #tpu.memory_space<vmem>>, vector<16xf32>,
          %get3A_639 = arith.constant 1 : i32
          %get3A_640 = arith.index_cast %get3A_639 : i32 to index
          %get3A_641 = arith.index_cast %add3A_588 : i32 to index
          %get3A_642 = arith.constant 96 : index
          %get3A_643 = tpu.vector_load %arg7[%get3A_640, %get3A_641, %get3A_642] {strides = array<i32>} : memref<2x104x128xf32, #tpu.memory_space<vmem>>, vector<16xf32>,
          %select_n3A_644 = arith.select %eq3A_595, %get3A_643, %get3A_638 : vector<16xi1>, vector<16xf32>
          %mul3A_645 = arith.constant 8.000000e+00 : f32
          %mul3A_646 = vector.broadcast %mul3A_645 : f32 to vector<16xf32>
          %mul3A_647 = arith.mulf %select_n3A_644, %mul3A_646 : vector<16xf32>
          %swap3A_648 = arith.constant 1 : i32
          %swap3A_649 = arith.index_cast %swap3A_648 : i32 to index
          %swap3A_650 = arith.index_cast %add3A_588 : i32 to index
          %swap3A_651 = arith.constant 32 : index
          %swap3A_652 = tpu.vector_load %arg8[%swap3A_649, %swap3A_650, %swap3A_651] {strides = array<i32>} : memref<2x104x64xf32, #tpu.memory_space<vmem>>, vector<16xf32>,
          tpu.vector_store %arg8[%swap3A_649, %swap3A_650, %swap3A_651], %mul3A_647 {strides = array<i32>} : memref<2x104x64xf32, #tpu.memory_space<vmem>>, vector<16xf32>,
          %get3A_653 = arith.constant 1 : i32
          %get3A_654 = arith.index_cast %get3A_653 : i32 to index
          %get3A_655 = arith.index_cast %add3A_588 : i32 to index
          %get3A_656 = arith.constant 48 : index
          %get3A_657 = tpu.vector_load %arg7[%get3A_654, %get3A_655, %get3A_656] {strides = array<i32>} : memref<2x104x128xf32, #tpu.memory_space<vmem>>, vector<16xf32>,
          %get3A_658 = arith.constant 1 : i32
          %get3A_659 = arith.index_cast %get3A_658 : i32 to index
          %get3A_660 = arith.index_cast %add3A_588 : i32 to index
          %get3A_661 = arith.constant 112 : index
          %get3A_662 = tpu.vector_load %arg7[%get3A_659, %get3A_660, %get3A_661] {strides = array<i32>} : memref<2x104x128xf32, #tpu.memory_space<vmem>>, vector<16xf32>,
          %select_n3A_663 = arith.select %eq3A_595, %get3A_662, %get3A_657 : vector<16xi1>, vector<16xf32>
          %mul3A_664 = arith.constant 8.000000e+00 : f32
          %mul3A_665 = vector.broadcast %mul3A_664 : f32 to vector<16xf32>
          %mul3A_666 = arith.mulf %select_n3A_663, %mul3A_665 : vector<16xf32>
          %swap3A_667 = arith.constant 1 : i32
          %swap3A_668 = arith.index_cast %swap3A_667 : i32 to index
          %swap3A_669 = arith.index_cast %add3A_588 : i32 to index
          %swap3A_670 = arith.constant 48 : index
          %swap3A_671 = tpu.vector_load %arg8[%swap3A_668, %swap3A_669, %swap3A_670] {strides = array<i32>} : memref<2x104x64xf32, #tpu.memory_space<vmem>>, vector<16xf32>,
          tpu.vector_store %arg8[%swap3A_668, %swap3A_669, %swap3A_670], %mul3A_666 {strides = array<i32>} : memref<2x104x64xf32, #tpu.memory_space<vmem>>, vector<16xf32>,
          %add3A_672 = arith.constant 5 : i32
          %add3A_673 = arith.addi %min3A_242, %add3A_672 : i32
          %broadcast_in_dim3A_674 = arith.constant 5 : i32
          %broadcast_in_dim3A_675 = vector.broadcast %broadcast_in_dim3A_674 : i32 to vector<16x1xi32>
          %gather3A_676 = vector.shape_cast %broadcast_in_dim3A_675 : vector<16x1xi32> to vector<16xi32>
          %gather3A_677 = tpu.dynamic_gather %and3A_249[%gather3A_676] in [0] : vector<16xi32>, vector<16xi32> -> vector<16xi32>
          %eq3A_678 = arith.constant 1 : i32
          %eq3A_679 = vector.broadcast %eq3A_678 : i32 to vector<16xi32>
          %eq3A_680 = arith.cmpi eq, %gather3A_677, %eq3A_679 : vector<16xi32>
          %get3A_681 = arith.constant 1 : i32
          %get3A_682 = arith.index_cast %get3A_681 : i32 to index
          %get3A_683 = arith.index_cast %add3A_673 : i32 to index
          %get3A_684 = arith.constant 0 : index
          %get3A_685 = tpu.vector_load %arg7[%get3A_682, %get3A_683, %get3A_684] {strides = array<i32>} : memref<2x104x128xf32, #tpu.memory_space<vmem>>, vector<16xf32>,
          %get3A_686 = arith.constant 1 : i32
          %get3A_687 = arith.index_cast %get3A_686 : i32 to index
          %get3A_688 = arith.index_cast %add3A_673 : i32 to index
          %get3A_689 = arith.constant 64 : index
          %get3A_690 = tpu.vector_load %arg7[%get3A_687, %get3A_688, %get3A_689] {strides = array<i32>} : memref<2x104x128xf32, #tpu.memory_space<vmem>>, vector<16xf32>,
          %select_n3A_691 = arith.select %eq3A_680, %get3A_690, %get3A_685 : vector<16xi1>, vector<16xf32>
          %mul3A_692 = arith.constant 8.000000e+00 : f32
          %mul3A_693 = vector.broadcast %mul3A_692 : f32 to vector<16xf32>
          %mul3A_694 = arith.mulf %select_n3A_691, %mul3A_693 : vector<16xf32>
          %swap3A_695 = arith.constant 1 : i32
          %swap3A_696 = arith.index_cast %swap3A_695 : i32 to index
          %swap3A_697 = arith.index_cast %add3A_673 : i32 to index
          %swap3A_698 = arith.constant 0 : index
          %swap3A_699 = tpu.vector_load %arg8[%swap3A_696, %swap3A_697, %swap3A_698] {strides = array<i32>} : memref<2x104x64xf32, #tpu.memory_space<vmem>>, vector<16xf32>,
          tpu.vector_store %arg8[%swap3A_696, %swap3A_697, %swap3A_698], %mul3A_694 {strides = array<i32>} : memref<2x104x64xf32, #tpu.memory_space<vmem>>, vector<16xf32>,
          %get3A_700 = arith.constant 1 : i32
          %get3A_701 = arith.index_cast %get3A_700 : i32 to index
          %get3A_702 = arith.index_cast %add3A_673 : i32 to index
          %get3A_703 = arith.constant 16 : index
          %get3A_704 = tpu.vector_load %arg7[%get3A_701, %get3A_702, %get3A_703] {strides = array<i32>} : memref<2x104x128xf32, #tpu.memory_space<vmem>>, vector<16xf32>,
          %get3A_705 = arith.constant 1 : i32
          %get3A_706 = arith.index_cast %get3A_705 : i32 to index
          %get3A_707 = arith.index_cast %add3A_673 : i32 to index
          %get3A_708 = arith.constant 80 : index
          %get3A_709 = tpu.vector_load %arg7[%get3A_706, %get3A_707, %get3A_708] {strides = array<i32>} : memref<2x104x128xf32, #tpu.memory_space<vmem>>, vector<16xf32>,
          %select_n3A_710 = arith.select %eq3A_680, %get3A_709, %get3A_704 : vector<16xi1>, vector<16xf32>
          %mul3A_711 = arith.constant 8.000000e+00 : f32
          %mul3A_712 = vector.broadcast %mul3A_711 : f32 to vector<16xf32>
          %mul3A_713 = arith.mulf %select_n3A_710, %mul3A_712 : vector<16xf32>
          %swap3A_714 = arith.constant 1 : i32
          %swap3A_715 = arith.index_cast %swap3A_714 : i32 to index
          %swap3A_716 = arith.index_cast %add3A_673 : i32 to index
          %swap3A_717 = arith.constant 16 : index
          %swap3A_718 = tpu.vector_load %arg8[%swap3A_715, %swap3A_716, %swap3A_717] {strides = array<i32>} : memref<2x104x64xf32, #tpu.memory_space<vmem>>, vector<16xf32>,
          tpu.vector_store %arg8[%swap3A_715, %swap3A_716, %swap3A_717], %mul3A_713 {strides = array<i32>} : memref<2x104x64xf32, #tpu.memory_space<vmem>>, vector<16xf32>,
          %get3A_719 = arith.constant 1 : i32
          %get3A_720 = arith.index_cast %get3A_719 : i32 to index
          %get3A_721 = arith.index_cast %add3A_673 : i32 to index
          %get3A_722 = arith.constant 32 : index
          %get3A_723 = tpu.vector_load %arg7[%get3A_720, %get3A_721, %get3A_722] {strides = array<i32>} : memref<2x104x128xf32, #tpu.memory_space<vmem>>, vector<16xf32>,
          %get3A_724 = arith.constant 1 : i32
          %get3A_725 = arith.index_cast %get3A_724 : i32 to index
          %get3A_726 = arith.index_cast %add3A_673 : i32 to index
          %get3A_727 = arith.constant 96 : index
          %get3A_728 = tpu.vector_load %arg7[%get3A_725, %get3A_726, %get3A_727] {strides = array<i32>} : memref<2x104x128xf32, #tpu.memory_space<vmem>>, vector<16xf32>,
          %select_n3A_729 = arith.select %eq3A_680, %get3A_728, %get3A_723 : vector<16xi1>, vector<16xf32>
          %mul3A_730 = arith.constant 8.000000e+00 : f32
          %mul3A_731 = vector.broadcast %mul3A_730 : f32 to vector<16xf32>
          %mul3A_732 = arith.mulf %select_n3A_729, %mul3A_731 : vector<16xf32>
          %swap3A_733 = arith.constant 1 : i32
          %swap3A_734 = arith.index_cast %swap3A_733 : i32 to index
          %swap3A_735 = arith.index_cast %add3A_673 : i32 to index
          %swap3A_736 = arith.constant 32 : index
          %swap3A_737 = tpu.vector_load %arg8[%swap3A_734, %swap3A_735, %swap3A_736] {strides = array<i32>} : memref<2x104x64xf32, #tpu.memory_space<vmem>>, vector<16xf32>,
          tpu.vector_store %arg8[%swap3A_734, %swap3A_735, %swap3A_736], %mul3A_732 {strides = array<i32>} : memref<2x104x64xf32, #tpu.memory_space<vmem>>, vector<16xf32>,
          %get3A_738 = arith.constant 1 : i32
          %get3A_739 = arith.index_cast %get3A_738 : i32 to index
          %get3A_740 = arith.index_cast %add3A_673 : i32 to index
          %get3A_741 = arith.constant 48 : index
          %get3A_742 = tpu.vector_load %arg7[%get3A_739, %get3A_740, %get3A_741] {strides = array<i32>} : memref<2x104x128xf32, #tpu.memory_space<vmem>>, vector<16xf32>,
          %get3A_743 = arith.constant 1 : i32
          %get3A_744 = arith.index_cast %get3A_743 : i32 to index
          %get3A_745 = arith.index_cast %add3A_673 : i32 to index
          %get3A_746 = arith.constant 112 : index
          %get3A_747 = tpu.vector_load %arg7[%get3A_744, %get3A_745, %get3A_746] {strides = array<i32>} : memref<2x104x128xf32, #tpu.memory_space<vmem>>, vector<16xf32>,
          %select_n3A_748 = arith.select %eq3A_680, %get3A_747, %get3A_742 : vector<16xi1>, vector<16xf32>
          %mul3A_749 = arith.constant 8.000000e+00 : f32
          %mul3A_750 = vector.broadcast %mul3A_749 : f32 to vector<16xf32>
          %mul3A_751 = arith.mulf %select_n3A_748, %mul3A_750 : vector<16xf32>
          %swap3A_752 = arith.constant 1 : i32
          %swap3A_753 = arith.index_cast %swap3A_752 : i32 to index
          %swap3A_754 = arith.index_cast %add3A_673 : i32 to index
          %swap3A_755 = arith.constant 48 : index
          %swap3A_756 = tpu.vector_load %arg8[%swap3A_753, %swap3A_754, %swap3A_755] {strides = array<i32>} : memref<2x104x64xf32, #tpu.memory_space<vmem>>, vector<16xf32>,
          tpu.vector_store %arg8[%swap3A_753, %swap3A_754, %swap3A_755], %mul3A_751 {strides = array<i32>} : memref<2x104x64xf32, #tpu.memory_space<vmem>>, vector<16xf32>,
          %add3A_757 = arith.constant 6 : i32
          %add3A_758 = arith.addi %min3A_242, %add3A_757 : i32
          %broadcast_in_dim3A_759 = arith.constant 6 : i32
          %broadcast_in_dim3A_760 = vector.broadcast %broadcast_in_dim3A_759 : i32 to vector<16x1xi32>
          %gather3A_761 = vector.shape_cast %broadcast_in_dim3A_760 : vector<16x1xi32> to vector<16xi32>
          %gather3A_762 = tpu.dynamic_gather %and3A_249[%gather3A_761] in [0] : vector<16xi32>, vector<16xi32> -> vector<16xi32>
          %eq3A_763 = arith.constant 1 : i32
          %eq3A_764 = vector.broadcast %eq3A_763 : i32 to vector<16xi32>
          %eq3A_765 = arith.cmpi eq, %gather3A_762, %eq3A_764 : vector<16xi32>
          %get3A_766 = arith.constant 1 : i32
          %get3A_767 = arith.index_cast %get3A_766 : i32 to index
          %get3A_768 = arith.index_cast %add3A_758 : i32 to index
          %get3A_769 = arith.constant 0 : index
          %get3A_770 = tpu.vector_load %arg7[%get3A_767, %get3A_768, %get3A_769] {strides = array<i32>} : memref<2x104x128xf32, #tpu.memory_space<vmem>>, vector<16xf32>,
          %get3A_771 = arith.constant 1 : i32
          %get3A_772 = arith.index_cast %get3A_771 : i32 to index
          %get3A_773 = arith.index_cast %add3A_758 : i32 to index
          %get3A_774 = arith.constant 64 : index
          %get3A_775 = tpu.vector_load %arg7[%get3A_772, %get3A_773, %get3A_774] {strides = array<i32>} : memref<2x104x128xf32, #tpu.memory_space<vmem>>, vector<16xf32>,
          %select_n3A_776 = arith.select %eq3A_765, %get3A_775, %get3A_770 : vector<16xi1>, vector<16xf32>
          %mul3A_777 = arith.constant 8.000000e+00 : f32
          %mul3A_778 = vector.broadcast %mul3A_777 : f32 to vector<16xf32>
          %mul3A_779 = arith.mulf %select_n3A_776, %mul3A_778 : vector<16xf32>
          %swap3A_780 = arith.constant 1 : i32
          %swap3A_781 = arith.index_cast %swap3A_780 : i32 to index
          %swap3A_782 = arith.index_cast %add3A_758 : i32 to index
          %swap3A_783 = arith.constant 0 : index
          %swap3A_784 = tpu.vector_load %arg8[%swap3A_781, %swap3A_782, %swap3A_783] {strides = array<i32>} : memref<2x104x64xf32, #tpu.memory_space<vmem>>, vector<16xf32>,
          tpu.vector_store %arg8[%swap3A_781, %swap3A_782, %swap3A_783], %mul3A_779 {strides = array<i32>} : memref<2x104x64xf32, #tpu.memory_space<vmem>>, vector<16xf32>,
          %get3A_785 = arith.constant 1 : i32
          %get3A_786 = arith.index_cast %get3A_785 : i32 to index
          %get3A_787 = arith.index_cast %add3A_758 : i32 to index
          %get3A_788 = arith.constant 16 : index
          %get3A_789 = tpu.vector_load %arg7[%get3A_786, %get3A_787, %get3A_788] {strides = array<i32>} : memref<2x104x128xf32, #tpu.memory_space<vmem>>, vector<16xf32>,
          %get3A_790 = arith.constant 1 : i32
          %get3A_791 = arith.index_cast %get3A_790 : i32 to index
          %get3A_792 = arith.index_cast %add3A_758 : i32 to index
          %get3A_793 = arith.constant 80 : index
          %get3A_794 = tpu.vector_load %arg7[%get3A_791, %get3A_792, %get3A_793] {strides = array<i32>} : memref<2x104x128xf32, #tpu.memory_space<vmem>>, vector<16xf32>,
          %select_n3A_795 = arith.select %eq3A_765, %get3A_794, %get3A_789 : vector<16xi1>, vector<16xf32>
          %mul3A_796 = arith.constant 8.000000e+00 : f32
          %mul3A_797 = vector.broadcast %mul3A_796 : f32 to vector<16xf32>
          %mul3A_798 = arith.mulf %select_n3A_795, %mul3A_797 : vector<16xf32>
          %swap3A_799 = arith.constant 1 : i32
          %swap3A_800 = arith.index_cast %swap3A_799 : i32 to index
          %swap3A_801 = arith.index_cast %add3A_758 : i32 to index
          %swap3A_802 = arith.constant 16 : index
          %swap3A_803 = tpu.vector_load %arg8[%swap3A_800, %swap3A_801, %swap3A_802] {strides = array<i32>} : memref<2x104x64xf32, #tpu.memory_space<vmem>>, vector<16xf32>,
          tpu.vector_store %arg8[%swap3A_800, %swap3A_801, %swap3A_802], %mul3A_798 {strides = array<i32>} : memref<2x104x64xf32, #tpu.memory_space<vmem>>, vector<16xf32>,
          %get3A_804 = arith.constant 1 : i32
          %get3A_805 = arith.index_cast %get3A_804 : i32 to index
          %get3A_806 = arith.index_cast %add3A_758 : i32 to index
          %get3A_807 = arith.constant 32 : index
          %get3A_808 = tpu.vector_load %arg7[%get3A_805, %get3A_806, %get3A_807] {strides = array<i32>} : memref<2x104x128xf32, #tpu.memory_space<vmem>>, vector<16xf32>,
          %get3A_809 = arith.constant 1 : i32
          %get3A_810 = arith.index_cast %get3A_809 : i32 to index
          %get3A_811 = arith.index_cast %add3A_758 : i32 to index
          %get3A_812 = arith.constant 96 : index
          %get3A_813 = tpu.vector_load %arg7[%get3A_810, %get3A_811, %get3A_812] {strides = array<i32>} : memref<2x104x128xf32, #tpu.memory_space<vmem>>, vector<16xf32>,
          %select_n3A_814 = arith.select %eq3A_765, %get3A_813, %get3A_808 : vector<16xi1>, vector<16xf32>
          %mul3A_815 = arith.constant 8.000000e+00 : f32
          %mul3A_816 = vector.broadcast %mul3A_815 : f32 to vector<16xf32>
          %mul3A_817 = arith.mulf %select_n3A_814, %mul3A_816 : vector<16xf32>
          %swap3A_818 = arith.constant 1 : i32
          %swap3A_819 = arith.index_cast %swap3A_818 : i32 to index
          %swap3A_820 = arith.index_cast %add3A_758 : i32 to index
          %swap3A_821 = arith.constant 32 : index
          %swap3A_822 = tpu.vector_load %arg8[%swap3A_819, %swap3A_820, %swap3A_821] {strides = array<i32>} : memref<2x104x64xf32, #tpu.memory_space<vmem>>, vector<16xf32>,
          tpu.vector_store %arg8[%swap3A_819, %swap3A_820, %swap3A_821], %mul3A_817 {strides = array<i32>} : memref<2x104x64xf32, #tpu.memory_space<vmem>>, vector<16xf32>,
          %get3A_823 = arith.constant 1 : i32
          %get3A_824 = arith.index_cast %get3A_823 : i32 to index
          %get3A_825 = arith.index_cast %add3A_758 : i32 to index
          %get3A_826 = arith.constant 48 : index
          %get3A_827 = tpu.vector_load %arg7[%get3A_824, %get3A_825, %get3A_826] {strides = array<i32>} : memref<2x104x128xf32, #tpu.memory_space<vmem>>, vector<16xf32>,
          %get3A_828 = arith.constant 1 : i32
          %get3A_829 = arith.index_cast %get3A_828 : i32 to index
          %get3A_830 = arith.index_cast %add3A_758 : i32 to index
          %get3A_831 = arith.constant 112 : index
          %get3A_832 = tpu.vector_load %arg7[%get3A_829, %get3A_830, %get3A_831] {strides = array<i32>} : memref<2x104x128xf32, #tpu.memory_space<vmem>>, vector<16xf32>,
          %select_n3A_833 = arith.select %eq3A_765, %get3A_832, %get3A_827 : vector<16xi1>, vector<16xf32>
          %mul3A_834 = arith.constant 8.000000e+00 : f32
          %mul3A_835 = vector.broadcast %mul3A_834 : f32 to vector<16xf32>
          %mul3A_836 = arith.mulf %select_n3A_833, %mul3A_835 : vector<16xf32>
          %swap3A_837 = arith.constant 1 : i32
          %swap3A_838 = arith.index_cast %swap3A_837 : i32 to index
          %swap3A_839 = arith.index_cast %add3A_758 : i32 to index
          %swap3A_840 = arith.constant 48 : index
          %swap3A_841 = tpu.vector_load %arg8[%swap3A_838, %swap3A_839, %swap3A_840] {strides = array<i32>} : memref<2x104x64xf32, #tpu.memory_space<vmem>>, vector<16xf32>,
          tpu.vector_store %arg8[%swap3A_838, %swap3A_839, %swap3A_840], %mul3A_836 {strides = array<i32>} : memref<2x104x64xf32, #tpu.memory_space<vmem>>, vector<16xf32>,
          %add3A_842 = arith.constant 7 : i32
          %add3A_843 = arith.addi %min3A_242, %add3A_842 : i32
          %broadcast_in_dim3A_844 = arith.constant 7 : i32
          %broadcast_in_dim3A_845 = vector.broadcast %broadcast_in_dim3A_844 : i32 to vector<16x1xi32>
          %gather3A_846 = vector.shape_cast %broadcast_in_dim3A_845 : vector<16x1xi32> to vector<16xi32>
          %gather3A_847 = tpu.dynamic_gather %and3A_249[%gather3A_846] in [0] : vector<16xi32>, vector<16xi32> -> vector<16xi32>
          %eq3A_848 = arith.constant 1 : i32
          %eq3A_849 = vector.broadcast %eq3A_848 : i32 to vector<16xi32>
          %eq3A_850 = arith.cmpi eq, %gather3A_847, %eq3A_849 : vector<16xi32>
          %get3A_851 = arith.constant 1 : i32
          %get3A_852 = arith.index_cast %get3A_851 : i32 to index
          %get3A_853 = arith.index_cast %add3A_843 : i32 to index
          %get3A_854 = arith.constant 0 : index
          %get3A_855 = tpu.vector_load %arg7[%get3A_852, %get3A_853, %get3A_854] {strides = array<i32>} : memref<2x104x128xf32, #tpu.memory_space<vmem>>, vector<16xf32>,
          %get3A_856 = arith.constant 1 : i32
          %get3A_857 = arith.index_cast %get3A_856 : i32 to index
          %get3A_858 = arith.index_cast %add3A_843 : i32 to index
          %get3A_859 = arith.constant 64 : index
          %get3A_860 = tpu.vector_load %arg7[%get3A_857, %get3A_858, %get3A_859] {strides = array<i32>} : memref<2x104x128xf32, #tpu.memory_space<vmem>>, vector<16xf32>,
          %select_n3A_861 = arith.select %eq3A_850, %get3A_860, %get3A_855 : vector<16xi1>, vector<16xf32>
          %mul3A_862 = arith.constant 8.000000e+00 : f32
          %mul3A_863 = vector.broadcast %mul3A_862 : f32 to vector<16xf32>
          %mul3A_864 = arith.mulf %select_n3A_861, %mul3A_863 : vector<16xf32>
          %swap3A_865 = arith.constant 1 : i32
          %swap3A_866 = arith.index_cast %swap3A_865 : i32 to index
          %swap3A_867 = arith.index_cast %add3A_843 : i32 to index
          %swap3A_868 = arith.constant 0 : index
          %swap3A_869 = tpu.vector_load %arg8[%swap3A_866, %swap3A_867, %swap3A_868] {strides = array<i32>} : memref<2x104x64xf32, #tpu.memory_space<vmem>>, vector<16xf32>,
          tpu.vector_store %arg8[%swap3A_866, %swap3A_867, %swap3A_868], %mul3A_864 {strides = array<i32>} : memref<2x104x64xf32, #tpu.memory_space<vmem>>, vector<16xf32>,
          %get3A_870 = arith.constant 1 : i32
          %get3A_871 = arith.index_cast %get3A_870 : i32 to index
          %get3A_872 = arith.index_cast %add3A_843 : i32 to index
          %get3A_873 = arith.constant 16 : index
          %get3A_874 = tpu.vector_load %arg7[%get3A_871, %get3A_872, %get3A_873] {strides = array<i32>} : memref<2x104x128xf32, #tpu.memory_space<vmem>>, vector<16xf32>,
          %get3A_875 = arith.constant 1 : i32
          %get3A_876 = arith.index_cast %get3A_875 : i32 to index
          %get3A_877 = arith.index_cast %add3A_843 : i32 to index
          %get3A_878 = arith.constant 80 : index
          %get3A_879 = tpu.vector_load %arg7[%get3A_876, %get3A_877, %get3A_878] {strides = array<i32>} : memref<2x104x128xf32, #tpu.memory_space<vmem>>, vector<16xf32>,
          %select_n3A_880 = arith.select %eq3A_850, %get3A_879, %get3A_874 : vector<16xi1>, vector<16xf32>
          %mul3A_881 = arith.constant 8.000000e+00 : f32
          %mul3A_882 = vector.broadcast %mul3A_881 : f32 to vector<16xf32>
          %mul3A_883 = arith.mulf %select_n3A_880, %mul3A_882 : vector<16xf32>
          %swap3A_884 = arith.constant 1 : i32
          %swap3A_885 = arith.index_cast %swap3A_884 : i32 to index
          %swap3A_886 = arith.index_cast %add3A_843 : i32 to index
          %swap3A_887 = arith.constant 16 : index
          %swap3A_888 = tpu.vector_load %arg8[%swap3A_885, %swap3A_886, %swap3A_887] {strides = array<i32>} : memref<2x104x64xf32, #tpu.memory_space<vmem>>, vector<16xf32>,
          tpu.vector_store %arg8[%swap3A_885, %swap3A_886, %swap3A_887], %mul3A_883 {strides = array<i32>} : memref<2x104x64xf32, #tpu.memory_space<vmem>>, vector<16xf32>,
          %get3A_889 = arith.constant 1 : i32
          %get3A_890 = arith.index_cast %get3A_889 : i32 to index
          %get3A_891 = arith.index_cast %add3A_843 : i32 to index
          %get3A_892 = arith.constant 32 : index
          %get3A_893 = tpu.vector_load %arg7[%get3A_890, %get3A_891, %get3A_892] {strides = array<i32>} : memref<2x104x128xf32, #tpu.memory_space<vmem>>, vector<16xf32>,
          %get3A_894 = arith.constant 1 : i32
          %get3A_895 = arith.index_cast %get3A_894 : i32 to index
          %get3A_896 = arith.index_cast %add3A_843 : i32 to index
          %get3A_897 = arith.constant 96 : index
          %get3A_898 = tpu.vector_load %arg7[%get3A_895, %get3A_896, %get3A_897] {strides = array<i32>} : memref<2x104x128xf32, #tpu.memory_space<vmem>>, vector<16xf32>,
          %select_n3A_899 = arith.select %eq3A_850, %get3A_898, %get3A_893 : vector<16xi1>, vector<16xf32>
          %mul3A_900 = arith.constant 8.000000e+00 : f32
          %mul3A_901 = vector.broadcast %mul3A_900 : f32 to vector<16xf32>
          %mul3A_902 = arith.mulf %select_n3A_899, %mul3A_901 : vector<16xf32>
          %swap3A_903 = arith.constant 1 : i32
          %swap3A_904 = arith.index_cast %swap3A_903 : i32 to index
          %swap3A_905 = arith.index_cast %add3A_843 : i32 to index
          %swap3A_906 = arith.constant 32 : index
          %swap3A_907 = tpu.vector_load %arg8[%swap3A_904, %swap3A_905, %swap3A_906] {strides = array<i32>} : memref<2x104x64xf32, #tpu.memory_space<vmem>>, vector<16xf32>,
          tpu.vector_store %arg8[%swap3A_904, %swap3A_905, %swap3A_906], %mul3A_902 {strides = array<i32>} : memref<2x104x64xf32, #tpu.memory_space<vmem>>, vector<16xf32>,
          %get3A_908 = arith.constant 1 : i32
          %get3A_909 = arith.index_cast %get3A_908 : i32 to index
          %get3A_910 = arith.index_cast %add3A_843 : i32 to index
          %get3A_911 = arith.constant 48 : index
          %get3A_912 = tpu.vector_load %arg7[%get3A_909, %get3A_910, %get3A_911] {strides = array<i32>} : memref<2x104x128xf32, #tpu.memory_space<vmem>>, vector<16xf32>,
          %get3A_913 = arith.constant 1 : i32
          %get3A_914 = arith.index_cast %get3A_913 : i32 to index
          %get3A_915 = arith.index_cast %add3A_843 : i32 to index
          %get3A_916 = arith.constant 112 : index
          %get3A_917 = tpu.vector_load %arg7[%get3A_914, %get3A_915, %get3A_916] {strides = array<i32>} : memref<2x104x128xf32, #tpu.memory_space<vmem>>, vector<16xf32>,
          %select_n3A_918 = arith.select %eq3A_850, %get3A_917, %get3A_912 : vector<16xi1>, vector<16xf32>
          %mul3A_919 = arith.constant 8.000000e+00 : f32
          %mul3A_920 = vector.broadcast %mul3A_919 : f32 to vector<16xf32>
          %mul3A_921 = arith.mulf %select_n3A_918, %mul3A_920 : vector<16xf32>
          %swap3A_922 = arith.constant 1 : i32
          %swap3A_923 = arith.index_cast %swap3A_922 : i32 to index
          %swap3A_924 = arith.index_cast %add3A_843 : i32 to index
          %swap3A_925 = arith.constant 48 : index
          %swap3A_926 = tpu.vector_load %arg8[%swap3A_923, %swap3A_924, %swap3A_925] {strides = array<i32>} : memref<2x104x64xf32, #tpu.memory_space<vmem>>, vector<16xf32>,
          tpu.vector_store %arg8[%swap3A_923, %swap3A_924, %swap3A_925], %mul3A_921 {strides = array<i32>} : memref<2x104x64xf32, #tpu.memory_space<vmem>>, vector<16xf32>,
          %add3A_927 = arith.constant 8 : i32
          %add3A_928 = arith.addi %min3A_242, %add3A_927 : i32
          %broadcast_in_dim3A_929 = arith.constant 8 : i32
          %broadcast_in_dim3A_930 = vector.broadcast %broadcast_in_dim3A_929 : i32 to vector<16x1xi32>
          %gather3A_931 = vector.shape_cast %broadcast_in_dim3A_930 : vector<16x1xi32> to vector<16xi32>
          %gather3A_932 = tpu.dynamic_gather %and3A_249[%gather3A_931] in [0] : vector<16xi32>, vector<16xi32> -> vector<16xi32>
          %eq3A_933 = arith.constant 1 : i32
          %eq3A_934 = vector.broadcast %eq3A_933 : i32 to vector<16xi32>
          %eq3A_935 = arith.cmpi eq, %gather3A_932, %eq3A_934 : vector<16xi32>
          %get3A_936 = arith.constant 1 : i32
          %get3A_937 = arith.index_cast %get3A_936 : i32 to index
          %get3A_938 = arith.index_cast %add3A_928 : i32 to index
          %get3A_939 = arith.constant 0 : index
          %get3A_940 = tpu.vector_load %arg7[%get3A_937, %get3A_938, %get3A_939] {strides = array<i32>} : memref<2x104x128xf32, #tpu.memory_space<vmem>>, vector<16xf32>,
          %get3A_941 = arith.constant 1 : i32
          %get3A_942 = arith.index_cast %get3A_941 : i32 to index
          %get3A_943 = arith.index_cast %add3A_928 : i32 to index
          %get3A_944 = arith.constant 64 : index
          %get3A_945 = tpu.vector_load %arg7[%get3A_942, %get3A_943, %get3A_944] {strides = array<i32>} : memref<2x104x128xf32, #tpu.memory_space<vmem>>, vector<16xf32>,
          %select_n3A_946 = arith.select %eq3A_935, %get3A_945, %get3A_940 : vector<16xi1>, vector<16xf32>
          %mul3A_947 = arith.constant 8.000000e+00 : f32
          %mul3A_948 = vector.broadcast %mul3A_947 : f32 to vector<16xf32>
          %mul3A_949 = arith.mulf %select_n3A_946, %mul3A_948 : vector<16xf32>
          %swap3A_950 = arith.constant 1 : i32
          %swap3A_951 = arith.index_cast %swap3A_950 : i32 to index
          %swap3A_952 = arith.index_cast %add3A_928 : i32 to index
          %swap3A_953 = arith.constant 0 : index
          %swap3A_954 = tpu.vector_load %arg8[%swap3A_951, %swap3A_952, %swap3A_953] {strides = array<i32>} : memref<2x104x64xf32, #tpu.memory_space<vmem>>, vector<16xf32>,
          tpu.vector_store %arg8[%swap3A_951, %swap3A_952, %swap3A_953], %mul3A_949 {strides = array<i32>} : memref<2x104x64xf32, #tpu.memory_space<vmem>>, vector<16xf32>,
          %get3A_955 = arith.constant 1 : i32
          %get3A_956 = arith.index_cast %get3A_955 : i32 to index
          %get3A_957 = arith.index_cast %add3A_928 : i32 to index
          %get3A_958 = arith.constant 16 : index
          %get3A_959 = tpu.vector_load %arg7[%get3A_956, %get3A_957, %get3A_958] {strides = array<i32>} : memref<2x104x128xf32, #tpu.memory_space<vmem>>, vector<16xf32>,
          %get3A_960 = arith.constant 1 : i32
          %get3A_961 = arith.index_cast %get3A_960 : i32 to index
          %get3A_962 = arith.index_cast %add3A_928 : i32 to index
          %get3A_963 = arith.constant 80 : index
          %get3A_964 = tpu.vector_load %arg7[%get3A_961, %get3A_962, %get3A_963] {strides = array<i32>} : memref<2x104x128xf32, #tpu.memory_space<vmem>>, vector<16xf32>,
          %select_n3A_965 = arith.select %eq3A_935, %get3A_964, %get3A_959 : vector<16xi1>, vector<16xf32>
          %mul3A_966 = arith.constant 8.000000e+00 : f32
          %mul3A_967 = vector.broadcast %mul3A_966 : f32 to vector<16xf32>
          %mul3A_968 = arith.mulf %select_n3A_965, %mul3A_967 : vector<16xf32>
          %swap3A_969 = arith.constant 1 : i32
          %swap3A_970 = arith.index_cast %swap3A_969 : i32 to index
          %swap3A_971 = arith.index_cast %add3A_928 : i32 to index
          %swap3A_972 = arith.constant 16 : index
          %swap3A_973 = tpu.vector_load %arg8[%swap3A_970, %swap3A_971, %swap3A_972] {strides = array<i32>} : memref<2x104x64xf32, #tpu.memory_space<vmem>>, vector<16xf32>,
          tpu.vector_store %arg8[%swap3A_970, %swap3A_971, %swap3A_972], %mul3A_968 {strides = array<i32>} : memref<2x104x64xf32, #tpu.memory_space<vmem>>, vector<16xf32>,
          %get3A_974 = arith.constant 1 : i32
          %get3A_975 = arith.index_cast %get3A_974 : i32 to index
          %get3A_976 = arith.index_cast %add3A_928 : i32 to index
          %get3A_977 = arith.constant 32 : index
          %get3A_978 = tpu.vector_load %arg7[%get3A_975, %get3A_976, %get3A_977] {strides = array<i32>} : memref<2x104x128xf32, #tpu.memory_space<vmem>>, vector<16xf32>,
          %get3A_979 = arith.constant 1 : i32
          %get3A_980 = arith.index_cast %get3A_979 : i32 to index
          %get3A_981 = arith.index_cast %add3A_928 : i32 to index
          %get3A_982 = arith.constant 96 : index
          %get3A_983 = tpu.vector_load %arg7[%get3A_980, %get3A_981, %get3A_982] {strides = array<i32>} : memref<2x104x128xf32, #tpu.memory_space<vmem>>, vector<16xf32>,
          %select_n3A_984 = arith.select %eq3A_935, %get3A_983, %get3A_978 : vector<16xi1>, vector<16xf32>
          %mul3A_985 = arith.constant 8.000000e+00 : f32
          %mul3A_986 = vector.broadcast %mul3A_985 : f32 to vector<16xf32>
          %mul3A_987 = arith.mulf %select_n3A_984, %mul3A_986 : vector<16xf32>
          %swap3A_988 = arith.constant 1 : i32
          %swap3A_989 = arith.index_cast %swap3A_988 : i32 to index
          %swap3A_990 = arith.index_cast %add3A_928 : i32 to index
          %swap3A_991 = arith.constant 32 : index
          %swap3A_992 = tpu.vector_load %arg8[%swap3A_989, %swap3A_990, %swap3A_991] {strides = array<i32>} : memref<2x104x64xf32, #tpu.memory_space<vmem>>, vector<16xf32>,
          tpu.vector_store %arg8[%swap3A_989, %swap3A_990, %swap3A_991], %mul3A_987 {strides = array<i32>} : memref<2x104x64xf32, #tpu.memory_space<vmem>>, vector<16xf32>,
          %get3A_993 = arith.constant 1 : i32
          %get3A_994 = arith.index_cast %get3A_993 : i32 to index
          %get3A_995 = arith.index_cast %add3A_928 : i32 to index
          %get3A_996 = arith.constant 48 : index
          %get3A_997 = tpu.vector_load %arg7[%get3A_994, %get3A_995, %get3A_996] {strides = array<i32>} : memref<2x104x128xf32, #tpu.memory_space<vmem>>, vector<16xf32>,
          %get3A_998 = arith.constant 1 : i32
          %get3A_999 = arith.index_cast %get3A_998 : i32 to index
          %get3A_1000 = arith.index_cast %add3A_928 : i32 to index
          %get3A_1001 = arith.constant 112 : index
          %get3A_1002 = tpu.vector_load %arg7[%get3A_999, %get3A_1000, %get3A_1001] {strides = array<i32>} : memref<2x104x128xf32, #tpu.memory_space<vmem>>, vector<16xf32>,
          %select_n3A_1003 = arith.select %eq3A_935, %get3A_1002, %get3A_997 : vector<16xi1>, vector<16xf32>
          %mul3A_1004 = arith.constant 8.000000e+00 : f32
          %mul3A_1005 = vector.broadcast %mul3A_1004 : f32 to vector<16xf32>
          %mul3A_1006 = arith.mulf %select_n3A_1003, %mul3A_1005 : vector<16xf32>
          %swap3A_1007 = arith.constant 1 : i32
          %swap3A_1008 = arith.index_cast %swap3A_1007 : i32 to index
          %swap3A_1009 = arith.index_cast %add3A_928 : i32 to index
          %swap3A_1010 = arith.constant 48 : index
          %swap3A_1011 = tpu.vector_load %arg8[%swap3A_1008, %swap3A_1009, %swap3A_1010] {strides = array<i32>} : memref<2x104x64xf32, #tpu.memory_space<vmem>>, vector<16xf32>,
          tpu.vector_store %arg8[%swap3A_1008, %swap3A_1009, %swap3A_1010], %mul3A_1006 {strides = array<i32>} : memref<2x104x64xf32, #tpu.memory_space<vmem>>, vector<16xf32>,
          %add3A_1012 = arith.constant 9 : i32
          %add3A_1013 = arith.addi %min3A_242, %add3A_1012 : i32
          %broadcast_in_dim3A_1014 = arith.constant 9 : i32
          %broadcast_in_dim3A_1015 = vector.broadcast %broadcast_in_dim3A_1014 : i32 to vector<16x1xi32>
          %gather3A_1016 = vector.shape_cast %broadcast_in_dim3A_1015 : vector<16x1xi32> to vector<16xi32>
          %gather3A_1017 = tpu.dynamic_gather %and3A_249[%gather3A_1016] in [0] : vector<16xi32>, vector<16xi32> -> vector<16xi32>
          %eq3A_1018 = arith.constant 1 : i32
          %eq3A_1019 = vector.broadcast %eq3A_1018 : i32 to vector<16xi32>
          %eq3A_1020 = arith.cmpi eq, %gather3A_1017, %eq3A_1019 : vector<16xi32>
          %get3A_1021 = arith.constant 1 : i32
          %get3A_1022 = arith.index_cast %get3A_1021 : i32 to index
          %get3A_1023 = arith.index_cast %add3A_1013 : i32 to index
          %get3A_1024 = arith.constant 0 : index
          %get3A_1025 = tpu.vector_load %arg7[%get3A_1022, %get3A_1023, %get3A_1024] {strides = array<i32>} : memref<2x104x128xf32, #tpu.memory_space<vmem>>, vector<16xf32>,
          %get3A_1026 = arith.constant 1 : i32
          %get3A_1027 = arith.index_cast %get3A_1026 : i32 to index
          %get3A_1028 = arith.index_cast %add3A_1013 : i32 to index
          %get3A_1029 = arith.constant 64 : index
          %get3A_1030 = tpu.vector_load %arg7[%get3A_1027, %get3A_1028, %get3A_1029] {strides = array<i32>} : memref<2x104x128xf32, #tpu.memory_space<vmem>>, vector<16xf32>,
          %select_n3A_1031 = arith.select %eq3A_1020, %get3A_1030, %get3A_1025 : vector<16xi1>, vector<16xf32>
          %mul3A_1032 = arith.constant 8.000000e+00 : f32
          %mul3A_1033 = vector.broadcast %mul3A_1032 : f32 to vector<16xf32>
          %mul3A_1034 = arith.mulf %select_n3A_1031, %mul3A_1033 : vector<16xf32>
          %swap3A_1035 = arith.constant 1 : i32
          %swap3A_1036 = arith.index_cast %swap3A_1035 : i32 to index
          %swap3A_1037 = arith.index_cast %add3A_1013 : i32 to index
          %swap3A_1038 = arith.constant 0 : index
          %swap3A_1039 = tpu.vector_load %arg8[%swap3A_1036, %swap3A_1037, %swap3A_1038] {strides = array<i32>} : memref<2x104x64xf32, #tpu.memory_space<vmem>>, vector<16xf32>,
          tpu.vector_store %arg8[%swap3A_1036, %swap3A_1037, %swap3A_1038], %mul3A_1034 {strides = array<i32>} : memref<2x104x64xf32, #tpu.memory_space<vmem>>, vector<16xf32>,
          %get3A_1040 = arith.constant 1 : i32
          %get3A_1041 = arith.index_cast %get3A_1040 : i32 to index
          %get3A_1042 = arith.index_cast %add3A_1013 : i32 to index
          %get3A_1043 = arith.constant 16 : index
          %get3A_1044 = tpu.vector_load %arg7[%get3A_1041, %get3A_1042, %get3A_1043] {strides = array<i32>} : memref<2x104x128xf32, #tpu.memory_space<vmem>>, vector<16xf32>,
          %get3A_1045 = arith.constant 1 : i32
          %get3A_1046 = arith.index_cast %get3A_1045 : i32 to index
          %get3A_1047 = arith.index_cast %add3A_1013 : i32 to index
          %get3A_1048 = arith.constant 80 : index
          %get3A_1049 = tpu.vector_load %arg7[%get3A_1046, %get3A_1047, %get3A_1048] {strides = array<i32>} : memref<2x104x128xf32, #tpu.memory_space<vmem>>, vector<16xf32>,
          %select_n3A_1050 = arith.select %eq3A_1020, %get3A_1049, %get3A_1044 : vector<16xi1>, vector<16xf32>
          %mul3A_1051 = arith.constant 8.000000e+00 : f32
          %mul3A_1052 = vector.broadcast %mul3A_1051 : f32 to vector<16xf32>
          %mul3A_1053 = arith.mulf %select_n3A_1050, %mul3A_1052 : vector<16xf32>
          %swap3A_1054 = arith.constant 1 : i32
          %swap3A_1055 = arith.index_cast %swap3A_1054 : i32 to index
          %swap3A_1056 = arith.index_cast %add3A_1013 : i32 to index
          %swap3A_1057 = arith.constant 16 : index
          %swap3A_1058 = tpu.vector_load %arg8[%swap3A_1055, %swap3A_1056, %swap3A_1057] {strides = array<i32>} : memref<2x104x64xf32, #tpu.memory_space<vmem>>, vector<16xf32>,
          tpu.vector_store %arg8[%swap3A_1055, %swap3A_1056, %swap3A_1057], %mul3A_1053 {strides = array<i32>} : memref<2x104x64xf32, #tpu.memory_space<vmem>>, vector<16xf32>,
          %get3A_1059 = arith.constant 1 : i32
          %get3A_1060 = arith.index_cast %get3A_1059 : i32 to index
          %get3A_1061 = arith.index_cast %add3A_1013 : i32 to index
          %get3A_1062 = arith.constant 32 : index
          %get3A_1063 = tpu.vector_load %arg7[%get3A_1060, %get3A_1061, %get3A_1062] {strides = array<i32>} : memref<2x104x128xf32, #tpu.memory_space<vmem>>, vector<16xf32>,
          %get3A_1064 = arith.constant 1 : i32
          %get3A_1065 = arith.index_cast %get3A_1064 : i32 to index
          %get3A_1066 = arith.index_cast %add3A_1013 : i32 to index
          %get3A_1067 = arith.constant 96 : index
          %get3A_1068 = tpu.vector_load %arg7[%get3A_1065, %get3A_1066, %get3A_1067] {strides = array<i32>} : memref<2x104x128xf32, #tpu.memory_space<vmem>>, vector<16xf32>,
          %select_n3A_1069 = arith.select %eq3A_1020, %get3A_1068, %get3A_1063 : vector<16xi1>, vector<16xf32>
          %mul3A_1070 = arith.constant 8.000000e+00 : f32
          %mul3A_1071 = vector.broadcast %mul3A_1070 : f32 to vector<16xf32>
          %mul3A_1072 = arith.mulf %select_n3A_1069, %mul3A_1071 : vector<16xf32>
          %swap3A_1073 = arith.constant 1 : i32
          %swap3A_1074 = arith.index_cast %swap3A_1073 : i32 to index
          %swap3A_1075 = arith.index_cast %add3A_1013 : i32 to index
          %swap3A_1076 = arith.constant 32 : index
          %swap3A_1077 = tpu.vector_load %arg8[%swap3A_1074, %swap3A_1075, %swap3A_1076] {strides = array<i32>} : memref<2x104x64xf32, #tpu.memory_space<vmem>>, vector<16xf32>,
          tpu.vector_store %arg8[%swap3A_1074, %swap3A_1075, %swap3A_1076], %mul3A_1072 {strides = array<i32>} : memref<2x104x64xf32, #tpu.memory_space<vmem>>, vector<16xf32>,
          %get3A_1078 = arith.constant 1 : i32
          %get3A_1079 = arith.index_cast %get3A_1078 : i32 to index
          %get3A_1080 = arith.index_cast %add3A_1013 : i32 to index
          %get3A_1081 = arith.constant 48 : index
          %get3A_1082 = tpu.vector_load %arg7[%get3A_1079, %get3A_1080, %get3A_1081] {strides = array<i32>} : memref<2x104x128xf32, #tpu.memory_space<vmem>>, vector<16xf32>,
          %get3A_1083 = arith.constant 1 : i32
          %get3A_1084 = arith.index_cast %get3A_1083 : i32 to index
          %get3A_1085 = arith.index_cast %add3A_1013 : i32 to index
          %get3A_1086 = arith.constant 112 : index
          %get3A_1087 = tpu.vector_load %arg7[%get3A_1084, %get3A_1085, %get3A_1086] {strides = array<i32>} : memref<2x104x128xf32, #tpu.memory_space<vmem>>, vector<16xf32>,
          %select_n3A_1088 = arith.select %eq3A_1020, %get3A_1087, %get3A_1082 : vector<16xi1>, vector<16xf32>
          %mul3A_1089 = arith.constant 8.000000e+00 : f32
          %mul3A_1090 = vector.broadcast %mul3A_1089 : f32 to vector<16xf32>
          %mul3A_1091 = arith.mulf %select_n3A_1088, %mul3A_1090 : vector<16xf32>
          %swap3A_1092 = arith.constant 1 : i32
          %swap3A_1093 = arith.index_cast %swap3A_1092 : i32 to index
          %swap3A_1094 = arith.index_cast %add3A_1013 : i32 to index
          %swap3A_1095 = arith.constant 48 : index
          %swap3A_1096 = tpu.vector_load %arg8[%swap3A_1093, %swap3A_1094, %swap3A_1095] {strides = array<i32>} : memref<2x104x64xf32, #tpu.memory_space<vmem>>, vector<16xf32>,
          tpu.vector_store %arg8[%swap3A_1093, %swap3A_1094, %swap3A_1095], %mul3A_1091 {strides = array<i32>} : memref<2x104x64xf32, #tpu.memory_space<vmem>>, vector<16xf32>,
          %add3A_1097 = arith.constant 10 : i32
          %add3A_1098 = arith.addi %min3A_242, %add3A_1097 : i32
          %broadcast_in_dim3A_1099 = arith.constant 10 : i32
          %broadcast_in_dim3A_1100 = vector.broadcast %broadcast_in_dim3A_1099 : i32 to vector<16x1xi32>
          %gather3A_1101 = vector.shape_cast %broadcast_in_dim3A_1100 : vector<16x1xi32> to vector<16xi32>
          %gather3A_1102 = tpu.dynamic_gather %and3A_249[%gather3A_1101] in [0] : vector<16xi32>, vector<16xi32> -> vector<16xi32>
          %eq3A_1103 = arith.constant 1 : i32
          %eq3A_1104 = vector.broadcast %eq3A_1103 : i32 to vector<16xi32>
          %eq3A_1105 = arith.cmpi eq, %gather3A_1102, %eq3A_1104 : vector<16xi32>
          %get3A_1106 = arith.constant 1 : i32
          %get3A_1107 = arith.index_cast %get3A_1106 : i32 to index
          %get3A_1108 = arith.index_cast %add3A_1098 : i32 to index
          %get3A_1109 = arith.constant 0 : index
          %get3A_1110 = tpu.vector_load %arg7[%get3A_1107, %get3A_1108, %get3A_1109] {strides = array<i32>} : memref<2x104x128xf32, #tpu.memory_space<vmem>>, vector<16xf32>,
          %get3A_1111 = arith.constant 1 : i32
          %get3A_1112 = arith.index_cast %get3A_1111 : i32 to index
          %get3A_1113 = arith.index_cast %add3A_1098 : i32 to index
          %get3A_1114 = arith.constant 64 : index
          %get3A_1115 = tpu.vector_load %arg7[%get3A_1112, %get3A_1113, %get3A_1114] {strides = array<i32>} : memref<2x104x128xf32, #tpu.memory_space<vmem>>, vector<16xf32>,
          %select_n3A_1116 = arith.select %eq3A_1105, %get3A_1115, %get3A_1110 : vector<16xi1>, vector<16xf32>
          %mul3A_1117 = arith.constant 8.000000e+00 : f32
          %mul3A_1118 = vector.broadcast %mul3A_1117 : f32 to vector<16xf32>
          %mul3A_1119 = arith.mulf %select_n3A_1116, %mul3A_1118 : vector<16xf32>
          %swap3A_1120 = arith.constant 1 : i32
          %swap3A_1121 = arith.index_cast %swap3A_1120 : i32 to index
          %swap3A_1122 = arith.index_cast %add3A_1098 : i32 to index
          %swap3A_1123 = arith.constant 0 : index
          %swap3A_1124 = tpu.vector_load %arg8[%swap3A_1121, %swap3A_1122, %swap3A_1123] {strides = array<i32>} : memref<2x104x64xf32, #tpu.memory_space<vmem>>, vector<16xf32>,
          tpu.vector_store %arg8[%swap3A_1121, %swap3A_1122, %swap3A_1123], %mul3A_1119 {strides = array<i32>} : memref<2x104x64xf32, #tpu.memory_space<vmem>>, vector<16xf32>,
          %get3A_1125 = arith.constant 1 : i32
          %get3A_1126 = arith.index_cast %get3A_1125 : i32 to index
          %get3A_1127 = arith.index_cast %add3A_1098 : i32 to index
          %get3A_1128 = arith.constant 16 : index
          %get3A_1129 = tpu.vector_load %arg7[%get3A_1126, %get3A_1127, %get3A_1128] {strides = array<i32>} : memref<2x104x128xf32, #tpu.memory_space<vmem>>, vector<16xf32>,
          %get3A_1130 = arith.constant 1 : i32
          %get3A_1131 = arith.index_cast %get3A_1130 : i32 to index
          %get3A_1132 = arith.index_cast %add3A_1098 : i32 to index
          %get3A_1133 = arith.constant 80 : index
          %get3A_1134 = tpu.vector_load %arg7[%get3A_1131, %get3A_1132, %get3A_1133] {strides = array<i32>} : memref<2x104x128xf32, #tpu.memory_space<vmem>>, vector<16xf32>,
          %select_n3A_1135 = arith.select %eq3A_1105, %get3A_1134, %get3A_1129 : vector<16xi1>, vector<16xf32>
          %mul3A_1136 = arith.constant 8.000000e+00 : f32
          %mul3A_1137 = vector.broadcast %mul3A_1136 : f32 to vector<16xf32>
          %mul3A_1138 = arith.mulf %select_n3A_1135, %mul3A_1137 : vector<16xf32>
          %swap3A_1139 = arith.constant 1 : i32
          %swap3A_1140 = arith.index_cast %swap3A_1139 : i32 to index
          %swap3A_1141 = arith.index_cast %add3A_1098 : i32 to index
          %swap3A_1142 = arith.constant 16 : index
          %swap3A_1143 = tpu.vector_load %arg8[%swap3A_1140, %swap3A_1141, %swap3A_1142] {strides = array<i32>} : memref<2x104x64xf32, #tpu.memory_space<vmem>>, vector<16xf32>,
          tpu.vector_store %arg8[%swap3A_1140, %swap3A_1141, %swap3A_1142], %mul3A_1138 {strides = array<i32>} : memref<2x104x64xf32, #tpu.memory_space<vmem>>, vector<16xf32>,
          %get3A_1144 = arith.constant 1 : i32
          %get3A_1145 = arith.index_cast %get3A_1144 : i32 to index
          %get3A_1146 = arith.index_cast %add3A_1098 : i32 to index
          %get3A_1147 = arith.constant 32 : index
          %get3A_1148 = tpu.vector_load %arg7[%get3A_1145, %get3A_1146, %get3A_1147] {strides = array<i32>} : memref<2x104x128xf32, #tpu.memory_space<vmem>>, vector<16xf32>,
          %get3A_1149 = arith.constant 1 : i32
          %get3A_1150 = arith.index_cast %get3A_1149 : i32 to index
          %get3A_1151 = arith.index_cast %add3A_1098 : i32 to index
          %get3A_1152 = arith.constant 96 : index
          %get3A_1153 = tpu.vector_load %arg7[%get3A_1150, %get3A_1151, %get3A_1152] {strides = array<i32>} : memref<2x104x128xf32, #tpu.memory_space<vmem>>, vector<16xf32>,
          %select_n3A_1154 = arith.select %eq3A_1105, %get3A_1153, %get3A_1148 : vector<16xi1>, vector<16xf32>
          %mul3A_1155 = arith.constant 8.000000e+00 : f32
          %mul3A_1156 = vector.broadcast %mul3A_1155 : f32 to vector<16xf32>
          %mul3A_1157 = arith.mulf %select_n3A_1154, %mul3A_1156 : vector<16xf32>
          %swap3A_1158 = arith.constant 1 : i32
          %swap3A_1159 = arith.index_cast %swap3A_1158 : i32 to index
          %swap3A_1160 = arith.index_cast %add3A_1098 : i32 to index
          %swap3A_1161 = arith.constant 32 : index
          %swap3A_1162 = tpu.vector_load %arg8[%swap3A_1159, %swap3A_1160, %swap3A_1161] {strides = array<i32>} : memref<2x104x64xf32, #tpu.memory_space<vmem>>, vector<16xf32>,
          tpu.vector_store %arg8[%swap3A_1159, %swap3A_1160, %swap3A_1161], %mul3A_1157 {strides = array<i32>} : memref<2x104x64xf32, #tpu.memory_space<vmem>>, vector<16xf32>,
          %get3A_1163 = arith.constant 1 : i32
          %get3A_1164 = arith.index_cast %get3A_1163 : i32 to index
          %get3A_1165 = arith.index_cast %add3A_1098 : i32 to index
          %get3A_1166 = arith.constant 48 : index
          %get3A_1167 = tpu.vector_load %arg7[%get3A_1164, %get3A_1165, %get3A_1166] {strides = array<i32>} : memref<2x104x128xf32, #tpu.memory_space<vmem>>, vector<16xf32>,
          %get3A_1168 = arith.constant 1 : i32
          %get3A_1169 = arith.index_cast %get3A_1168 : i32 to index
          %get3A_1170 = arith.index_cast %add3A_1098 : i32 to index
          %get3A_1171 = arith.constant 112 : index
          %get3A_1172 = tpu.vector_load %arg7[%get3A_1169, %get3A_1170, %get3A_1171] {strides = array<i32>} : memref<2x104x128xf32, #tpu.memory_space<vmem>>, vector<16xf32>,
          %select_n3A_1173 = arith.select %eq3A_1105, %get3A_1172, %get3A_1167 : vector<16xi1>, vector<16xf32>
          %mul3A_1174 = arith.constant 8.000000e+00 : f32
          %mul3A_1175 = vector.broadcast %mul3A_1174 : f32 to vector<16xf32>
          %mul3A_1176 = arith.mulf %select_n3A_1173, %mul3A_1175 : vector<16xf32>
          %swap3A_1177 = arith.constant 1 : i32
          %swap3A_1178 = arith.index_cast %swap3A_1177 : i32 to index
          %swap3A_1179 = arith.index_cast %add3A_1098 : i32 to index
          %swap3A_1180 = arith.constant 48 : index
          %swap3A_1181 = tpu.vector_load %arg8[%swap3A_1178, %swap3A_1179, %swap3A_1180] {strides = array<i32>} : memref<2x104x64xf32, #tpu.memory_space<vmem>>, vector<16xf32>,
          tpu.vector_store %arg8[%swap3A_1178, %swap3A_1179, %swap3A_1180], %mul3A_1176 {strides = array<i32>} : memref<2x104x64xf32, #tpu.memory_space<vmem>>, vector<16xf32>,
          %add3A_1182 = arith.constant 11 : i32
          %add3A_1183 = arith.addi %min3A_242, %add3A_1182 : i32
          %broadcast_in_dim3A_1184 = arith.constant 11 : i32
          %broadcast_in_dim3A_1185 = vector.broadcast %broadcast_in_dim3A_1184 : i32 to vector<16x1xi32>
          %gather3A_1186 = vector.shape_cast %broadcast_in_dim3A_1185 : vector<16x1xi32> to vector<16xi32>
          %gather3A_1187 = tpu.dynamic_gather %and3A_249[%gather3A_1186] in [0] : vector<16xi32>, vector<16xi32> -> vector<16xi32>
          %eq3A_1188 = arith.constant 1 : i32
          %eq3A_1189 = vector.broadcast %eq3A_1188 : i32 to vector<16xi32>
          %eq3A_1190 = arith.cmpi eq, %gather3A_1187, %eq3A_1189 : vector<16xi32>
          %get3A_1191 = arith.constant 1 : i32
          %get3A_1192 = arith.index_cast %get3A_1191 : i32 to index
          %get3A_1193 = arith.index_cast %add3A_1183 : i32 to index
          %get3A_1194 = arith.constant 0 : index
          %get3A_1195 = tpu.vector_load %arg7[%get3A_1192, %get3A_1193, %get3A_1194] {strides = array<i32>} : memref<2x104x128xf32, #tpu.memory_space<vmem>>, vector<16xf32>,
          %get3A_1196 = arith.constant 1 : i32
          %get3A_1197 = arith.index_cast %get3A_1196 : i32 to index
          %get3A_1198 = arith.index_cast %add3A_1183 : i32 to index
          %get3A_1199 = arith.constant 64 : index
          %get3A_1200 = tpu.vector_load %arg7[%get3A_1197, %get3A_1198, %get3A_1199] {strides = array<i32>} : memref<2x104x128xf32, #tpu.memory_space<vmem>>, vector<16xf32>,
          %select_n3A_1201 = arith.select %eq3A_1190, %get3A_1200, %get3A_1195 : vector<16xi1>, vector<16xf32>
          %mul3A_1202 = arith.constant 8.000000e+00 : f32
          %mul3A_1203 = vector.broadcast %mul3A_1202 : f32 to vector<16xf32>
          %mul3A_1204 = arith.mulf %select_n3A_1201, %mul3A_1203 : vector<16xf32>
          %swap3A_1205 = arith.constant 1 : i32
          %swap3A_1206 = arith.index_cast %swap3A_1205 : i32 to index
          %swap3A_1207 = arith.index_cast %add3A_1183 : i32 to index
          %swap3A_1208 = arith.constant 0 : index
          %swap3A_1209 = tpu.vector_load %arg8[%swap3A_1206, %swap3A_1207, %swap3A_1208] {strides = array<i32>} : memref<2x104x64xf32, #tpu.memory_space<vmem>>, vector<16xf32>,
          tpu.vector_store %arg8[%swap3A_1206, %swap3A_1207, %swap3A_1208], %mul3A_1204 {strides = array<i32>} : memref<2x104x64xf32, #tpu.memory_space<vmem>>, vector<16xf32>,
          %get3A_1210 = arith.constant 1 : i32
          %get3A_1211 = arith.index_cast %get3A_1210 : i32 to index
          %get3A_1212 = arith.index_cast %add3A_1183 : i32 to index
          %get3A_1213 = arith.constant 16 : index
          %get3A_1214 = tpu.vector_load %arg7[%get3A_1211, %get3A_1212, %get3A_1213] {strides = array<i32>} : memref<2x104x128xf32, #tpu.memory_space<vmem>>, vector<16xf32>,
          %get3A_1215 = arith.constant 1 : i32
          %get3A_1216 = arith.index_cast %get3A_1215 : i32 to index
          %get3A_1217 = arith.index_cast %add3A_1183 : i32 to index
          %get3A_1218 = arith.constant 80 : index
          %get3A_1219 = tpu.vector_load %arg7[%get3A_1216, %get3A_1217, %get3A_1218] {strides = array<i32>} : memref<2x104x128xf32, #tpu.memory_space<vmem>>, vector<16xf32>,
          %select_n3A_1220 = arith.select %eq3A_1190, %get3A_1219, %get3A_1214 : vector<16xi1>, vector<16xf32>
          %mul3A_1221 = arith.constant 8.000000e+00 : f32
          %mul3A_1222 = vector.broadcast %mul3A_1221 : f32 to vector<16xf32>
          %mul3A_1223 = arith.mulf %select_n3A_1220, %mul3A_1222 : vector<16xf32>
          %swap3A_1224 = arith.constant 1 : i32
          %swap3A_1225 = arith.index_cast %swap3A_1224 : i32 to index
          %swap3A_1226 = arith.index_cast %add3A_1183 : i32 to index
          %swap3A_1227 = arith.constant 16 : index
          %swap3A_1228 = tpu.vector_load %arg8[%swap3A_1225, %swap3A_1226, %swap3A_1227] {strides = array<i32>} : memref<2x104x64xf32, #tpu.memory_space<vmem>>, vector<16xf32>,
          tpu.vector_store %arg8[%swap3A_1225, %swap3A_1226, %swap3A_1227], %mul3A_1223 {strides = array<i32>} : memref<2x104x64xf32, #tpu.memory_space<vmem>>, vector<16xf32>,
          %get3A_1229 = arith.constant 1 : i32
          %get3A_1230 = arith.index_cast %get3A_1229 : i32 to index
          %get3A_1231 = arith.index_cast %add3A_1183 : i32 to index
          %get3A_1232 = arith.constant 32 : index
          %get3A_1233 = tpu.vector_load %arg7[%get3A_1230, %get3A_1231, %get3A_1232] {strides = array<i32>} : memref<2x104x128xf32, #tpu.memory_space<vmem>>, vector<16xf32>,
          %get3A_1234 = arith.constant 1 : i32
          %get3A_1235 = arith.index_cast %get3A_1234 : i32 to index
          %get3A_1236 = arith.index_cast %add3A_1183 : i32 to index
          %get3A_1237 = arith.constant 96 : index
          %get3A_1238 = tpu.vector_load %arg7[%get3A_1235, %get3A_1236, %get3A_1237] {strides = array<i32>} : memref<2x104x128xf32, #tpu.memory_space<vmem>>, vector<16xf32>,
          %select_n3A_1239 = arith.select %eq3A_1190, %get3A_1238, %get3A_1233 : vector<16xi1>, vector<16xf32>
          %mul3A_1240 = arith.constant 8.000000e+00 : f32
          %mul3A_1241 = vector.broadcast %mul3A_1240 : f32 to vector<16xf32>
          %mul3A_1242 = arith.mulf %select_n3A_1239, %mul3A_1241 : vector<16xf32>
          %swap3A_1243 = arith.constant 1 : i32
          %swap3A_1244 = arith.index_cast %swap3A_1243 : i32 to index
          %swap3A_1245 = arith.index_cast %add3A_1183 : i32 to index
          %swap3A_1246 = arith.constant 32 : index
          %swap3A_1247 = tpu.vector_load %arg8[%swap3A_1244, %swap3A_1245, %swap3A_1246] {strides = array<i32>} : memref<2x104x64xf32, #tpu.memory_space<vmem>>, vector<16xf32>,
          tpu.vector_store %arg8[%swap3A_1244, %swap3A_1245, %swap3A_1246], %mul3A_1242 {strides = array<i32>} : memref<2x104x64xf32, #tpu.memory_space<vmem>>, vector<16xf32>,
          %get3A_1248 = arith.constant 1 : i32
          %get3A_1249 = arith.index_cast %get3A_1248 : i32 to index
          %get3A_1250 = arith.index_cast %add3A_1183 : i32 to index
          %get3A_1251 = arith.constant 48 : index
          %get3A_1252 = tpu.vector_load %arg7[%get3A_1249, %get3A_1250, %get3A_1251] {strides = array<i32>} : memref<2x104x128xf32, #tpu.memory_space<vmem>>, vector<16xf32>,
          %get3A_1253 = arith.constant 1 : i32
          %get3A_1254 = arith.index_cast %get3A_1253 : i32 to index
          %get3A_1255 = arith.index_cast %add3A_1183 : i32 to index
          %get3A_1256 = arith.constant 112 : index
          %get3A_1257 = tpu.vector_load %arg7[%get3A_1254, %get3A_1255, %get3A_1256] {strides = array<i32>} : memref<2x104x128xf32, #tpu.memory_space<vmem>>, vector<16xf32>,
          %select_n3A_1258 = arith.select %eq3A_1190, %get3A_1257, %get3A_1252 : vector<16xi1>, vector<16xf32>
          %mul3A_1259 = arith.constant 8.000000e+00 : f32
          %mul3A_1260 = vector.broadcast %mul3A_1259 : f32 to vector<16xf32>
          %mul3A_1261 = arith.mulf %select_n3A_1258, %mul3A_1260 : vector<16xf32>
          %swap3A_1262 = arith.constant 1 : i32
          %swap3A_1263 = arith.index_cast %swap3A_1262 : i32 to index
          %swap3A_1264 = arith.index_cast %add3A_1183 : i32 to index
          %swap3A_1265 = arith.constant 48 : index
          %swap3A_1266 = tpu.vector_load %arg8[%swap3A_1263, %swap3A_1264, %swap3A_1265] {strides = array<i32>} : memref<2x104x64xf32, #tpu.memory_space<vmem>>, vector<16xf32>,
          tpu.vector_store %arg8[%swap3A_1263, %swap3A_1264, %swap3A_1265], %mul3A_1261 {strides = array<i32>} : memref<2x104x64xf32, #tpu.memory_space<vmem>>, vector<16xf32>,
          %add3A_1267 = arith.constant 12 : i32
          %add3A_1268 = arith.addi %min3A_242, %add3A_1267 : i32
          %broadcast_in_dim3A_1269 = arith.constant 12 : i32
          %broadcast_in_dim3A_1270 = vector.broadcast %broadcast_in_dim3A_1269 : i32 to vector<16x1xi32>
          %gather3A_1271 = vector.shape_cast %broadcast_in_dim3A_1270 : vector<16x1xi32> to vector<16xi32>
          %gather3A_1272 = tpu.dynamic_gather %and3A_249[%gather3A_1271] in [0] : vector<16xi32>, vector<16xi32> -> vector<16xi32>
          %eq3A_1273 = arith.constant 1 : i32
          %eq3A_1274 = vector.broadcast %eq3A_1273 : i32 to vector<16xi32>
          %eq3A_1275 = arith.cmpi eq, %gather3A_1272, %eq3A_1274 : vector<16xi32>
          %get3A_1276 = arith.constant 1 : i32
          %get3A_1277 = arith.index_cast %get3A_1276 : i32 to index
          %get3A_1278 = arith.index_cast %add3A_1268 : i32 to index
          %get3A_1279 = arith.constant 0 : index
          %get3A_1280 = tpu.vector_load %arg7[%get3A_1277, %get3A_1278, %get3A_1279] {strides = array<i32>} : memref<2x104x128xf32, #tpu.memory_space<vmem>>, vector<16xf32>,
          %get3A_1281 = arith.constant 1 : i32
          %get3A_1282 = arith.index_cast %get3A_1281 : i32 to index
          %get3A_1283 = arith.index_cast %add3A_1268 : i32 to index
          %get3A_1284 = arith.constant 64 : index
          %get3A_1285 = tpu.vector_load %arg7[%get3A_1282, %get3A_1283, %get3A_1284] {strides = array<i32>} : memref<2x104x128xf32, #tpu.memory_space<vmem>>, vector<16xf32>,
          %select_n3A_1286 = arith.select %eq3A_1275, %get3A_1285, %get3A_1280 : vector<16xi1>, vector<16xf32>
          %mul3A_1287 = arith.constant 8.000000e+00 : f32
          %mul3A_1288 = vector.broadcast %mul3A_1287 : f32 to vector<16xf32>
          %mul3A_1289 = arith.mulf %select_n3A_1286, %mul3A_1288 : vector<16xf32>
          %swap3A_1290 = arith.constant 1 : i32
          %swap3A_1291 = arith.index_cast %swap3A_1290 : i32 to index
          %swap3A_1292 = arith.index_cast %add3A_1268 : i32 to index
          %swap3A_1293 = arith.constant 0 : index
          %swap3A_1294 = tpu.vector_load %arg8[%swap3A_1291, %swap3A_1292, %swap3A_1293] {strides = array<i32>} : memref<2x104x64xf32, #tpu.memory_space<vmem>>, vector<16xf32>,
          tpu.vector_store %arg8[%swap3A_1291, %swap3A_1292, %swap3A_1293], %mul3A_1289 {strides = array<i32>} : memref<2x104x64xf32, #tpu.memory_space<vmem>>, vector<16xf32>,
          %get3A_1295 = arith.constant 1 : i32
          %get3A_1296 = arith.index_cast %get3A_1295 : i32 to index
          %get3A_1297 = arith.index_cast %add3A_1268 : i32 to index
          %get3A_1298 = arith.constant 16 : index
          %get3A_1299 = tpu.vector_load %arg7[%get3A_1296, %get3A_1297, %get3A_1298] {strides = array<i32>} : memref<2x104x128xf32, #tpu.memory_space<vmem>>, vector<16xf32>,
          %get3A_1300 = arith.constant 1 : i32
          %get3A_1301 = arith.index_cast %get3A_1300 : i32 to index
          %get3A_1302 = arith.index_cast %add3A_1268 : i32 to index
          %get3A_1303 = arith.constant 80 : index
          %get3A_1304 = tpu.vector_load %arg7[%get3A_1301, %get3A_1302, %get3A_1303] {strides = array<i32>} : memref<2x104x128xf32, #tpu.memory_space<vmem>>, vector<16xf32>,
          %select_n3A_1305 = arith.select %eq3A_1275, %get3A_1304, %get3A_1299 : vector<16xi1>, vector<16xf32>
          %mul3A_1306 = arith.constant 8.000000e+00 : f32
          %mul3A_1307 = vector.broadcast %mul3A_1306 : f32 to vector<16xf32>
          %mul3A_1308 = arith.mulf %select_n3A_1305, %mul3A_1307 : vector<16xf32>
          %swap3A_1309 = arith.constant 1 : i32
          %swap3A_1310 = arith.index_cast %swap3A_1309 : i32 to index
          %swap3A_1311 = arith.index_cast %add3A_1268 : i32 to index
          %swap3A_1312 = arith.constant 16 : index
          %swap3A_1313 = tpu.vector_load %arg8[%swap3A_1310, %swap3A_1311, %swap3A_1312] {strides = array<i32>} : memref<2x104x64xf32, #tpu.memory_space<vmem>>, vector<16xf32>,
          tpu.vector_store %arg8[%swap3A_1310, %swap3A_1311, %swap3A_1312], %mul3A_1308 {strides = array<i32>} : memref<2x104x64xf32, #tpu.memory_space<vmem>>, vector<16xf32>,
          %get3A_1314 = arith.constant 1 : i32
          %get3A_1315 = arith.index_cast %get3A_1314 : i32 to index
          %get3A_1316 = arith.index_cast %add3A_1268 : i32 to index
          %get3A_1317 = arith.constant 32 : index
          %get3A_1318 = tpu.vector_load %arg7[%get3A_1315, %get3A_1316, %get3A_1317] {strides = array<i32>} : memref<2x104x128xf32, #tpu.memory_space<vmem>>, vector<16xf32>,
          %get3A_1319 = arith.constant 1 : i32
          %get3A_1320 = arith.index_cast %get3A_1319 : i32 to index
          %get3A_1321 = arith.index_cast %add3A_1268 : i32 to index
          %get3A_1322 = arith.constant 96 : index
          %get3A_1323 = tpu.vector_load %arg7[%get3A_1320, %get3A_1321, %get3A_1322] {strides = array<i32>} : memref<2x104x128xf32, #tpu.memory_space<vmem>>, vector<16xf32>,
          %select_n3A_1324 = arith.select %eq3A_1275, %get3A_1323, %get3A_1318 : vector<16xi1>, vector<16xf32>
          %mul3A_1325 = arith.constant 8.000000e+00 : f32
          %mul3A_1326 = vector.broadcast %mul3A_1325 : f32 to vector<16xf32>
          %mul3A_1327 = arith.mulf %select_n3A_1324, %mul3A_1326 : vector<16xf32>
          %swap3A_1328 = arith.constant 1 : i32
          %swap3A_1329 = arith.index_cast %swap3A_1328 : i32 to index
          %swap3A_1330 = arith.index_cast %add3A_1268 : i32 to index
          %swap3A_1331 = arith.constant 32 : index
          %swap3A_1332 = tpu.vector_load %arg8[%swap3A_1329, %swap3A_1330, %swap3A_1331] {strides = array<i32>} : memref<2x104x64xf32, #tpu.memory_space<vmem>>, vector<16xf32>,
          tpu.vector_store %arg8[%swap3A_1329, %swap3A_1330, %swap3A_1331], %mul3A_1327 {strides = array<i32>} : memref<2x104x64xf32, #tpu.memory_space<vmem>>, vector<16xf32>,
          %get3A_1333 = arith.constant 1 : i32
          %get3A_1334 = arith.index_cast %get3A_1333 : i32 to index
          %get3A_1335 = arith.index_cast %add3A_1268 : i32 to index
          %get3A_1336 = arith.constant 48 : index
          %get3A_1337 = tpu.vector_load %arg7[%get3A_1334, %get3A_1335, %get3A_1336] {strides = array<i32>} : memref<2x104x128xf32, #tpu.memory_space<vmem>>, vector<16xf32>,
          %get3A_1338 = arith.constant 1 : i32
          %get3A_1339 = arith.index_cast %get3A_1338 : i32 to index
          %get3A_1340 = arith.index_cast %add3A_1268 : i32 to index
          %get3A_1341 = arith.constant 112 : index
          %get3A_1342 = tpu.vector_load %arg7[%get3A_1339, %get3A_1340, %get3A_1341] {strides = array<i32>} : memref<2x104x128xf32, #tpu.memory_space<vmem>>, vector<16xf32>,
          %select_n3A_1343 = arith.select %eq3A_1275, %get3A_1342, %get3A_1337 : vector<16xi1>, vector<16xf32>
          %mul3A_1344 = arith.constant 8.000000e+00 : f32
          %mul3A_1345 = vector.broadcast %mul3A_1344 : f32 to vector<16xf32>
          %mul3A_1346 = arith.mulf %select_n3A_1343, %mul3A_1345 : vector<16xf32>
          %swap3A_1347 = arith.constant 1 : i32
          %swap3A_1348 = arith.index_cast %swap3A_1347 : i32 to index
          %swap3A_1349 = arith.index_cast %add3A_1268 : i32 to index
          %swap3A_1350 = arith.constant 48 : index
          %swap3A_1351 = tpu.vector_load %arg8[%swap3A_1348, %swap3A_1349, %swap3A_1350] {strides = array<i32>} : memref<2x104x64xf32, #tpu.memory_space<vmem>>, vector<16xf32>,
          tpu.vector_store %arg8[%swap3A_1348, %swap3A_1349, %swap3A_1350], %mul3A_1346 {strides = array<i32>} : memref<2x104x64xf32, #tpu.memory_space<vmem>>, vector<16xf32>,
          %add3A_1352 = arith.constant 13 : i32
          %add3A_1353 = arith.addi %min3A_242, %add3A_1352 : i32
          %broadcast_in_dim3A_1354 = arith.constant 13 : i32
          %broadcast_in_dim3A_1355 = vector.broadcast %broadcast_in_dim3A_1354 : i32 to vector<16x1xi32>
          %gather3A_1356 = vector.shape_cast %broadcast_in_dim3A_1355 : vector<16x1xi32> to vector<16xi32>
          %gather3A_1357 = tpu.dynamic_gather %and3A_249[%gather3A_1356] in [0] : vector<16xi32>, vector<16xi32> -> vector<16xi32>
          %eq3A_1358 = arith.constant 1 : i32
          %eq3A_1359 = vector.broadcast %eq3A_1358 : i32 to vector<16xi32>
          %eq3A_1360 = arith.cmpi eq, %gather3A_1357, %eq3A_1359 : vector<16xi32>
          %get3A_1361 = arith.constant 1 : i32
          %get3A_1362 = arith.index_cast %get3A_1361 : i32 to index
          %get3A_1363 = arith.index_cast %add3A_1353 : i32 to index
          %get3A_1364 = arith.constant 0 : index
          %get3A_1365 = tpu.vector_load %arg7[%get3A_1362, %get3A_1363, %get3A_1364] {strides = array<i32>} : memref<2x104x128xf32, #tpu.memory_space<vmem>>, vector<16xf32>,
          %get3A_1366 = arith.constant 1 : i32
          %get3A_1367 = arith.index_cast %get3A_1366 : i32 to index
          %get3A_1368 = arith.index_cast %add3A_1353 : i32 to index
          %get3A_1369 = arith.constant 64 : index
          %get3A_1370 = tpu.vector_load %arg7[%get3A_1367, %get3A_1368, %get3A_1369] {strides = array<i32>} : memref<2x104x128xf32, #tpu.memory_space<vmem>>, vector<16xf32>,
          %select_n3A_1371 = arith.select %eq3A_1360, %get3A_1370, %get3A_1365 : vector<16xi1>, vector<16xf32>
          %mul3A_1372 = arith.constant 8.000000e+00 : f32
          %mul3A_1373 = vector.broadcast %mul3A_1372 : f32 to vector<16xf32>
          %mul3A_1374 = arith.mulf %select_n3A_1371, %mul3A_1373 : vector<16xf32>
          %swap3A_1375 = arith.constant 1 : i32
          %swap3A_1376 = arith.index_cast %swap3A_1375 : i32 to index
          %swap3A_1377 = arith.index_cast %add3A_1353 : i32 to index
          %swap3A_1378 = arith.constant 0 : index
          %swap3A_1379 = tpu.vector_load %arg8[%swap3A_1376, %swap3A_1377, %swap3A_1378] {strides = array<i32>} : memref<2x104x64xf32, #tpu.memory_space<vmem>>, vector<16xf32>,
          tpu.vector_store %arg8[%swap3A_1376, %swap3A_1377, %swap3A_1378], %mul3A_1374 {strides = array<i32>} : memref<2x104x64xf32, #tpu.memory_space<vmem>>, vector<16xf32>,
          %get3A_1380 = arith.constant 1 : i32
          %get3A_1381 = arith.index_cast %get3A_1380 : i32 to index
          %get3A_1382 = arith.index_cast %add3A_1353 : i32 to index
          %get3A_1383 = arith.constant 16 : index
          %get3A_1384 = tpu.vector_load %arg7[%get3A_1381, %get3A_1382, %get3A_1383] {strides = array<i32>} : memref<2x104x128xf32, #tpu.memory_space<vmem>>, vector<16xf32>,
          %get3A_1385 = arith.constant 1 : i32
          %get3A_1386 = arith.index_cast %get3A_1385 : i32 to index
          %get3A_1387 = arith.index_cast %add3A_1353 : i32 to index
          %get3A_1388 = arith.constant 80 : index
          %get3A_1389 = tpu.vector_load %arg7[%get3A_1386, %get3A_1387, %get3A_1388] {strides = array<i32>} : memref<2x104x128xf32, #tpu.memory_space<vmem>>, vector<16xf32>,
          %select_n3A_1390 = arith.select %eq3A_1360, %get3A_1389, %get3A_1384 : vector<16xi1>, vector<16xf32>
          %mul3A_1391 = arith.constant 8.000000e+00 : f32
          %mul3A_1392 = vector.broadcast %mul3A_1391 : f32 to vector<16xf32>
          %mul3A_1393 = arith.mulf %select_n3A_1390, %mul3A_1392 : vector<16xf32>
          %swap3A_1394 = arith.constant 1 : i32
          %swap3A_1395 = arith.index_cast %swap3A_1394 : i32 to index
          %swap3A_1396 = arith.index_cast %add3A_1353 : i32 to index
          %swap3A_1397 = arith.constant 16 : index
          %swap3A_1398 = tpu.vector_load %arg8[%swap3A_1395, %swap3A_1396, %swap3A_1397] {strides = array<i32>} : memref<2x104x64xf32, #tpu.memory_space<vmem>>, vector<16xf32>,
          tpu.vector_store %arg8[%swap3A_1395, %swap3A_1396, %swap3A_1397], %mul3A_1393 {strides = array<i32>} : memref<2x104x64xf32, #tpu.memory_space<vmem>>, vector<16xf32>,
          %get3A_1399 = arith.constant 1 : i32
          %get3A_1400 = arith.index_cast %get3A_1399 : i32 to index
          %get3A_1401 = arith.index_cast %add3A_1353 : i32 to index
          %get3A_1402 = arith.constant 32 : index
          %get3A_1403 = tpu.vector_load %arg7[%get3A_1400, %get3A_1401, %get3A_1402] {strides = array<i32>} : memref<2x104x128xf32, #tpu.memory_space<vmem>>, vector<16xf32>,
          %get3A_1404 = arith.constant 1 : i32
          %get3A_1405 = arith.index_cast %get3A_1404 : i32 to index
          %get3A_1406 = arith.index_cast %add3A_1353 : i32 to index
          %get3A_1407 = arith.constant 96 : index
          %get3A_1408 = tpu.vector_load %arg7[%get3A_1405, %get3A_1406, %get3A_1407] {strides = array<i32>} : memref<2x104x128xf32, #tpu.memory_space<vmem>>, vector<16xf32>,
          %select_n3A_1409 = arith.select %eq3A_1360, %get3A_1408, %get3A_1403 : vector<16xi1>, vector<16xf32>
          %mul3A_1410 = arith.constant 8.000000e+00 : f32
          %mul3A_1411 = vector.broadcast %mul3A_1410 : f32 to vector<16xf32>
          %mul3A_1412 = arith.mulf %select_n3A_1409, %mul3A_1411 : vector<16xf32>
          %swap3A_1413 = arith.constant 1 : i32
          %swap3A_1414 = arith.index_cast %swap3A_1413 : i32 to index
          %swap3A_1415 = arith.index_cast %add3A_1353 : i32 to index
          %swap3A_1416 = arith.constant 32 : index
          %swap3A_1417 = tpu.vector_load %arg8[%swap3A_1414, %swap3A_1415, %swap3A_1416] {strides = array<i32>} : memref<2x104x64xf32, #tpu.memory_space<vmem>>, vector<16xf32>,
          tpu.vector_store %arg8[%swap3A_1414, %swap3A_1415, %swap3A_1416], %mul3A_1412 {strides = array<i32>} : memref<2x104x64xf32, #tpu.memory_space<vmem>>, vector<16xf32>,
          %get3A_1418 = arith.constant 1 : i32
          %get3A_1419 = arith.index_cast %get3A_1418 : i32 to index
          %get3A_1420 = arith.index_cast %add3A_1353 : i32 to index
          %get3A_1421 = arith.constant 48 : index
          %get3A_1422 = tpu.vector_load %arg7[%get3A_1419, %get3A_1420, %get3A_1421] {strides = array<i32>} : memref<2x104x128xf32, #tpu.memory_space<vmem>>, vector<16xf32>,
          %get3A_1423 = arith.constant 1 : i32
          %get3A_1424 = arith.index_cast %get3A_1423 : i32 to index
          %get3A_1425 = arith.index_cast %add3A_1353 : i32 to index
          %get3A_1426 = arith.constant 112 : index
          %get3A_1427 = tpu.vector_load %arg7[%get3A_1424, %get3A_1425, %get3A_1426] {strides = array<i32>} : memref<2x104x128xf32, #tpu.memory_space<vmem>>, vector<16xf32>,
          %select_n3A_1428 = arith.select %eq3A_1360, %get3A_1427, %get3A_1422 : vector<16xi1>, vector<16xf32>
          %mul3A_1429 = arith.constant 8.000000e+00 : f32
          %mul3A_1430 = vector.broadcast %mul3A_1429 : f32 to vector<16xf32>
          %mul3A_1431 = arith.mulf %select_n3A_1428, %mul3A_1430 : vector<16xf32>
          %swap3A_1432 = arith.constant 1 : i32
          %swap3A_1433 = arith.index_cast %swap3A_1432 : i32 to index
          %swap3A_1434 = arith.index_cast %add3A_1353 : i32 to index
          %swap3A_1435 = arith.constant 48 : index
          %swap3A_1436 = tpu.vector_load %arg8[%swap3A_1433, %swap3A_1434, %swap3A_1435] {strides = array<i32>} : memref<2x104x64xf32, #tpu.memory_space<vmem>>, vector<16xf32>,
          tpu.vector_store %arg8[%swap3A_1433, %swap3A_1434, %swap3A_1435], %mul3A_1431 {strides = array<i32>} : memref<2x104x64xf32, #tpu.memory_space<vmem>>, vector<16xf32>,
          %add3A_1437 = arith.constant 14 : i32
          %add3A_1438 = arith.addi %min3A_242, %add3A_1437 : i32
          %broadcast_in_dim3A_1439 = arith.constant 14 : i32
          %broadcast_in_dim3A_1440 = vector.broadcast %broadcast_in_dim3A_1439 : i32 to vector<16x1xi32>
          %gather3A_1441 = vector.shape_cast %broadcast_in_dim3A_1440 : vector<16x1xi32> to vector<16xi32>
          %gather3A_1442 = tpu.dynamic_gather %and3A_249[%gather3A_1441] in [0] : vector<16xi32>, vector<16xi32> -> vector<16xi32>
          %eq3A_1443 = arith.constant 1 : i32
          %eq3A_1444 = vector.broadcast %eq3A_1443 : i32 to vector<16xi32>
          %eq3A_1445 = arith.cmpi eq, %gather3A_1442, %eq3A_1444 : vector<16xi32>
          %get3A_1446 = arith.constant 1 : i32
          %get3A_1447 = arith.index_cast %get3A_1446 : i32 to index
          %get3A_1448 = arith.index_cast %add3A_1438 : i32 to index
          %get3A_1449 = arith.constant 0 : index
          %get3A_1450 = tpu.vector_load %arg7[%get3A_1447, %get3A_1448, %get3A_1449] {strides = array<i32>} : memref<2x104x128xf32, #tpu.memory_space<vmem>>, vector<16xf32>,
          %get3A_1451 = arith.constant 1 : i32
          %get3A_1452 = arith.index_cast %get3A_1451 : i32 to index
          %get3A_1453 = arith.index_cast %add3A_1438 : i32 to index
          %get3A_1454 = arith.constant 64 : index
          %get3A_1455 = tpu.vector_load %arg7[%get3A_1452, %get3A_1453, %get3A_1454] {strides = array<i32>} : memref<2x104x128xf32, #tpu.memory_space<vmem>>, vector<16xf32>,
          %select_n3A_1456 = arith.select %eq3A_1445, %get3A_1455, %get3A_1450 : vector<16xi1>, vector<16xf32>
          %mul3A_1457 = arith.constant 8.000000e+00 : f32
          %mul3A_1458 = vector.broadcast %mul3A_1457 : f32 to vector<16xf32>
          %mul3A_1459 = arith.mulf %select_n3A_1456, %mul3A_1458 : vector<16xf32>
          %swap3A_1460 = arith.constant 1 : i32
          %swap3A_1461 = arith.index_cast %swap3A_1460 : i32 to index
          %swap3A_1462 = arith.index_cast %add3A_1438 : i32 to index
          %swap3A_1463 = arith.constant 0 : index
          %swap3A_1464 = tpu.vector_load %arg8[%swap3A_1461, %swap3A_1462, %swap3A_1463] {strides = array<i32>} : memref<2x104x64xf32, #tpu.memory_space<vmem>>, vector<16xf32>,
          tpu.vector_store %arg8[%swap3A_1461, %swap3A_1462, %swap3A_1463], %mul3A_1459 {strides = array<i32>} : memref<2x104x64xf32, #tpu.memory_space<vmem>>, vector<16xf32>,
          %get3A_1465 = arith.constant 1 : i32
          %get3A_1466 = arith.index_cast %get3A_1465 : i32 to index
          %get3A_1467 = arith.index_cast %add3A_1438 : i32 to index
          %get3A_1468 = arith.constant 16 : index
          %get3A_1469 = tpu.vector_load %arg7[%get3A_1466, %get3A_1467, %get3A_1468] {strides = array<i32>} : memref<2x104x128xf32, #tpu.memory_space<vmem>>, vector<16xf32>,
          %get3A_1470 = arith.constant 1 : i32
          %get3A_1471 = arith.index_cast %get3A_1470 : i32 to index
          %get3A_1472 = arith.index_cast %add3A_1438 : i32 to index
          %get3A_1473 = arith.constant 80 : index
          %get3A_1474 = tpu.vector_load %arg7[%get3A_1471, %get3A_1472, %get3A_1473] {strides = array<i32>} : memref<2x104x128xf32, #tpu.memory_space<vmem>>, vector<16xf32>,
          %select_n3A_1475 = arith.select %eq3A_1445, %get3A_1474, %get3A_1469 : vector<16xi1>, vector<16xf32>
          %mul3A_1476 = arith.constant 8.000000e+00 : f32
          %mul3A_1477 = vector.broadcast %mul3A_1476 : f32 to vector<16xf32>
          %mul3A_1478 = arith.mulf %select_n3A_1475, %mul3A_1477 : vector<16xf32>
          %swap3A_1479 = arith.constant 1 : i32
          %swap3A_1480 = arith.index_cast %swap3A_1479 : i32 to index
          %swap3A_1481 = arith.index_cast %add3A_1438 : i32 to index
          %swap3A_1482 = arith.constant 16 : index
          %swap3A_1483 = tpu.vector_load %arg8[%swap3A_1480, %swap3A_1481, %swap3A_1482] {strides = array<i32>} : memref<2x104x64xf32, #tpu.memory_space<vmem>>, vector<16xf32>,
          tpu.vector_store %arg8[%swap3A_1480, %swap3A_1481, %swap3A_1482], %mul3A_1478 {strides = array<i32>} : memref<2x104x64xf32, #tpu.memory_space<vmem>>, vector<16xf32>,
          %get3A_1484 = arith.constant 1 : i32
          %get3A_1485 = arith.index_cast %get3A_1484 : i32 to index
          %get3A_1486 = arith.index_cast %add3A_1438 : i32 to index
          %get3A_1487 = arith.constant 32 : index
          %get3A_1488 = tpu.vector_load %arg7[%get3A_1485, %get3A_1486, %get3A_1487] {strides = array<i32>} : memref<2x104x128xf32, #tpu.memory_space<vmem>>, vector<16xf32>,
          %get3A_1489 = arith.constant 1 : i32
          %get3A_1490 = arith.index_cast %get3A_1489 : i32 to index
          %get3A_1491 = arith.index_cast %add3A_1438 : i32 to index
          %get3A_1492 = arith.constant 96 : index
          %get3A_1493 = tpu.vector_load %arg7[%get3A_1490, %get3A_1491, %get3A_1492] {strides = array<i32>} : memref<2x104x128xf32, #tpu.memory_space<vmem>>, vector<16xf32>,
          %select_n3A_1494 = arith.select %eq3A_1445, %get3A_1493, %get3A_1488 : vector<16xi1>, vector<16xf32>
          %mul3A_1495 = arith.constant 8.000000e+00 : f32
          %mul3A_1496 = vector.broadcast %mul3A_1495 : f32 to vector<16xf32>
          %mul3A_1497 = arith.mulf %select_n3A_1494, %mul3A_1496 : vector<16xf32>
          %swap3A_1498 = arith.constant 1 : i32
          %swap3A_1499 = arith.index_cast %swap3A_1498 : i32 to index
          %swap3A_1500 = arith.index_cast %add3A_1438 : i32 to index
          %swap3A_1501 = arith.constant 32 : index
          %swap3A_1502 = tpu.vector_load %arg8[%swap3A_1499, %swap3A_1500, %swap3A_1501] {strides = array<i32>} : memref<2x104x64xf32, #tpu.memory_space<vmem>>, vector<16xf32>,
          tpu.vector_store %arg8[%swap3A_1499, %swap3A_1500, %swap3A_1501], %mul3A_1497 {strides = array<i32>} : memref<2x104x64xf32, #tpu.memory_space<vmem>>, vector<16xf32>,
          %get3A_1503 = arith.constant 1 : i32
          %get3A_1504 = arith.index_cast %get3A_1503 : i32 to index
          %get3A_1505 = arith.index_cast %add3A_1438 : i32 to index
          %get3A_1506 = arith.constant 48 : index
          %get3A_1507 = tpu.vector_load %arg7[%get3A_1504, %get3A_1505, %get3A_1506] {strides = array<i32>} : memref<2x104x128xf32, #tpu.memory_space<vmem>>, vector<16xf32>,
          %get3A_1508 = arith.constant 1 : i32
          %get3A_1509 = arith.index_cast %get3A_1508 : i32 to index
          %get3A_1510 = arith.index_cast %add3A_1438 : i32 to index
          %get3A_1511 = arith.constant 112 : index
          %get3A_1512 = tpu.vector_load %arg7[%get3A_1509, %get3A_1510, %get3A_1511] {strides = array<i32>} : memref<2x104x128xf32, #tpu.memory_space<vmem>>, vector<16xf32>,
          %select_n3A_1513 = arith.select %eq3A_1445, %get3A_1512, %get3A_1507 : vector<16xi1>, vector<16xf32>
          %mul3A_1514 = arith.constant 8.000000e+00 : f32
          %mul3A_1515 = vector.broadcast %mul3A_1514 : f32 to vector<16xf32>
          %mul3A_1516 = arith.mulf %select_n3A_1513, %mul3A_1515 : vector<16xf32>
          %swap3A_1517 = arith.constant 1 : i32
          %swap3A_1518 = arith.index_cast %swap3A_1517 : i32 to index
          %swap3A_1519 = arith.index_cast %add3A_1438 : i32 to index
          %swap3A_1520 = arith.constant 48 : index
          %swap3A_1521 = tpu.vector_load %arg8[%swap3A_1518, %swap3A_1519, %swap3A_1520] {strides = array<i32>} : memref<2x104x64xf32, #tpu.memory_space<vmem>>, vector<16xf32>,
          tpu.vector_store %arg8[%swap3A_1518, %swap3A_1519, %swap3A_1520], %mul3A_1516 {strides = array<i32>} : memref<2x104x64xf32, #tpu.memory_space<vmem>>, vector<16xf32>,
          %add3A_1522 = arith.constant 15 : i32
          %add3A_1523 = arith.addi %min3A_242, %add3A_1522 : i32
          %broadcast_in_dim3A_1524 = arith.constant 15 : i32
          %broadcast_in_dim3A_1525 = vector.broadcast %broadcast_in_dim3A_1524 : i32 to vector<16x1xi32>
          %gather3A_1526 = vector.shape_cast %broadcast_in_dim3A_1525 : vector<16x1xi32> to vector<16xi32>
          %gather3A_1527 = tpu.dynamic_gather %and3A_249[%gather3A_1526] in [0] : vector<16xi32>, vector<16xi32> -> vector<16xi32>
          %eq3A_1528 = arith.constant 1 : i32
          %eq3A_1529 = vector.broadcast %eq3A_1528 : i32 to vector<16xi32>
          %eq3A_1530 = arith.cmpi eq, %gather3A_1527, %eq3A_1529 : vector<16xi32>
          %get3A_1531 = arith.constant 1 : i32
          %get3A_1532 = arith.index_cast %get3A_1531 : i32 to index
          %get3A_1533 = arith.index_cast %add3A_1523 : i32 to index
          %get3A_1534 = arith.constant 0 : index
          %get3A_1535 = tpu.vector_load %arg7[%get3A_1532, %get3A_1533, %get3A_1534] {strides = array<i32>} : memref<2x104x128xf32, #tpu.memory_space<vmem>>, vector<16xf32>,
          %get3A_1536 = arith.constant 1 : i32
          %get3A_1537 = arith.index_cast %get3A_1536 : i32 to index
          %get3A_1538 = arith.index_cast %add3A_1523 : i32 to index
          %get3A_1539 = arith.constant 64 : index
          %get3A_1540 = tpu.vector_load %arg7[%get3A_1537, %get3A_1538, %get3A_1539] {strides = array<i32>} : memref<2x104x128xf32, #tpu.memory_space<vmem>>, vector<16xf32>,
          %select_n3A_1541 = arith.select %eq3A_1530, %get3A_1540, %get3A_1535 : vector<16xi1>, vector<16xf32>
          %mul3A_1542 = arith.constant 8.000000e+00 : f32
          %mul3A_1543 = vector.broadcast %mul3A_1542 : f32 to vector<16xf32>
          %mul3A_1544 = arith.mulf %select_n3A_1541, %mul3A_1543 : vector<16xf32>
          %swap3A_1545 = arith.constant 1 : i32
          %swap3A_1546 = arith.index_cast %swap3A_1545 : i32 to index
          %swap3A_1547 = arith.index_cast %add3A_1523 : i32 to index
          %swap3A_1548 = arith.constant 0 : index
          %swap3A_1549 = tpu.vector_load %arg8[%swap3A_1546, %swap3A_1547, %swap3A_1548] {strides = array<i32>} : memref<2x104x64xf32, #tpu.memory_space<vmem>>, vector<16xf32>,
          tpu.vector_store %arg8[%swap3A_1546, %swap3A_1547, %swap3A_1548], %mul3A_1544 {strides = array<i32>} : memref<2x104x64xf32, #tpu.memory_space<vmem>>, vector<16xf32>,
          %get3A_1550 = arith.constant 1 : i32
          %get3A_1551 = arith.index_cast %get3A_1550 : i32 to index
          %get3A_1552 = arith.index_cast %add3A_1523 : i32 to index
          %get3A_1553 = arith.constant 16 : index
          %get3A_1554 = tpu.vector_load %arg7[%get3A_1551, %get3A_1552, %get3A_1553] {strides = array<i32>} : memref<2x104x128xf32, #tpu.memory_space<vmem>>, vector<16xf32>,
          %get3A_1555 = arith.constant 1 : i32
          %get3A_1556 = arith.index_cast %get3A_1555 : i32 to index
          %get3A_1557 = arith.index_cast %add3A_1523 : i32 to index
          %get3A_1558 = arith.constant 80 : index
          %get3A_1559 = tpu.vector_load %arg7[%get3A_1556, %get3A_1557, %get3A_1558] {strides = array<i32>} : memref<2x104x128xf32, #tpu.memory_space<vmem>>, vector<16xf32>,
          %select_n3A_1560 = arith.select %eq3A_1530, %get3A_1559, %get3A_1554 : vector<16xi1>, vector<16xf32>
          %mul3A_1561 = arith.constant 8.000000e+00 : f32
          %mul3A_1562 = vector.broadcast %mul3A_1561 : f32 to vector<16xf32>
          %mul3A_1563 = arith.mulf %select_n3A_1560, %mul3A_1562 : vector<16xf32>
          %swap3A_1564 = arith.constant 1 : i32
          %swap3A_1565 = arith.index_cast %swap3A_1564 : i32 to index
          %swap3A_1566 = arith.index_cast %add3A_1523 : i32 to index
          %swap3A_1567 = arith.constant 16 : index
          %swap3A_1568 = tpu.vector_load %arg8[%swap3A_1565, %swap3A_1566, %swap3A_1567] {strides = array<i32>} : memref<2x104x64xf32, #tpu.memory_space<vmem>>, vector<16xf32>,
          tpu.vector_store %arg8[%swap3A_1565, %swap3A_1566, %swap3A_1567], %mul3A_1563 {strides = array<i32>} : memref<2x104x64xf32, #tpu.memory_space<vmem>>, vector<16xf32>,
          %get3A_1569 = arith.constant 1 : i32
          %get3A_1570 = arith.index_cast %get3A_1569 : i32 to index
          %get3A_1571 = arith.index_cast %add3A_1523 : i32 to index
          %get3A_1572 = arith.constant 32 : index
          %get3A_1573 = tpu.vector_load %arg7[%get3A_1570, %get3A_1571, %get3A_1572] {strides = array<i32>} : memref<2x104x128xf32, #tpu.memory_space<vmem>>, vector<16xf32>,
          %get3A_1574 = arith.constant 1 : i32
          %get3A_1575 = arith.index_cast %get3A_1574 : i32 to index
          %get3A_1576 = arith.index_cast %add3A_1523 : i32 to index
          %get3A_1577 = arith.constant 96 : index
          %get3A_1578 = tpu.vector_load %arg7[%get3A_1575, %get3A_1576, %get3A_1577] {strides = array<i32>} : memref<2x104x128xf32, #tpu.memory_space<vmem>>, vector<16xf32>,
          %select_n3A_1579 = arith.select %eq3A_1530, %get3A_1578, %get3A_1573 : vector<16xi1>, vector<16xf32>
          %mul3A_1580 = arith.constant 8.000000e+00 : f32
          %mul3A_1581 = vector.broadcast %mul3A_1580 : f32 to vector<16xf32>
          %mul3A_1582 = arith.mulf %select_n3A_1579, %mul3A_1581 : vector<16xf32>
          %swap3A_1583 = arith.constant 1 : i32
          %swap3A_1584 = arith.index_cast %swap3A_1583 : i32 to index
          %swap3A_1585 = arith.index_cast %add3A_1523 : i32 to index
          %swap3A_1586 = arith.constant 32 : index
          %swap3A_1587 = tpu.vector_load %arg8[%swap3A_1584, %swap3A_1585, %swap3A_1586] {strides = array<i32>} : memref<2x104x64xf32, #tpu.memory_space<vmem>>, vector<16xf32>,
          tpu.vector_store %arg8[%swap3A_1584, %swap3A_1585, %swap3A_1586], %mul3A_1582 {strides = array<i32>} : memref<2x104x64xf32, #tpu.memory_space<vmem>>, vector<16xf32>,
          %get3A_1588 = arith.constant 1 : i32
          %get3A_1589 = arith.index_cast %get3A_1588 : i32 to index
          %get3A_1590 = arith.index_cast %add3A_1523 : i32 to index
          %get3A_1591 = arith.constant 48 : index
          %get3A_1592 = tpu.vector_load %arg7[%get3A_1589, %get3A_1590, %get3A_1591] {strides = array<i32>} : memref<2x104x128xf32, #tpu.memory_space<vmem>>, vector<16xf32>,
          %get3A_1593 = arith.constant 1 : i32
          %get3A_1594 = arith.index_cast %get3A_1593 : i32 to index
          %get3A_1595 = arith.index_cast %add3A_1523 : i32 to index
          %get3A_1596 = arith.constant 112 : index
          %get3A_1597 = tpu.vector_load %arg7[%get3A_1594, %get3A_1595, %get3A_1596] {strides = array<i32>} : memref<2x104x128xf32, #tpu.memory_space<vmem>>, vector<16xf32>,
          %select_n3A_1598 = arith.select %eq3A_1530, %get3A_1597, %get3A_1592 : vector<16xi1>, vector<16xf32>
          %mul3A_1599 = arith.constant 8.000000e+00 : f32
          %mul3A_1600 = vector.broadcast %mul3A_1599 : f32 to vector<16xf32>
          %mul3A_1601 = arith.mulf %select_n3A_1598, %mul3A_1600 : vector<16xf32>
          %swap3A_1602 = arith.constant 1 : i32
          %swap3A_1603 = arith.index_cast %swap3A_1602 : i32 to index
          %swap3A_1604 = arith.index_cast %add3A_1523 : i32 to index
          %swap3A_1605 = arith.constant 48 : index
          %swap3A_1606 = tpu.vector_load %arg8[%swap3A_1603, %swap3A_1604, %swap3A_1605] {strides = array<i32>} : memref<2x104x64xf32, #tpu.memory_space<vmem>>, vector<16xf32>,
          tpu.vector_store %arg8[%swap3A_1603, %swap3A_1604, %swap3A_1605], %mul3A_1601 {strides = array<i32>} : memref<2x104x64xf32, #tpu.memory_space<vmem>>, vector<16xf32>,
        }
        %scan3A_203 = arith.constant 7 : i32
        %div3A_204 = arith.constant 2 : i32
        %div3A_205 = arith.divsi %scan3A_151, %div3A_204 : i32
        %add3A_206 = arith.addi %mul3A_2, %div3A_205 : i32
        %dma_start3A_207 = arith.constant 1 : i32
        %dma_start3A_208 = arith.constant 1 : i32
        %dma_start3A_209 = arith.constant 0 : i32
        %dma_start3A_210 = arith.constant 0 : i32
        %dma_start3A_211 = tpu.memref_slice %arg8[%dma_start3A_207, %dma_start3A_209, %dma_start3A_210] : memref<2x104x64xf32, #tpu.memory_space<vmem>> -> memref<1x104x64xf32, #tpu.memory_space<vmem>>
        %dma_start3A_212 = tpu.memref_squeeze %dma_start3A_211 : memref<1x104x64xf32, #tpu.memory_space<vmem>> -> memref<104x64xf32, #tpu.memory_space<vmem>>
        %dma_start3A_213 = arith.constant 0 : i32
        %dma_start3A_214 = arith.constant 0 : i32
        %dma_start3A_215 = tpu.memref_slice %dma_start3A_212[%dma_start3A_213, %dma_start3A_214] : memref<104x64xf32, #tpu.memory_space<vmem>> -> memref<104x64xf32, #tpu.memory_space<vmem>>
        %dma_start3A_216 = arith.constant 0 : i32
        %dma_start3A_217 = arith.constant 0 : i32
        %dma_start3A_218 = tpu.memref_slice %arg4[%add3A_206, %dma_start3A_216, %dma_start3A_217] : memref<4096x200x64xf32, #tpu.memory_space<hbm>> -> memref<1x200x64xf32, #tpu.memory_space<hbm>>
        %dma_start3A_219 = tpu.memref_squeeze %dma_start3A_218 : memref<1x200x64xf32, #tpu.memory_space<hbm>> -> memref<200x64xf32, #tpu.memory_space<hbm>>
        %dma_start3A_220 = arith.constant 96 : i32
        %dma_start3A_221 = arith.constant 0 : i32
        %dma_start3A_222 = tpu.memref_slice %dma_start3A_219[%dma_start3A_220, %dma_start3A_221] : memref<200x64xf32, #tpu.memory_space<hbm>> -> memref<104x64xf32, #tpu.memory_space<hbm>>
        %dma_start3A_223 = tpu.memref_slice %arg10[%dma_start3A_208] : memref<2x!tpu.dma_semaphore, #tpu.memory_space<semaphore_mem>> -> memref<1x!tpu.dma_semaphore, #tpu.memory_space<semaphore_mem>>
        %dma_start3A_224 = tpu.memref_squeeze %dma_start3A_223 : memref<1x!tpu.dma_semaphore, #tpu.memory_space<semaphore_mem>> -> memref<!tpu.dma_semaphore, #tpu.memory_space<semaphore_mem>>
        %dma_start3A_225 = arith.constant 0 : i32
        %dma_start3A_226 = arith.constant 0 : i32
        %dma_start3A_227 = tpu.memref_slice %arg4[%add3A_206, %dma_start3A_225, %dma_start3A_226] : memref<4096x200x64xf32, #tpu.memory_space<hbm>> -> memref<1x200x64xf32, #tpu.memory_space<hbm>>
        %dma_start3A_228 = tpu.memref_squeeze %dma_start3A_227 : memref<1x200x64xf32, #tpu.memory_space<hbm>> -> memref<200x64xf32, #tpu.memory_space<hbm>>
        %dma_start3A_229 = arith.constant 96 : i32
        %dma_start3A_230 = arith.constant 0 : i32
        %dma_start3A_231 = tpu.memref_slice %dma_start3A_228[%dma_start3A_229, %dma_start3A_230] : memref<200x64xf32, #tpu.memory_space<hbm>> -> memref<104x64xf32, #tpu.memory_space<hbm>>
        %dma_start3A_232 = arith.constant 0 : i32
        %dma_start3A_233 = arith.constant 0 : i32
        %dma_start3A_234 = tpu.memref_slice %arg8[%dma_start3A_207, %dma_start3A_232, %dma_start3A_233] : memref<2x104x64xf32, #tpu.memory_space<vmem>> -> memref<1x104x64xf32, #tpu.memory_space<vmem>>
        %dma_start3A_235 = tpu.memref_squeeze %dma_start3A_234 : memref<1x104x64xf32, #tpu.memory_space<vmem>> -> memref<104x64xf32, #tpu.memory_space<vmem>>
        %dma_start3A_236 = arith.constant 0 : i32
        %dma_start3A_237 = arith.constant 0 : i32
        %dma_start3A_238 = tpu.memref_slice %dma_start3A_235[%dma_start3A_236, %dma_start3A_237] : memref<104x64xf32, #tpu.memory_space<vmem>> -> memref<104x64xf32, #tpu.memory_space<vmem>>
        tpu.enqueue_dma source(%dma_start3A_238 : memref<104x64xf32, #tpu.memory_space<vmem>>) target(%dma_start3A_231 : memref<104x64xf32, #tpu.memory_space<hbm>>) target_semaphore(%dma_start3A_224 : memref<!tpu.dma_semaphore, #tpu.memory_space<semaphore_mem>>)
      } else {
      }
    }
    %scan3A_85 = arith.constant 256 : i32
    %dma_wait3A = arith.constant 0 : i32
    %dma_wait3A_86 = arith.constant 0 : i32
    %dma_wait3A_87 = arith.constant 0 : i32
    %dma_wait3A_88 = arith.constant 0 : i32
    %dma_wait3A_89 = arith.constant 0 : i32
    %dma_wait3A_90 = tpu.memref_slice %arg8[%dma_wait3A_86, %dma_wait3A_88, %dma_wait3A_89] : memref<2x104x64xf32, #tpu.memory_space<vmem>> -> memref<1x104x64xf32, #tpu.memory_space<vmem>>
    %dma_wait3A_91 = tpu.memref_squeeze %dma_wait3A_90 : memref<1x104x64xf32, #tpu.memory_space<vmem>> -> memref<104x64xf32, #tpu.memory_space<vmem>>
    %dma_wait3A_92 = arith.constant 0 : i32
    %dma_wait3A_93 = arith.constant 0 : i32
    %dma_wait3A_94 = tpu.memref_slice %dma_wait3A_91[%dma_wait3A_92, %dma_wait3A_93] : memref<104x64xf32, #tpu.memory_space<vmem>> -> memref<96x64xf32, #tpu.memory_space<vmem>>
    %dma_wait3A_95 = arith.constant 0 : i32
    %dma_wait3A_96 = arith.constant 0 : i32
    %dma_wait3A_97 = tpu.memref_slice %arg4[%dma_wait3A, %dma_wait3A_95, %dma_wait3A_96] : memref<4096x200x64xf32, #tpu.memory_space<hbm>> -> memref<1x200x64xf32, #tpu.memory_space<hbm>>
    %dma_wait3A_98 = tpu.memref_squeeze %dma_wait3A_97 : memref<1x200x64xf32, #tpu.memory_space<hbm>> -> memref<200x64xf32, #tpu.memory_space<hbm>>
    %dma_wait3A_99 = arith.constant 0 : i32
    %dma_wait3A_100 = arith.constant 0 : i32
    %dma_wait3A_101 = tpu.memref_slice %dma_wait3A_98[%dma_wait3A_99, %dma_wait3A_100] : memref<200x64xf32, #tpu.memory_space<hbm>> -> memref<96x64xf32, #tpu.memory_space<hbm>>
    %dma_wait3A_102 = tpu.memref_slice %arg10[%dma_wait3A_87] : memref<2x!tpu.dma_semaphore, #tpu.memory_space<semaphore_mem>> -> memref<1x!tpu.dma_semaphore, #tpu.memory_space<semaphore_mem>>
    %dma_wait3A_103 = tpu.memref_squeeze %dma_wait3A_102 : memref<1x!tpu.dma_semaphore, #tpu.memory_space<semaphore_mem>> -> memref<!tpu.dma_semaphore, #tpu.memory_space<semaphore_mem>>
    %dma_wait3A_104 = arith.constant 0 : i32
    %dma_wait3A_105 = arith.constant 0 : i32
    %dma_wait3A_106 = tpu.memref_slice %arg8[%dma_wait3A_86, %dma_wait3A_104, %dma_wait3A_105] : memref<2x104x64xf32, #tpu.memory_space<vmem>> -> memref<1x104x64xf32, #tpu.memory_space<vmem>>
    %dma_wait3A_107 = tpu.memref_squeeze %dma_wait3A_106 : memref<1x104x64xf32, #tpu.memory_space<vmem>> -> memref<104x64xf32, #tpu.memory_space<vmem>>
    %dma_wait3A_108 = arith.constant 0 : i32
    %dma_wait3A_109 = arith.constant 0 : i32
    %dma_wait3A_110 = tpu.memref_slice %dma_wait3A_107[%dma_wait3A_108, %dma_wait3A_109] : memref<104x64xf32, #tpu.memory_space<vmem>> -> memref<96x64xf32, #tpu.memory_space<vmem>>
    %dma_wait3A_111 = arith.constant 0 : i32
    %dma_wait3A_112 = arith.constant 0 : i32
    %dma_wait3A_113 = tpu.memref_slice %arg4[%dma_wait3A, %dma_wait3A_111, %dma_wait3A_112] : memref<4096x200x64xf32, #tpu.memory_space<hbm>> -> memref<1x200x64xf32, #tpu.memory_space<hbm>>
    %dma_wait3A_114 = tpu.memref_squeeze %dma_wait3A_113 : memref<1x200x64xf32, #tpu.memory_space<hbm>> -> memref<200x64xf32, #tpu.memory_space<hbm>>
    %dma_wait3A_115 = arith.constant 0 : i32
    %dma_wait3A_116 = arith.constant 0 : i32
    %dma_wait3A_117 = tpu.memref_slice %dma_wait3A_114[%dma_wait3A_115, %dma_wait3A_116] : memref<200x64xf32, #tpu.memory_space<hbm>> -> memref<96x64xf32, #tpu.memory_space<hbm>>
    tpu.wait_dma2 semaphore(%dma_wait3A_103 : memref<!tpu.dma_semaphore, #tpu.memory_space<semaphore_mem>>) src(%dma_wait3A_117 : memref<96x64xf32, #tpu.memory_space<hbm>>) dst(%dma_wait3A_110 : memref<96x64xf32, #tpu.memory_space<vmem>>)
    %dma_wait3A_118 = arith.constant 0 : i32
    %dma_wait3A_119 = arith.constant 1 : i32
    %dma_wait3A_120 = arith.constant 1 : i32
    %dma_wait3A_121 = arith.constant 0 : i32
    %dma_wait3A_122 = arith.constant 0 : i32
    %dma_wait3A_123 = tpu.memref_slice %arg8[%dma_wait3A_119, %dma_wait3A_121, %dma_wait3A_122] : memref<2x104x64xf32, #tpu.memory_space<vmem>> -> memref<1x104x64xf32, #tpu.memory_space<vmem>>
    %dma_wait3A_124 = tpu.memref_squeeze %dma_wait3A_123 : memref<1x104x64xf32, #tpu.memory_space<vmem>> -> memref<104x64xf32, #tpu.memory_space<vmem>>
    %dma_wait3A_125 = arith.constant 0 : i32
    %dma_wait3A_126 = arith.constant 0 : i32
    %dma_wait3A_127 = tpu.memref_slice %dma_wait3A_124[%dma_wait3A_125, %dma_wait3A_126] : memref<104x64xf32, #tpu.memory_space<vmem>> -> memref<104x64xf32, #tpu.memory_space<vmem>>
    %dma_wait3A_128 = arith.constant 0 : i32
    %dma_wait3A_129 = arith.constant 0 : i32
    %dma_wait3A_130 = tpu.memref_slice %arg4[%dma_wait3A_118, %dma_wait3A_128, %dma_wait3A_129] : memref<4096x200x64xf32, #tpu.memory_space<hbm>> -> memref<1x200x64xf32, #tpu.memory_space<hbm>>
    %dma_wait3A_131 = tpu.memref_squeeze %dma_wait3A_130 : memref<1x200x64xf32, #tpu.memory_space<hbm>> -> memref<200x64xf32, #tpu.memory_space<hbm>>
    %dma_wait3A_132 = arith.constant 0 : i32
    %dma_wait3A_133 = arith.constant 0 : i32
    %dma_wait3A_134 = tpu.memref_slice %dma_wait3A_131[%dma_wait3A_132, %dma_wait3A_133] : memref<200x64xf32, #tpu.memory_space<hbm>> -> memref<104x64xf32, #tpu.memory_space<hbm>>
    %dma_wait3A_135 = tpu.memref_slice %arg10[%dma_wait3A_120] : memref<2x!tpu.dma_semaphore, #tpu.memory_space<semaphore_mem>> -> memref<1x!tpu.dma_semaphore, #tpu.memory_space<semaphore_mem>>
    %dma_wait3A_136 = tpu.memref_squeeze %dma_wait3A_135 : memref<1x!tpu.dma_semaphore, #tpu.memory_space<semaphore_mem>> -> memref<!tpu.dma_semaphore, #tpu.memory_space<semaphore_mem>>
    %dma_wait3A_137 = arith.constant 0 : i32
    %dma_wait3A_138 = arith.constant 0 : i32
    %dma_wait3A_139 = tpu.memref_slice %arg8[%dma_wait3A_119, %dma_wait3A_137, %dma_wait3A_138] : memref<2x104x64xf32, #tpu.memory_space<vmem>> -> memref<1x104x64xf32, #tpu.memory_space<vmem>>
    %dma_wait3A_140 = tpu.memref_squeeze %dma_wait3A_139 : memref<1x104x64xf32, #tpu.memory_space<vmem>> -> memref<104x64xf32, #tpu.memory_space<vmem>>
    %dma_wait3A_141 = arith.constant 0 : i32
    %dma_wait3A_142 = arith.constant 0 : i32
    %dma_wait3A_143 = tpu.memref_slice %dma_wait3A_140[%dma_wait3A_141, %dma_wait3A_142] : memref<104x64xf32, #tpu.memory_space<vmem>> -> memref<104x64xf32, #tpu.memory_space<vmem>>
    %dma_wait3A_144 = arith.constant 0 : i32
    %dma_wait3A_145 = arith.constant 0 : i32
    %dma_wait3A_146 = tpu.memref_slice %arg4[%dma_wait3A_118, %dma_wait3A_144, %dma_wait3A_145] : memref<4096x200x64xf32, #tpu.memory_space<hbm>> -> memref<1x200x64xf32, #tpu.memory_space<hbm>>
    %dma_wait3A_147 = tpu.memref_squeeze %dma_wait3A_146 : memref<1x200x64xf32, #tpu.memory_space<hbm>> -> memref<200x64xf32, #tpu.memory_space<hbm>>
    %dma_wait3A_148 = arith.constant 0 : i32
    %dma_wait3A_149 = arith.constant 0 : i32
    %dma_wait3A_150 = tpu.memref_slice %dma_wait3A_147[%dma_wait3A_148, %dma_wait3A_149] : memref<200x64xf32, #tpu.memory_space<hbm>> -> memref<104x64xf32, #tpu.memory_space<hbm>>
    tpu.wait_dma2 semaphore(%dma_wait3A_136 : memref<!tpu.dma_semaphore, #tpu.memory_space<semaphore_mem>>) src(%dma_wait3A_150 : memref<104x64xf32, #tpu.memory_space<hbm>>) dst(%dma_wait3A_143 : memref<104x64xf32, #tpu.memory_space<vmem>>)
    return
  }
}

</mosaic_0001>

<sc_bundles>
// kernel: kernel.3.cloned.1.call-start
scs
__scs_entry_jumppad:
0x0: {  	(pc) =	sbr.rel $0x88, $3  }
0x1: {  	(tag) =	ssettag $0x0;
	lr =	simm.s32 $0x1  }
0x2: {  	[smem:$0x3F9F] =	sst lr;
	_ =	strace $0xD0000000  }
0x3: {  	_ = 	snop  }
0x4: {  	_ = 	snop  }
0x5: {  	_ = 	snop  }
0x6: {  	_ = 	snop  }
0x7: {  	_ = 	snop  }
__scs_overlays_trampoline_lowered:
0x8: {  	[smem:$0x3FAE] =	sst s0  }
0x9: {  	[smem:$0x3FAF] =	sst s1  }
0xa: {  	[smem:$0x3FB0] =	sst s2  }
0xb: {  	[smem:$0x3FB1] =	sst s3  }
0xc: {  	[smem:$0x3FB2] =	sst s4  }
0xd: {  	[smem:$0x3FB3] =	sst s5  }
0xe: {  	[smem:$0x3FB4] =	sst s6  }
0xf: {  	[smem:$0x3FB5] =	sst s7  }
0x10: {  	[smem:$0x3FB6] =	sst s8  }
0x11: {  	[smem:$0x3FB7] =	sst s9;
	s0 =	simm.s32 @!p0 $0x0  }
0x12: {  	s1 =	sld [smem:$0x3F9D];
	s0 =	simm.s32 @p0 $0x1  }
0x13: {  	[smem:$0x3FB8] =	sst s0;
	s0 =	simm.s32 @!p1 $0x0  }
0x14: {  	s2 =	sld [smem:$0x3F9C];
	s0 =	simm.s32 @p1 $0x1  }
0x15: {  	[smem:$0x3FB9] =	sst s0;
	s0 =	simm.s32 @!p2 $0x0  }
0x16: {  	s3 =	sld [smem:$0x3FDB];
	s0 =	simm.s32 @p2 $0x1  }
0x17: {  	s4 =	simm.s32 $0x1BF5;
	[smem:$0x3FBB] =	sst s0  }
0x18: {  	s0 =	sld [smem:$0x3F9E];
	_ =	swait.ge [sflag:s4], $0x0  }
0x19: {  	s7 =	sld [smem:$0x3F9F]  }
0x1a: {  	s8 =	sadd.s32 $0xFFFFE003, lr  }
0x1b: {  	s9 =	sadd.s32 $0xFFFFFEF7, lr;
	s5 =	simm.s32 $0xFFFFFFFF;
	p2 =	slt.u32 s8, $0xFFFFF086  }
0x1c: {  	p1 =	slt.u32 s9, $0xF7A;
	s5 =	simm.s32 @!p2 $0x0  }
0x1d: {  	s5 =	simm.s32 @p1 $0x1;
	p0 =	seq.s32 s7, s2  }
0x1e: {  	s7 =	smul.u32 @!p0 $0xF7A, s2;
	p2 =	seq.s32 @!p0 s5, $0x0  }
0x1f: {  	s9 =	smul.u32 $0xF7A, s1;
	s8 =	simm.s32 @!p0 $0x1BF5;
	p2 =	por !p2, p0  }
0x20: {  	[sflag:s8] =	ssyncset.s32 @!p0 $0xFFFFF086;
	s6 =	sadd.s32 @!p0 s3, s7;
	s7 =	simm.s32 @!p0 $0x108  }
0x21: {  	s3 =	sadd.s32 s3, s9;
	s6 =	sadd.s32 @!p0 $0x88, s6;
	s7 =	simm.s32 @p2 $0x1082  }
0x22: {  	[simem:s7], [sflag:s8] =	dma.local @!p0 [hbm:s6], $0xF7A  }
0x23: {  	s9 =	sor.u32 $0xD0000000, s2;
	s6 =	simm.s32 $0x108;
	_ =	swait.ge @!p0 [sflag:s8], $0x0  }
0x24: {  	s3 =	sadd.s32 $0x88, s3;
	s6 =	simm.s32 @!p1 $0x1082;
	[sflag:s4] =	ssyncset.s32 $0xFFFFF086  }
0x25: {  	[simem:s6], [sflag:s4] =	dma.local [hbm:s3], $0xF7A  }
0x26: {  	[smem:$0x3F9F] =	sst s1;
	(tag) =	ssettag s2;
	_ =	strace s9  }
0x27: {  	s1 =	sld [smem:$0x3FAF]  }
0x28: {  	s2 =	sld [smem:$0x3FB0]  }
0x29: {  	s4 =	sld [smem:$0x3FB2]  }
0x2a: {  	p0 =	seq.s32 s5, $0x0;
	s5 =	sld [smem:$0x3FB3]  }
0x2b: {  	s6 =	sld [smem:$0x3FB4]  }
0x2c: {  	s7 =	sld [smem:$0x3FB5]  }
0x2d: {  	s3 =	simm.s32 $0x108;
	s8 =	sld [smem:$0x3FB6]  }
0x2e: {  	s3 =	simm.s32 @!p0 $0x1082;
	s9 =	sld [smem:$0x3FB7]  }
0x2f: {  	lr =	sadd.s32 s0, s3;
	s0 =	sld [smem:$0x3FAE]  }
0x30: {  	s3 =	sld [smem:$0x3FB1]  }
0x31: {  	[smem:$0x3FBA] =	sst s10  }
0x32: {  	s10 =	sld [smem:$0x3FB8];
	_ =	sdelay $0x3  }
0x33: {  	p0 =	seq.s32 s10, $0x1;
	s10 =	sld [smem:$0x3FBA];
	_ =	sdelay $0x3  }
0x34: {  	[smem:$0x3FBA] =	sst s10  }
0x35: {  	s10 =	sld [smem:$0x3FB9];
	_ =	sdelay $0x3  }
0x36: {  	p1 =	seq.s32 s10, $0x1;
	s10 =	sld [smem:$0x3FBA];
	_ =	sdelay $0x3  }
0x37: {  	[smem:$0x3FBA] =	sst s10  }
0x38: {  	s10 =	sld [smem:$0x3FBB]  }
0x39: {  	_ = 	snop;
	(pc) =	sbr.ind lr, $3  }
0x3a: {  	_ = 	snop  }
0x3b: {  	_ = 	snop  }
0x3c: {  	p2 =	seq.s32 s10, $0x1;
	s10 =	sld [smem:$0x3FBA]  }
0x3d: {  	_ =	shalt  }
0x3e: {  	_ =	shalt  }
0x3f: {  	_ =	shalt  }
0x40: {  	_ =	shalt  }
0x41: {  	_ =	shalt  }
0x42: {  	_ =	shalt  }
0x43: {  	_ =	shalt  }
0x44: {  	_ =	shalt  }
0x45: {  	_ =	shalt  }
0x46: {  	_ =	shalt  }
0x47: {  	_ =	shalt  }
0x48: {  	_ =	shalt  }
0x49: {  	_ =	shalt  }
0x4a: {  	_ =	shalt  }
0x4b: {  	_ =	shalt  }
0x4c: {  	_ =	shalt  }
0x4d: {  	_ =	shalt  }
0x4e: {  	_ =	shalt  }
0x4f: {  	_ =	shalt  }
0x50: {  	_ =	shalt  }
0x51: {  	_ =	shalt  }
0x52: {  	_ =	shalt  }
0x53: {  	_ =	shalt  }
0x54: {  	_ =	shalt  }
0x55: {  	_ =	shalt  }
0x56: {  	_ =	shalt  }
0x57: {  	_ =	shalt  }
0x58: {  	_ =	shalt  }
0x59: {  	_ =	shalt  }
0x5a: {  	_ =	shalt  }
0x5b: {  	_ =	shalt  }
0x5c: {  	_ =	shalt  }
0x5d: {  	_ =	shalt  }
0x5e: {  	_ =	shalt  }
0x5f: {  	_ =	shalt  }
0x60: {  	_ =	shalt  }
0x61: {  	_ =	shalt  }
0x62: {  	_ =	shalt  }
0x63: {  	_ =	shalt  }
0x64: {  	_ =	shalt  }
0x65: {  	_ =	shalt  }
0x66: {  	_ =	shalt  }
0x67: {  	_ =	shalt  }
0x68: {  	_ =	shalt  }
0x69: {  	_ =	shalt  }
0x6a: {  	_ =	shalt  }
0x6b: {  	_ =	shalt  }
0x6c: {  	_ =	shalt  }
0x6d: {  	_ =	shalt  }
0x6e: {  	_ =	shalt  }
0x6f: {  	_ =	shalt  }
0x70: {  	_ =	shalt  }
0x71: {  	_ =	shalt  }
0x72: {  	_ =	shalt  }
0x73: {  	_ =	shalt  }
0x74: {  	_ =	shalt  }
0x75: {  	_ =	shalt  }
0x76: {  	_ =	shalt  }
0x77: {  	_ =	shalt  }
0x78: {  	_ =	shalt  }
0x79: {  	_ =	shalt  }
0x7a: {  	_ =	shalt  }
0x7b: {  	_ =	shalt  }
0x7c: {  	_ =	shalt  }
0x7d: {  	_ =	shalt  }
0x7e: {  	_ =	shalt  }
0x7f: {  	_ =	shalt  }
0x80: {  	_ =	shalt  }
0x81: {  	_ =	shalt  }
0x82: {  	_ =	shalt  }
0x83: {  	_ =	shalt  }
0x84: {  	_ =	shalt  }
0x85: {  	_ =	shalt  }
0x86: {  	_ =	shalt  }
0x87: {  	_ =	shalt  }
.Lfunc_end0:
.L_simem_size_0:
called_computation_lowered:
.L_overlay_start_0:
0x88: {  	s2 =	sld [smem:$0x3FD9]  }
0x89: {  	s3 =	sld [smem:$0x3FFE];
	_ =	sdelay $0x1  }
0x8a: {  	s1 =	srdreg.scid  }
0x8b: {  	s0 =	sand.u32 $0x1, s1  }
0x8c: {  	s17 =	sshll.u32 s0, $0xA;
	s2 =	sadd.s32 s3, s2  }
0x8d: {  	s2 =	sadd.s32 s2, s17  }
0x8e: {  	[smem:$0x3FC6] =	sst s2  }
0x8f: {  	_ = 	snop  }
0x90: {  	s2 =	sld [smem:$0x3FD0];
	(tm) =	ssettm $0x1  }
0x91: {  	s18 =	sld [smem:$0x3FFB];
	_ =	sdelay $0x3  }
0x92: {  	_ =	strace s18  }
0x93: {  	s3 =	sld [smem:$0x3FFC];
	_ =	sdelay $0x3  }
0x94: {  	_ =	strace s3  }
0x95: {  	s3 =	sld [smem:$0x3FFD];
	_ =	sdelay $0x3  }
0x96: {  	_ =	strace s3  }
0x97: {  	_ =	strace $0x8FFFFFFF  }
0x98: {  	s19 =	sld [smem:$0x3FDB];
	_ =	sdelay $0x1  }
0x99: {  	s4 =	simm.s32 $_scs_section_size  }
0x9a: {  	s5 =	simm.s32 $_size__tile_overlayer_lowered;
	s6 =	simm.s32 $_tile_overlayer_lowered  }
0x9b: {  	s22 =	simm.s32 $0x1BFF;
	s21 =	sshll.u32 s6, $0x1;
	s3 =	sadd.s32 s4, s19  }
0x9c: {  	s7 =	simm.s32 $0x0;
	s20 =	sshll.u32 s5, $0x1;
	s5 =	sadd.s32 s21, s3  }
0x9d: {  	[timem:s7], [sflag:s22] =	dma.local [hbm:s5], s20  }
0x9e: {  	_ =	swait.ge [sflag:s22], s20  }
0x9f: {  	s4 =	ssub.s32 $0x0, s20;
	[sflag:s22] =	ssyncset.done $0x0  }
0xa0: {  	[sflag:s22] =	ssyncadd.s32 s4;
	_ =	sdelay $0x1  }
0xa1: {  	s23 =	simm.s32 $0x1B8B  }
0xa2: {  	_ =	swait.ge [sflag:s23], $0x1  }
0xa3: {  	[sflag:s23] =	ssyncset.done $0x0  }
0xa4: {  	s25 =	simm.s32 $0x1B8E;
	s24 =	sld [smem:$0x3FFE];
	[sflag:s23] =	ssyncadd.s32 $0xFFFFFFFF  }
0xa5: {  	s26 =	simm.s32 $execute0_lowered;
	[smem:$0x3FD2] =	sst s25  }
0xa6: {  	s5 =	sshll.u32 s26, $0x1;
	_ =	strace $0x80000046;
	[dreg:$0x1] =	wrdreg $0xFFFFFFFF  }
0xa7: {  	s28 =	simm.s32 $_size_execute0_lowered;
	s3 =	sadd.s32 s3, s5;
	[dreg:$0x0] =	wrdreg $0x0  }
0xa8: {  	s5 =	sshll.u32 s28, $0x1;
	[dreg:$0x2] =	wrdreg s3  }
0xa9: {  	[dreg:$0x3] =	wrdreg s5  }
0xaa: {  	[dreg:$0x4] =	wrdreg $0xC0  }
0xab: {  	_ =	task [dreg:s7], $0x5FFFF  }
0xac: {  	[dreg:$0x1] =	wrdreg $0xFFFFFFFF  }
0xad: {  	[dreg:$0x0] =	wrdreg $0x60  }
0xae: {  	[dreg:$0x2] =	wrdreg s2  }
0xaf: {  	[dreg:$0x3] =	wrdreg s24  }
0xb0: {  	[dreg:$0x4] =	wrdreg $0x9  }
0xb1: {  	_ =	task.clear_ibuf [dreg:s7], $0x5FFFF;
	_ =	strace $0x90000046  }
0xb2: {  	s29 =	simm.s32 $0x9;
	_ =	strace $0x80000048  }
0xb3: {  	_ =	swait.ge [sflag:s29], $0x1  }
0xb4: {  	[sflag:s29] =	ssyncadd.s32 $0xFFFFFFFF  }
0xb5: {  	_ =	strace $0x90000048  }
0xb6: {  	_ =	sfence  }
0xb7: {  	s30 =	sld [smem:$0x0];
	_ =	sdelay $0x2  }
0xb8: {  	s31 =	sshll.u32 s1, $0xD;
	s1 =	sshrl.u32 s1, $0x2  }
0xb9: {  	s3 =	sand.u32 $0x4000, s31;
	s1 =	sadd.s32 s1, s30  }
0xba: {  	s0 =	sor.u32 s3, s0;
	s1 =	sshll.u32 s1, $0x11  }
0xbb: {  	s0 =	sor.u32 s1, s0  }
0xbc: {  	s0 =	sadd.s32 $0x8F2B, s0  }
0xbd: {  	[sflag:s0] =	ssyncadd.remote.s32 $0x1  }
0xbe: {  	_ =	sfence.sel $0xFFFF  }
0xbf: {  	[dreg:$0x0] =	wrdreg $0xFFFFFFFF;
	(pc) =	sbr.abs _section_cstart, $3  }
0xc0: {  	[dreg:$0x1] =	wrdreg $0xFFFFFFFF  }
0xc1: {  	_ =	task.clear_ibuf [dreg:s7], $0x2FFFF;
	_ =	strace $0x9FFFFFFF  }
0xc2: {  	(tm) =	ssettm $0x7FFFFFFF  }
0xc3: {  	_ =	shalt  }
tec
execute0_lowered:
.L_overlay_start_1:
0x0: {  	(tag) =	ssettag $0x1  }
0x1: {  	s6 =	rddreg [dreg:$0x0]  }
0x2: {  	s5 =	rddreg [dreg:$0x1]  }
0x3: {  	s0 =	rddreg [dreg:$0x2];
	s3 =	srdreg.scid;
	s2 =	simm.s32 $0x0  }
0x4: {  	s1 =	stileid.u32;
	s10 =	simm.s32 $0x8000;
	s11 =	simm.s32 $0x8100  }
0x5: {  	s12 =	simm.s32 $0x2;
	s13 =	simm.s32 $0x11D00;
	s14 =	simm.s32 $0x3  }
0x6: {  	s15 =	simm.s32 $0x4;
	s16 =	simm.s32 $0x68;
	s17 =	simm.s32 $0x8080  }
0x7: {  	s18 =	simm.s32 $0xB500;
	s19 =	simm.s32 $0x1;
	s20 =	simm.s32 $0xE900  }
0x8: {  	s21 =	simm.s32 $0x0;
	s3 =	sand.u32 $0x1, s3;
	[smem:$0x7FF] =	sst s2  }
.Ltmp0:
0x9: {  	s4 =	sshll.u32 s1, $0x8;
	s7 =	sshll.u32 s3, $0x7;
	(pc) =	sbr.rel .LBB2_1-.Ltmp0, $4  }
0xa: {  	_ =	strace $0x80000047;
	s8 =	ssub.s32 $0x2, s3;
	s3 =	sor.u32 s7, s4  }
0xb: {  	s4 =	sadd.s32 $0xF42A00, s5;
	s31 =	sshrl.u32 s8, $0x1;
	s5 =	sadd.s32 $0x600, s5  }
0xc: {  	s9 =	sshll.u32 s3, $0x5;
	s7 =	ssub.s32 s8, s31;
	s8 =	simm.s32 $0x5  }
0xd: {  	v21 =	vimm.s32 $0x0;
	s6 =	sadd.s32 s6, s9;
	s7 =	smax.u32 s7, $0x1;
	s9 =	simm.s32 $0x60  }
.LBB2_10:
0xe: {  	s21 =	sadd.s32 $0x1, s21  }
0xf: {  	_ =	swait.ge [sflag:s14], $0x3000;
	p0 =	sne.s32 s21, s7  }
.Ltmp1:
0x10: {  	[sflag:s14] =	ssyncset.done $0x0;
	(pc) =	sbr.rel @!p0 .LBB2_11-.Ltmp1, $4  }
0x11: {  	[sflag:s14] =	ssyncadd.s32 $0xFFFFD000  }
0x12: {  	_ =	swait.ge [sflag:s15], $0x3400  }
0x13: {  	[sflag:s15] =	ssyncset.done $0x0  }
0x14: {  	[sflag:s15] =	ssyncadd.s32 $0xFFFFCC00  }
.LBB2_1:
0x15: {  	[tilespmem:s2], [sflag:$0x5] =	stream.linear.gather [hbm4b:s6+s2], $0x8000, $0x38;
	[tilespmem:$0x15100] =	vst v63  }
0x16: {  	_ =	swait.ge [sflag:s8], $0x8000  }
0x17: {  	[sflag:s8] =	ssyncset.done $0x0  }
0x18: {  	[sflag:s8] =	ssyncadd.s32 $0xFFFF8000  }
0x19: {  	v0 =	vld [tilespmem:$0x0]  }
0x1a: {  	v1 =	vld [tilespmem:$0x10]  }
0x1b: {  	v2 =	vld [tilespmem:$0x20]  }
0x1c: {  	v3 =	vld [tilespmem:$0x30]  }
0x1d: {  	v4 =	vld [tilespmem:$0x40]  }
0x1e: {  	v5 =	vld [tilespmem:$0x50];
	v0 =	vshrl.u32 v0, $0x1  }
0x1f: {  	v59 =	vshrl.u32 v1, $0x1;
	[tilespmem:$0x8000] =	vst v0  }
0x20: {  	v60 =	vshrl.u32 v2, $0x1;
	[tilespmem:$0x8010] =	vst v59  }
.Ltmp2:
0x21: {  	v61 =	vshrl.u32 v3, $0x1;
	[tilespmem:$0x8020] =	vst v60;
	(pc) =	sbr.rel .LBB2_2-.Ltmp2, $4  }
0x22: {  	v62 =	vshrl.u32 v4, $0x1;
	[tilespmem:$0x8030] =	vst v61  }
0x23: {  	v63 =	vshrl.u32 v5, $0x1;
	[tilespmem:$0x8040] =	vst v62  }
0x24: {  	s22 =	simm.s32 $0x0;
	s23 =	simm.s32 $0x0;
	s24 =	simm.s32 $0x0;
	[tilespmem:$0x8050] =	vst v63  }
0x25: {  	[tilespmem:s11], [sflag:$0x1] =	stream.indirect.gather [hbm4b:s4+s9], $0x80, s10, s9, $0xb8;
	[tilespmem:$0x15100] =	vst v63  }
.LBB2_5:
0x26: {  	v26 =	vld [tilespmem:s25+$0x8580]  }
0x27: {  	v48 =	vld [tilespmem:s25+$0x85C0];
	_ =	sdelay $0x3  }
0x28: {  	[tilespmem:$0x1FE50] =	vst v26  }
0x29: {  	[tilespmem:$0x1FE60] =	vst v48;
	v26 =	vand.u32 $0x1, v24;
	v48 =	vimm.s32 $0x0  }
0x2a: {  	v46 =	vld [tilespmem:s25+$0x85D0];
	v24 =	vperm.xlane v26, v48;
	_ =	sdelay $0x1  }
0x2b: {  	v45 =	vld [tilespmem:s25+$0x8590];
	vm0 =	veq.s32 v24, $0x1  }
0x2c: {  	v24 =	vsel vm0, v4, v57  }
0x2d: {  	v24 =	vmul.f32 $8.000000000e+00, v24  }
0x2e: {  	[tilespmem:$0x1FE80] =	vst v46;
	v13 =	vsel vm0, v13, v6  }
0x2f: {  	v46 =	vld [tilespmem:s25+$0x85A0];
	[tilespmem:s25+$0xE900] =	vst v24;
	v24 =	vmul.f32 $8.000000000e+00, v13  }
0x30: {  	[tilespmem:$0x1FE70] =	vst v45;
	v45 =	vld [tilespmem:s25+$0x85E0];
	v23 =	vsel vm0, v23, v60;
	v60 =	vimm.s32 $0x1  }
0x31: {  	v48 =	vld [tilespmem:s25+$0x85F0];
	[tilespmem:s25+$0xE910] =	vst v24;
	v24 =	vperm.xlane v26, v60  }
0x32: {  	v4 =	vld [tilespmem:s25+$0x8600]  }
0x33: {  	v57 =	vld [tilespmem:s25+$0x8640];
	vm14 =	veq.s32 v24, $0x1  }
0x34: {  	v6 =	vld [tilespmem:s25+$0x8610];
	v60 =	vsel vm14, v20, v61  }
0x35: {  	v21 =	vsel vm0, v21, v16;
	v16 =	vld [tilespmem:s25+$0x8620];
	v61 =	vmul.f32 $8.000000000e+00, v60  }
0x36: {  	[tilespmem:$0x1FE90] =	vst v45;
	v45 =	vld [tilespmem:s25+$0x85B0];
	v60 =	vimm.s32 $0x2  }
0x37: {  	v13 =	vld [tilespmem:s25+$0x8650];
	v18 =	vsel vm14, v18, v15;
	[tilespmem:s25+$0xE980] =	vst v61;
	v61 =	vperm.xlane v26, v60  }
0x38: {  	v20 =	vld [tilespmem:s25+$0x8660];
	v19 =	vsel vm14, v19, v59;
	v18 =	vmul.f32 $8.000000000e+00, v18  }
0x39: {  	v15 =	vld [tilespmem:s25+$0x8630];
	v19 =	vmul.f32 $8.000000000e+00, v19;
	vm15 =	veq.s32 v61, $0x1  }
0x3a: {  	v24 =	vsel vm14, v22, v17;
	v17 =	vld [tilespmem:s25+$0x8670];
	[tilespmem:s25+$0xE990] =	vst v18;
	v62 =	vsel vm15, v62, v10  }
0x3b: {  	v18 =	vld [tilespmem:s25+$0x8680];
	[tilespmem:s25+$0xE9B0] =	vst v19;
	v19 =	vmul.f32 $8.000000000e+00, v62  }
0x3c: {  	v11 =	vsel vm15, v11, v8;
	v8 =	vld [tilespmem:s25+$0x86C0];
	v14 =	vsel vm15, v63, v14;
	v63 =	vimm.s32 $0x3  }
0x3d: {  	v10 =	vld [tilespmem:s25+$0x8690];
	v11 =	vmul.f32 $8.000000000e+00, v11;
	[tilespmem:s25+$0xEA10] =	vst v19;
	v19 =	vperm.xlane v26, v63  }
0x3e: {  	v12 =	vsel vm15, v12, v9;
	v9 =	vld [tilespmem:s25+$0x86A0]  }
0x3f: {  	v21 =	vmul.f32 $8.000000000e+00, v21;
	[tilespmem:s25+$0xEA00] =	vst v11;
	v11 =	vld [tilespmem:s25+$0x86D0];
	vm4 =	veq.s32 v19, $0x1  }
0x40: {  	v23 =	vmul.f32 $8.000000000e+00, v23;
	v7 =	vsel vm4, v7, v2;
	v2 =	vld [tilespmem:s25+$0x86E0]  }
0x41: {  	[tilespmem:s25+$0xE930] =	vst v21;
	v21 =	vmul.f32 $8.000000000e+00, v24;
	v3 =	vsel vm4, v3, v0;
	v0 =	vld [tilespmem:s25+$0x86B0]  }
0x42: {  	[tilespmem:s25+$0xE920] =	vst v23;
	v5 =	vsel vm4, v5, v1;
	v1 =	vld [tilespmem:s25+$0x86F0];
	v22 =	vsel vm4, v58, v56;
	v3 =	vmul.f32 $8.000000000e+00, v3  }
0x43: {  	[tilespmem:s25+$0xE9A0] =	vst v21;
	v5 =	vmul.f32 $8.000000000e+00, v5;
	v23 =	vmul.f32 $8.000000000e+00, v22;
	v22 =	vld [tilespmem:s25+$0x8760]  }
0x44: {  	v19 =	vimm.s32 $0x4;
	v7 =	vmul.f32 $8.000000000e+00, v7;
	[tilespmem:s25+$0xEA90] =	vst v3;
	v3 =	vld [tilespmem:s25+$0x8700]  }
0x45: {  	v21 =	vperm.xlane v26, v19;
	[tilespmem:s25+$0xEAA0] =	vst v5;
	v5 =	vld [tilespmem:s25+$0x8740]  }
0x46: {  	[tilespmem:s25+$0xEA80] =	vst v7;
	v7 =	vld [tilespmem:s25+$0x8710]  }
0x47: {  	v14 =	vmul.f32 $8.000000000e+00, v14;
	v12 =	vmul.f32 $8.000000000e+00, v12;
	vm5 =	veq.s32 v21, $0x1;
	[tilespmem:s25+$0xEAB0] =	vst v23;
	v23 =	vld [tilespmem:s25+$0x8730]  }
0x48: {  	v24 =	vsel vm5, v53, v49;
	v49 =	vsel vm5, v54, v51;
	v54 =	vsel vm5, v50, v47;
	v50 =	vld [tilespmem:$0x1FF70]  }
0x49: {  	[tilespmem:s25+$0xEA30] =	vst v12;
	v12 =	vmul.f32 $8.000000000e+00, v24;
	v24 =	vld [tilespmem:s25+$0x8770]  }
0x4a: {  	[tilespmem:s25+$0xEA20] =	vst v14;
	v51 =	vsel vm5, v55, v52;
	v52 =	vimm.s32 $0x5;
	v14 =	vmul.f32 $8.000000000e+00, v49;
	v49 =	vld [tilespmem:$0x1FF60]  }
0x4b: {  	v53 =	vperm.xlane v26, v52;
	v52 =	vld [tilespmem:$0x1FF80]  }
0x4c: {  	v19 =	vmul.f32 $8.000000000e+00, v51;
	[tilespmem:s25+$0xEB00] =	vst v12;
	v12 =	vld [tilespmem:s25+$0x8750]  }
0x4d: {  	v61 =	vimm.s32 $0x6;
	v55 =	vmul.f32 $8.000000000e+00, v54;
	[tilespmem:s25+$0xEB10] =	vst v14;
	v14 =	vld [tilespmem:s25+$0x8720];
	vm6 =	veq.s32 v53, $0x1  }
0x4e: {  	[tilespmem:s25+$0xEB20] =	vst v19;
	v19 =	vperm.xlane v26, v61;
	v53 =	vld [tilespmem:$0x1FF90];
	v21 =	vsel vm6, v42, v36;
	v58 =	vsel vm6, v43, v41  }
0x4f: {  	[tilespmem:s25+$0xEB30] =	vst v55;
	v55 =	vld [tilespmem:$0x1FFA0];
	v60 =	vsel vm6, v44, v40;
	v25 =	vsel vm6, v33, v25;
	v56 =	vmul.f32 $8.000000000e+00, v21  }
0x50: {  	v43 =	vld [tilespmem:s25+$0x8780];
	v59 =	vmul.f32 $8.000000000e+00, v58;
	v21 =	vmul.f32 $8.000000000e+00, v60;
	vm7 =	veq.s32 v19, $0x1  }
0x51: {  	v34 =	vsel vm7, v34, v35;
	v35 =	vimm.s32 $0x7;
	v36 =	vsel vm7, v39, v38;
	v39 =	vld [tilespmem:$0x1FF30];
	[tilespmem:s25+$0xEB80] =	vst v56  }
0x52: {  	v41 =	vld [tilespmem:$0x1FF40];
	v62 =	vmul.f32 $8.000000000e+00, v25;
	v63 =	vsel vm7, v31, v27;
	[tilespmem:s25+$0xEB90] =	vst v59;
	v19 =	vperm.xlane v26, v35  }
0x53: {  	v47 =	vimm.s32 $0x8;
	v44 =	vld [tilespmem:$0x1FF50];
	v32 =	vsel vm7, v32, v28;
	[tilespmem:s25+$0xEBA0] =	vst v21;
	v31 =	vmul.f32 $8.000000000e+00, v63  }
0x54: {  	[tilespmem:s25+$0xEBB0] =	vst v62;
	v21 =	vmul.f32 $8.000000000e+00, v34;
	v62 =	vld [tilespmem:$0x1FFE0];
	vm8 =	veq.s32 v19, $0x1;
	v19 =	vperm.xlane v26, v47  }
0x55: {  	v61 =	vimm.s32 $0x9;
	v33 =	vmul.f32 $8.000000000e+00, v32;
	v38 =	vmul.f32 $8.000000000e+00, v36;
	v63 =	vld [tilespmem:$0x1FFF0];
	[tilespmem:s25+$0xEC00] =	vst v31  }
0x56: {  	v60 =	vld [tilespmem:$0x1FFD0];
	[tilespmem:s25+$0xEC20] =	vst v21;
	v32 =	vsel vm8, v50, v49;
	v21 =	vsel vm8, v37, v39;
	vm9 =	veq.s32 v19, $0x1  }
0x57: {  	v56 =	vld [tilespmem:$0x1FFB0];
	[tilespmem:s25+$0xEC10] =	vst v33;
	v51 =	vmul.f32 $8.000000000e+00, v32;
	v40 =	vmul.f32 $8.000000000e+00, v21;
	v21 =	vsel vm8, v29, v41  }
0x58: {  	v59 =	vld [tilespmem:$0x1FFC0];
	[tilespmem:s25+$0xEC30] =	vst v38;
	v19 =	vperm.xlane v26, v61;
	v42 =	vmul.f32 $8.000000000e+00, v21;
	v21 =	vsel vm8, v30, v44  }
0x59: {  	v25 =	vld [tilespmem:s25+$0x87C0];
	[tilespmem:s25+$0xECB0] =	vst v51;
	v21 =	vmul.f32 $8.000000000e+00, v21  }
0x5a: {  	v27 =	vld [tilespmem:s25+$0x8790];
	v37 =	vsel vm9, v63, v62;
	vm10 =	veq.s32 v19, $0x1;
	[tilespmem:s25+$0xEC80] =	vst v40  }
0x5b: {  	v28 =	vld [tilespmem:s25+$0x87D0];
	v40 =	vmul.f32 $8.000000000e+00, v37;
	[tilespmem:s25+$0xECA0] =	vst v21;
	v21 =	vsel vm9, v53, v52;
	v52 =	vimm.s32 $0xA  }
0x5c: {  	v47 =	vld [tilespmem:$0x1FE70];
	[tilespmem:s25+$0xEC90] =	vst v42;
	v54 =	vmul.f32 $8.000000000e+00, v21;
	v21 =	vsel vm9, v56, v55;
	v19 =	vperm.xlane v26, v52  }
0x5d: {  	v41 =	vld [tilespmem:$0x1FE50];
	[tilespmem:s25+$0xED30] =	vst v40;
	v58 =	vmul.f32 $8.000000000e+00, v21;
	v21 =	vsel vm9, v60, v59  }
0x5e: {  	v42 =	vld [tilespmem:$0x1FE60];
	v53 =	vsel vm10, v48, v45;
	[tilespmem:s25+$0xED00] =	vst v54;
	v21 =	vmul.f32 $8.000000000e+00, v21;
	vm11 =	veq.s32 v19, $0x1  }
0x5f: {  	v49 =	vld [tilespmem:$0x1FE80];
	v54 =	vmul.f32 $8.000000000e+00, v53;
	[tilespmem:s25+$0xED10] =	vst v58;
	v4 =	vsel vm11, v57, v4  }
0x60: {  	v51 =	vld [tilespmem:$0x1FE90];
	v6 =	vsel vm11, v13, v6;
	[tilespmem:s25+$0xED20] =	vst v21;
	v4 =	vmul.f32 $8.000000000e+00, v4  }
0x61: {  	v34 =	vld [tilespmem:s25+$0x8800];
	v56 =	vsel vm11, v20, v16;
	[tilespmem:s25+$0xEDB0] =	vst v54;
	v55 =	vmul.f32 $8.000000000e+00, v6  }
0x62: {  	v35 =	vld [tilespmem:s25+$0x8810];
	v57 =	vimm.s32 $0xB;
	v15 =	vsel vm11, v17, v15;
	v6 =	vmul.f32 $8.000000000e+00, v56;
	[tilespmem:s25+$0xEE00] =	vst v4  }
0x63: {  	v36 =	vld [tilespmem:s25+$0x8850];
	v21 =	vsel vm10, v42, v41;
	v58 =	vmul.f32 $8.000000000e+00, v15;
	[tilespmem:s25+$0xEE10] =	vst v55;
	v4 =	vperm.xlane v26, v57  }
0x64: {  	v33 =	vld [tilespmem:s25+$0x87A0];
	v44 =	vmul.f32 $8.000000000e+00, v21;
	v21 =	vsel vm10, v49, v47;
	[tilespmem:s25+$0xEE20] =	vst v6  }
0x65: {  	v31 =	vld [tilespmem:s25+$0x87E0];
	v50 =	vmul.f32 $8.000000000e+00, v21;
	v21 =	vsel vm10, v51, v46;
	[tilespmem:s25+$0xEE30] =	vst v58;
	vm12 =	veq.s32 v4, $0x1  }
0x66: {  	v38 =	vld [tilespmem:s25+$0x8820];
	v62 =	vimm.s32 $0xC;
	[tilespmem:s25+$0xED80] =	vst v44;
	v21 =	vmul.f32 $8.000000000e+00, v21;
	v59 =	vsel vm12, v8, v18  }
0x67: {  	v32 =	vld [tilespmem:s25+$0x8840];
	[tilespmem:s25+$0xED90] =	vst v50;
	v61 =	vsel vm12, v11, v10;
	v10 =	vperm.xlane v26, v62;
	v6 =	vmul.f32 $8.000000000e+00, v59  }
0x68: {  	v39 =	vld [tilespmem:s25+$0x8830];
	[tilespmem:s25+$0xEDA0] =	vst v21;
	v2 =	vsel vm12, v2, v9;
	v4 =	vmul.f32 $8.000000000e+00, v61  }
0x69: {  	v29 =	vld [tilespmem:s25+$0x87B0];
	v0 =	vsel vm12, v1, v0;
	v9 =	vmul.f32 $8.000000000e+00, v2;
	vm13 =	veq.s32 v10, $0x1;
	[tilespmem:s25+$0xEE80] =	vst v6  }
0x6a: {  	v63 =	vld [tilespmem:s25+$0x88B0];
	v18 =	vimm.s32 $0xD;
	v0 =	vmul.f32 $8.000000000e+00, v0;
	v3 =	vsel vm13, v5, v3;
	[tilespmem:s25+$0xEE90] =	vst v4  }
0x6b: {  	v30 =	vld [tilespmem:s25+$0x87F0];
	v1 =	vperm.xlane v26, v18;
	v15 =	vsel vm13, v12, v7;
	[tilespmem:s25+$0xEEA0] =	vst v9;
	v3 =	vmul.f32 $8.000000000e+00, v3  }
0x6c: {  	v37 =	vld [tilespmem:s25+$0x8860];
	v19 =	vsel vm13, v22, v14;
	[tilespmem:s25+$0xEEB0] =	vst v0;
	v20 =	vmul.f32 $8.000000000e+00, v15  }
0x6d: {  	v40 =	vld [tilespmem:s25+$0x8870];
	vm1 =	veq.s32 v1, $0x1;
	v22 =	vsel vm13, v24, v23;
	v23 =	vmul.f32 $8.000000000e+00, v19;
	[tilespmem:s25+$0xEF00] =	vst v3  }
0x6e: {  	v60 =	vld [tilespmem:s25+$0x88E0];
	v41 =	vimm.s32 $0xE;
	v24 =	vsel vm1, v25, v43;
	v25 =	vmul.f32 $8.000000000e+00, v22;
	[tilespmem:s25+$0xEF10] =	vst v20  }
0x6f: {  	v13 =	vld [tilespmem:s25+$0x8890];
	v28 =	vsel vm1, v28, v27;
	v4 =	vmul.f32 $8.000000000e+00, v24;
	[tilespmem:s25+$0xEF20] =	vst v23;
	v3 =	vperm.xlane v26, v41  }
0x70: {  	v42 =	vld [tilespmem:s25+$0x8880];
	v43 =	vsel vm1, v31, v33;
	v44 =	vmul.f32 $8.000000000e+00, v28;
	[tilespmem:s25+$0xEF30] =	vst v25  }
0x71: {  	v21 =	vld [tilespmem:s25+$0x88C0];
	v45 =	vsel vm1, v30, v29;
	v46 =	vmul.f32 $8.000000000e+00, v43;
	[tilespmem:s25+$0xEF80] =	vst v4;
	vm14 =	veq.s32 v3, $0x1  }
0x72: {  	v16 =	vld [tilespmem:s25+$0x88D0];
	v50 =	vimm.s32 $0xF;
	v48 =	vmul.f32 $8.000000000e+00, v45;
	[tilespmem:s25+$0xEF90] =	vst v44;
	v47 =	vsel vm14, v32, v34  }
0x73: {  	v17 =	vld [tilespmem:s25+$0x88A0];
	[tilespmem:s25+$0xEFA0] =	vst v46;
	v3 =	vperm.xlane v26, v50;
	v49 =	vsel vm14, v36, v35;
	v4 =	vmul.f32 $8.000000000e+00, v47  }
0x74: {  	v10 =	vld [tilespmem:s25+$0x88F0];
	[tilespmem:s25+$0xEFB0] =	vst v48;
	v51 =	vsel vm14, v37, v38;
	v52 =	vmul.f32 $8.000000000e+00, v49  }
0x75: {  	v53 =	vsel vm14, v40, v39;
	vm15 =	veq.s32 v3, $0x1;
	v54 =	vmul.f32 $8.000000000e+00, v51;
	[tilespmem:s25+$0xF000] =	vst v4  }
0x76: {  	v56 =	vmul.f32 $8.000000000e+00, v53;
	v55 =	vsel vm15, v21, v42;
	[tilespmem:s25+$0xF010] =	vst v52  }
0x77: {  	v57 =	vsel vm15, v16, v13;
	[tilespmem:s25+$0xF020] =	vst v54;
	v58 =	vmul.f32 $8.000000000e+00, v55  }
0x78: {  	s26 =	sshrl.u32 s24, $0x1;
	v59 =	vsel vm15, v60, v17;
	[tilespmem:s25+$0xF030] =	vst v56;
	v60 =	vmul.f32 $8.000000000e+00, v57  }
0x79: {  	s26 =	sadd.s32 s3, s26;
	v61 =	vsel vm15, v10, v63;
	v62 =	vmul.f32 $8.000000000e+00, v59;
	[tilespmem:s25+$0xF080] =	vst v58  }
0x7a: {  	s26 =	smul.u32 $0xC80, s26;
	v63 =	vmul.f32 $8.000000000e+00, v61;
	[tilespmem:s25+$0xF090] =	vst v60  }
0x7b: {  	[tilespmem:s25+$0xF0A0] =	vst v62  }
0x7c: {  	s31 =	sadd.s32 s5, s26;
	[tilespmem:s25+$0xF0B0] =	vst v63  }
0x7d: {  	[hbm4b:s31+s2] =	stream.linear.scatter [tilespmem:s20], [sflag:$0x3], $0x3000, $0x38;
	[tilespmem:$0x15100] =	vst v63  }
.LBB2_9:
0x7e: {  	s24 =	sadd.s32 $0x1, s24  }
0x7f: {  	p0 =	sne.s32 s24, $0x100  }
.Ltmp3:
0x80: {  	_ = 	snop;
	(pc) =	sbr.rel @!p0 .LBB2_10-.Ltmp3, $2  }
0x81: {  	_ =	sdelay $0x2  }
0x82: {  	s23 =	sadd.s32 $0x80, s23;
	s22 =	sadd.s32 $0x40, s22;
	v21 =	vimm.s32 $0x0  }
.LBB2_2:
0x83: {  	s25 =	sand.u32 $0x1, s24  }
0x84: {  	p0 =	seq.s32 s25, $0x1  }
.Ltmp4:
0x85: {  	_ = 	snop;
	(pc) =	sbr.rel @!p0 .LBB2_3-.Ltmp4, $1  }
0x86: {  	_ =	sdelay $0x3  }
0x87: {  	p0 =	seq.s32 s24, $0xFF  }
0x88: {  	s25 =	sadd.s32 @!p0 $0x1, s24  }
0x89: {  	s26 =	sshll.u32 @!p0 s25, $0x7;
	s25 =	sshll.u32 @!p0 s25, $0x6  }
0x8a: {  	s26 =	sand.u32 @!p0 $0xF800, s26;
	s25 =	sand.u32 @!p0 $0x380, s25  }
0x8b: {  	s25 =	sor.u32 @!p0 s25, s26  }
0x8c: {  	v0 =	vld @!p0 [tilespmem:s25+$0x0];
	_ =	sdelay $0x4  }
0x8d: {  	v0 =	vshrl.u32 @!p0 v0, $0x1  }
0x8e: {  	[tilespmem:$0x8000] =	vst @!p0 v0  }
0x8f: {  	v0 =	vld @!p0 [tilespmem:s25+$0x10];
	_ =	sdelay $0x4  }
0x90: {  	v0 =	vshrl.u32 @!p0 v0, $0x1  }
0x91: {  	[tilespmem:$0x8010] =	vst @!p0 v0  }
0x92: {  	v0 =	vld @!p0 [tilespmem:s25+$0x20];
	_ =	sdelay $0x4  }
0x93: {  	v0 =	vshrl.u32 @!p0 v0, $0x1  }
0x94: {  	[tilespmem:$0x8020] =	vst @!p0 v0  }
0x95: {  	v0 =	vld @!p0 [tilespmem:s25+$0x30];
	_ =	sdelay $0x4  }
0x96: {  	v0 =	vshrl.u32 @!p0 v0, $0x1  }
0x97: {  	[tilespmem:$0x8030] =	vst @!p0 v0  }
0x98: {  	v0 =	vld @!p0 [tilespmem:s25+$0x40];
	_ =	sdelay $0x4  }
0x99: {  	v0 =	vshrl.u32 @!p0 v0, $0x1  }
0x9a: {  	[tilespmem:$0x8040] =	vst @!p0 v0  }
0x9b: {  	v0 =	vld @!p0 [tilespmem:s25+$0x50];
	_ =	sdelay $0x4  }
0x9c: {  	v0 =	vshrl.u32 @!p0 v0, $0x1  }
0x9d: {  	s28 =	simm.s32 @!p0 $0x8100;
	s26 =	simm.s32 @!p0 $0x8000;
	s25 =	simm.s32 @!p0 $0x60;
	[tilespmem:$0x8050] =	vst @!p0 v0  }
0x9e: {  	[tilespmem:s28], [sflag:$0x1] =	stream.indirect.gather @!p0 [hbm4b:s4+s25], $0x80, s26, s25, $0xb8;
	[tilespmem:$0x15100] =	vst v63  }
0x9f: {  	_ =	swait.ge [sflag:s12], $0x3400  }
0xa0: {  	p0 =	slt.u32 s24, $0x2;
	[sflag:s12] =	ssyncset.done $0x0  }
0xa1: {  	s25 =	simm.s32 @!p0 $0x4;
	[sflag:s12] =	ssyncadd.s32 $0xFFFFCC00  }
0xa2: {  	s31 =	simm.s32 $0x0;
	_ =	swait.ge @!p0 [sflag:s25], $0x3400  }
0xa3: {  	s30 =	smin.u32 s31, $0x58;
	[sflag:s25] =	ssyncset.done @!p0 $0x0  }
0xa4: {  	[sflag:s25] =	ssyncadd.s32 @!p0 $0xFFFFCC00;
	s25 =	sshll.u32 s30, $0x7  }
0xa5: {  	v52 =	vld [tilespmem:s25+$0xB500]  }
0xa6: {  	v58 =	vld [tilespmem:s25+$0xB540]  }
0xa7: {  	v60 =	vld [tilespmem:s25+$0xB510]  }
0xa8: {  	v3 =	vld [tilespmem:s25+$0xB550]  }
0xa9: {  	v7 =	vld [tilespmem:s25+$0xB520]  }
0xaa: {  	v18 =	vld [tilespmem:s25+$0xB560]  }
0xab: {  	v11 =	vld [tilespmem:s25+$0xB530]  }
0xac: {  	v16 =	vld [tilespmem:s25+$0xB570]  }
0xad: {  	v8 =	vld [tilespmem:s25+$0xB580]  }
0xae: {  	v15 =	vld [tilespmem:s25+$0xB5C0]  }
0xaf: {  	v5 =	vld [tilespmem:s25+$0xB590]  }
0xb0: {  	v13 =	vld [tilespmem:s25+$0xB5D0]  }
0xb1: {  	v12 =	vld [tilespmem:s25+$0xB5A0]  }
0xb2: {  	v17 =	vld [tilespmem:s25+$0xB5E0]  }
0xb3: {  	v6 =	vld [tilespmem:s25+$0xB5B0]  }
0xb4: {  	v14 =	vld [tilespmem:s25+$0xB5F0]  }
0xb5: {  	v62 =	vld [tilespmem:s25+$0xB600]  }
0xb6: {  	v1 =	vld [tilespmem:s25+$0xB640]  }
0xb7: {  	v0 =	vld [tilespmem:s25+$0xB610]  }
0xb8: {  	v9 =	vld [tilespmem:s25+$0xB650]  }
0xb9: {  	v4 =	vld [tilespmem:s25+$0xB620]  }
0xba: {  	v10 =	vld [tilespmem:s25+$0xB660]  }
0xbb: {  	v63 =	vld [tilespmem:s25+$0xB630]  }
0xbc: {  	v2 =	vld [tilespmem:s25+$0xB670]  }
0xbd: {  	v56 =	vld [tilespmem:s25+$0xB680]  }
0xbe: {  	v61 =	vld [tilespmem:s25+$0xB6C0]  }
0xbf: {  	v19 =	vld [tilespmem:s25+$0xB880]  }
0xc0: {  	v54 =	vld [tilespmem:s25+$0xB690]  }
0xc1: {  	v57 =	vld [tilespmem:s25+$0xB6D0]  }
0xc2: {  	v55 =	vld [tilespmem:s25+$0xB6A0]  }
0xc3: {  	v59 =	vld [tilespmem:s25+$0xB6E0]  }
0xc4: {  	[tilespmem:$0x1FDD0] =	vst v19;
	v19 =	vld [tilespmem:s25+$0xB890]  }
0xc5: {  	v51 =	vld [tilespmem:s25+$0xB6B0]  }
0xc6: {  	v53 =	vld [tilespmem:s25+$0xB6F0]  }
0xc7: {  	v44 =	vld [tilespmem:s25+$0xB700]  }
0xc8: {  	v32 =	vld [tilespmem:s25+$0xB740]  }
0xc9: {  	[tilespmem:$0x1FDE0] =	vst v19;
	v19 =	vld [tilespmem:s25+$0xB8A0]  }
0xca: {  	v46 =	vld [tilespmem:s25+$0xB710]  }
0xcb: {  	v26 =	vld [tilespmem:s25+$0xB750]  }
0xcc: {  	v31 =	vld [tilespmem:s25+$0xB720]  }
0xcd: {  	v27 =	vld [tilespmem:s25+$0xB760]  }
0xce: {  	[tilespmem:$0x1FDF0] =	vst v19;
	v19 =	vld [tilespmem:s25+$0xB8B0]  }
0xcf: {  	v43 =	vld [tilespmem:s25+$0xB730]  }
0xd0: {  	v30 =	vld [tilespmem:s25+$0xB770]  }
0xd1: {  	v36 =	vld [tilespmem:s25+$0xB780]  }
0xd2: {  	v40 =	vld [tilespmem:s25+$0xB7C0]  }
0xd3: {  	[tilespmem:$0x1FE00] =	vst v19;
	v19 =	vld [tilespmem:s25+$0xB8F0]  }
0xd4: {  	v38 =	vld [tilespmem:s25+$0xB790]  }
0xd5: {  	v28 =	vld [tilespmem:s25+$0xB7D0]  }
0xd6: {  	v39 =	vld [tilespmem:s25+$0xB7A0]  }
0xd7: {  	v29 =	vld [tilespmem:s25+$0xB7E0]  }
0xd8: {  	[tilespmem:$0x1FE10] =	vst v19;
	v19 =	vld [tilespmem:s25+$0xB900]  }
0xd9: {  	v35 =	vld [tilespmem:s25+$0xB7B0]  }
0xda: {  	v37 =	vld [tilespmem:s25+$0xB7F0]  }
0xdb: {  	v41 =	vld [tilespmem:s25+$0xB800]  }
0xdc: {  	v48 =	vld [tilespmem:s25+$0xB840]  }
0xdd: {  	[tilespmem:$0x1FE20] =	vst v19;
	v19 =	vld [tilespmem:s25+$0xB940]  }
0xde: {  	v45 =	vld [tilespmem:s25+$0xB810]  }
0xdf: {  	v49 =	vld [tilespmem:s25+$0xB850]  }
0xe0: {  	v47 =	vld [tilespmem:s25+$0xB820]  }
0xe1: {  	v50 =	vld [tilespmem:s25+$0xB860]  }
0xe2: {  	[tilespmem:$0x1FE30] =	vst v19;
	v19 =	vld [tilespmem:s25+$0xB910]  }
0xe3: {  	v34 =	vld [tilespmem:s25+$0xB830]  }
0xe4: {  	v42 =	vld [tilespmem:s25+$0xB870]  }
0xe5: {  	s31 =	sshll.u32 s24, $0x7;
	s28 =	sshll.u32 s24, $0x6;
	v33 =	vld [tilespmem:s25+$0xB8C0]  }
0xe6: {  	s29 =	sand.u32 $0x7800, s31;
	s28 =	sand.u32 $0x380, s28;
	v24 =	vld [tilespmem:s25+$0xB8D0]  }
0xe7: {  	s26 =	sshrl.u32 s24, $0x1;
	s28 =	sor.u32 s28, s29;
	s29 =	simm.s32 $0x10;
	v25 =	vld [tilespmem:s25+$0xB8E0];
	[tilespmem:$0x1FE40] =	vst v19  }
.LBB2_7:
0xe8: {  	v19 =	vld [tilespmem:s25+$0xB950];
	_ =	sdelay $0x4  }
0xe9: {  	[tilespmem:$0x1FD00] =	vst v19;
	v19 =	vld [tilespmem:s25+$0xB920]  }
0xea: {  	v20 =	vld [tilespmem:s25+$0xB980];
	_ =	sdelay $0x3  }
0xeb: {  	[tilespmem:$0x1FD10] =	vst v19;
	v19 =	vld [tilespmem:s25+$0xB960]  }
0xec: {  	[tilespmem:$0x1FD50] =	vst v20;
	v20 =	vld [tilespmem:s25+$0xB9C0];
	_ =	sdelay $0x3  }
0xed: {  	[tilespmem:$0x1FD20] =	vst v19;
	v19 =	vld [tilespmem:s25+$0xB930]  }
0xee: {  	[tilespmem:$0x1FD60] =	vst v20;
	v20 =	vld [tilespmem:s25+$0xB990];
	_ =	sdelay $0x3  }
0xef: {  	s30 =	sadd.s32 $0x60, s30;
	[tilespmem:$0x1FD30] =	vst v19;
	v19 =	vld [tilespmem:s25+$0xB970]  }
0xf0: {  	s31 =	sshll.u32 s30, $0x3;
	[tilespmem:$0x1FD70] =	vst v20;
	v20 =	vld [tilespmem:s25+$0xB9D0]  }
0xf1: {  	s31 =	sand.u32 $0x400, s31  }
0xf2: {  	s30 =	sand.u32 $0x78, s30;
	s31 =	sadd.s32 s31, s28  }
0xf3: {  	s30 =	sadd.s32 s30, s31  }
0xf4: {  	[tilespmem:$0x1FD40] =	vst v19;
	v19 =	vld [tilespmem:s30+$0x0]  }
0xf5: {  	[tilespmem:$0x1FD80] =	vst v20;
	v20 =	vld [tilespmem:s25+$0xB9A0];
	_ =	sdelay $0x1  }
0xf6: {  	v22 =	vld [tilespmem:s25+$0xB9E0];
	_ =	sdelay $0x1  }
0xf7: {  	v19 =	vand.u32 $0x1, v19  }
0xf8: {  	[tilespmem:$0x1FD90] =	vst v20;
	v20 =	vperm.xlane v19, v21;
	v21 =	vimm.s32 $0x1  }
0xf9: {  	[tilespmem:$0x1FCF0] =	vst v25;
	v21 =	vperm.xlane v19, v21  }
0xfa: {  	v25 =	vmov v24;
	v24 =	vld [tilespmem:s25+$0xB9B0];
	[tilespmem:$0x1FDA0] =	vst v22;
	v22 =	vimm.s32 $0x2  }
0xfb: {  	v22 =	vperm.xlane v19, v22;
	vm0 =	veq.s32 v20, $0x1;
	vm1 =	veq.s32 v21, $0x1;
	v21 =	vld [tilespmem:s25+$0xB9F0]  }
0xfc: {  	v60 =	vsel vm0, v3, v60;
	v3 =	vld [tilespmem:s25+$0xBA00]  }
0xfd: {  	v20 =	vimm.s32 $0x4;
	vm14 =	veq.s32 v22, $0x1;
	v18 =	vsel vm0, v18, v7;
	v7 =	vld [tilespmem:s25+$0xBA40]  }
0xfe: {  	v11 =	vsel vm0, v16, v11;
	v1 =	vsel vm14, v1, v62;
	v9 =	vsel vm14, v9, v0;
	v0 =	vld [tilespmem:s25+$0xBA30]  }
0xff: {  	v16 =	vmul.f32 $8.000000000e+00, v18;
	v18 =	vmul.f32 $8.000000000e+00, v11;
	v11 =	vsel vm1, v15, v8;
	v8 =	vld [tilespmem:s25+$0xBA10]  }
0x100: {  	v4 =	vsel vm14, v10, v4;
	v10 =	vmul.f32 $8.000000000e+00, v1;
	v1 =	vsel vm14, v2, v63;
	v2 =	vld [tilespmem:s25+$0xBA70]  }
0x101: {  	v20 =	vperm.xlane v19, v20;
	v15 =	vmul.f32 $8.000000000e+00, v11;
	v11 =	vsel vm1, v13, v5;
	v5 =	vld [tilespmem:s25+$0xBA50]  }
0x102: {  	v12 =	vsel vm1, v17, v12;
	v17 =	vmul.f32 $8.000000000e+00, v1;
	v1 =	vld [tilespmem:s25+$0xBA80]  }
0x103: {  	vm4 =	veq.s32 v20, $0x1;
	v13 =	vmul.f32 $8.000000000e+00, v11;
	v11 =	vsel vm1, v14, v6;
	v6 =	vld [tilespmem:s25+$0xBA20]  }
0x104: {  	v23 =	vimm.s32 $0x3;
	v20 =	vsel vm4, v27, v31;
	v31 =	vld [tilespmem:s25+$0xBB60]  }
0x105: {  	v23 =	vperm.xlane v19, v23;
	[tilespmem:s25+$0x11D20] =	vst v16;
	v16 =	vsel vm4, v26, v46;
	v14 =	vmul.f32 $8.000000000e+00, v11;
	v11 =	vld [tilespmem:s25+$0xBA60]  }
0x106: {  	v46 =	vmul.f32 $8.000000000e+00, v16;
	v16 =	vld [tilespmem:s25+$0xBAE0]  }
0x107: {  	vm15 =	veq.s32 v23, $0x1;
	v12 =	vmul.f32 $8.000000000e+00, v12;
	[tilespmem:s25+$0x11E30] =	vst v17;
	v17 =	vld [tilespmem:s25+$0xBAB0]  }
0x108: {  	[tilespmem:s25+$0x11D80] =	vst v15;
	v15 =	vmul.f32 $8.000000000e+00, v9;
	v9 =	vsel vm15, v57, v54;
	v54 =	vld [tilespmem:$0x1FD70]  }
0x109: {  	[tilespmem:s25+$0x11DA0] =	vst v12;
	v12 =	vsel vm15, v59, v55;
	v55 =	vld [tilespmem:$0x1FD80]  }
0x10a: {  	v57 =	vld [tilespmem:$0x1FDA0]  }
0x10b: {  	v22 =	vmul.f32 $8.000000000e+00, v12;
	v12 =	vsel vm15, v53, v51;
	v51 =	vld [tilespmem:$0x1FD50]  }
0x10c: {  	[tilespmem:$0x1FDB0] =	vst v24;
	v53 =	vld [tilespmem:s25+$0xBBE0]  }
0x10d: {  	[tilespmem:s25+$0x11D90] =	vst v13;
	v13 =	vmul.f32 $8.000000000e+00, v4;
	v4 =	vsel vm15, v61, v56;
	v56 =	vld [tilespmem:$0x1FD90]  }
0x10e: {  	[tilespmem:$0x1FDC0] =	vst v21;
	v21 =	vsel vm0, v58, v52;
	v58 =	vld [tilespmem:s25+$0xBBB0]  }
0x10f: {  	v52 =	vmul.f32 $8.000000000e+00, v60;
	v60 =	vld [tilespmem:$0x1FDB0]  }
0x110: {  	[tilespmem:s25+$0x11D30] =	vst v18;
	v18 =	vmul.f32 $8.000000000e+00, v4;
	v4 =	vld [tilespmem:s25+$0xBAC0]  }
0x111: {  	[tilespmem:s25+$0x11E00] =	vst v10;
	v10 =	vimm.s32 $0x5;
	v23 =	vmul.f32 $8.000000000e+00, v12;
	v12 =	vld [tilespmem:s25+$0xBAD0]  }
0x112: {  	v10 =	vperm.xlane v19, v10;
	[tilespmem:s25+$0x11DB0] =	vst v14;
	v14 =	vld [tilespmem:s25+$0xBAA0]  }
0x113: {  	[tilespmem:s25+$0x11E10] =	vst v15;
	v15 =	vsel vm4, v32, v44;
	v32 =	vld [tilespmem:s25+$0xBB80]  }
0x114: {  	vm5 =	veq.s32 v10, $0x1;
	[tilespmem:s25+$0x11F10] =	vst v46;
	v46 =	vld [tilespmem:$0x1FD10]  }
0x115: {  	v10 =	vsel vm5, v40, v36;
	v36 =	vld [tilespmem:s25+$0xBAF0]  }
0x116: {  	[tilespmem:s25+$0x11D10] =	vst v52;
	v44 =	vmul.f32 $8.000000000e+00, v15;
	v15 =	vsel vm5, v29, v39;
	v29 =	vld [tilespmem:s25+$0xBB30]  }
0x117: {  	v21 =	vmul.f32 $8.000000000e+00, v21;
	[tilespmem:s25+$0x11E20] =	vst v13;
	v39 =	vld [tilespmem:s25+$0xBBD0]  }
0x118: {  	v13 =	vsel vm4, v30, v43;
	[tilespmem:s25+$0x11EA0] =	vst v22;
	v52 =	vld [tilespmem:$0x1FD60]  }
0x119: {  	[tilespmem:s25+$0x11D00] =	vst v21;
	v21 =	vmul.f32 $8.000000000e+00, v9;
	v9 =	vld [tilespmem:s25+$0xBA90];
	v43 =	vmul.f32 $8.000000000e+00, v13;
	v13 =	vsel vm5, v28, v38  }
0x11a: {  	[tilespmem:s25+$0x11E80] =	vst v18;
	v38 =	vmul.f32 $8.000000000e+00, v13;
	v13 =	vsel vm5, v37, v35;
	v37 =	vld [tilespmem:s25+$0xBB20]  }
0x11b: {  	v22 =	vmul.f32 $8.000000000e+00, v15;
	[tilespmem:s25+$0x11F00] =	vst v44;
	v44 =	vld [tilespmem:$0x1FE40]  }
0x11c: {  	v15 =	vimm.s32 $0x6;
	v18 =	vimm.s32 $0x8;
	[tilespmem:s25+$0x11E90] =	vst v21;
	v21 =	vmul.f32 $8.000000000e+00, v10;
	v10 =	vld [tilespmem:s25+$0xBB00]  }
0x11d: {  	[tilespmem:s25+$0x11EB0] =	vst v23;
	v23 =	vperm.xlane v19, v15;
	v15 =	vimm.s32 $0x7;
	v35 =	vmul.f32 $8.000000000e+00, v13;
	v13 =	vld [tilespmem:s25+$0xBB40]  }
0x11e: {  	v62 =	vperm.xlane v19, v18;
	v18 =	vimm.s32 $0x9;
	v61 =	vperm.xlane v19, v15;
	v15 =	vld [tilespmem:s25+$0xBB10]  }
0x11f: {  	v63 =	vperm.xlane v19, v18;
	v18 =	vld [tilespmem:s25+$0xBB50]  }
0x120: {  	[tilespmem:s25+$0x11F30] =	vst v43;
	v43 =	vld [tilespmem:$0x1FE30]  }
0x121: {  	v20 =	vmul.f32 $8.000000000e+00, v20;
	[tilespmem:s25+$0x11F90] =	vst v38;
	v38 =	vld [tilespmem:$0x1FDE0]  }
0x122: {  	vm6 =	veq.s32 v23, $0x1;
	vm8 =	veq.s32 v62, $0x1;
	v62 =	vld [tilespmem:s25+$0xBBF0]  }
0x123: {  	[tilespmem:s25+$0x11F20] =	vst v20;
	v20 =	vsel vm6, v48, v41;
	v41 =	vld [tilespmem:$0x1FDF0]  }
0x124: {  	v27 =	vsel vm6, v42, v34;
	v42 =	vld [tilespmem:$0x1FE10]  }
0x125: {  	v34 =	vld [tilespmem:s25+$0xBB90]  }
0x126: {  	v28 =	vsel vm6, v49, v45;
	v45 =	vld [tilespmem:$0x1FD00]  }
0x127: {  	v30 =	vsel vm6, v50, v47;
	v47 =	vld [tilespmem:$0x1FD20]  }
0x128: {  	v48 =	vld [tilespmem:$0x1FD30]  }
0x129: {  	v23 =	vimm.s32 $0xA;
	v49 =	vld [tilespmem:$0x1FD40]  }
0x12a: {  	[tilespmem:s25+$0x11FA0] =	vst v22;
	vm7 =	veq.s32 v61, $0x1;
	v23 =	vperm.xlane v19, v23;
	v50 =	vld [tilespmem:s25+$0xBBA0];
	v20 =	vmul.f32 $8.000000000e+00, v20  }
0x12b: {  	[tilespmem:s25+$0x11F80] =	vst v21;
	vm9 =	veq.s32 v63, $0x1;
	v61 =	vld [tilespmem:$0x1FDC0];
	v28 =	vmul.f32 $8.000000000e+00, v28;
	v21 =	vmul.f32 $8.000000000e+00, v30  }
0x12c: {  	[tilespmem:s25+$0x11FB0] =	vst v35;
	v63 =	vld [tilespmem:s25+$0xBC00];
	v27 =	vmul.f32 $8.000000000e+00, v27;
	vm10 =	veq.s32 v23, $0x1;
	v23 =	vimm.s32 $0xB  }
0x12d: {  	v30 =	vld [tilespmem:$0x1FDD0];
	[tilespmem:s25+$0x12000] =	vst v20;
	v23 =	vperm.xlane v19, v23;
	v3 =	vsel vm10, v7, v3;
	v5 =	vsel vm10, v5, v8  }
0x12e: {  	v20 =	vld [tilespmem:$0x1FE20];
	[tilespmem:s25+$0x12010] =	vst v28;
	v6 =	vsel vm10, v11, v6;
	v0 =	vsel vm10, v2, v0;
	v3 =	vmul.f32 $8.000000000e+00, v3  }
0x12f: {  	[tilespmem:s25+$0x12020] =	vst v21;
	v7 =	vld [tilespmem:s25+$0xBC40];
	v24 =	vsel vm7, v25, v38;
	v5 =	vmul.f32 $8.000000000e+00, v5;
	v6 =	vmul.f32 $8.000000000e+00, v6  }
0x130: {  	[tilespmem:s25+$0x12030] =	vst v27;
	v2 =	vld [tilespmem:s25+$0xBC10];
	v0 =	vmul.f32 $8.000000000e+00, v0;
	v22 =	vmul.f32 $8.000000000e+00, v24;
	v35 =	vsel vm8, v45, v44  }
0x131: {  	v25 =	vld [tilespmem:$0x1FCF0];
	v38 =	vsel vm8, v47, v46;
	vm11 =	veq.s32 v23, $0x1;
	v23 =	vimm.s32 $0xE;
	[tilespmem:s25+$0x12200] =	vst v3  }
0x132: {  	v8 =	vld [tilespmem:s25+$0xBC50];
	v26 =	vsel vm7, v33, v30;
	v28 =	vmul.f32 $8.000000000e+00, v35;
	v35 =	vsel vm8, v49, v48;
	[tilespmem:s25+$0x12210] =	vst v5  }
0x133: {  	v11 =	vld [tilespmem:s25+$0xBC20];
	v21 =	vmul.f32 $8.000000000e+00, v38;
	v38 =	vsel vm9, v52, v51;
	v1 =	vsel vm11, v4, v1;
	[tilespmem:s25+$0x12220] =	vst v6  }
0x134: {  	v30 =	vld [tilespmem:s25+$0xBB70];
	v4 =	vsel vm11, v12, v9;
	v9 =	vsel vm11, v16, v14;
	v12 =	vsel vm11, v36, v17;
	[tilespmem:s25+$0x12230] =	vst v0  }
0x135: {  	v33 =	vld [tilespmem:s25+$0xBBC0];
	v17 =	vimm.s32 $0xC;
	v23 =	vperm.xlane v19, v23;
	v26 =	vmul.f32 $8.000000000e+00, v26;
	[tilespmem:s25+$0x12090] =	vst v22  }
0x136: {  	v14 =	vld [tilespmem:s25+$0xBC60];
	v35 =	vmul.f32 $8.000000000e+00, v35;
	v27 =	vmul.f32 $8.000000000e+00, v38;
	[tilespmem:s25+$0x12110] =	vst v28;
	v25 =	vsel vm7, v25, v41  }
0x137: {  	v17 =	vperm.xlane v19, v17;
	[tilespmem:s25+$0x12120] =	vst v21;
	v24 =	vmul.f32 $8.000000000e+00, v25;
	v25 =	vld [tilespmem:$0x1FE00]  }
0x138: {  	v16 =	vld [tilespmem:s25+$0xBC30];
	v38 =	vsel vm9, v55, v54;
	v1 =	vmul.f32 $8.000000000e+00, v1;
	v20 =	vsel vm8, v43, v20;
	[tilespmem:s25+$0x12080] =	vst v26  }
0x139: {  	v4 =	vmul.f32 $8.000000000e+00, v4;
	v21 =	vld [tilespmem:s25+$0xBC70];
	v20 =	vmul.f32 $8.000000000e+00, v20;
	[tilespmem:s25+$0x12130] =	vst v35;
	vm12 =	veq.s32 v17, $0x1  }
0x13a: {  	v9 =	vmul.f32 $8.000000000e+00, v9;
	v26 =	vmul.f32 $8.000000000e+00, v38;
	[tilespmem:s25+$0x12180] =	vst v27;
	v17 =	vld [tilespmem:s25+$0xBCC0];
	v10 =	vsel vm12, v13, v10  }
0x13b: {  	v27 =	vld [tilespmem:s25+$0xBCB0];
	v13 =	vsel vm12, v18, v15;
	v15 =	vsel vm12, v31, v37;
	[tilespmem:s25+$0x12100] =	vst v20;
	v20 =	vimm.s32 $0xD  }
0x13c: {  	v18 =	vld [tilespmem:s25+$0xBC90];
	[tilespmem:s25+$0x12190] =	vst v26;
	v3 =	vsel vm12, v30, v29;
	v20 =	vperm.xlane v19, v20;
	v25 =	vsel vm7, v42, v25  }
0x13d: {  	v26 =	vld [tilespmem:s25+$0xBCE0];
	[tilespmem:s25+$0x120A0] =	vst v24;
	v24 =	vimm.s32 $0xF;
	v42 =	vsel vm9, v57, v56;
	v25 =	vmul.f32 $8.000000000e+00, v25  }
0x13e: {  	[tilespmem:s25+$0x12280] =	vst v1;
	v19 =	vperm.xlane v19, v24;
	v24 =	vld [tilespmem:s25+$0xBC80];
	v59 =	vmul.f32 $8.000000000e+00, v42;
	v42 =	vsel vm9, v61, v60  }
0x13f: {  	v5 =	vmul.f32 $8.000000000e+00, v15;
	vm13 =	veq.s32 v20, $0x1;
	v20 =	vld [tilespmem:s25+$0xBCD0];
	v22 =	vmul.f32 $8.000000000e+00, v42;
	[tilespmem:s25+$0x120B0] =	vst v25  }
0x140: {  	s30 =	smin.u32 s29, $0x58;
	v15 =	vmul.f32 $8.000000000e+00, v3;
	v3 =	vsel vm13, v33, v32;
	vm15 =	veq.s32 v19, $0x1;
	v19 =	vld [tilespmem:s25+$0xBCF0];
	[tilespmem:s25+$0x121A0] =	vst v59  }
0x141: {  	s31 =	sshll.u32 s30, $0x7;
	v12 =	vmul.f32 $8.000000000e+00, v12;
	v6 =	vmul.f32 $8.000000000e+00, v3;
	v3 =	vsel vm13, v39, v34;
	[tilespmem:s25+$0x121B0] =	vst v22;
	v22 =	vld [tilespmem:s25+$0xBCA0]  }
0x142: {  	vm14 =	veq.s32 v23, $0x1;
	v0 =	vmul.f32 $8.000000000e+00, v3;
	v3 =	vsel vm13, v62, v58;
	v52 =	vld [tilespmem:s31+$0xB500];
	[tilespmem:s25+$0x12290] =	vst v4  }
0x143: {  	v10 =	vmul.f32 $8.000000000e+00, v10;
	v1 =	vmul.f32 $8.000000000e+00, v3;
	v3 =	vsel vm14, v7, v63;
	v58 =	vld [tilespmem:s31+$0xB540];
	[tilespmem:s25+$0x122A0] =	vst v9  }
0x144: {  	v13 =	vmul.f32 $8.000000000e+00, v13;
	v9 =	vmul.f32 $8.000000000e+00, v3;
	v3 =	vsel vm14, v21, v16;
	v60 =	vld [tilespmem:s31+$0xB510];
	[tilespmem:s25+$0x122B0] =	vst v12  }
0x145: {  	v7 =	vsel vm15, v17, v24;
	v4 =	vsel vm14, v14, v11;
	v14 =	vmul.f32 $8.000000000e+00, v3;
	v3 =	vld [tilespmem:s31+$0xB550];
	[tilespmem:s25+$0x12300] =	vst v10  }
0x146: {  	v10 =	vmul.f32 $8.000000000e+00, v7;
	v7 =	vld [tilespmem:s31+$0xB520];
	[tilespmem:s25+$0x12310] =	vst v13  }
0x147: {  	v2 =	vsel vm14, v8, v2;
	v8 =	vsel vm15, v20, v18;
	v11 =	vsel vm15, v26, v22;
	v18 =	vld [tilespmem:s31+$0xB560];
	[tilespmem:s25+$0x12320] =	vst v5  }
0x148: {  	v25 =	vsel vm13, v53, v50;
	v21 =	vmul.f32 $8.000000000e+00, v11;
	v11 =	vld [tilespmem:s31+$0xB530];
	[tilespmem:s25+$0x12330] =	vst v15  }
0x149: {  	v25 =	vmul.f32 $8.000000000e+00, v25;
	v20 =	vmul.f32 $8.000000000e+00, v8;
	v8 =	vsel vm15, v19, v27;
	v16 =	vld [tilespmem:s31+$0xB570];
	[tilespmem:s25+$0x12380] =	vst v6  }
0x14a: {  	v19 =	vmul.f32 $8.000000000e+00, v8;
	v8 =	vld [tilespmem:s31+$0xB580];
	[tilespmem:s25+$0x12390] =	vst v0  }
0x14b: {  	v15 =	vld [tilespmem:s31+$0xB5C0];
	[tilespmem:s25+$0x123A0] =	vst v25  }
0x14c: {  	v2 =	vmul.f32 $8.000000000e+00, v2;
	v5 =	vld [tilespmem:s31+$0xB590];
	[tilespmem:s25+$0x123B0] =	vst v1  }
0x14d: {  	v4 =	vmul.f32 $8.000000000e+00, v4;
	v13 =	vld [tilespmem:s31+$0xB5D0];
	[tilespmem:s25+$0x12400] =	vst v9  }
0x14e: {  	v12 =	vld [tilespmem:s31+$0xB5A0];
	[tilespmem:s25+$0x12410] =	vst v2  }
0x14f: {  	v17 =	vld [tilespmem:s31+$0xB5E0];
	[tilespmem:s25+$0x12420] =	vst v4  }
0x150: {  	v6 =	vld [tilespmem:s31+$0xB5B0];
	[tilespmem:s25+$0x12430] =	vst v14  }
0x151: {  	v14 =	vld [tilespmem:s31+$0xB5F0];
	[tilespmem:s25+$0x12480] =	vst v10  }
0x152: {  	v62 =	vld [tilespmem:s31+$0xB600];
	[tilespmem:s25+$0x12490] =	vst v20  }
0x153: {  	v1 =	vld [tilespmem:s31+$0xB640];
	[tilespmem:s25+$0x124A0] =	vst v21  }
0x154: {  	v0 =	vld [tilespmem:s31+$0xB610];
	[tilespmem:s25+$0x124B0] =	vst v19;
	s25 =	smov.u32 s31  }
0x155: {  	v9 =	vld [tilespmem:s25+$0xB650]  }
0x156: {  	v4 =	vld [tilespmem:s25+$0xB620]  }
0x157: {  	v10 =	vld [tilespmem:s25+$0xB660]  }
0x158: {  	v63 =	vld [tilespmem:s25+$0xB630]  }
0x159: {  	v2 =	vld [tilespmem:s25+$0xB670]  }
0x15a: {  	v56 =	vld [tilespmem:s25+$0xB680]  }
0x15b: {  	v61 =	vld [tilespmem:s25+$0xB6C0]  }
0x15c: {  	v19 =	vld [tilespmem:s25+$0xB880]  }
0x15d: {  	v54 =	vld [tilespmem:s25+$0xB690]  }
0x15e: {  	v57 =	vld [tilespmem:s25+$0xB6D0]  }
0x15f: {  	v55 =	vld [tilespmem:s25+$0xB6A0]  }
0x160: {  	v59 =	vld [tilespmem:s25+$0xB6E0]  }
0x161: {  	[tilespmem:$0x1FDD0] =	vst v19;
	v19 =	vld [tilespmem:s25+$0xB890]  }
0x162: {  	v51 =	vld [tilespmem:s25+$0xB6B0]  }
0x163: {  	v53 =	vld [tilespmem:s25+$0xB6F0]  }
0x164: {  	v44 =	vld [tilespmem:s25+$0xB700]  }
0x165: {  	v32 =	vld [tilespmem:s25+$0xB740]  }
0x166: {  	[tilespmem:$0x1FDE0] =	vst v19;
	v19 =	vld [tilespmem:s25+$0xB8A0]  }
0x167: {  	v46 =	vld [tilespmem:s25+$0xB710]  }
0x168: {  	v26 =	vld [tilespmem:s25+$0xB750]  }
0x169: {  	v31 =	vld [tilespmem:s25+$0xB720]  }
0x16a: {  	v27 =	vld [tilespmem:s25+$0xB760]  }
0x16b: {  	[tilespmem:$0x1FDF0] =	vst v19;
	v19 =	vld [tilespmem:s25+$0xB8B0]  }
0x16c: {  	v43 =	vld [tilespmem:s25+$0xB730]  }
0x16d: {  	v30 =	vld [tilespmem:s25+$0xB770]  }
0x16e: {  	v36 =	vld [tilespmem:s25+$0xB780]  }
0x16f: {  	v40 =	vld [tilespmem:s25+$0xB7C0]  }
0x170: {  	[tilespmem:$0x1FE00] =	vst v19;
	v19 =	vld [tilespmem:s25+$0xB8F0]  }
0x171: {  	v38 =	vld [tilespmem:s25+$0xB790]  }
0x172: {  	v28 =	vld [tilespmem:s25+$0xB7D0]  }
0x173: {  	v39 =	vld [tilespmem:s25+$0xB7A0]  }
0x174: {  	v29 =	vld [tilespmem:s25+$0xB7E0]  }
0x175: {  	[tilespmem:$0x1FE10] =	vst v19;
	v19 =	vld [tilespmem:s25+$0xB900]  }
0x176: {  	v35 =	vld [tilespmem:s25+$0xB7B0]  }
0x177: {  	v37 =	vld [tilespmem:s25+$0xB7F0]  }
0x178: {  	v41 =	vld [tilespmem:s25+$0xB800]  }
0x179: {  	v48 =	vld [tilespmem:s25+$0xB840]  }
0x17a: {  	[tilespmem:$0x1FE20] =	vst v19;
	v19 =	vld [tilespmem:s25+$0xB940]  }
0x17b: {  	v45 =	vld [tilespmem:s25+$0xB810]  }
0x17c: {  	v49 =	vld [tilespmem:s25+$0xB850]  }
0x17d: {  	v47 =	vld [tilespmem:s25+$0xB820]  }
0x17e: {  	v50 =	vld [tilespmem:s25+$0xB860]  }
0x17f: {  	p0 =	sne.s32 s29, $0x60;
	[tilespmem:$0x1FE30] =	vst v19;
	v19 =	vld [tilespmem:s25+$0xB910]  }
.Ltmp5:
0x180: {  	v34 =	vld [tilespmem:s25+$0xB830];
	(pc) =	sbr.rel @p0 .LBB2_7-.Ltmp5, $4  }
0x181: {  	v42 =	vld [tilespmem:s25+$0xB870]  }
0x182: {  	v33 =	vld [tilespmem:s25+$0xB8C0]  }
0x183: {  	v24 =	vld [tilespmem:s25+$0xB8D0]  }
0x184: {  	s29 =	sadd.s32 $0x10, s29;
	v21 =	vimm.s32 $0x0;
	v25 =	vld [tilespmem:s25+$0xB8E0];
	[tilespmem:$0x1FE40] =	vst v19  }
0x185: {  	v20 =	vld [tilespmem:s25+$0xB920];
	_ =	sdelay $0x4  }
0x186: {  	[tilespmem:$0x1FC30] =	vst v20;
	v20 =	vld [tilespmem:s25+$0xB960];
	_ =	sdelay $0x4  }
0x187: {  	[tilespmem:$0x1FC40] =	vst v20;
	v20 =	vld [tilespmem:s25+$0xB930];
	_ =	sdelay $0x4  }
0x188: {  	s29 =	sadd.s32 $0x60, s30;
	[tilespmem:$0x1FC50] =	vst v20;
	v20 =	vld [tilespmem:s25+$0xB970]  }
0x189: {  	s30 =	sshll.u32 s29, $0x3  }
0x18a: {  	s30 =	sand.u32 $0x400, s30  }
0x18b: {  	s29 =	sand.u32 $0x78, s29;
	s28 =	sadd.s32 s30, s28  }
0x18c: {  	s28 =	sadd.s32 s29, s28  }
0x18d: {  	[tilespmem:$0x1FC60] =	vst v20;
	v20 =	vld [tilespmem:s28+$0x0]  }
0x18e: {  	v22 =	vld [tilespmem:s25+$0xB980];
	_ =	sdelay $0x3  }
0x18f: {  	v23 =	vand.u32 $0x1, v20;
	v20 =	vld [tilespmem:s25+$0xB9A0]  }
0x190: {  	[tilespmem:$0x1FC70] =	vst v22;
	v22 =	vld [tilespmem:s25+$0xB9C0];
	_ =	sdelay $0x3  }
0x191: {  	[tilespmem:$0x1FCB0] =	vst v20;
	v20 =	vperm.xlane v23, v21  }
0x192: {  	[tilespmem:$0x1FC80] =	vst v22;
	v22 =	vld [tilespmem:s25+$0xB990]  }
0x193: {  	vm0 =	veq.s32 v20, $0x1;
	v20 =	vld [tilespmem:s25+$0xB9F0];
	_ =	sdelay $0x2  }
0x194: {  	v19 =	vld [tilespmem:s25+$0xB950];
	v60 =	vsel vm0, v3, v60  }
0x195: {  	[tilespmem:$0x1FC90] =	vst v22;
	v22 =	vld [tilespmem:s25+$0xB9D0];
	v58 =	vsel vm0, v58, v52;
	v60 =	vmul.f32 $8.000000000e+00, v60  }
0x196: {  	v21 =	vld [tilespmem:s25+$0xB9E0];
	[tilespmem:$0x1FCE0] =	vst v20;
	v20 =	vmul.f32 $8.000000000e+00, v58  }
0x197: {  	v52 =	vld [tilespmem:s25+$0xBA00];
	[tilespmem:s25+$0x11D10] =	vst v60;
	v60 =	vimm.s32 $0x1  }
0x198: {  	v3 =	vld [tilespmem:s25+$0xBA10];
	[tilespmem:s25+$0x11D00] =	vst v20;
	v20 =	vperm.xlane v23, v60  }
0x199: {  	v18 =	vsel vm0, v18, v7;
	v7 =	vld [tilespmem:s25+$0xBA50]  }
0x19a: {  	v16 =	vsel vm0, v16, v11;
	v11 =	vld [tilespmem:s25+$0xBA20];
	vm14 =	veq.s32 v20, $0x1  }
0x19b: {  	v18 =	vmul.f32 $8.000000000e+00, v18;
	[tilespmem:$0x1FCC0] =	vst v21;
	v21 =	vld [tilespmem:s25+$0xB9B0];
	v15 =	vsel vm14, v15, v8  }
0x19c: {  	v58 =	vld [tilespmem:s25+$0xBA40];
	v15 =	vmul.f32 $8.000000000e+00, v15  }
0x19d: {  	[tilespmem:s25+$0x11D20] =	vst v18;
	v18 =	vimm.s32 $0x2;
	v8 =	vld [tilespmem:s25+$0xBA60]  }
0x19e: {  	v13 =	vsel vm14, v13, v5;
	v5 =	vld [tilespmem:s25+$0xBA30];
	[tilespmem:s25+$0x11D80] =	vst v15;
	v15 =	vperm.xlane v23, v18  }
0x19f: {  	[tilespmem:$0x1FCA0] =	vst v22;
	v22 =	vsel vm14, v17, v12;
	v12 =	vld [tilespmem:s25+$0xBA70]  }
0x1a0: {  	v14 =	vsel vm14, v14, v6;
	v6 =	vld [tilespmem:s25+$0xBA80];
	vm15 =	veq.s32 v15, $0x1  }
0x1a1: {  	v16 =	vmul.f32 $8.000000000e+00, v16;
	[tilespmem:$0x1FCD0] =	vst v21;
	v21 =	vsel vm15, v1, v62;
	v1 =	vld [tilespmem:s25+$0xBAC0]  }
0x1a2: {  	v60 =	vmul.f32 $8.000000000e+00, v22;
	v9 =	vsel vm15, v9, v0;
	v0 =	vld [tilespmem:s25+$0xBA90];
	v10 =	vsel vm15, v10, v4  }
0x1a3: {  	[tilespmem:s25+$0x11D30] =	vst v16;
	v4 =	vld [tilespmem:s25+$0xBAD0];
	v62 =	vimm.s32 $0x3;
	v22 =	vmul.f32 $8.000000000e+00, v21;
	v9 =	vmul.f32 $8.000000000e+00, v9  }
0x1a4: {  	[tilespmem:s25+$0x11DA0] =	vst v60;
	v63 =	vsel vm15, v2, v63;
	v2 =	vld [tilespmem:s25+$0xBAA0];
	v60 =	vmul.f32 $8.000000000e+00, v10;
	v10 =	vperm.xlane v23, v62  }
0x1a5: {  	v16 =	vmul.f32 $8.000000000e+00, v63;
	[tilespmem:s25+$0x11E10] =	vst v9;
	v9 =	vld [tilespmem:s25+$0xBAE0]  }
0x1a6: {  	v21 =	vimm.s32 $0x4;
	[tilespmem:s25+$0x11E00] =	vst v22;
	vm4 =	veq.s32 v10, $0x1;
	v10 =	vld [tilespmem:s25+$0xBAB0]  }
0x1a7: {  	v13 =	vmul.f32 $8.000000000e+00, v13;
	[tilespmem:s25+$0x11E30] =	vst v16;
	v22 =	vperm.xlane v23, v21;
	v16 =	vld [tilespmem:s25+$0xBB10]  }
0x1a8: {  	v20 =	vmul.f32 $8.000000000e+00, v14;
	v18 =	vsel vm4, v57, v54;
	v54 =	vsel vm4, v53, v51;
	v51 =	vld [tilespmem:$0x1FDF0]  }
0x1a9: {  	[tilespmem:s25+$0x11E20] =	vst v60;
	v60 =	vimm.s32 $0x5;
	v17 =	vsel vm4, v61, v56;
	vm5 =	veq.s32 v22, $0x1;
	v22 =	vld [tilespmem:s25+$0xBB60]  }
0x1aa: {  	[tilespmem:s25+$0x11DB0] =	vst v20;
	v20 =	vsel vm4, v59, v55;
	v61 =	vperm.xlane v23, v60;
	v55 =	vmul.f32 $8.000000000e+00, v54;
	v54 =	vld [tilespmem:$0x1FE00]  }
0x1ab: {  	[tilespmem:s25+$0x11D90] =	vst v13;
	v13 =	vmul.f32 $8.000000000e+00, v17;
	v62 =	vsel vm5, v30, v43;
	v43 =	vld [tilespmem:s25+$0xBB30]  }
0x1ac: {  	v14 =	vmul.f32 $8.000000000e+00, v18;
	vm6 =	veq.s32 v61, $0x1;
	v61 =	vld [tilespmem:$0x1FE40]  }
0x1ad: {  	v15 =	vmul.f32 $8.000000000e+00, v20;
	[tilespmem:s25+$0x11E80] =	vst v13;
	v13 =	vld [tilespmem:s25+$0xBAF0]  }
0x1ae: {  	[tilespmem:s25+$0x11E90] =	vst v14;
	v14 =	vld [tilespmem:s25+$0xBB00]  }
0x1af: {  	[tilespmem:s25+$0x11EA0] =	vst v15;
	v15 =	vld [tilespmem:s25+$0xBB40]  }
0x1b0: {  	v21 =	vsel vm6, v40, v36;
	v36 =	vld [tilespmem:s25+$0xBB70]  }
0x1b1: {  	v56 =	vsel vm5, v32, v44;
	v35 =	vsel vm6, v37, v35;
	v37 =	vld [tilespmem:s25+$0xBB80]  }
0x1b2: {  	v57 =	vsel vm5, v26, v46;
	v17 =	vmul.f32 $8.000000000e+00, v56;
	v30 =	vsel vm6, v29, v39;
	v29 =	vld [tilespmem:s25+$0xBBA0]  }
0x1b3: {  	v59 =	vsel vm5, v27, v31;
	[tilespmem:s25+$0x11EB0] =	vst v55;
	v18 =	vmul.f32 $8.000000000e+00, v57;
	v55 =	vld [tilespmem:$0x1FE10]  }
0x1b4: {  	v20 =	vmul.f32 $8.000000000e+00, v59;
	v57 =	vld [tilespmem:$0x1FE20];
	[tilespmem:s25+$0x11F00] =	vst v17  }
0x1b5: {  	v31 =	vimm.s32 $0x6;
	v63 =	vmul.f32 $8.000000000e+00, v62;
	v59 =	vld [tilespmem:$0x1FE30];
	[tilespmem:s25+$0x11F10] =	vst v18  }
0x1b6: {  	v27 =	vsel vm6, v28, v38;
	v62 =	vld [tilespmem:$0x1FC30];
	v26 =	vmul.f32 $8.000000000e+00, v21;
	[tilespmem:s25+$0x11F20] =	vst v20;
	v20 =	vperm.xlane v23, v31  }
0x1b7: {  	v53 =	vimm.s32 $0x8;
	v28 =	vmul.f32 $8.000000000e+00, v27;
	v21 =	vmul.f32 $8.000000000e+00, v30;
	v30 =	vld [tilespmem:s25+$0xBB90];
	[tilespmem:s25+$0x11F30] =	vst v63  }
0x1b8: {  	v44 =	vimm.s32 $0x7;
	v32 =	vmul.f32 $8.000000000e+00, v35;
	v63 =	vld [tilespmem:$0x1FC40];
	[tilespmem:s25+$0x11F80] =	vst v26;
	vm7 =	veq.s32 v20, $0x1  }
0x1b9: {  	[tilespmem:s25+$0x11F90] =	vst v28;
	v20 =	vperm.xlane v23, v44;
	v35 =	vsel vm7, v48, v41;
	v41 =	vsel vm7, v50, v47;
	v47 =	vld [tilespmem:$0x1FDD0]  }
0x1ba: {  	[tilespmem:s25+$0x11FA0] =	vst v21;
	v39 =	vsel vm7, v49, v45;
	v45 =	vsel vm7, v42, v34;
	v49 =	vld [tilespmem:$0x1FDE0];
	v38 =	vmul.f32 $8.000000000e+00, v35  }
0x1bb: {  	[tilespmem:s25+$0x11FB0] =	vst v32;
	v42 =	vld [tilespmem:$0x1FC80];
	v40 =	vmul.f32 $8.000000000e+00, v39;
	vm8 =	veq.s32 v20, $0x1;
	v20 =	vperm.xlane v23, v53  }
0x1bc: {  	v21 =	vmul.f32 $8.000000000e+00, v41;
	v39 =	vld [tilespmem:$0x1FC60];
	[tilespmem:s25+$0x12000] =	vst v38  }
0x1bd: {  	v46 =	vmul.f32 $8.000000000e+00, v45;
	v41 =	vld [tilespmem:$0x1FC70];
	v27 =	vsel vm8, v55, v54;
	[tilespmem:s25+$0x12010] =	vst v40;
	vm9 =	veq.s32 v20, $0x1  }
0x1be: {  	[tilespmem:s25+$0x12020] =	vst v21;
	v56 =	vmul.f32 $8.000000000e+00, v27;
	v38 =	vld [tilespmem:$0x1FC50];
	v19 =	vsel vm9, v19, v61  }
0x1bf: {  	v35 =	vimm.s32 $0x9;
	v45 =	vld [tilespmem:$0x1FC90];
	[tilespmem:s25+$0x12030] =	vst v46;
	v21 =	vsel vm8, v33, v47;
	v19 =	vmul.f32 $8.000000000e+00, v19  }
0x1c0: {  	v53 =	vld [tilespmem:$0x1FCE0];
	v20 =	vsel vm9, v63, v62;
	[tilespmem:s25+$0x120B0] =	vst v56;
	v48 =	vmul.f32 $8.000000000e+00, v21;
	v21 =	vsel vm8, v24, v49  }
0x1c1: {  	v46 =	vld [tilespmem:$0x1FCA0];
	v50 =	vmul.f32 $8.000000000e+00, v21;
	v21 =	vsel vm8, v25, v51;
	[tilespmem:s25+$0x12110] =	vst v19;
	v19 =	vperm.xlane v23, v35  }
0x1c2: {  	v20 =	vmul.f32 $8.000000000e+00, v20;
	v49 =	vld [tilespmem:$0x1FCC0];
	[tilespmem:s25+$0x12080] =	vst v48;
	v21 =	vmul.f32 $8.000000000e+00, v21  }
0x1c3: {  	v51 =	vld [tilespmem:$0x1FCD0];
	v34 =	vsel vm9, v39, v38;
	[tilespmem:s25+$0x12090] =	vst v50;
	vm10 =	veq.s32 v19, $0x1;
	v50 =	vimm.s32 $0xA  }
0x1c4: {  	v48 =	vld [tilespmem:$0x1FCB0];
	v40 =	vmul.f32 $8.000000000e+00, v34;
	[tilespmem:s25+$0x120A0] =	vst v21;
	v21 =	vsel vm9, v59, v57;
	v19 =	vperm.xlane v23, v50  }
0x1c5: {  	v17 =	vld [tilespmem:s25+$0xBB50];
	[tilespmem:s25+$0x12120] =	vst v20;
	v20 =	vsel vm10, v42, v41;
	v60 =	vmul.f32 $8.000000000e+00, v21  }
0x1c6: {  	v18 =	vld [tilespmem:s25+$0xBB20];
	[tilespmem:s25+$0x12130] =	vst v40;
	v44 =	vmul.f32 $8.000000000e+00, v20;
	v20 =	vsel vm10, v46, v45;
	vm11 =	veq.s32 v19, $0x1  }
0x1c7: {  	v31 =	vld [tilespmem:s25+$0xBBD0];
	v47 =	vmul.f32 $8.000000000e+00, v20;
	[tilespmem:s25+$0x12100] =	vst v60;
	v3 =	vsel vm11, v7, v3  }
0x1c8: {  	v28 =	vld [tilespmem:s25+$0xBBC0];
	v40 =	vsel vm10, v53, v51;
	[tilespmem:s25+$0x12180] =	vst v44;
	v3 =	vmul.f32 $8.000000000e+00, v3  }
0x1c9: {  	v26 =	vld [tilespmem:s25+$0xBBE0];
	v59 =	vimm.s32 $0xB;
	v20 =	vsel vm10, v49, v48;
	v54 =	vmul.f32 $8.000000000e+00, v40;
	[tilespmem:s25+$0x12190] =	vst v47  }
0x1ca: {  	v32 =	vld [tilespmem:s25+$0xBC00];
	v55 =	vsel vm11, v58, v52;
	v20 =	vmul.f32 $8.000000000e+00, v20;
	[tilespmem:s25+$0x12210] =	vst v3;
	v3 =	vperm.xlane v23, v59  }
0x1cb: {  	v27 =	vld [tilespmem:s25+$0xBC40];
	v62 =	vimm.s32 $0xC;
	v8 =	vsel vm11, v8, v11;
	v57 =	vmul.f32 $8.000000000e+00, v55;
	[tilespmem:s25+$0x121B0] =	vst v54  }
0x1cc: {  	v61 =	vld [tilespmem:s25+$0xBCE0];
	v5 =	vsel vm11, v12, v5;
	v8 =	vmul.f32 $8.000000000e+00, v8;
	[tilespmem:s25+$0x121A0] =	vst v20;
	vm12 =	veq.s32 v3, $0x1  }
0x1cd: {  	v63 =	vld [tilespmem:s25+$0xBCB0];
	v60 =	vmul.f32 $8.000000000e+00, v5;
	[tilespmem:s25+$0x12200] =	vst v57;
	v3 =	vperm.xlane v23, v62;
	v1 =	vsel vm12, v1, v6  }
0x1ce: {  	v33 =	vld [tilespmem:s25+$0xBC50];
	[tilespmem:s25+$0x12220] =	vst v8;
	v0 =	vsel vm12, v4, v0;
	v1 =	vmul.f32 $8.000000000e+00, v1  }
0x1cf: {  	v56 =	vld [tilespmem:s25+$0xBCC0];
	[tilespmem:s25+$0x12230] =	vst v60;
	v2 =	vsel vm12, v9, v2;
	v0 =	vmul.f32 $8.000000000e+00, v0;
	vm13 =	veq.s32 v3, $0x1  }
0x1d0: {  	v24 =	vld [tilespmem:s25+$0xBBB0];
	v10 =	vsel vm12, v13, v10;
	v2 =	vmul.f32 $8.000000000e+00, v2;
	v14 =	vsel vm13, v15, v14;
	[tilespmem:s25+$0x12280] =	vst v1  }
0x1d1: {  	v25 =	vld [tilespmem:s25+$0xBBF0];
	v15 =	vmul.f32 $8.000000000e+00, v10;
	v16 =	vsel vm13, v17, v16;
	v17 =	vimm.s32 $0xD;
	[tilespmem:s25+$0x12290] =	vst v0  }
0x1d2: {  	v35 =	vld [tilespmem:s25+$0xBC20];
	[tilespmem:s25+$0x122A0] =	vst v2;
	v2 =	vperm.xlane v23, v17;
	v6 =	vmul.f32 $8.000000000e+00, v14  }
0x1d3: {  	v38 =	vld [tilespmem:s25+$0xBC30];
	v18 =	vsel vm13, v22, v18;
	v19 =	vmul.f32 $8.000000000e+00, v16;
	[tilespmem:s25+$0x122B0] =	vst v15  }
0x1d4: {  	v39 =	vld [tilespmem:s25+$0xBC70];
	v20 =	vsel vm13, v36, v43;
	v22 =	vmul.f32 $8.000000000e+00, v18;
	vm1 =	veq.s32 v2, $0x1;
	[tilespmem:s25+$0x12300] =	vst v6  }
0x1d5: {  	v21 =	vld [tilespmem:s25+$0xBC10];
	v43 =	vimm.s32 $0xE;
	[tilespmem:s25+$0x12310] =	vst v19;
	v36 =	vsel vm1, v28, v37;
	v37 =	vmul.f32 $8.000000000e+00, v20  }
0x1d6: {  	v34 =	vld [tilespmem:s25+$0xBC60];
	[tilespmem:s25+$0x12320] =	vst v22;
	v2 =	vperm.xlane v23, v43;
	v42 =	vsel vm1, v31, v30;
	v6 =	vmul.f32 $8.000000000e+00, v36  }
0x1d7: {  	v41 =	vld [tilespmem:s25+$0xBC80];
	v44 =	vsel vm1, v26, v29;
	v45 =	vmul.f32 $8.000000000e+00, v42;
	[tilespmem:s25+$0x12330] =	vst v37  }
0x1d8: {  	v7 =	vld [tilespmem:s25+$0xBC90];
	v46 =	vsel vm1, v25, v24;
	vm14 =	veq.s32 v2, $0x1;
	v47 =	vmul.f32 $8.000000000e+00, v44;
	[tilespmem:s25+$0x12380] =	vst v6  }
0x1d9: {  	v51 =	vimm.s32 $0xF;
	v58 =	vld [tilespmem:s25+$0xBCD0];
	v49 =	vmul.f32 $8.000000000e+00, v46;
	v48 =	vsel vm14, v27, v32;
	[tilespmem:s25+$0x12390] =	vst v45  }
0x1da: {  	v12 =	vld [tilespmem:s25+$0xBCA0];
	v2 =	vperm.xlane v23, v51;
	v50 =	vsel vm14, v33, v21;
	[tilespmem:s25+$0x123A0] =	vst v47;
	v6 =	vmul.f32 $8.000000000e+00, v48  }
0x1db: {  	v13 =	vld [tilespmem:s25+$0xBCF0];
	v52 =	vsel vm14, v34, v35;
	[tilespmem:s25+$0x123B0] =	vst v49;
	v53 =	vmul.f32 $8.000000000e+00, v50  }
0x1dc: {  	v54 =	vsel vm14, v39, v38;
	vm15 =	veq.s32 v2, $0x1;
	v55 =	vmul.f32 $8.000000000e+00, v52;
	[tilespmem:s25+$0x12400] =	vst v6  }
0x1dd: {  	v57 =	vmul.f32 $8.000000000e+00, v54;
	v56 =	vsel vm15, v56, v41;
	[tilespmem:s25+$0x12410] =	vst v53  }
0x1de: {  	s26 =	sadd.s32 s3, s26;
	v58 =	vsel vm15, v58, v7;
	[tilespmem:s25+$0x12420] =	vst v55;
	v59 =	vmul.f32 $8.000000000e+00, v56  }
0x1df: {  	s26 =	smul.u32 $0xC80, s26;
	v5 =	vsel vm15, v61, v12;
	[tilespmem:s25+$0x12430] =	vst v57;
	v60 =	vmul.f32 $8.000000000e+00, v58  }
.Ltmp6:
0x1e0: {  	v61 =	vsel vm15, v13, v63;
	v62 =	vmul.f32 $8.000000000e+00, v5;
	[tilespmem:s25+$0x12480] =	vst v59;
	(pc) =	sbr.rel .LBB2_9-.Ltmp6, $4  }
0x1e1: {  	v63 =	vmul.f32 $8.000000000e+00, v61;
	[tilespmem:s25+$0x12490] =	vst v60  }
0x1e2: {  	s26 =	sadd.s32 s5, s26;
	[tilespmem:s25+$0x124A0] =	vst v62  }
0x1e3: {  	s31 =	sadd.s32 $0x600, s26;
	[tilespmem:s25+$0x124B0] =	vst v63  }
0x1e4: {  	[hbm4b:s31+s2] =	stream.linear.scatter [tilespmem:s13], [sflag:$0x4], $0x3400, $0x38;
	[tilespmem:$0x15100] =	vst v63  }
.LBB2_3:
0x1e5: {  	s25 =	sshll.u32 s24, $0x7;
	s26 =	sshll.u32 s24, $0x6  }
0x1e6: {  	s25 =	sand.u32 $0x7800, s25;
	s26 =	sand.u32 $0x380, s26  }
0x1e7: {  	s25 =	sor.u32 s26, s25  }
0x1e8: {  	v0 =	vld [tilespmem:s25+$0x60];
	_ =	sdelay $0x4  }
0x1e9: {  	v0 =	vshrl.u32 v0, $0x1  }
0x1ea: {  	[tilespmem:$0x8080] =	vst v0  }
0x1eb: {  	v0 =	vld [tilespmem:s25+$0x70];
	_ =	sdelay $0x4  }
0x1ec: {  	v0 =	vshrl.u32 v0, $0x1  }
0x1ed: {  	[tilespmem:$0x8090] =	vst v0  }
0x1ee: {  	v0 =	vld [tilespmem:s25+$0x400];
	_ =	sdelay $0x4  }
0x1ef: {  	v0 =	vshrl.u32 v0, $0x1  }
0x1f0: {  	[tilespmem:$0x80A0] =	vst v0  }
0x1f1: {  	v0 =	vld [tilespmem:s25+$0x410];
	_ =	sdelay $0x4  }
0x1f2: {  	v0 =	vshrl.u32 v0, $0x1  }
0x1f3: {  	[tilespmem:$0x80B0] =	vst v0  }
0x1f4: {  	v0 =	vld [tilespmem:s25+$0x420];
	_ =	sdelay $0x4  }
0x1f5: {  	v0 =	vshrl.u32 v0, $0x1  }
0x1f6: {  	[tilespmem:$0x80C0] =	vst v0  }
0x1f7: {  	v0 =	vld [tilespmem:s25+$0x430];
	_ =	sdelay $0x4  }
0x1f8: {  	v0 =	vshrl.u32 v0, $0x1  }
0x1f9: {  	[tilespmem:$0x80D0] =	vst v0  }
0x1fa: {  	v0 =	vld [tilespmem:s25+$0x438];
	_ =	sdelay $0x4  }
0x1fb: {  	v0 =	vshrl.u32 v0, $0x1  }
0x1fc: {  	[tilespmem:$0x80D8] =	vst v0  }
0x1fd: {  	[tilespmem:s18], [sflag:$0x2] =	stream.indirect.gather [hbm4b:s4+s16], $0x80, s17, s16, $0xb8;
	[tilespmem:$0x15100] =	vst v63  }
0x1fe: {  	_ =	swait.ge [sflag:s19], $0x3000  }
0x1ff: {  	p0 =	slt.u32 s24, $0x2;
	[sflag:s19] =	ssyncset.done $0x0  }
0x200: {  	s25 =	simm.s32 @!p0 $0x3;
	[sflag:s19] =	ssyncadd.s32 $0xFFFFD000  }
0x201: {  	_ =	swait.ge @!p0 [sflag:s25], $0x3000  }
0x202: {  	[sflag:s25] =	ssyncset.done @!p0 $0x0  }
0x203: {  	[sflag:s25] =	ssyncadd.s32 @!p0 $0xFFFFD000;
	s25 =	simm.s32 $0x0  }
0x204: {  	v57 =	vld [tilespmem:s25+$0x8100]  }
0x205: {  	v4 =	vld [tilespmem:s25+$0x8140]  }
0x206: {  	v6 =	vld [tilespmem:s25+$0x8110]  }
0x207: {  	v13 =	vld [tilespmem:s25+$0x8150]  }
0x208: {  	v60 =	vld [tilespmem:s25+$0x8120]  }
0x209: {  	v23 =	vld [tilespmem:s25+$0x8160]  }
0x20a: {  	v16 =	vld [tilespmem:s25+$0x8130]  }
0x20b: {  	v24 =	vld [tilespmem:s25+$0x8480]  }
0x20c: {  	v21 =	vld [tilespmem:s25+$0x8170]  }
0x20d: {  	v61 =	vld [tilespmem:s25+$0x8180]  }
0x20e: {  	v20 =	vld [tilespmem:s25+$0x81C0]  }
0x20f: {  	v15 =	vld [tilespmem:s25+$0x8190]  }
0x210: {  	[tilespmem:$0x1FF30] =	vst v24;
	v24 =	vld [tilespmem:s25+$0x8490]  }
0x211: {  	v18 =	vld [tilespmem:s25+$0x81D0]  }
0x212: {  	v17 =	vld [tilespmem:s25+$0x81A0]  }
0x213: {  	v22 =	vld [tilespmem:s25+$0x81E0]  }
0x214: {  	v59 =	vld [tilespmem:s25+$0x81B0]  }
0x215: {  	[tilespmem:$0x1FF40] =	vst v24;
	v24 =	vld [tilespmem:s25+$0x84A0]  }
0x216: {  	v19 =	vld [tilespmem:s25+$0x81F0]  }
0x217: {  	v8 =	vld [tilespmem:s25+$0x8200]  }
0x218: {  	v11 =	vld [tilespmem:s25+$0x8240]  }
0x219: {  	v10 =	vld [tilespmem:s25+$0x8210]  }
0x21a: {  	[tilespmem:$0x1FF50] =	vst v24;
	v24 =	vld [tilespmem:s25+$0x84B0]  }
0x21b: {  	v62 =	vld [tilespmem:s25+$0x8250]  }
0x21c: {  	v14 =	vld [tilespmem:s25+$0x8220]  }
0x21d: {  	v63 =	vld [tilespmem:s25+$0x8260]  }
0x21e: {  	v9 =	vld [tilespmem:s25+$0x8230]  }
0x21f: {  	[tilespmem:$0x1FF60] =	vst v24;
	v24 =	vld [tilespmem:s25+$0x84F0]  }
0x220: {  	v12 =	vld [tilespmem:s25+$0x8270]  }
0x221: {  	v2 =	vld [tilespmem:s25+$0x8280]  }
0x222: {  	v7 =	vld [tilespmem:s25+$0x82C0]  }
0x223: {  	v0 =	vld [tilespmem:s25+$0x8290]  }
0x224: {  	[tilespmem:$0x1FF70] =	vst v24;
	v24 =	vld [tilespmem:s25+$0x8500]  }
0x225: {  	v3 =	vld [tilespmem:s25+$0x82D0]  }
0x226: {  	v1 =	vld [tilespmem:s25+$0x82A0]  }
0x227: {  	v5 =	vld [tilespmem:s25+$0x82E0]  }
0x228: {  	v56 =	vld [tilespmem:s25+$0x82B0]  }
0x229: {  	[tilespmem:$0x1FF80] =	vst v24;
	v24 =	vld [tilespmem:s25+$0x8540]  }
0x22a: {  	v58 =	vld [tilespmem:s25+$0x82F0]  }
0x22b: {  	v49 =	vld [tilespmem:s25+$0x8300]  }
0x22c: {  	v53 =	vld [tilespmem:s25+$0x8340]  }
0x22d: {  	v51 =	vld [tilespmem:s25+$0x8310]  }
0x22e: {  	[tilespmem:$0x1FF90] =	vst v24;
	v24 =	vld [tilespmem:s25+$0x8510]  }
0x22f: {  	v54 =	vld [tilespmem:s25+$0x8350]  }
0x230: {  	v52 =	vld [tilespmem:s25+$0x8320]  }
0x231: {  	v55 =	vld [tilespmem:s25+$0x8360]  }
0x232: {  	v47 =	vld [tilespmem:s25+$0x8330]  }
0x233: {  	[tilespmem:$0x1FFA0] =	vst v24;
	v24 =	vld [tilespmem:s25+$0x8550]  }
0x234: {  	v50 =	vld [tilespmem:s25+$0x8370]  }
0x235: {  	v36 =	vld [tilespmem:s25+$0x8380]  }
0x236: {  	v42 =	vld [tilespmem:s25+$0x83C0]  }
0x237: {  	v41 =	vld [tilespmem:s25+$0x8390]  }
0x238: {  	[tilespmem:$0x1FFB0] =	vst v24;
	v24 =	vld [tilespmem:s25+$0x8520]  }
0x239: {  	v43 =	vld [tilespmem:s25+$0x83D0]  }
0x23a: {  	v40 =	vld [tilespmem:s25+$0x83A0]  }
0x23b: {  	v44 =	vld [tilespmem:s25+$0x83E0]  }
0x23c: {  	v25 =	vld [tilespmem:s25+$0x83B0]  }
0x23d: {  	[tilespmem:$0x1FFC0] =	vst v24;
	v24 =	vld [tilespmem:s25+$0x8560]  }
0x23e: {  	v33 =	vld [tilespmem:s25+$0x83F0]  }
0x23f: {  	v27 =	vld [tilespmem:s25+$0x8400]  }
0x240: {  	v31 =	vld [tilespmem:s25+$0x8440]  }
0x241: {  	v28 =	vld [tilespmem:s25+$0x8410]  }
0x242: {  	[tilespmem:$0x1FFD0] =	vst v24;
	v24 =	vld [tilespmem:s25+$0x8530]  }
0x243: {  	v32 =	vld [tilespmem:s25+$0x8450]  }
0x244: {  	v35 =	vld [tilespmem:s25+$0x8420]  }
0x245: {  	v34 =	vld [tilespmem:s25+$0x8460]  }
0x246: {  	v38 =	vld [tilespmem:s25+$0x8430]  }
0x247: {  	[tilespmem:$0x1FFE0] =	vst v24;
	v24 =	vld [tilespmem:s25+$0x8570]  }
0x248: {  	s31 =	sshll.u32 s23, $0x2;
	s28 =	sshll.u32 s22, $0x2;
	v39 =	vld [tilespmem:s25+$0x8470]  }
0x249: {  	s28 =	sand.u32 $0xE00, s28;
	s26 =	sand.u32 $0xFFFFE000, s31;
	v37 =	vld [tilespmem:s25+$0x84C0]  }
0x24a: {  	s26 =	sor.u32 s28, s26;
	v29 =	vld [tilespmem:s25+$0x84D0]  }
0x24b: {  	s26 =	sshrl.u32 s26, $0x2;
	v30 =	vld [tilespmem:s25+$0x84E0]  }
0x24c: {  	s28 =	simm.s32 $0x2000;
	[tilespmem:$0x1FFF0] =	vst v24;
	v24 =	vld [tilespmem:s26+$0x0]  }
.LBB2_4:
0x24d: {  	v46 =	vmov v25;
	v25 =	vld [tilespmem:s25+$0x8580];
	_ =	sdelay $0x4  }
0x24e: {  	[tilespmem:$0x1FEB0] =	vst v25;
	v25 =	vld [tilespmem:s25+$0x85C0];
	_ =	sdelay $0x3  }
0x24f: {  	v45 =	vld [tilespmem:s25+$0x85E0]  }
0x250: {  	v24 =	vand.u32 $0x1, v24;
	v26 =	vimm.s32 $0x1;
	v48 =	vmovc v35;
	v35 =	vmovc v27;
	v27 =	vimm.s32 $0x2;
	[tilespmem:$0x1FEC0] =	vst v25;
	v25 =	vld [tilespmem:s25+$0x8590]  }
0x251: {  	v26 =	vperm.xlane v24, v26;
	v27 =	vperm.xlane v24, v27  }
0x252: {  	[tilespmem:$0x1FEA0] =	vst v30;
	v30 =	vmov v29;
	v29 =	vld [tilespmem:s25+$0x85B0]  }
0x253: {  	vm1 =	veq.s32 v26, $0x1;
	v26 =	vld [tilespmem:s25+$0x85F0];
	vm14 =	veq.s32 v27, $0x1  }
0x254: {  	v17 =	vsel vm1, v22, v17;
	v11 =	vsel vm14, v11, v8;
	v8 =	vld [tilespmem:s25+$0x8630];
	[tilespmem:$0x1FF00] =	vst v45;
	v45 =	vmovc v28;
	v28 =	vimm.s32 $0x3  }
0x255: {  	v10 =	vsel vm14, v62, v10;
	v12 =	vsel vm14, v12, v9;
	v28 =	vperm.xlane v24, v28;
	[tilespmem:$0x1FED0] =	vst v25;
	v25 =	vld [tilespmem:s25+$0x85D0]  }
0x256: {  	v9 =	vld [tilespmem:s25+$0x8670];
	v22 =	vmul.f32 $8.000000000e+00, v17;
	v17 =	vsel vm1, v19, v59;
	v10 =	vmul.f32 $8.000000000e+00, v10  }
0x257: {  	v11 =	vmul.f32 $8.000000000e+00, v11;
	v19 =	vmul.f32 $8.000000000e+00, v17;
	v17 =	vld [tilespmem:s25+$0x8660];
	vm15 =	veq.s32 v28, $0x1  }
0x258: {  	[tilespmem:s25+$0xEA10] =	vst v10;
	v10 =	vld [tilespmem:s25+$0x86A0];
	v1 =	vsel vm15, v5, v1;
	v5 =	vsel vm15, v58, v56  }
0x259: {  	[tilespmem:s25+$0xEA00] =	vst v11;
	v7 =	vsel vm15, v7, v2;
	v2 =	vld [tilespmem:s25+$0x8680];
	v11 =	vmul.f32 $8.000000000e+00, v5  }
0x25a: {  	[tilespmem:$0x1FEE0] =	vst v25;
	v25 =	vld [tilespmem:s25+$0x85A0]  }
0x25b: {  	v3 =	vsel vm15, v3, v0;
	v0 =	vld [tilespmem:s25+$0x86C0];
	[tilespmem:s25+$0xEAB0] =	vst v11;
	v11 =	vimm.s32 $0x6  }
0x25c: {  	v58 =	vld [tilespmem:s25+$0x87B0];
	v3 =	vmul.f32 $8.000000000e+00, v3;
	v59 =	vperm.xlane v24, v11  }
0x25d: {  	[tilespmem:s25+$0xE9B0] =	vst v19;
	v19 =	vmul.f32 $8.000000000e+00, v1;
	v1 =	vld [tilespmem:s25+$0x8690]  }
0x25e: {  	[tilespmem:s25+$0xEA90] =	vst v3;
	v3 =	vld [tilespmem:s25+$0x8700];
	vm6 =	veq.s32 v59, $0x1  }
0x25f: {  	v14 =	vsel vm14, v63, v14;
	v63 =	vsel vm6, v34, v48;
	v34 =	vld [tilespmem:s25+$0x8770];
	[tilespmem:$0x1FEF0] =	vst v25;
	v25 =	vimm.s32 $0x0  }
0x260: {  	v62 =	vsel vm6, v32, v45;
	v45 =	vld [tilespmem:$0x1FFB0];
	v25 =	vperm.xlane v24, v25  }
0x261: {  	v48 =	vld [tilespmem:$0x1FFF0]  }
0x262: {  	v56 =	vld [tilespmem:$0x1FEF0];
	vm0 =	veq.s32 v25, $0x1  }
0x263: {  	[tilespmem:$0x1FF20] =	vst v26;
	v26 =	vsel vm0, v4, v57;
	v4 =	vld [tilespmem:s25+$0x8600]  }
0x264: {  	v6 =	vsel vm0, v13, v6;
	v13 =	vsel vm0, v23, v60;
	v57 =	vld [tilespmem:$0x1FF00]  }
0x265: {  	v16 =	vsel vm0, v21, v16;
	v23 =	vmul.f32 $8.000000000e+00, v26;
	v26 =	vmul.f32 $8.000000000e+00, v6;
	v6 =	vld [tilespmem:s25+$0x8640]  }
0x266: {  	v21 =	vmul.f32 $8.000000000e+00, v13;
	v60 =	vmul.f32 $8.000000000e+00, v16;
	v16 =	vsel vm1, v20, v61;
	v13 =	vld [tilespmem:s25+$0x8610]  }
0x267: {  	v25 =	vimm.s32 $0x4;
	v20 =	vmul.f32 $8.000000000e+00, v16;
	v16 =	vsel vm1, v18, v15;
	v15 =	vld [tilespmem:s25+$0x8650]  }
0x268: {  	[tilespmem:s25+$0xE9A0] =	vst v22;
	v25 =	vperm.xlane v24, v25;
	v18 =	vmul.f32 $8.000000000e+00, v16;
	v16 =	vld [tilespmem:s25+$0x8620]  }
0x269: {  	v14 =	vmul.f32 $8.000000000e+00, v14;
	v11 =	vimm.s32 $0x7;
	[tilespmem:s25+$0xE910] =	vst v26;
	v26 =	vld [tilespmem:s25+$0x86F0]  }
0x26a: {  	vm4 =	veq.s32 v25, $0x1;
	[tilespmem:s25+$0xE930] =	vst v60;
	v60 =	vperm.xlane v24, v11;
	v11 =	vld [tilespmem:s25+$0x8710]  }
0x26b: {  	[tilespmem:s25+$0xEA20] =	vst v14;
	v14 =	vsel vm4, v50, v47;
	v47 =	vld [tilespmem:$0x1FFD0]  }
0x26c: {  	v5 =	vimm.s32 $0x5;
	[tilespmem:s25+$0xE920] =	vst v21;
	v50 =	vld [tilespmem:$0x1FEB0]  }
0x26d: {  	v21 =	vsel vm4, v54, v51;
	v51 =	vld [tilespmem:$0x1FEC0];
	[tilespmem:s25+$0xE980] =	vst v20;
	v20 =	vperm.xlane v24, v5  }
0x26e: {  	v22 =	vsel vm4, v55, v52;
	v52 =	vld [tilespmem:s25+$0x87E0];
	[tilespmem:s25+$0xE990] =	vst v18;
	v18 =	vmul.f32 $8.000000000e+00, v12  }
0x26f: {  	v54 =	vld [tilespmem:$0x1FED0];
	vm5 =	veq.s32 v20, $0x1  }
0x270: {  	[tilespmem:s25+$0xEA30] =	vst v18;
	v18 =	vsel vm5, v43, v41;
	v43 =	vld [tilespmem:$0x1FF30]  }
0x271: {  	v55 =	vld [tilespmem:$0x1FEE0]  }
0x272: {  	v5 =	vld [tilespmem:s25+$0x86D0]  }
0x273: {  	v22 =	vmul.f32 $8.000000000e+00, v22;
	v25 =	vmul.f32 $8.000000000e+00, v14;
	v14 =	vld [tilespmem:s25+$0x86B0]  }
0x274: {  	[tilespmem:$0x1FF10] =	vst v29;
	v12 =	vsel vm4, v53, v49;
	vm7 =	veq.s32 v60, $0x1;
	v49 =	vld [tilespmem:s25+$0x87A0];
	v28 =	vmul.f32 $8.000000000e+00, v18  }
0x275: {  	v60 =	vld [tilespmem:$0x1FF10];
	[tilespmem:s25+$0xEB20] =	vst v22;
	v22 =	vsel vm6, v31, v35;
	v31 =	vsel vm7, v37, v43  }
0x276: {  	[tilespmem:s25+$0xEB90] =	vst v28;
	v28 =	vmul.f32 $8.000000000e+00, v31;
	v31 =	vld [tilespmem:$0x1FF40]  }
0x277: {  	[tilespmem:s25+$0xE900] =	vst v23;
	v23 =	vmul.f32 $8.000000000e+00, v12;
	v12 =	vld [tilespmem:s25+$0x86E0]  }
0x278: {  	v35 =	vld [tilespmem:s25+$0x87C0]  }
0x279: {  	[tilespmem:s25+$0xEB30] =	vst v25;
	v25 =	vmul.f32 $8.000000000e+00, v62;
	v62 =	vld [tilespmem:s25+$0x87F0]  }
0x27a: {  	v20 =	vsel vm5, v44, v40;
	v40 =	vld [tilespmem:s25+$0x8720]  }
0x27b: {  	v7 =	vmul.f32 $8.000000000e+00, v7;
	v29 =	vsel vm7, v30, v31;
	v31 =	vld [tilespmem:$0x1FF50]  }
0x27c: {  	v30 =	vld [tilespmem:$0x1FEA0]  }
0x27d: {  	[tilespmem:s25+$0xEA80] =	vst v7;
	v7 =	vsel vm5, v42, v36;
	v36 =	vld [tilespmem:s25+$0x8760]  }
0x27e: {  	v44 =	vld [tilespmem:$0x1FF70]  }
0x27f: {  	v21 =	vmul.f32 $8.000000000e+00, v21;
	v41 =	vsel vm6, v39, v38;
	v38 =	vld [tilespmem:s25+$0x87D0]  }
0x280: {  	[tilespmem:s25+$0xEAA0] =	vst v19;
	v27 =	vmul.f32 $8.000000000e+00, v7;
	v7 =	vsel vm5, v33, v46;
	v19 =	vmul.f32 $8.000000000e+00, v20;
	v33 =	vld [tilespmem:s25+$0x8730]  }
0x281: {  	[tilespmem:s25+$0xEB10] =	vst v21;
	v22 =	vmul.f32 $8.000000000e+00, v22;
	v46 =	vld [tilespmem:$0x1FFC0];
	v30 =	vsel vm7, v30, v31  }
0x282: {  	[tilespmem:s25+$0xEBA0] =	vst v19;
	v19 =	vmul.f32 $8.000000000e+00, v29;
	v29 =	vmul.f32 $8.000000000e+00, v30;
	v30 =	vld [tilespmem:$0x1FF60]  }
0x283: {  	v21 =	vimm.s32 $0xA;
	[tilespmem:s25+$0xEB00] =	vst v23;
	v18 =	vimm.s32 $0x8;
	v20 =	vmul.f32 $8.000000000e+00, v7;
	v7 =	vld [tilespmem:s25+$0x8740]  }
0x284: {  	v21 =	vperm.xlane v24, v21;
	v23 =	vperm.xlane v24, v18;
	v18 =	vimm.s32 $0x9;
	[tilespmem:s25+$0xEC00] =	vst v22;
	v22 =	vld [tilespmem:$0x1FF80]  }
0x285: {  	v61 =	vperm.xlane v24, v18;
	v18 =	vld [tilespmem:s25+$0x8750]  }
0x286: {  	v32 =	vmul.f32 $8.000000000e+00, v41;
	vm10 =	veq.s32 v21, $0x1;
	[tilespmem:s25+$0xEB80] =	vst v27;
	v27 =	vmul.f32 $8.000000000e+00, v63;
	v63 =	vld [tilespmem:s25+$0x8800]  }
0x287: {  	[tilespmem:s25+$0xEC10] =	vst v25;
	v4 =	vsel vm10, v6, v4;
	v6 =	vsel vm10, v15, v13;
	v15 =	vld [tilespmem:s25+$0x8840];
	v30 =	vsel vm7, v44, v30  }
0x288: {  	[tilespmem:s25+$0xEBB0] =	vst v20;
	v20 =	vmul.f32 $8.000000000e+00, v30;
	v30 =	vld [tilespmem:$0x1FF90]  }
0x289: {  	[tilespmem:s25+$0xEC30] =	vst v32;
	v8 =	vsel vm10, v9, v8;
	v9 =	vld [tilespmem:s25+$0x8810];
	v4 =	vmul.f32 $8.000000000e+00, v4  }
0x28a: {  	v21 =	vimm.s32 $0xB;
	v13 =	vsel vm10, v17, v16;
	v16 =	vld [tilespmem:s25+$0x8850];
	v6 =	vmul.f32 $8.000000000e+00, v6;
	[tilespmem:s25+$0xEC20] =	vst v27  }
0x28b: {  	v21 =	vperm.xlane v24, v21;
	vm8 =	veq.s32 v23, $0x1;
	v23 =	vld [tilespmem:s25+$0x8790];
	v13 =	vmul.f32 $8.000000000e+00, v13;
	[tilespmem:s25+$0xEE00] =	vst v4  }
0x28c: {  	v17 =	vimm.s32 $0xC;
	v8 =	vmul.f32 $8.000000000e+00, v8;
	vm9 =	veq.s32 v61, $0x1;
	v61 =	vld [tilespmem:$0x1FF20];
	[tilespmem:s25+$0xEE10] =	vst v6  }
0x28d: {  	v17 =	vperm.xlane v24, v17;
	v37 =	vsel vm8, v47, v46;
	[tilespmem:s25+$0xEE20] =	vst v13;
	v22 =	vsel vm8, v30, v22;
	v30 =	vld [tilespmem:$0x1FFA0]  }
0x28e: {  	vm11 =	veq.s32 v21, $0x1;
	v21 =	vld [tilespmem:s25+$0x8870];
	v42 =	vsel vm9, v57, v56;
	[tilespmem:s25+$0xEE30] =	vst v8;
	v27 =	vmul.f32 $8.000000000e+00, v37  }
0x28f: {  	v0 =	vsel vm11, v0, v2;
	v1 =	vsel vm11, v5, v1;
	v5 =	vld [tilespmem:s25+$0x8820];
	v59 =	vmul.f32 $8.000000000e+00, v42;
	[tilespmem:s25+$0xEC80] =	vst v28  }
0x290: {  	v2 =	vsel vm11, v12, v10;
	v12 =	vld [tilespmem:s25+$0x8860];
	v0 =	vmul.f32 $8.000000000e+00, v0;
	[tilespmem:s25+$0xED20] =	vst v27  }
0x291: {  	v10 =	vsel vm11, v26, v14;
	v14 =	vld [tilespmem:s25+$0x8830];
	vm12 =	veq.s32 v17, $0x1;
	v37 =	vsel vm9, v51, v50;
	[tilespmem:s25+$0xEDA0] =	vst v59  }
0x292: {  	v1 =	vmul.f32 $8.000000000e+00, v1;
	v2 =	vmul.f32 $8.000000000e+00, v2;
	[tilespmem:s25+$0xEE80] =	vst v0;
	v31 =	vld [tilespmem:s25+$0x8780];
	v30 =	vsel vm8, v45, v30  }
0x293: {  	v53 =	vmul.f32 $8.000000000e+00, v37;
	v42 =	vsel vm9, v61, v60;
	[tilespmem:s25+$0xEC90] =	vst v19;
	v25 =	vmul.f32 $8.000000000e+00, v30;
	v30 =	vld [tilespmem:$0x1FFE0]  }
0x294: {  	v17 =	vld [tilespmem:s25+$0x88C0];
	v3 =	vsel vm12, v7, v3;
	v19 =	vmul.f32 $8.000000000e+00, v42;
	[tilespmem:s25+$0xECB0] =	vst v20;
	v20 =	vimm.s32 $0xD  }
0x295: {  	v26 =	vld [tilespmem:s25+$0x88A0];
	v37 =	vsel vm9, v55, v54;
	[tilespmem:s25+$0xED80] =	vst v53;
	v20 =	vperm.xlane v24, v20;
	v22 =	vmul.f32 $8.000000000e+00, v22  }
0x296: {  	v4 =	vsel vm12, v34, v33;
	v7 =	vsel vm12, v18, v11;
	v18 =	vld [tilespmem:s25+$0x8890];
	v28 =	vmul.f32 $8.000000000e+00, v37;
	[tilespmem:s25+$0xEDB0] =	vst v19  }
0x297: {  	v19 =	vld [tilespmem:s25+$0x88D0];
	vm13 =	veq.s32 v20, $0x1;
	v20 =	vmul.f32 $8.000000000e+00, v4;
	[tilespmem:s25+$0xED00] =	vst v22;
	v22 =	vimm.s32 $0xE  }
0x298: {  	[tilespmem:s25+$0xECA0] =	vst v29;
	v29 =	vld [tilespmem:s25+$0x88B0];
	v4 =	vsel vm13, v35, v31;
	v22 =	vperm.xlane v24, v22;
	v30 =	vsel vm8, v48, v30  }
0x299: {  	[tilespmem:s25+$0xED90] =	vst v28;
	v27 =	vmul.f32 $8.000000000e+00, v4;
	v4 =	vsel vm13, v38, v23;
	v23 =	vld [tilespmem:s25+$0x88E0];
	v30 =	vmul.f32 $8.000000000e+00, v30  }
0x29a: {  	v10 =	vmul.f32 $8.000000000e+00, v10;
	vm14 =	veq.s32 v22, $0x1;
	v22 =	vld [tilespmem:s25+$0x88F0];
	[tilespmem:s25+$0xED10] =	vst v25;
	v25 =	vimm.s32 $0xF  }
0x29b: {  	s29 =	sshra.s32 s28, $0x2;
	v3 =	vmul.f32 $8.000000000e+00, v3;
	v24 =	vperm.xlane v24, v25;
	v25 =	vld [tilespmem:s25+$0x8880];
	[tilespmem:s25+$0xED30] =	vst v30  }
0x29c: {  	v6 =	vsel vm13, v52, v49;
	v8 =	vmul.f32 $8.000000000e+00, v4;
	v4 =	vsel vm13, v62, v58;
	v57 =	vld [tilespmem:s29+$0x8100];
	[tilespmem:s25+$0xEE90] =	vst v1  }
0x29d: {  	v28 =	vmul.f32 $8.000000000e+00, v6;
	v0 =	vmul.f32 $8.000000000e+00, v4;
	v6 =	vsel vm14, v16, v9;
	v4 =	vld [tilespmem:s29+$0x8140];
	[tilespmem:s25+$0xEEA0] =	vst v2  }
0x29e: {  	v11 =	vsel vm12, v36, v40;
	v7 =	vmul.f32 $8.000000000e+00, v7;
	v2 =	vmul.f32 $8.000000000e+00, v6;
	v6 =	vld [tilespmem:s29+$0x8110];
	[tilespmem:s25+$0xEEB0] =	vst v10  }
0x29f: {  	v11 =	vmul.f32 $8.000000000e+00, v11;
	v13 =	vld [tilespmem:s29+$0x8150];
	[tilespmem:s25+$0xEF00] =	vst v3  }
0x2a0: {  	vm15 =	veq.s32 v24, $0x1;
	v60 =	vld [tilespmem:s29+$0x8120];
	[tilespmem:s25+$0xEF10] =	vst v7  }
0x2a1: {  	v5 =	vsel vm14, v12, v5;
	v12 =	vsel vm15, v23, v26;
	v23 =	vld [tilespmem:s29+$0x8160];
	[tilespmem:s25+$0xEF20] =	vst v11  }
0x2a2: {  	v16 =	vld [tilespmem:s29+$0x8130];
	[tilespmem:s25+$0xEF30] =	vst v20  }
0x2a3: {  	v9 =	vsel vm14, v21, v14;
	v21 =	vld [tilespmem:s29+$0x8170];
	[tilespmem:s25+$0xEF80] =	vst v27  }
0x2a4: {  	v1 =	vsel vm14, v15, v63;
	v61 =	vld [tilespmem:s29+$0x8180];
	[tilespmem:s25+$0xEF90] =	vst v8  }
0x2a5: {  	v1 =	vmul.f32 $8.000000000e+00, v1;
	v20 =	vld [tilespmem:s29+$0x81C0];
	[tilespmem:s25+$0xEFA0] =	vst v28  }
0x2a6: {  	v10 =	vsel vm15, v17, v25;
	v15 =	vld [tilespmem:s29+$0x8190];
	[tilespmem:s25+$0xEFB0] =	vst v0  }
0x2a7: {  	v5 =	vmul.f32 $8.000000000e+00, v5;
	v3 =	vmul.f32 $8.000000000e+00, v10;
	v10 =	vsel vm15, v19, v18;
	v18 =	vld [tilespmem:s29+$0x81D0];
	[tilespmem:s25+$0xF000] =	vst v1  }
0x2a8: {  	v9 =	vmul.f32 $8.000000000e+00, v9;
	v17 =	vld [tilespmem:s29+$0x81A0];
	[tilespmem:s25+$0xF010] =	vst v2  }
0x2a9: {  	v7 =	vmul.f32 $8.000000000e+00, v10;
	v10 =	vmul.f32 $8.000000000e+00, v12;
	v12 =	vsel vm15, v22, v29;
	v22 =	vld [tilespmem:s29+$0x81E0];
	[tilespmem:s25+$0xF020] =	vst v5  }
0x2aa: {  	v59 =	vld [tilespmem:s29+$0x81B0];
	[tilespmem:s25+$0xF030] =	vst v9  }
0x2ab: {  	v19 =	vld [tilespmem:s29+$0x81F0];
	[tilespmem:s25+$0xF080] =	vst v3  }
0x2ac: {  	v12 =	vmul.f32 $8.000000000e+00, v12;
	v8 =	vld [tilespmem:s29+$0x8200];
	[tilespmem:s25+$0xF090] =	vst v7  }
0x2ad: {  	v11 =	vld [tilespmem:s29+$0x8240];
	[tilespmem:s25+$0xF0A0] =	vst v10  }
0x2ae: {  	v10 =	vld [tilespmem:s29+$0x8210];
	[tilespmem:s25+$0xF0B0] =	vst v12;
	s25 =	smov.u32 s29  }
0x2af: {  	v24 =	vld [tilespmem:s25+$0x8480];
	_ =	sdelay $0x4  }
0x2b0: {  	[tilespmem:$0x1FF30] =	vst v24;
	v24 =	vld [tilespmem:s25+$0x8490];
	_ =	sdelay $0x4  }
0x2b1: {  	[tilespmem:$0x1FF40] =	vst v24;
	v24 =	vld [tilespmem:s25+$0x84A0];
	_ =	sdelay $0x4  }
0x2b2: {  	[tilespmem:$0x1FF50] =	vst v24;
	v24 =	vld [tilespmem:s25+$0x84B0]  }
0x2b3: {  	v62 =	vld [tilespmem:s25+$0x8250]  }
0x2b4: {  	v14 =	vld [tilespmem:s25+$0x8220]  }
0x2b5: {  	v63 =	vld [tilespmem:s25+$0x8260]  }
0x2b6: {  	v9 =	vld [tilespmem:s25+$0x8230]  }
0x2b7: {  	[tilespmem:$0x1FF60] =	vst v24;
	v24 =	vld [tilespmem:s25+$0x84F0]  }
0x2b8: {  	v12 =	vld [tilespmem:s25+$0x8270]  }
0x2b9: {  	v2 =	vld [tilespmem:s25+$0x8280]  }
0x2ba: {  	v7 =	vld [tilespmem:s25+$0x82C0]  }
0x2bb: {  	v0 =	vld [tilespmem:s25+$0x8290]  }
0x2bc: {  	[tilespmem:$0x1FF70] =	vst v24;
	v24 =	vld [tilespmem:s25+$0x8500]  }
0x2bd: {  	v3 =	vld [tilespmem:s25+$0x82D0]  }
0x2be: {  	v1 =	vld [tilespmem:s25+$0x82A0]  }
0x2bf: {  	v5 =	vld [tilespmem:s25+$0x82E0]  }
0x2c0: {  	v56 =	vld [tilespmem:s25+$0x82B0]  }
0x2c1: {  	[tilespmem:$0x1FF80] =	vst v24;
	v24 =	vld [tilespmem:s25+$0x8540]  }
0x2c2: {  	v58 =	vld [tilespmem:s25+$0x82F0]  }
0x2c3: {  	v49 =	vld [tilespmem:s25+$0x8300]  }
0x2c4: {  	v53 =	vld [tilespmem:s25+$0x8340]  }
0x2c5: {  	v51 =	vld [tilespmem:s25+$0x8310]  }
0x2c6: {  	[tilespmem:$0x1FF90] =	vst v24;
	v24 =	vld [tilespmem:s25+$0x8510]  }
0x2c7: {  	v54 =	vld [tilespmem:s25+$0x8350]  }
0x2c8: {  	v52 =	vld [tilespmem:s25+$0x8320]  }
0x2c9: {  	v55 =	vld [tilespmem:s25+$0x8360]  }
0x2ca: {  	v47 =	vld [tilespmem:s25+$0x8330]  }
0x2cb: {  	[tilespmem:$0x1FFA0] =	vst v24;
	v24 =	vld [tilespmem:s25+$0x8550]  }
0x2cc: {  	v50 =	vld [tilespmem:s25+$0x8370]  }
0x2cd: {  	v36 =	vld [tilespmem:s25+$0x8380]  }
0x2ce: {  	v42 =	vld [tilespmem:s25+$0x83C0]  }
0x2cf: {  	v41 =	vld [tilespmem:s25+$0x8390]  }
0x2d0: {  	[tilespmem:$0x1FFB0] =	vst v24;
	v24 =	vld [tilespmem:s25+$0x8520]  }
0x2d1: {  	v43 =	vld [tilespmem:s25+$0x83D0]  }
0x2d2: {  	v40 =	vld [tilespmem:s25+$0x83A0]  }
0x2d3: {  	v44 =	vld [tilespmem:s25+$0x83E0]  }
0x2d4: {  	v25 =	vld [tilespmem:s25+$0x83B0]  }
0x2d5: {  	[tilespmem:$0x1FFC0] =	vst v24;
	v24 =	vld [tilespmem:s25+$0x8560]  }
0x2d6: {  	v33 =	vld [tilespmem:s25+$0x83F0]  }
0x2d7: {  	v27 =	vld [tilespmem:s25+$0x8400]  }
0x2d8: {  	v31 =	vld [tilespmem:s25+$0x8440]  }
0x2d9: {  	v28 =	vld [tilespmem:s25+$0x8410]  }
0x2da: {  	[tilespmem:$0x1FFD0] =	vst v24;
	v24 =	vld [tilespmem:s25+$0x8530]  }
0x2db: {  	v32 =	vld [tilespmem:s25+$0x8450]  }
0x2dc: {  	v35 =	vld [tilespmem:s25+$0x8420]  }
0x2dd: {  	v34 =	vld [tilespmem:s25+$0x8460]  }
0x2de: {  	v38 =	vld [tilespmem:s25+$0x8430]  }
0x2df: {  	p0 =	sne.s32 s28, $0xA000;
	[tilespmem:$0x1FFE0] =	vst v24;
	v24 =	vld [tilespmem:s25+$0x8570]  }
.Ltmp7:
0x2e0: {  	v39 =	vld [tilespmem:s25+$0x8470];
	(pc) =	sbr.rel @p0 .LBB2_4-.Ltmp7, $4  }
0x2e1: {  	v37 =	vld [tilespmem:s25+$0x84C0]  }
0x2e2: {  	v29 =	vld [tilespmem:s25+$0x84D0]  }
0x2e3: {  	s26 =	sadd.s32 $0x10, s26;
	v30 =	vld [tilespmem:s25+$0x84E0]  }
0x2e4: {  	s28 =	sadd.s32 $0x2000, s28;
	[tilespmem:$0x1FFF0] =	vst v24;
	v24 =	vld [tilespmem:s26+$0x0]  }
.Ltmp8:
0x2e5: {  	_ = 	snop;
	(pc) =	sbr.rel .LBB2_5-.Ltmp8, $1  }
0x2e6: {  	_ =	sdelay $0x3  }
.LBB2_11:
0x2e7: {  	_ =	sfence.sel $0x180000  }
0x2e8: {  	[bflag:$0x0] =	sbarrier.arrive $0xFFFF  }
0x2e9: {  	p0 =	sne.s32 s1, $0x0;
	_ =	strace $0x90000047  }
0x2ea: {  	s0 =	sadd.s32 @!p0 $0x100000, s0;
	[bflag:$0x2] =	sbarrier.arrive $0xFFFF  }
0x2eb: {  	[sflag:s0] =	ssyncadd.tile.s32 @!p0 $0x1;
	_ =	shalt  }
.Lfunc_end2:
_tile_overlayer_lowered:
.L_overlay_start_2:
0x2ec: {  	(tag) =	ssettag $0x2  }
0x2ed: {  	s0 =	rddreg [dreg:$0x0];
	s2 =	stileid.u32  }
0x2ee: {  	s1 =	rddreg [dreg:$0x1];
	p0 =	sne.s32 s2, $0x0  }
0x2ef: {  	s3 =	rddreg [dreg:$0x2];
	[bflag:$0x3] =	sbarrier.arrive $0xFFFF;
	s2 =	simm.s32 @!p0 $0x1C05  }
0x2f0: {  	[timem:s3], [sflag:s2] =	dma.local @!p0 [hbm:s0], s1  }
0x2f1: {  	s0 =	simm.s32 @!p0 $0x5  }
0x2f2: {  	_ =	swait.ge @!p0 [sflag:s0], s1  }
0x2f3: {  	s1 =	ssub.s32 @!p0 $0x0, s1;
	[sflag:s0] =	ssyncset.done @!p0 $0x0  }
0x2f4: {  	[sflag:s0] =	ssyncadd.s32 @!p0 s1  }
0x2f5: {  	[bflag:$0x3] =	sbarrier.arrive $0xFFFF  }
0x2f6: {  	_ =	shalt  }

</sc_bundles>
